<compile_context>
chip_gen: v7x
topology: tpu7x:2x2x1
jax: 0.10.2.dev20260603
libtpu: 0.0.44.dev20260713+nightly
codegen_flags: <defaults>
</compile_context>

<pallas_src>
import functools

import jax
import jax.numpy as jnp
from jax import lax
from jax.experimental import pallas as pl
from jax.experimental.pallas import tpu as pltpu
from jax.experimental.pallas import tpu_sc as plsc

NUM_EXPERTS = 8
TOP_K = 2
TOPK_SHIFT = 1
BLK = 256
BLK_SHIFT = 8
NUM_BLOCKS = (2048 * TOP_K) // BLK + NUM_EXPERTS
PADDED = NUM_BLOCKS * BLK

SC_CORES = 2
SC_SUBCORES = 16
SC_WORKERS = SC_CORES * SC_SUBCORES


def _tc_moe_body(meta_ref, x_ref, w1_ref, w3_ref, w2_ref, wr_ref, out_ref):
    i = pl.program_id(0)

    @pl.when(meta_ref[1, i] == i)
    def _():
        x = x_ref[...]
        a1 = lax.dot_general(x, w1_ref[0], (((1,), (1,)), ((), ())))
        a3 = lax.dot_general(x, w3_ref[0], (((1,), (1,)), ((), ())))
        h = (a1 / (1.0 + jnp.exp(-a1))) * a3
        y = jnp.dot(h, w2_ref[0])
        out_ref[...] = y * wr_ref[0, 0, :][:, None]


def _expert_blocks(x_sorted, meta, w1, w2, w3, w_row3d):
    D = x_sorted.shape[1]
    F = w1.shape[1]
    grid_spec = pltpu.PrefetchScalarGridSpec(
        num_scalar_prefetch=1,
        grid=(NUM_BLOCKS,),
        in_specs=[
            pl.BlockSpec((BLK, D), lambda i, meta: (meta[1, i], 0)),
            pl.BlockSpec((1, F, D), lambda i, meta: (meta[0, i], 0, 0)),
            pl.BlockSpec((1, F, D), lambda i, meta: (meta[0, i], 0, 0)),
            pl.BlockSpec((1, F, D), lambda i, meta: (meta[0, i], 0, 0)),
            pl.BlockSpec((1, 1, BLK), lambda i, meta: (meta[1, i], 0, 0)),
        ],
        out_specs=pl.BlockSpec((BLK, D), lambda i, meta: (meta[1, i], 0)),
    )
    return pl.pallas_call(
        _tc_moe_body,
        grid_spec=grid_spec,
        out_shape=jax.ShapeDtypeStruct((PADDED, D), jnp.float32),
        compiler_params=pltpu.CompilerParams(
            dimension_semantics=("arbitrary",)),
        name="tc_expert_blocks",
    )(meta, x_sorted, w1, w3, w2, w_row3d)


def _sc_route_gather_x(table, e_flat, w_flat, n, ch):
    a = e_flat.shape[0]
    t_tokens, d = table.shape
    e = NUM_EXPERTS
    apt = a // SC_SUBCORES
    rpw = n // SC_WORKERS
    nch = rpw // ch
    nmeta = 32
    mesh = plsc.VectorSubcoreMesh(core_axis_name="c", subcore_axis_name="s")

    @functools.partial(
        pl.kernel,
        mesh=mesh,
        name="sc_gather_x",
        compiler_params=pltpu.CompilerParams(needs_layout_passes=False),
        out_type=(
            jax.ShapeDtypeStruct((n, d), jnp.float32),
            jax.ShapeDtypeStruct((n,), jnp.float32),
            jax.ShapeDtypeStruct((2, nmeta), jnp.int32),
            jax.ShapeDtypeStruct((a,), jnp.int32),
        ),
        scratch_types=[
            pltpu.VMEM((apt,), jnp.int32),
            pltpu.VMEM((16,), jnp.int32),
            pltpu.VMEM((SC_SUBCORES, 16), jnp.int32),
            pltpu.VMEM((apt,), jnp.int32),
            pltpu.VMEM((a,), jnp.int32),
            pltpu.VMEM((a,), jnp.float32),
            pltpu.VMEM((2, nmeta), jnp.int32),
            pltpu.VMEM((n,), jnp.int32),
            pltpu.VMEM((n,), jnp.float32),
            pltpu.VMEM((ch, d), jnp.float32),
            pltpu.VMEM((ch, d), jnp.float32),
            pltpu.VMEM_SHARED((SC_SUBCORES, 16), jnp.int32),
            pltpu.VMEM_SHARED((a,), jnp.int32),
            pltpu.SemaphoreType.DMA,
            pltpu.SemaphoreType.DMA,
            pltpu.SemaphoreType.DMA,
            pltpu.SemaphoreType.DMA,
        ],
    )
    def gather_k(table_hbm, e_hbm, w_hbm,
                 out_hbm, wrow_hbm, meta_hbm, pos_hbm,
                 e_v, cnt_v, cnts_all_v, posl_v, pos_v, w_v, meta_v,
                 ts_v, wr_v, buf0, buf1,
                 sh_counts, sh_pos, g0, g1, s0, s1):
        cid = lax.axis_index("c")
        sid = lax.axis_index("s")
        wid = sid * SC_CORES + cid
        base = wid * rpw
        lanes = lax.iota(jnp.int32, 16)
        zeros16 = lanes.astype(jnp.float32) * 0.0

        pltpu.sync_copy(e_hbm.at[pl.ds(sid * apt, apt)], e_v)
        pltpu.sync_copy(w_hbm.at[:], w_v)
        cnts = [jnp.zeros((16,), jnp.int32) for _ in range(e)]
        for c in range(apt // 16):
            ev = e_v[pl.ds(c * 16, 16)]
            for ex in range(e):
                m = ev == ex
                cnts[ex] = cnts[ex] + plsc.all_reduce_population_count(m)
        acc = jnp.zeros((16,), jnp.int32)
        for ex in range(e):
            acc = jnp.where(lanes == ex, cnts[ex], acc)
        cnt_v[...] = acc
        pltpu.sync_copy(cnt_v, sh_counts.at[sid])
        plsc.subcore_barrier()
        pltpu.sync_copy(sh_counts, cnts_all_v)

        sid_vec = jnp.full((16,), sid)
        prior_vec = jnp.zeros((16,), jnp.int32)
        total_vec = jnp.zeros((16,), jnp.int32)
        zeros_i = jnp.zeros((16,), jnp.int32)
        for s in range(SC_SUBCORES):
            row = cnts_all_v[s, :]
            prior_vec = prior_vec + jnp.where(sid_vec > s, row, zeros_i)
            total_vec = total_vec + row
        blocks_vec = (total_vec + (BLK - 1)) >> BLK_SHIFT
        blk_cum_vec = plsc.cumsum(blocks_vec)
        row_start_vec = (blk_cum_vec - blocks_vec) * BLK
        base_vec = row_start_vec + prior_vec
        nb = blk_cum_vec[e - 1]

        for c in range(nmeta // 16):
            bid = c * 16 + lanes
            bexp = jnp.zeros((16,), jnp.int32)
            for ex in range(e):
                bexp = bexp + (bid >= jnp.full((16,), blk_cum_vec[ex])).astype(
                    jnp.int32)
            bexp = jnp.minimum(bexp, e - 1)
            bxi = jnp.minimum(bid, jnp.full((16,), nb - 1))
            meta_v[0, pl.ds(c * 16, 16)] = bexp
            meta_v[1, pl.ds(c * 16, 16)] = bxi

        bases = [jnp.full((16,), base_vec[ex]) for ex in range(e)]
        for c in range(apt // 16):
            ev = e_v[pl.ds(c * 16, 16)]
            posc = jnp.zeros((16,), jnp.int32)
            for ex in range(e):
                m = ev == ex
                pref = plsc.cumsum(m.astype(jnp.int32))
                posc = jnp.where(m, bases[ex] + pref - 1, posc)
                bases[ex] = bases[ex] + plsc.all_reduce_population_count(m)
            posl_v[pl.ds(c * 16, 16)] = posc
        pltpu.sync_copy(posl_v, sh_pos.at[pl.ds(sid * apt, apt)])
        plsc.subcore_barrier()
        pltpu.sync_copy(sh_pos, pos_v)

        @pl.when(wid == 0)
        def _():
            pltpu.sync_copy(meta_v, meta_hbm.at[:])

        @pl.when(cid == 0)
        def _():
            pltpu.sync_copy(posl_v, pos_hbm.at[pl.ds(sid * apt, apt)])

        def init(i, carry):
            v = (i * 16 + lanes) & (t_tokens - 1)
            ts_v[pl.ds(i * 16, 16)] = v
            wr_v[pl.ds(i * 16, 16)] = zeros16
            return carry

        lax.fori_loop(0, n // 16, init, 0)

        def scat(i, carry):
            p = pos_v[pl.ds(i * 16, 16)]
            tokv = (i * 16 + lanes) >> TOPK_SHIFT
            plsc.store_scatter(ts_v, [p], tokv)
            plsc.store_scatter(wr_v, [p], w_v[pl.ds(i * 16, 16)])
            return carry

        lax.fori_loop(0, a // 16, scat, 0)

        @pl.when(wid == 0)
        def _():
            pltpu.sync_copy(wr_v, wrow_hbm.at[:])

        bufs, gsem, ssem = [buf0, buf1], [g0, g1], [s0, s1]
        gat = [None, None]
        sto = [None, None]
        gat[0] = pltpu.async_copy(
            table_hbm.at[ts_v.at[pl.ds(base, ch)]], bufs[0], gsem[0])
        for i in range(nch):
            b = i % 2
            nb_ = (i + 1) % 2
            if i + 1 < nch:
                if sto[nb_] is not None:
                    sto[nb_].wait()
                gat[nb_] = pltpu.async_copy(
                    table_hbm.at[ts_v.at[pl.ds(base + (i + 1) * ch, ch)]],
                    bufs[nb_], gsem[nb_])
            gat[b].wait()
            sto[b] = pltpu.async_copy(
                bufs[b], out_hbm.at[pl.ds(base + i * ch, ch)], ssem[b])
        for s in sto:
            if s is not None:
                s.wait()

    return gather_k(table, e_flat, w_flat)


def _sc_gather(table, idx, ch, name):
    n, d = idx.shape[0], table.shape[1]
    dt = table.dtype
    rpw = n // SC_WORKERS
    nch = rpw // ch
    mesh = plsc.VectorSubcoreMesh(core_axis_name="c", subcore_axis_name="s")

    @functools.partial(
        pl.kernel,
        mesh=mesh,
        name=name,
        out_type=jax.ShapeDtypeStruct((n, d), dt),
        scratch_types=[
            pltpu.VMEM((rpw,), jnp.int32),
            pltpu.VMEM((ch, d), dt),
            pltpu.VMEM((ch, d), dt),
            pltpu.SemaphoreType.DMA,
            pltpu.SemaphoreType.DMA,
            pltpu.SemaphoreType.DMA,
            pltpu.SemaphoreType.DMA,
        ],
    )
    def gather_k(table_hbm, idx_hbm, out_hbm, idx_v, buf0, buf1,
                 g0, g1, s0, s1):
        wid = lax.axis_index("s") * SC_CORES + lax.axis_index("c")
        base = wid * rpw
        pltpu.sync_copy(idx_hbm.at[pl.ds(base, rpw)], idx_v)
        bufs, gsem, ssem = [buf0, buf1], [g0, g1], [s0, s1]
        gat = [None, None]
        sto = [None, None]
        gat[0] = pltpu.async_copy(
            table_hbm.at[idx_v.at[pl.ds(0, ch)]], bufs[0], gsem[0])
        for i in range(nch):
            b = i % 2
            nb_ = (i + 1) % 2
            if i + 1 < nch:
                if sto[nb_] is not None:
                    sto[nb_].wait()
                gat[nb_] = pltpu.async_copy(
                    table_hbm.at[idx_v.at[pl.ds((i + 1) * ch, ch)]],
                    bufs[nb_], gsem[nb_])
            gat[b].wait()
            sto[b] = pltpu.async_copy(
                bufs[b], out_hbm.at[pl.ds(base + i * ch, ch)], ssem[b])
        for s in sto:
            if s is not None:
                s.wait()

    return gather_k(table, idx)


def _tc_add_body(a_ref, b_ref, out_ref):
    out_ref[...] = a_ref[...] + b_ref[...]


def _tc_pair_add(g, t, blk):
    d = g.shape[1]
    nblk = t // blk
    return pl.pallas_call(
        _tc_add_body,
        grid=(nblk,),
        in_specs=[
            pl.BlockSpec((blk, d), lambda i: (i, 0)),
            pl.BlockSpec((blk, d), lambda i: (i + nblk, 0)),
        ],
        out_specs=pl.BlockSpec((blk, d), lambda i: (i, 0)),
        out_shape=jax.ShapeDtypeStruct((t, d), jnp.float32),
        name="tc_pair_add",
    )(g, g)


def kernel(inputs, gate_w, w1, w2, w3):
    T, D = inputs.shape
    E = gate_w.shape[0]
    A = T * TOP_K

    gate_logits = inputs @ gate_w.T
    weights, selected = jax.lax.top_k(gate_logits, TOP_K)
    weights = jax.nn.softmax(weights.astype(jnp.float32), axis=1)
    weights = weights.astype(inputs.dtype)

    e_flat = selected.reshape(-1).astype(jnp.int32)
    w_flat = weights.reshape(-1)

    x_sorted, w_row, meta, pos = _sc_route_gather_x(
        inputs, e_flat, w_flat, PADDED, ch=48)
    p01 = pos.reshape(T, TOP_K)
    p_cat = jnp.concatenate([p01[:, 0], p01[:, 1]])
    w_row3d = w_row.reshape(NUM_BLOCKS, 1, BLK)
    y_w = _expert_blocks(x_sorted, meta, w1, w2, w3, w_row3d)
    g = _sc_gather(y_w, p_cat, ch=32, name="sc_gather_y")
    return _tc_pair_add(g, T, blk=512)

# --- scband reference (transcript-rebuilt; emitter-appended) ---
"""Pipeline reference for scband-moe-layer-1752346657110 (READ-ONLY COPY).

The authoritative reference and input builder live on the scoring server;
editing this copy changes nothing except your own understanding.
"""

import jax, jax.numpy as jnp
import numpy as np

NUM_EXPERTS = 8
TOP_K = 2
DIM = 1024
DFF = 1024
TOKENS = 2048


def setup_inputs(seed: int = 0) -> dict:
    key = jax.random.key(seed)
    ks = jax.random.split(key, 5)
    inputs = jax.random.normal(ks[0], (TOKENS, DIM), dtype=jnp.float32)
    gate_w = jax.random.normal(ks[1], (NUM_EXPERTS, DIM), dtype=jnp.float32) * 0.02
    # stored layouts match the torch code: w1, w3 stored as [DFF, DIM] and used transposed;
    # w2 stored as [DFF, DIM] and used directly (hidden @ w2)
    w1 = jax.random.normal(ks[2], (NUM_EXPERTS, DFF, DIM), dtype=jnp.float32) * 0.02
    w2 = jax.random.normal(ks[3], (NUM_EXPERTS, DFF, DIM), dtype=jnp.float32) * 0.02
    w3 = jax.random.normal(ks[4], (NUM_EXPERTS, DFF, DIM), dtype=jnp.float32) * 0.02
    return {"inputs": inputs, "gate_w": gate_w, "w1": w1, "w2": w2, "w3": w3}


def reference(inputs, gate_w, w1, w2, w3):
    # gate: nn.Linear(dim, num_experts, bias=False)
    gate_logits = inputs @ gate_w.T  # [T, E]
    weights, selected = jax.lax.top_k(gate_logits, TOP_K)  # [T, K], [T, K]
    weights = jax.nn.softmax(weights.astype(jnp.float32), axis=1).astype(inputs.dtype)
    # one-hot dispatch: combine weight of expert e for token t
    onehot = jax.nn.one_hot(selected, NUM_EXPERTS, dtype=inputs.dtype)  # [T, K, E]
    cw = jnp.einsum('tk,tke->te', weights, onehot)  # [T, E]
    results = jnp.zeros_like(inputs)
    for e in range(NUM_EXPERTS):
        # SwiGLU expert: silu(x @ w1.T) * (x @ w3.T) @ w2
        h = jax.nn.silu(inputs @ w1[e].T) * (inputs @ w3[e].T)
        ey = h @ w2[e]
        results = results + cw[:, e, None] * ey
    # dist.all_reduce over group is identity on a single device
    return results

if __name__ == "__main__":
    import jax
    _d = setup_inputs()
    print(jax.jit(kernel)(*tuple(_d.values())))

</pallas_src>

<mosaic_0001>
#map = affine_map<(d0, d1) -> (0, 0)>
#map1 = affine_map<(d0, d1) -> (0)>
module attributes {stable_mosaic.version = 14 : i64} {
  func.func @sc_gather_y(%arg0: i32, %arg1: i32, %arg2: memref<6144x1024xf32, #tpu.memory_space<hbm>>, %arg3: memref<4096xi32, #tpu.memory_space<hbm>>, %arg4: memref<4096x1024xf32, #tpu.memory_space<hbm>>, %arg5: memref<128xi32, #tpu.memory_space<vmem>>, %arg6: memref<32x1024xf32, #tpu.memory_space<vmem>>, %arg7: memref<32x1024xf32, #tpu.memory_space<vmem>>, %arg8: memref<!tpu.dma_semaphore, #tpu.memory_space<semaphore_mem>>, %arg9: memref<!tpu.dma_semaphore, #tpu.memory_space<semaphore_mem>>, %arg10: memref<!tpu.dma_semaphore, #tpu.memory_space<semaphore_mem>>, %arg11: memref<!tpu.dma_semaphore, #tpu.memory_space<semaphore_mem>>) attributes {dimension_semantics = [#tpu.dimension_semantics<core_parallel>, #tpu.dimension_semantics<subcore_parallel>], iteration_bounds = array<i64: 2, 16>, scalar_prefetch = 0 : i64, scratch_operands = 7 : i64, tpu.core_type = #tpu.core_type<sc_vector_subcore>, window_params = [{transform_indices = #map}, {transform_indices = #map1}, {transform_indices = #map}]} {
    %mul3A = arith.constant 2 : i32
    %mul3A_0 = arith.muli %arg1, %mul3A : i32
    %add3A = arith.addi %mul3A_0, %arg0 : i32
    %mul3A_1 = arith.constant 128 : i32
    %mul3A_2 = arith.muli %add3A, %mul3A_1 : i32
    "tpu.region"() ({
      %run_scoped3A = tpu.sem_alloc : memref<!tpu.dma_semaphore, #tpu.memory_space<semaphore_mem>>
      %dma_start3A_81 = tpu.memref_slice %arg3[%mul3A_2] : memref<4096xi32, #tpu.memory_space<hbm>> -> memref<128xi32, #tpu.memory_space<hbm>>
      %dma_start3A_82 = tpu.memref_slice %arg3[%mul3A_2] : memref<4096xi32, #tpu.memory_space<hbm>> -> memref<128xi32, #tpu.memory_space<hbm>>
      tpu.enqueue_dma source(%dma_start3A_82 : memref<128xi32, #tpu.memory_space<hbm>>) target(%arg5 : memref<128xi32, #tpu.memory_space<vmem>>) target_semaphore(%run_scoped3A : memref<!tpu.dma_semaphore, #tpu.memory_space<semaphore_mem>>)
      %dma_wait3A_83 = tpu.memref_slice %arg3[%mul3A_2] : memref<4096xi32, #tpu.memory_space<hbm>> -> memref<128xi32, #tpu.memory_space<hbm>>
      %dma_wait3A_84 = tpu.memref_slice %arg3[%mul3A_2] : memref<4096xi32, #tpu.memory_space<hbm>> -> memref<128xi32, #tpu.memory_space<hbm>>
      tpu.wait_dma2 semaphore(%run_scoped3A : memref<!tpu.dma_semaphore, #tpu.memory_space<semaphore_mem>>) src(%dma_wait3A_84 : memref<128xi32, #tpu.memory_space<hbm>>) dst(%arg5 : memref<128xi32, #tpu.memory_space<vmem>>)
      tpu.yield
    }) : () -> ()
    %dma_start3A = arith.constant 0 : i32
    %dma_start3A_3 = tpu.memref_slice %arg5[%dma_start3A] : memref<128xi32, #tpu.memory_space<vmem>> -> memref<32xi32, #tpu.memory_space<vmem>>
    %dma_start3A_4 = arith.constant 0 : i32
    %dma_start3A_5 = arith.constant 0 : i32
    %dma_start3A_6 = tpu.memref_slice %arg2[%dma_start3A_4, %dma_start3A_5] : memref<6144x1024xf32, #tpu.memory_space<hbm>> -> memref<6144x1024xf32, #tpu.memory_space<hbm>>
    tpu.enqueue_indirect_dma source(%dma_start3A_6 : memref<6144x1024xf32, #tpu.memory_space<hbm>>) target(%arg6 : memref<32x1024xf32, #tpu.memory_space<vmem>>) offsets(%dma_start3A_3 : memref<32xi32, #tpu.memory_space<vmem>>) semaphore(%arg8 : memref<!tpu.dma_semaphore, #tpu.memory_space<semaphore_mem>>)
    %dma_start3A_7 = arith.constant 32 : i32
    %dma_start3A_8 = tpu.memref_slice %arg5[%dma_start3A_7] : memref<128xi32, #tpu.memory_space<vmem>> -> memref<32xi32, #tpu.memory_space<vmem>>
    %dma_start3A_9 = arith.constant 0 : i32
    %dma_start3A_10 = arith.constant 0 : i32
    %dma_start3A_11 = tpu.memref_slice %arg2[%dma_start3A_9, %dma_start3A_10] : memref<6144x1024xf32, #tpu.memory_space<hbm>> -> memref<6144x1024xf32, #tpu.memory_space<hbm>>
    tpu.enqueue_indirect_dma source(%dma_start3A_11 : memref<6144x1024xf32, #tpu.memory_space<hbm>>) target(%arg7 : memref<32x1024xf32, #tpu.memory_space<vmem>>) offsets(%dma_start3A_8 : memref<32xi32, #tpu.memory_space<vmem>>) semaphore(%arg9 : memref<!tpu.dma_semaphore, #tpu.memory_space<semaphore_mem>>)
    %dma_wait3A = arith.constant 0 : i32
    %dma_wait3A_12 = tpu.memref_slice %arg5[%dma_wait3A] : memref<128xi32, #tpu.memory_space<vmem>> -> memref<32xi32, #tpu.memory_space<vmem>>
    %dma_wait3A_13 = arith.constant 0 : i32
    %dma_wait3A_14 = arith.constant 0 : i32
    %dma_wait3A_15 = tpu.memref_slice %arg2[%dma_wait3A_13, %dma_wait3A_14] : memref<6144x1024xf32, #tpu.memory_space<hbm>> -> memref<6144x1024xf32, #tpu.memory_space<hbm>>
    tpu.wait_indirect_dma semaphore(%arg8 : memref<!tpu.dma_semaphore, #tpu.memory_space<semaphore_mem>>) src(%dma_wait3A_15 : memref<6144x1024xf32, #tpu.memory_space<hbm>>) dst(%arg6 : memref<32x1024xf32, #tpu.memory_space<vmem>>)
    %add3A_16 = arith.constant 0 : i32
    %add3A_17 = arith.addi %mul3A_2, %add3A_16 : i32
    %dma_start3A_18 = arith.constant 0 : i32
    %dma_start3A_19 = tpu.memref_slice %arg4[%add3A_17, %dma_start3A_18] : memref<4096x1024xf32, #tpu.memory_space<hbm>> -> memref<32x1024xf32, #tpu.memory_space<hbm>>
    %dma_start3A_20 = arith.constant 0 : i32
    %dma_start3A_21 = tpu.memref_slice %arg4[%add3A_17, %dma_start3A_20] : memref<4096x1024xf32, #tpu.memory_space<hbm>> -> memref<32x1024xf32, #tpu.memory_space<hbm>>
    tpu.enqueue_dma source(%arg6 : memref<32x1024xf32, #tpu.memory_space<vmem>>) target(%dma_start3A_21 : memref<32x1024xf32, #tpu.memory_space<hbm>>) target_semaphore(%arg10 : memref<!tpu.dma_semaphore, #tpu.memory_space<semaphore_mem>>)
    %dma_wait3A_22 = arith.constant 0 : i32
    %dma_wait3A_23 = tpu.memref_slice %arg4[%add3A_17, %dma_wait3A_22] : memref<4096x1024xf32, #tpu.memory_space<hbm>> -> memref<32x1024xf32, #tpu.memory_space<hbm>>
    %dma_wait3A_24 = arith.constant 0 : i32
    %dma_wait3A_25 = tpu.memref_slice %arg4[%add3A_17, %dma_wait3A_24] : memref<4096x1024xf32, #tpu.memory_space<hbm>> -> memref<32x1024xf32, #tpu.memory_space<hbm>>
    tpu.wait_dma2 semaphore(%arg10 : memref<!tpu.dma_semaphore, #tpu.memory_space<semaphore_mem>>) src(%arg6 : memref<32x1024xf32, #tpu.memory_space<vmem>>) dst(%dma_wait3A_25 : memref<32x1024xf32, #tpu.memory_space<hbm>>)
    %dma_start3A_26 = arith.constant 64 : i32
    %dma_start3A_27 = tpu.memref_slice %arg5[%dma_start3A_26] : memref<128xi32, #tpu.memory_space<vmem>> -> memref<32xi32, #tpu.memory_space<vmem>>
    %dma_start3A_28 = arith.constant 0 : i32
    %dma_start3A_29 = arith.constant 0 : i32
    %dma_start3A_30 = tpu.memref_slice %arg2[%dma_start3A_28, %dma_start3A_29] : memref<6144x1024xf32, #tpu.memory_space<hbm>> -> memref<6144x1024xf32, #tpu.memory_space<hbm>>
    tpu.enqueue_indirect_dma source(%dma_start3A_30 : memref<6144x1024xf32, #tpu.memory_space<hbm>>) target(%arg6 : memref<32x1024xf32, #tpu.memory_space<vmem>>) offsets(%dma_start3A_27 : memref<32xi32, #tpu.memory_space<vmem>>) semaphore(%arg8 : memref<!tpu.dma_semaphore, #tpu.memory_space<semaphore_mem>>)
    %dma_wait3A_31 = arith.constant 32 : i32
    %dma_wait3A_32 = tpu.memref_slice %arg5[%dma_wait3A_31] : memref<128xi32, #tpu.memory_space<vmem>> -> memref<32xi32, #tpu.memory_space<vmem>>
    %dma_wait3A_33 = arith.constant 0 : i32
    %dma_wait3A_34 = arith.constant 0 : i32
    %dma_wait3A_35 = tpu.memref_slice %arg2[%dma_wait3A_33, %dma_wait3A_34] : memref<6144x1024xf32, #tpu.memory_space<hbm>> -> memref<6144x1024xf32, #tpu.memory_space<hbm>>
    tpu.wait_indirect_dma semaphore(%arg9 : memref<!tpu.dma_semaphore, #tpu.memory_space<semaphore_mem>>) src(%dma_wait3A_35 : memref<6144x1024xf32, #tpu.memory_space<hbm>>) dst(%arg7 : memref<32x1024xf32, #tpu.memory_space<vmem>>)
    %add3A_36 = arith.constant 32 : i32
    %add3A_37 = arith.addi %mul3A_2, %add3A_36 : i32
    %dma_start3A_38 = arith.constant 0 : i32
    %dma_start3A_39 = tpu.memref_slice %arg4[%add3A_37, %dma_start3A_38] : memref<4096x1024xf32, #tpu.memory_space<hbm>> -> memref<32x1024xf32, #tpu.memory_space<hbm>>
    %dma_start3A_40 = arith.constant 0 : i32
    %dma_start3A_41 = tpu.memref_slice %arg4[%add3A_37, %dma_start3A_40] : memref<4096x1024xf32, #tpu.memory_space<hbm>> -> memref<32x1024xf32, #tpu.memory_space<hbm>>
    tpu.enqueue_dma source(%arg7 : memref<32x1024xf32, #tpu.memory_space<vmem>>) target(%dma_start3A_41 : memref<32x1024xf32, #tpu.memory_space<hbm>>) target_semaphore(%arg11 : memref<!tpu.dma_semaphore, #tpu.memory_space<semaphore_mem>>)
    %dma_wait3A_42 = arith.constant 0 : i32
    %dma_wait3A_43 = tpu.memref_slice %arg4[%add3A_37, %dma_wait3A_42] : memref<4096x1024xf32, #tpu.memory_space<hbm>> -> memref<32x1024xf32, #tpu.memory_space<hbm>>
    %dma_wait3A_44 = arith.constant 0 : i32
    %dma_wait3A_45 = tpu.memref_slice %arg4[%add3A_37, %dma_wait3A_44] : memref<4096x1024xf32, #tpu.memory_space<hbm>> -> memref<32x1024xf32, #tpu.memory_space<hbm>>
    tpu.wait_dma2 semaphore(%arg11 : memref<!tpu.dma_semaphore, #tpu.memory_space<semaphore_mem>>) src(%arg7 : memref<32x1024xf32, #tpu.memory_space<vmem>>) dst(%dma_wait3A_45 : memref<32x1024xf32, #tpu.memory_space<hbm>>)
    %dma_start3A_46 = arith.constant 96 : i32
    %dma_start3A_47 = tpu.memref_slice %arg5[%dma_start3A_46] : memref<128xi32, #tpu.memory_space<vmem>> -> memref<32xi32, #tpu.memory_space<vmem>>
    %dma_start3A_48 = arith.constant 0 : i32
    %dma_start3A_49 = arith.constant 0 : i32
    %dma_start3A_50 = tpu.memref_slice %arg2[%dma_start3A_48, %dma_start3A_49] : memref<6144x1024xf32, #tpu.memory_space<hbm>> -> memref<6144x1024xf32, #tpu.memory_space<hbm>>
    tpu.enqueue_indirect_dma source(%dma_start3A_50 : memref<6144x1024xf32, #tpu.memory_space<hbm>>) target(%arg7 : memref<32x1024xf32, #tpu.memory_space<vmem>>) offsets(%dma_start3A_47 : memref<32xi32, #tpu.memory_space<vmem>>) semaphore(%arg9 : memref<!tpu.dma_semaphore, #tpu.memory_space<semaphore_mem>>)
    %dma_wait3A_51 = arith.constant 64 : i32
    %dma_wait3A_52 = tpu.memref_slice %arg5[%dma_wait3A_51] : memref<128xi32, #tpu.memory_space<vmem>> -> memref<32xi32, #tpu.memory_space<vmem>>
    %dma_wait3A_53 = arith.constant 0 : i32
    %dma_wait3A_54 = arith.constant 0 : i32
    %dma_wait3A_55 = tpu.memref_slice %arg2[%dma_wait3A_53, %dma_wait3A_54] : memref<6144x1024xf32, #tpu.memory_space<hbm>> -> memref<6144x1024xf32, #tpu.memory_space<hbm>>
    tpu.wait_indirect_dma semaphore(%arg8 : memref<!tpu.dma_semaphore, #tpu.memory_space<semaphore_mem>>) src(%dma_wait3A_55 : memref<6144x1024xf32, #tpu.memory_space<hbm>>) dst(%arg6 : memref<32x1024xf32, #tpu.memory_space<vmem>>)
    %add3A_56 = arith.constant 64 : i32
    %add3A_57 = arith.addi %mul3A_2, %add3A_56 : i32
    %dma_start3A_58 = arith.constant 0 : i32
    %dma_start3A_59 = tpu.memref_slice %arg4[%add3A_57, %dma_start3A_58] : memref<4096x1024xf32, #tpu.memory_space<hbm>> -> memref<32x1024xf32, #tpu.memory_space<hbm>>
    %dma_start3A_60 = arith.constant 0 : i32
    %dma_start3A_61 = tpu.memref_slice %arg4[%add3A_57, %dma_start3A_60] : memref<4096x1024xf32, #tpu.memory_space<hbm>> -> memref<32x1024xf32, #tpu.memory_space<hbm>>
    tpu.enqueue_dma source(%arg6 : memref<32x1024xf32, #tpu.memory_space<vmem>>) target(%dma_start3A_61 : memref<32x1024xf32, #tpu.memory_space<hbm>>) target_semaphore(%arg10 : memref<!tpu.dma_semaphore, #tpu.memory_space<semaphore_mem>>)
    %dma_wait3A_62 = arith.constant 96 : i32
    %dma_wait3A_63 = tpu.memref_slice %arg5[%dma_wait3A_62] : memref<128xi32, #tpu.memory_space<vmem>> -> memref<32xi32, #tpu.memory_space<vmem>>
    %dma_wait3A_64 = arith.constant 0 : i32
    %dma_wait3A_65 = arith.constant 0 : i32
    %dma_wait3A_66 = tpu.memref_slice %arg2[%dma_wait3A_64, %dma_wait3A_65] : memref<6144x1024xf32, #tpu.memory_space<hbm>> -> memref<6144x1024xf32, #tpu.memory_space<hbm>>
    tpu.wait_indirect_dma semaphore(%arg9 : memref<!tpu.dma_semaphore, #tpu.memory_space<semaphore_mem>>) src(%dma_wait3A_66 : memref<6144x1024xf32, #tpu.memory_space<hbm>>) dst(%arg7 : memref<32x1024xf32, #tpu.memory_space<vmem>>)
    %add3A_67 = arith.constant 96 : i32
    %add3A_68 = arith.addi %mul3A_2, %add3A_67 : i32
    %dma_start3A_69 = arith.constant 0 : i32
    %dma_start3A_70 = tpu.memref_slice %arg4[%add3A_68, %dma_start3A_69] : memref<4096x1024xf32, #tpu.memory_space<hbm>> -> memref<32x1024xf32, #tpu.memory_space<hbm>>
    %dma_start3A_71 = arith.constant 0 : i32
    %dma_start3A_72 = tpu.memref_slice %arg4[%add3A_68, %dma_start3A_71] : memref<4096x1024xf32, #tpu.memory_space<hbm>> -> memref<32x1024xf32, #tpu.memory_space<hbm>>
    tpu.enqueue_dma source(%arg7 : memref<32x1024xf32, #tpu.memory_space<vmem>>) target(%dma_start3A_72 : memref<32x1024xf32, #tpu.memory_space<hbm>>) target_semaphore(%arg11 : memref<!tpu.dma_semaphore, #tpu.memory_space<semaphore_mem>>)
    %dma_wait3A_73 = arith.constant 0 : i32
    %dma_wait3A_74 = tpu.memref_slice %arg4[%add3A_57, %dma_wait3A_73] : memref<4096x1024xf32, #tpu.memory_space<hbm>> -> memref<32x1024xf32, #tpu.memory_space<hbm>>
    %dma_wait3A_75 = arith.constant 0 : i32
    %dma_wait3A_76 = tpu.memref_slice %arg4[%add3A_57, %dma_wait3A_75] : memref<4096x1024xf32, #tpu.memory_space<hbm>> -> memref<32x1024xf32, #tpu.memory_space<hbm>>
    tpu.wait_dma2 semaphore(%arg10 : memref<!tpu.dma_semaphore, #tpu.memory_space<semaphore_mem>>) src(%arg6 : memref<32x1024xf32, #tpu.memory_space<vmem>>) dst(%dma_wait3A_76 : memref<32x1024xf32, #tpu.memory_space<hbm>>)
    %dma_wait3A_77 = arith.constant 0 : i32
    %dma_wait3A_78 = tpu.memref_slice %arg4[%add3A_68, %dma_wait3A_77] : memref<4096x1024xf32, #tpu.memory_space<hbm>> -> memref<32x1024xf32, #tpu.memory_space<hbm>>
    %dma_wait3A_79 = arith.constant 0 : i32
    %dma_wait3A_80 = tpu.memref_slice %arg4[%add3A_68, %dma_wait3A_79] : memref<4096x1024xf32, #tpu.memory_space<hbm>> -> memref<32x1024xf32, #tpu.memory_space<hbm>>
    tpu.wait_dma2 semaphore(%arg11 : memref<!tpu.dma_semaphore, #tpu.memory_space<semaphore_mem>>) src(%arg7 : memref<32x1024xf32, #tpu.memory_space<vmem>>) dst(%dma_wait3A_80 : memref<32x1024xf32, #tpu.memory_space<hbm>>)
    return
  }
}

#map = affine_map<(d0, d1) -> (0, 0)>
#map1 = affine_map<(d0, d1) -> (0)>
module attributes {stable_mosaic.version = 14 : i64} {
  func.func @sc_gather_x(%arg0: i32, %arg1: i32, %arg2: memref<2048x1024xf32, #tpu.memory_space<hbm>>, %arg3: memref<4096xi32, #tpu.memory_space<hbm>>, %arg4: memref<4096xf32, #tpu.memory_space<hbm>>, %arg5: memref<6144x1024xf32, #tpu.memory_space<hbm>>, %arg6: memref<6144xf32, #tpu.memory_space<hbm>>, %arg7: memref<2x32xi32, #tpu.memory_space<hbm>>, %arg8: memref<4096xi32, #tpu.memory_space<hbm>>, %arg9: memref<256xi32, #tpu.memory_space<vmem>>, %arg10: memref<16xi32, #tpu.memory_space<vmem>>, %arg11: memref<16x16xi32, #tpu.memory_space<vmem>>, %arg12: memref<256xi32, #tpu.memory_space<vmem>>, %arg13: memref<4096xi32, #tpu.memory_space<vmem>>, %arg14: memref<4096xf32, #tpu.memory_space<vmem>>, %arg15: memref<2x32xi32, #tpu.memory_space<vmem>>, %arg16: memref<6144xi32, #tpu.memory_space<vmem>>, %arg17: memref<6144xf32, #tpu.memory_space<vmem>>, %arg18: memref<48x1024xf32, #tpu.memory_space<vmem>>, %arg19: memref<48x1024xf32, #tpu.memory_space<vmem>>, %arg20: memref<16x16xi32, #tpu.memory_space<vmem_shared>>, %arg21: memref<4096xi32, #tpu.memory_space<vmem_shared>>, %arg22: memref<!tpu.dma_semaphore, #tpu.memory_space<semaphore_mem>>, %arg23: memref<!tpu.dma_semaphore, #tpu.memory_space<semaphore_mem>>, %arg24: memref<!tpu.dma_semaphore, #tpu.memory_space<semaphore_mem>>, %arg25: memref<!tpu.dma_semaphore, #tpu.memory_space<semaphore_mem>>) attributes {dimension_semantics = [#tpu.dimension_semantics<core_parallel>, #tpu.dimension_semantics<subcore_parallel>], iteration_bounds = array<i64: 2, 16>, scalar_prefetch = 0 : i64, scratch_operands = 17 : i64, tpu.core_type = #tpu.core_type<sc_vector_subcore>, window_params = [{transform_indices = #map}, {transform_indices = #map1}, {transform_indices = #map1}, {transform_indices = #map}, {transform_indices = #map1}, {transform_indices = #map}, {transform_indices = #map1}]} {
    %mul3A = arith.constant 2 : i32
    %mul3A_0 = arith.muli %arg1, %mul3A : i32
    %add3A = arith.addi %mul3A_0, %arg0 : i32
    %mul3A_1 = arith.constant 192 : i32
    %mul3A_2 = arith.muli %add3A, %mul3A_1 : i32
    %iota3A = tpu.iota {dimensions = array<i32: 0>} : vector<16xi32>
    %convert_element_type3A = arith.sitofp %iota3A : vector<16xi32> to vector<16xf32>
    %mul3A_3 = arith.constant 0.000000e+00 : f32
    %mul3A_4 = vector.broadcast %mul3A_3 : f32 to vector<16xf32>
    %mul3A_5 = arith.mulf %convert_element_type3A, %mul3A_4 : vector<16xf32>
    %mul3A_6 = arith.constant 256 : i32
    %mul3A_7 = arith.muli %arg1, %mul3A_6 : i32
    "tpu.region"() ({
      %run_scoped3A = tpu.sem_alloc : memref<!tpu.dma_semaphore, #tpu.memory_space<semaphore_mem>>
      %dma_start3A_3053 = tpu.memref_slice %arg3[%mul3A_7] : memref<4096xi32, #tpu.memory_space<hbm>> -> memref<256xi32, #tpu.memory_space<hbm>>
      %dma_start3A_3054 = tpu.memref_slice %arg3[%mul3A_7] : memref<4096xi32, #tpu.memory_space<hbm>> -> memref<256xi32, #tpu.memory_space<hbm>>
      tpu.enqueue_dma source(%dma_start3A_3054 : memref<256xi32, #tpu.memory_space<hbm>>) target(%arg9 : memref<256xi32, #tpu.memory_space<vmem>>) target_semaphore(%run_scoped3A : memref<!tpu.dma_semaphore, #tpu.memory_space<semaphore_mem>>)
      %dma_wait3A_3055 = tpu.memref_slice %arg3[%mul3A_7] : memref<4096xi32, #tpu.memory_space<hbm>> -> memref<256xi32, #tpu.memory_space<hbm>>
      %dma_wait3A_3056 = tpu.memref_slice %arg3[%mul3A_7] : memref<4096xi32, #tpu.memory_space<hbm>> -> memref<256xi32, #tpu.memory_space<hbm>>
      tpu.wait_dma2 semaphore(%run_scoped3A : memref<!tpu.dma_semaphore, #tpu.memory_space<semaphore_mem>>) src(%dma_wait3A_3056 : memref<256xi32, #tpu.memory_space<hbm>>) dst(%arg9 : memref<256xi32, #tpu.memory_space<vmem>>)
      tpu.yield
    }) : () -> ()
    "tpu.region"() ({
      %run_scoped3A = tpu.sem_alloc : memref<!tpu.dma_semaphore, #tpu.memory_space<semaphore_mem>>
      %dma_start3A_3053 = arith.constant 0 : i32
      %dma_start3A_3054 = tpu.memref_slice %arg4[%dma_start3A_3053] : memref<4096xf32, #tpu.memory_space<hbm>> -> memref<4096xf32, #tpu.memory_space<hbm>>
      %dma_start3A_3055 = arith.constant 0 : i32
      %dma_start3A_3056 = tpu.memref_slice %arg4[%dma_start3A_3055] : memref<4096xf32, #tpu.memory_space<hbm>> -> memref<4096xf32, #tpu.memory_space<hbm>>
      tpu.enqueue_dma source(%dma_start3A_3056 : memref<4096xf32, #tpu.memory_space<hbm>>) target(%arg14 : memref<4096xf32, #tpu.memory_space<vmem>>) target_semaphore(%run_scoped3A : memref<!tpu.dma_semaphore, #tpu.memory_space<semaphore_mem>>)
      %dma_wait3A_3057 = arith.constant 0 : i32
      %dma_wait3A_3058 = tpu.memref_slice %arg4[%dma_wait3A_3057] : memref<4096xf32, #tpu.memory_space<hbm>> -> memref<4096xf32, #tpu.memory_space<hbm>>
      %dma_wait3A_3059 = arith.constant 0 : i32
      %dma_wait3A_3060 = tpu.memref_slice %arg4[%dma_wait3A_3059] : memref<4096xf32, #tpu.memory_space<hbm>> -> memref<4096xf32, #tpu.memory_space<hbm>>
      tpu.wait_dma2 semaphore(%run_scoped3A : memref<!tpu.dma_semaphore, #tpu.memory_space<semaphore_mem>>) src(%dma_wait3A_3060 : memref<4096xf32, #tpu.memory_space<hbm>>) dst(%arg14 : memref<4096xf32, #tpu.memory_space<vmem>>)
      tpu.yield
    }) : () -> ()
    %broadcast_in_dim3A = arith.constant 0 : i32
    %broadcast_in_dim3A_8 = vector.broadcast %broadcast_in_dim3A : i32 to vector<16xi32>
    %broadcast_in_dim3A_9 = arith.constant 0 : i32
    %broadcast_in_dim3A_10 = vector.broadcast %broadcast_in_dim3A_9 : i32 to vector<16xi32>
    %broadcast_in_dim3A_11 = arith.constant 0 : i32
    %broadcast_in_dim3A_12 = vector.broadcast %broadcast_in_dim3A_11 : i32 to vector<16xi32>
    %broadcast_in_dim3A_13 = arith.constant 0 : i32
    %broadcast_in_dim3A_14 = vector.broadcast %broadcast_in_dim3A_13 : i32 to vector<16xi32>
    %broadcast_in_dim3A_15 = arith.constant 0 : i32
    %broadcast_in_dim3A_16 = vector.broadcast %broadcast_in_dim3A_15 : i32 to vector<16xi32>
    %broadcast_in_dim3A_17 = arith.constant 0 : i32
    %broadcast_in_dim3A_18 = vector.broadcast %broadcast_in_dim3A_17 : i32 to vector<16xi32>
    %broadcast_in_dim3A_19 = arith.constant 0 : i32
    %broadcast_in_dim3A_20 = vector.broadcast %broadcast_in_dim3A_19 : i32 to vector<16xi32>
    %broadcast_in_dim3A_21 = arith.constant 0 : i32
    %broadcast_in_dim3A_22 = vector.broadcast %broadcast_in_dim3A_21 : i32 to vector<16xi32>
    %get3A = arith.constant 0 : index
    %get3A_23 = tpu.vector_load %arg9[%get3A] {strides = array<i32>} : memref<256xi32, #tpu.memory_space<vmem>>, vector<16xi32>,
    %eq3A = arith.constant 0 : i32
    %eq3A_24 = vector.broadcast %eq3A : i32 to vector<16xi32>
    %eq3A_25 = arith.cmpi eq, %get3A_23, %eq3A_24 : vector<16xi32>
    %all_reduce_population_count3A = tpu.all_reduce %eq3A_25 {dim = 0 : i64, kind = #tpu.reduction_kind<sum>} : vector<16xi1> -> vector<16xi32>
    %add3A_26 = arith.addi %broadcast_in_dim3A_8, %all_reduce_population_count3A : vector<16xi32>
    %eq3A_27 = arith.constant 1 : i32
    %eq3A_28 = vector.broadcast %eq3A_27 : i32 to vector<16xi32>
    %eq3A_29 = arith.cmpi eq, %get3A_23, %eq3A_28 : vector<16xi32>
    %all_reduce_population_count3A_30 = tpu.all_reduce %eq3A_29 {dim = 0 : i64, kind = #tpu.reduction_kind<sum>} : vector<16xi1> -> vector<16xi32>
    %add3A_31 = arith.addi %broadcast_in_dim3A_10, %all_reduce_population_count3A_30 : vector<16xi32>
    %eq3A_32 = arith.constant 2 : i32
    %eq3A_33 = vector.broadcast %eq3A_32 : i32 to vector<16xi32>
    %eq3A_34 = arith.cmpi eq, %get3A_23, %eq3A_33 : vector<16xi32>
    %all_reduce_population_count3A_35 = tpu.all_reduce %eq3A_34 {dim = 0 : i64, kind = #tpu.reduction_kind<sum>} : vector<16xi1> -> vector<16xi32>
    %add3A_36 = arith.addi %broadcast_in_dim3A_12, %all_reduce_population_count3A_35 : vector<16xi32>
    %eq3A_37 = arith.constant 3 : i32
    %eq3A_38 = vector.broadcast %eq3A_37 : i32 to vector<16xi32>
    %eq3A_39 = arith.cmpi eq, %get3A_23, %eq3A_38 : vector<16xi32>
    %all_reduce_population_count3A_40 = tpu.all_reduce %eq3A_39 {dim = 0 : i64, kind = #tpu.reduction_kind<sum>} : vector<16xi1> -> vector<16xi32>
    %add3A_41 = arith.addi %broadcast_in_dim3A_14, %all_reduce_population_count3A_40 : vector<16xi32>
    %eq3A_42 = arith.constant 4 : i32
    %eq3A_43 = vector.broadcast %eq3A_42 : i32 to vector<16xi32>
    %eq3A_44 = arith.cmpi eq, %get3A_23, %eq3A_43 : vector<16xi32>
    %all_reduce_population_count3A_45 = tpu.all_reduce %eq3A_44 {dim = 0 : i64, kind = #tpu.reduction_kind<sum>} : vector<16xi1> -> vector<16xi32>
    %add3A_46 = arith.addi %broadcast_in_dim3A_16, %all_reduce_population_count3A_45 : vector<16xi32>
    %eq3A_47 = arith.constant 5 : i32
    %eq3A_48 = vector.broadcast %eq3A_47 : i32 to vector<16xi32>
    %eq3A_49 = arith.cmpi eq, %get3A_23, %eq3A_48 : vector<16xi32>
    %all_reduce_population_count3A_50 = tpu.all_reduce %eq3A_49 {dim = 0 : i64, kind = #tpu.reduction_kind<sum>} : vector<16xi1> -> vector<16xi32>
    %add3A_51 = arith.addi %broadcast_in_dim3A_18, %all_reduce_population_count3A_50 : vector<16xi32>
    %eq3A_52 = arith.constant 6 : i32
    %eq3A_53 = vector.broadcast %eq3A_52 : i32 to vector<16xi32>
    %eq3A_54 = arith.cmpi eq, %get3A_23, %eq3A_53 : vector<16xi32>
    %all_reduce_population_count3A_55 = tpu.all_reduce %eq3A_54 {dim = 0 : i64, kind = #tpu.reduction_kind<sum>} : vector<16xi1> -> vector<16xi32>
    %add3A_56 = arith.addi %broadcast_in_dim3A_20, %all_reduce_population_count3A_55 : vector<16xi32>
    %eq3A_57 = arith.constant 7 : i32
    %eq3A_58 = vector.broadcast %eq3A_57 : i32 to vector<16xi32>
    %eq3A_59 = arith.cmpi eq, %get3A_23, %eq3A_58 : vector<16xi32>
    %all_reduce_population_count3A_60 = tpu.all_reduce %eq3A_59 {dim = 0 : i64, kind = #tpu.reduction_kind<sum>} : vector<16xi1> -> vector<16xi32>
    %add3A_61 = arith.addi %broadcast_in_dim3A_22, %all_reduce_population_count3A_60 : vector<16xi32>
    %get3A_62 = arith.constant 16 : index
    %get3A_63 = tpu.vector_load %arg9[%get3A_62] {strides = array<i32>} : memref<256xi32, #tpu.memory_space<vmem>>, vector<16xi32>,
    %eq3A_64 = arith.constant 0 : i32
    %eq3A_65 = vector.broadcast %eq3A_64 : i32 to vector<16xi32>
    %eq3A_66 = arith.cmpi eq, %get3A_63, %eq3A_65 : vector<16xi32>
    %all_reduce_population_count3A_67 = tpu.all_reduce %eq3A_66 {dim = 0 : i64, kind = #tpu.reduction_kind<sum>} : vector<16xi1> -> vector<16xi32>
    %add3A_68 = arith.addi %add3A_26, %all_reduce_population_count3A_67 : vector<16xi32>
    %eq3A_69 = arith.constant 1 : i32
    %eq3A_70 = vector.broadcast %eq3A_69 : i32 to vector<16xi32>
    %eq3A_71 = arith.cmpi eq, %get3A_63, %eq3A_70 : vector<16xi32>
    %all_reduce_population_count3A_72 = tpu.all_reduce %eq3A_71 {dim = 0 : i64, kind = #tpu.reduction_kind<sum>} : vector<16xi1> -> vector<16xi32>
    %add3A_73 = arith.addi %add3A_31, %all_reduce_population_count3A_72 : vector<16xi32>
    %eq3A_74 = arith.constant 2 : i32
    %eq3A_75 = vector.broadcast %eq3A_74 : i32 to vector<16xi32>
    %eq3A_76 = arith.cmpi eq, %get3A_63, %eq3A_75 : vector<16xi32>
    %all_reduce_population_count3A_77 = tpu.all_reduce %eq3A_76 {dim = 0 : i64, kind = #tpu.reduction_kind<sum>} : vector<16xi1> -> vector<16xi32>
    %add3A_78 = arith.addi %add3A_36, %all_reduce_population_count3A_77 : vector<16xi32>
    %eq3A_79 = arith.constant 3 : i32
    %eq3A_80 = vector.broadcast %eq3A_79 : i32 to vector<16xi32>
    %eq3A_81 = arith.cmpi eq, %get3A_63, %eq3A_80 : vector<16xi32>
    %all_reduce_population_count3A_82 = tpu.all_reduce %eq3A_81 {dim = 0 : i64, kind = #tpu.reduction_kind<sum>} : vector<16xi1> -> vector<16xi32>
    %add3A_83 = arith.addi %add3A_41, %all_reduce_population_count3A_82 : vector<16xi32>
    %eq3A_84 = arith.constant 4 : i32
    %eq3A_85 = vector.broadcast %eq3A_84 : i32 to vector<16xi32>
    %eq3A_86 = arith.cmpi eq, %get3A_63, %eq3A_85 : vector<16xi32>
    %all_reduce_population_count3A_87 = tpu.all_reduce %eq3A_86 {dim = 0 : i64, kind = #tpu.reduction_kind<sum>} : vector<16xi1> -> vector<16xi32>
    %add3A_88 = arith.addi %add3A_46, %all_reduce_population_count3A_87 : vector<16xi32>
    %eq3A_89 = arith.constant 5 : i32
    %eq3A_90 = vector.broadcast %eq3A_89 : i32 to vector<16xi32>
    %eq3A_91 = arith.cmpi eq, %get3A_63, %eq3A_90 : vector<16xi32>
    %all_reduce_population_count3A_92 = tpu.all_reduce %eq3A_91 {dim = 0 : i64, kind = #tpu.reduction_kind<sum>} : vector<16xi1> -> vector<16xi32>
    %add3A_93 = arith.addi %add3A_51, %all_reduce_population_count3A_92 : vector<16xi32>
    %eq3A_94 = arith.constant 6 : i32
    %eq3A_95 = vector.broadcast %eq3A_94 : i32 to vector<16xi32>
    %eq3A_96 = arith.cmpi eq, %get3A_63, %eq3A_95 : vector<16xi32>
    %all_reduce_population_count3A_97 = tpu.all_reduce %eq3A_96 {dim = 0 : i64, kind = #tpu.reduction_kind<sum>} : vector<16xi1> -> vector<16xi32>
    %add3A_98 = arith.addi %add3A_56, %all_reduce_population_count3A_97 : vector<16xi32>
    %eq3A_99 = arith.constant 7 : i32
    %eq3A_100 = vector.broadcast %eq3A_99 : i32 to vector<16xi32>
    %eq3A_101 = arith.cmpi eq, %get3A_63, %eq3A_100 : vector<16xi32>
    %all_reduce_population_count3A_102 = tpu.all_reduce %eq3A_101 {dim = 0 : i64, kind = #tpu.reduction_kind<sum>} : vector<16xi1> -> vector<16xi32>
    %add3A_103 = arith.addi %add3A_61, %all_reduce_population_count3A_102 : vector<16xi32>
    %get3A_104 = arith.constant 32 : index
    %get3A_105 = tpu.vector_load %arg9[%get3A_104] {strides = array<i32>} : memref<256xi32, #tpu.memory_space<vmem>>, vector<16xi32>,
    %eq3A_106 = arith.constant 0 : i32
    %eq3A_107 = vector.broadcast %eq3A_106 : i32 to vector<16xi32>
    %eq3A_108 = arith.cmpi eq, %get3A_105, %eq3A_107 : vector<16xi32>
    %all_reduce_population_count3A_109 = tpu.all_reduce %eq3A_108 {dim = 0 : i64, kind = #tpu.reduction_kind<sum>} : vector<16xi1> -> vector<16xi32>
    %add3A_110 = arith.addi %add3A_68, %all_reduce_population_count3A_109 : vector<16xi32>
    %eq3A_111 = arith.constant 1 : i32
    %eq3A_112 = vector.broadcast %eq3A_111 : i32 to vector<16xi32>
    %eq3A_113 = arith.cmpi eq, %get3A_105, %eq3A_112 : vector<16xi32>
    %all_reduce_population_count3A_114 = tpu.all_reduce %eq3A_113 {dim = 0 : i64, kind = #tpu.reduction_kind<sum>} : vector<16xi1> -> vector<16xi32>
    %add3A_115 = arith.addi %add3A_73, %all_reduce_population_count3A_114 : vector<16xi32>
    %eq3A_116 = arith.constant 2 : i32
    %eq3A_117 = vector.broadcast %eq3A_116 : i32 to vector<16xi32>
    %eq3A_118 = arith.cmpi eq, %get3A_105, %eq3A_117 : vector<16xi32>
    %all_reduce_population_count3A_119 = tpu.all_reduce %eq3A_118 {dim = 0 : i64, kind = #tpu.reduction_kind<sum>} : vector<16xi1> -> vector<16xi32>
    %add3A_120 = arith.addi %add3A_78, %all_reduce_population_count3A_119 : vector<16xi32>
    %eq3A_121 = arith.constant 3 : i32
    %eq3A_122 = vector.broadcast %eq3A_121 : i32 to vector<16xi32>
    %eq3A_123 = arith.cmpi eq, %get3A_105, %eq3A_122 : vector<16xi32>
    %all_reduce_population_count3A_124 = tpu.all_reduce %eq3A_123 {dim = 0 : i64, kind = #tpu.reduction_kind<sum>} : vector<16xi1> -> vector<16xi32>
    %add3A_125 = arith.addi %add3A_83, %all_reduce_population_count3A_124 : vector<16xi32>
    %eq3A_126 = arith.constant 4 : i32
    %eq3A_127 = vector.broadcast %eq3A_126 : i32 to vector<16xi32>
    %eq3A_128 = arith.cmpi eq, %get3A_105, %eq3A_127 : vector<16xi32>
    %all_reduce_population_count3A_129 = tpu.all_reduce %eq3A_128 {dim = 0 : i64, kind = #tpu.reduction_kind<sum>} : vector<16xi1> -> vector<16xi32>
    %add3A_130 = arith.addi %add3A_88, %all_reduce_population_count3A_129 : vector<16xi32>
    %eq3A_131 = arith.constant 5 : i32
    %eq3A_132 = vector.broadcast %eq3A_131 : i32 to vector<16xi32>
    %eq3A_133 = arith.cmpi eq, %get3A_105, %eq3A_132 : vector<16xi32>
    %all_reduce_population_count3A_134 = tpu.all_reduce %eq3A_133 {dim = 0 : i64, kind = #tpu.reduction_kind<sum>} : vector<16xi1> -> vector<16xi32>
    %add3A_135 = arith.addi %add3A_93, %all_reduce_population_count3A_134 : vector<16xi32>
    %eq3A_136 = arith.constant 6 : i32
    %eq3A_137 = vector.broadcast %eq3A_136 : i32 to vector<16xi32>
    %eq3A_138 = arith.cmpi eq, %get3A_105, %eq3A_137 : vector<16xi32>
    %all_reduce_population_count3A_139 = tpu.all_reduce %eq3A_138 {dim = 0 : i64, kind = #tpu.reduction_kind<sum>} : vector<16xi1> -> vector<16xi32>
    %add3A_140 = arith.addi %add3A_98, %all_reduce_population_count3A_139 : vector<16xi32>
    %eq3A_141 = arith.constant 7 : i32
    %eq3A_142 = vector.broadcast %eq3A_141 : i32 to vector<16xi32>
    %eq3A_143 = arith.cmpi eq, %get3A_105, %eq3A_142 : vector<16xi32>
    %all_reduce_population_count3A_144 = tpu.all_reduce %eq3A_143 {dim = 0 : i64, kind = #tpu.reduction_kind<sum>} : vector<16xi1> -> vector<16xi32>
    %add3A_145 = arith.addi %add3A_103, %all_reduce_population_count3A_144 : vector<16xi32>
    %get3A_146 = arith.constant 48 : index
    %get3A_147 = tpu.vector_load %arg9[%get3A_146] {strides = array<i32>} : memref<256xi32, #tpu.memory_space<vmem>>, vector<16xi32>,
    %eq3A_148 = arith.constant 0 : i32
    %eq3A_149 = vector.broadcast %eq3A_148 : i32 to vector<16xi32>
    %eq3A_150 = arith.cmpi eq, %get3A_147, %eq3A_149 : vector<16xi32>
    %all_reduce_population_count3A_151 = tpu.all_reduce %eq3A_150 {dim = 0 : i64, kind = #tpu.reduction_kind<sum>} : vector<16xi1> -> vector<16xi32>
    %add3A_152 = arith.addi %add3A_110, %all_reduce_population_count3A_151 : vector<16xi32>
    %eq3A_153 = arith.constant 1 : i32
    %eq3A_154 = vector.broadcast %eq3A_153 : i32 to vector<16xi32>
    %eq3A_155 = arith.cmpi eq, %get3A_147, %eq3A_154 : vector<16xi32>
    %all_reduce_population_count3A_156 = tpu.all_reduce %eq3A_155 {dim = 0 : i64, kind = #tpu.reduction_kind<sum>} : vector<16xi1> -> vector<16xi32>
    %add3A_157 = arith.addi %add3A_115, %all_reduce_population_count3A_156 : vector<16xi32>
    %eq3A_158 = arith.constant 2 : i32
    %eq3A_159 = vector.broadcast %eq3A_158 : i32 to vector<16xi32>
    %eq3A_160 = arith.cmpi eq, %get3A_147, %eq3A_159 : vector<16xi32>
    %all_reduce_population_count3A_161 = tpu.all_reduce %eq3A_160 {dim = 0 : i64, kind = #tpu.reduction_kind<sum>} : vector<16xi1> -> vector<16xi32>
    %add3A_162 = arith.addi %add3A_120, %all_reduce_population_count3A_161 : vector<16xi32>
    %eq3A_163 = arith.constant 3 : i32
    %eq3A_164 = vector.broadcast %eq3A_163 : i32 to vector<16xi32>
    %eq3A_165 = arith.cmpi eq, %get3A_147, %eq3A_164 : vector<16xi32>
    %all_reduce_population_count3A_166 = tpu.all_reduce %eq3A_165 {dim = 0 : i64, kind = #tpu.reduction_kind<sum>} : vector<16xi1> -> vector<16xi32>
    %add3A_167 = arith.addi %add3A_125, %all_reduce_population_count3A_166 : vector<16xi32>
    %eq3A_168 = arith.constant 4 : i32
    %eq3A_169 = vector.broadcast %eq3A_168 : i32 to vector<16xi32>
    %eq3A_170 = arith.cmpi eq, %get3A_147, %eq3A_169 : vector<16xi32>
    %all_reduce_population_count3A_171 = tpu.all_reduce %eq3A_170 {dim = 0 : i64, kind = #tpu.reduction_kind<sum>} : vector<16xi1> -> vector<16xi32>
    %add3A_172 = arith.addi %add3A_130, %all_reduce_population_count3A_171 : vector<16xi32>
    %eq3A_173 = arith.constant 5 : i32
    %eq3A_174 = vector.broadcast %eq3A_173 : i32 to vector<16xi32>
    %eq3A_175 = arith.cmpi eq, %get3A_147, %eq3A_174 : vector<16xi32>
    %all_reduce_population_count3A_176 = tpu.all_reduce %eq3A_175 {dim = 0 : i64, kind = #tpu.reduction_kind<sum>} : vector<16xi1> -> vector<16xi32>
    %add3A_177 = arith.addi %add3A_135, %all_reduce_population_count3A_176 : vector<16xi32>
    %eq3A_178 = arith.constant 6 : i32
    %eq3A_179 = vector.broadcast %eq3A_178 : i32 to vector<16xi32>
    %eq3A_180 = arith.cmpi eq, %get3A_147, %eq3A_179 : vector<16xi32>
    %all_reduce_population_count3A_181 = tpu.all_reduce %eq3A_180 {dim = 0 : i64, kind = #tpu.reduction_kind<sum>} : vector<16xi1> -> vector<16xi32>
    %add3A_182 = arith.addi %add3A_140, %all_reduce_population_count3A_181 : vector<16xi32>
    %eq3A_183 = arith.constant 7 : i32
    %eq3A_184 = vector.broadcast %eq3A_183 : i32 to vector<16xi32>
    %eq3A_185 = arith.cmpi eq, %get3A_147, %eq3A_184 : vector<16xi32>
    %all_reduce_population_count3A_186 = tpu.all_reduce %eq3A_185 {dim = 0 : i64, kind = #tpu.reduction_kind<sum>} : vector<16xi1> -> vector<16xi32>
    %add3A_187 = arith.addi %add3A_145, %all_reduce_population_count3A_186 : vector<16xi32>
    %get3A_188 = arith.constant 64 : index
    %get3A_189 = tpu.vector_load %arg9[%get3A_188] {strides = array<i32>} : memref<256xi32, #tpu.memory_space<vmem>>, vector<16xi32>,
    %eq3A_190 = arith.constant 0 : i32
    %eq3A_191 = vector.broadcast %eq3A_190 : i32 to vector<16xi32>
    %eq3A_192 = arith.cmpi eq, %get3A_189, %eq3A_191 : vector<16xi32>
    %all_reduce_population_count3A_193 = tpu.all_reduce %eq3A_192 {dim = 0 : i64, kind = #tpu.reduction_kind<sum>} : vector<16xi1> -> vector<16xi32>
    %add3A_194 = arith.addi %add3A_152, %all_reduce_population_count3A_193 : vector<16xi32>
    %eq3A_195 = arith.constant 1 : i32
    %eq3A_196 = vector.broadcast %eq3A_195 : i32 to vector<16xi32>
    %eq3A_197 = arith.cmpi eq, %get3A_189, %eq3A_196 : vector<16xi32>
    %all_reduce_population_count3A_198 = tpu.all_reduce %eq3A_197 {dim = 0 : i64, kind = #tpu.reduction_kind<sum>} : vector<16xi1> -> vector<16xi32>
    %add3A_199 = arith.addi %add3A_157, %all_reduce_population_count3A_198 : vector<16xi32>
    %eq3A_200 = arith.constant 2 : i32
    %eq3A_201 = vector.broadcast %eq3A_200 : i32 to vector<16xi32>
    %eq3A_202 = arith.cmpi eq, %get3A_189, %eq3A_201 : vector<16xi32>
    %all_reduce_population_count3A_203 = tpu.all_reduce %eq3A_202 {dim = 0 : i64, kind = #tpu.reduction_kind<sum>} : vector<16xi1> -> vector<16xi32>
    %add3A_204 = arith.addi %add3A_162, %all_reduce_population_count3A_203 : vector<16xi32>
    %eq3A_205 = arith.constant 3 : i32
    %eq3A_206 = vector.broadcast %eq3A_205 : i32 to vector<16xi32>
    %eq3A_207 = arith.cmpi eq, %get3A_189, %eq3A_206 : vector<16xi32>
    %all_reduce_population_count3A_208 = tpu.all_reduce %eq3A_207 {dim = 0 : i64, kind = #tpu.reduction_kind<sum>} : vector<16xi1> -> vector<16xi32>
    %add3A_209 = arith.addi %add3A_167, %all_reduce_population_count3A_208 : vector<16xi32>
    %eq3A_210 = arith.constant 4 : i32
    %eq3A_211 = vector.broadcast %eq3A_210 : i32 to vector<16xi32>
    %eq3A_212 = arith.cmpi eq, %get3A_189, %eq3A_211 : vector<16xi32>
    %all_reduce_population_count3A_213 = tpu.all_reduce %eq3A_212 {dim = 0 : i64, kind = #tpu.reduction_kind<sum>} : vector<16xi1> -> vector<16xi32>
    %add3A_214 = arith.addi %add3A_172, %all_reduce_population_count3A_213 : vector<16xi32>
    %eq3A_215 = arith.constant 5 : i32
    %eq3A_216 = vector.broadcast %eq3A_215 : i32 to vector<16xi32>
    %eq3A_217 = arith.cmpi eq, %get3A_189, %eq3A_216 : vector<16xi32>
    %all_reduce_population_count3A_218 = tpu.all_reduce %eq3A_217 {dim = 0 : i64, kind = #tpu.reduction_kind<sum>} : vector<16xi1> -> vector<16xi32>
    %add3A_219 = arith.addi %add3A_177, %all_reduce_population_count3A_218 : vector<16xi32>
    %eq3A_220 = arith.constant 6 : i32
    %eq3A_221 = vector.broadcast %eq3A_220 : i32 to vector<16xi32>
    %eq3A_222 = arith.cmpi eq, %get3A_189, %eq3A_221 : vector<16xi32>
    %all_reduce_population_count3A_223 = tpu.all_reduce %eq3A_222 {dim = 0 : i64, kind = #tpu.reduction_kind<sum>} : vector<16xi1> -> vector<16xi32>
    %add3A_224 = arith.addi %add3A_182, %all_reduce_population_count3A_223 : vector<16xi32>
    %eq3A_225 = arith.constant 7 : i32
    %eq3A_226 = vector.broadcast %eq3A_225 : i32 to vector<16xi32>
    %eq3A_227 = arith.cmpi eq, %get3A_189, %eq3A_226 : vector<16xi32>
    %all_reduce_population_count3A_228 = tpu.all_reduce %eq3A_227 {dim = 0 : i64, kind = #tpu.reduction_kind<sum>} : vector<16xi1> -> vector<16xi32>
    %add3A_229 = arith.addi %add3A_187, %all_reduce_population_count3A_228 : vector<16xi32>
    %get3A_230 = arith.constant 80 : index
    %get3A_231 = tpu.vector_load %arg9[%get3A_230] {strides = array<i32>} : memref<256xi32, #tpu.memory_space<vmem>>, vector<16xi32>,
    %eq3A_232 = arith.constant 0 : i32
    %eq3A_233 = vector.broadcast %eq3A_232 : i32 to vector<16xi32>
    %eq3A_234 = arith.cmpi eq, %get3A_231, %eq3A_233 : vector<16xi32>
    %all_reduce_population_count3A_235 = tpu.all_reduce %eq3A_234 {dim = 0 : i64, kind = #tpu.reduction_kind<sum>} : vector<16xi1> -> vector<16xi32>
    %add3A_236 = arith.addi %add3A_194, %all_reduce_population_count3A_235 : vector<16xi32>
    %eq3A_237 = arith.constant 1 : i32
    %eq3A_238 = vector.broadcast %eq3A_237 : i32 to vector<16xi32>
    %eq3A_239 = arith.cmpi eq, %get3A_231, %eq3A_238 : vector<16xi32>
    %all_reduce_population_count3A_240 = tpu.all_reduce %eq3A_239 {dim = 0 : i64, kind = #tpu.reduction_kind<sum>} : vector<16xi1> -> vector<16xi32>
    %add3A_241 = arith.addi %add3A_199, %all_reduce_population_count3A_240 : vector<16xi32>
    %eq3A_242 = arith.constant 2 : i32
    %eq3A_243 = vector.broadcast %eq3A_242 : i32 to vector<16xi32>
    %eq3A_244 = arith.cmpi eq, %get3A_231, %eq3A_243 : vector<16xi32>
    %all_reduce_population_count3A_245 = tpu.all_reduce %eq3A_244 {dim = 0 : i64, kind = #tpu.reduction_kind<sum>} : vector<16xi1> -> vector<16xi32>
    %add3A_246 = arith.addi %add3A_204, %all_reduce_population_count3A_245 : vector<16xi32>
    %eq3A_247 = arith.constant 3 : i32
    %eq3A_248 = vector.broadcast %eq3A_247 : i32 to vector<16xi32>
    %eq3A_249 = arith.cmpi eq, %get3A_231, %eq3A_248 : vector<16xi32>
    %all_reduce_population_count3A_250 = tpu.all_reduce %eq3A_249 {dim = 0 : i64, kind = #tpu.reduction_kind<sum>} : vector<16xi1> -> vector<16xi32>
    %add3A_251 = arith.addi %add3A_209, %all_reduce_population_count3A_250 : vector<16xi32>
    %eq3A_252 = arith.constant 4 : i32
    %eq3A_253 = vector.broadcast %eq3A_252 : i32 to vector<16xi32>
    %eq3A_254 = arith.cmpi eq, %get3A_231, %eq3A_253 : vector<16xi32>
    %all_reduce_population_count3A_255 = tpu.all_reduce %eq3A_254 {dim = 0 : i64, kind = #tpu.reduction_kind<sum>} : vector<16xi1> -> vector<16xi32>
    %add3A_256 = arith.addi %add3A_214, %all_reduce_population_count3A_255 : vector<16xi32>
    %eq3A_257 = arith.constant 5 : i32
    %eq3A_258 = vector.broadcast %eq3A_257 : i32 to vector<16xi32>
    %eq3A_259 = arith.cmpi eq, %get3A_231, %eq3A_258 : vector<16xi32>
    %all_reduce_population_count3A_260 = tpu.all_reduce %eq3A_259 {dim = 0 : i64, kind = #tpu.reduction_kind<sum>} : vector<16xi1> -> vector<16xi32>
    %add3A_261 = arith.addi %add3A_219, %all_reduce_population_count3A_260 : vector<16xi32>
    %eq3A_262 = arith.constant 6 : i32
    %eq3A_263 = vector.broadcast %eq3A_262 : i32 to vector<16xi32>
    %eq3A_264 = arith.cmpi eq, %get3A_231, %eq3A_263 : vector<16xi32>
    %all_reduce_population_count3A_265 = tpu.all_reduce %eq3A_264 {dim = 0 : i64, kind = #tpu.reduction_kind<sum>} : vector<16xi1> -> vector<16xi32>
    %add3A_266 = arith.addi %add3A_224, %all_reduce_population_count3A_265 : vector<16xi32>
    %eq3A_267 = arith.constant 7 : i32
    %eq3A_268 = vector.broadcast %eq3A_267 : i32 to vector<16xi32>
    %eq3A_269 = arith.cmpi eq, %get3A_231, %eq3A_268 : vector<16xi32>
    %all_reduce_population_count3A_270 = tpu.all_reduce %eq3A_269 {dim = 0 : i64, kind = #tpu.reduction_kind<sum>} : vector<16xi1> -> vector<16xi32>
    %add3A_271 = arith.addi %add3A_229, %all_reduce_population_count3A_270 : vector<16xi32>
    %get3A_272 = arith.constant 96 : index
    %get3A_273 = tpu.vector_load %arg9[%get3A_272] {strides = array<i32>} : memref<256xi32, #tpu.memory_space<vmem>>, vector<16xi32>,
    %eq3A_274 = arith.constant 0 : i32
    %eq3A_275 = vector.broadcast %eq3A_274 : i32 to vector<16xi32>
    %eq3A_276 = arith.cmpi eq, %get3A_273, %eq3A_275 : vector<16xi32>
    %all_reduce_population_count3A_277 = tpu.all_reduce %eq3A_276 {dim = 0 : i64, kind = #tpu.reduction_kind<sum>} : vector<16xi1> -> vector<16xi32>
    %add3A_278 = arith.addi %add3A_236, %all_reduce_population_count3A_277 : vector<16xi32>
    %eq3A_279 = arith.constant 1 : i32
    %eq3A_280 = vector.broadcast %eq3A_279 : i32 to vector<16xi32>
    %eq3A_281 = arith.cmpi eq, %get3A_273, %eq3A_280 : vector<16xi32>
    %all_reduce_population_count3A_282 = tpu.all_reduce %eq3A_281 {dim = 0 : i64, kind = #tpu.reduction_kind<sum>} : vector<16xi1> -> vector<16xi32>
    %add3A_283 = arith.addi %add3A_241, %all_reduce_population_count3A_282 : vector<16xi32>
    %eq3A_284 = arith.constant 2 : i32
    %eq3A_285 = vector.broadcast %eq3A_284 : i32 to vector<16xi32>
    %eq3A_286 = arith.cmpi eq, %get3A_273, %eq3A_285 : vector<16xi32>
    %all_reduce_population_count3A_287 = tpu.all_reduce %eq3A_286 {dim = 0 : i64, kind = #tpu.reduction_kind<sum>} : vector<16xi1> -> vector<16xi32>
    %add3A_288 = arith.addi %add3A_246, %all_reduce_population_count3A_287 : vector<16xi32>
    %eq3A_289 = arith.constant 3 : i32
    %eq3A_290 = vector.broadcast %eq3A_289 : i32 to vector<16xi32>
    %eq3A_291 = arith.cmpi eq, %get3A_273, %eq3A_290 : vector<16xi32>
    %all_reduce_population_count3A_292 = tpu.all_reduce %eq3A_291 {dim = 0 : i64, kind = #tpu.reduction_kind<sum>} : vector<16xi1> -> vector<16xi32>
    %add3A_293 = arith.addi %add3A_251, %all_reduce_population_count3A_292 : vector<16xi32>
    %eq3A_294 = arith.constant 4 : i32
    %eq3A_295 = vector.broadcast %eq3A_294 : i32 to vector<16xi32>
    %eq3A_296 = arith.cmpi eq, %get3A_273, %eq3A_295 : vector<16xi32>
    %all_reduce_population_count3A_297 = tpu.all_reduce %eq3A_296 {dim = 0 : i64, kind = #tpu.reduction_kind<sum>} : vector<16xi1> -> vector<16xi32>
    %add3A_298 = arith.addi %add3A_256, %all_reduce_population_count3A_297 : vector<16xi32>
    %eq3A_299 = arith.constant 5 : i32
    %eq3A_300 = vector.broadcast %eq3A_299 : i32 to vector<16xi32>
    %eq3A_301 = arith.cmpi eq, %get3A_273, %eq3A_300 : vector<16xi32>
    %all_reduce_population_count3A_302 = tpu.all_reduce %eq3A_301 {dim = 0 : i64, kind = #tpu.reduction_kind<sum>} : vector<16xi1> -> vector<16xi32>
    %add3A_303 = arith.addi %add3A_261, %all_reduce_population_count3A_302 : vector<16xi32>
    %eq3A_304 = arith.constant 6 : i32
    %eq3A_305 = vector.broadcast %eq3A_304 : i32 to vector<16xi32>
    %eq3A_306 = arith.cmpi eq, %get3A_273, %eq3A_305 : vector<16xi32>
    %all_reduce_population_count3A_307 = tpu.all_reduce %eq3A_306 {dim = 0 : i64, kind = #tpu.reduction_kind<sum>} : vector<16xi1> -> vector<16xi32>
    %add3A_308 = arith.addi %add3A_266, %all_reduce_population_count3A_307 : vector<16xi32>
    %eq3A_309 = arith.constant 7 : i32
    %eq3A_310 = vector.broadcast %eq3A_309 : i32 to vector<16xi32>
    %eq3A_311 = arith.cmpi eq, %get3A_273, %eq3A_310 : vector<16xi32>
    %all_reduce_population_count3A_312 = tpu.all_reduce %eq3A_311 {dim = 0 : i64, kind = #tpu.reduction_kind<sum>} : vector<16xi1> -> vector<16xi32>
    %add3A_313 = arith.addi %add3A_271, %all_reduce_population_count3A_312 : vector<16xi32>
    %get3A_314 = arith.constant 112 : index
    %get3A_315 = tpu.vector_load %arg9[%get3A_314] {strides = array<i32>} : memref<256xi32, #tpu.memory_space<vmem>>, vector<16xi32>,
    %eq3A_316 = arith.constant 0 : i32
    %eq3A_317 = vector.broadcast %eq3A_316 : i32 to vector<16xi32>
    %eq3A_318 = arith.cmpi eq, %get3A_315, %eq3A_317 : vector<16xi32>
    %all_reduce_population_count3A_319 = tpu.all_reduce %eq3A_318 {dim = 0 : i64, kind = #tpu.reduction_kind<sum>} : vector<16xi1> -> vector<16xi32>
    %add3A_320 = arith.addi %add3A_278, %all_reduce_population_count3A_319 : vector<16xi32>
    %eq3A_321 = arith.constant 1 : i32
    %eq3A_322 = vector.broadcast %eq3A_321 : i32 to vector<16xi32>
    %eq3A_323 = arith.cmpi eq, %get3A_315, %eq3A_322 : vector<16xi32>
    %all_reduce_population_count3A_324 = tpu.all_reduce %eq3A_323 {dim = 0 : i64, kind = #tpu.reduction_kind<sum>} : vector<16xi1> -> vector<16xi32>
    %add3A_325 = arith.addi %add3A_283, %all_reduce_population_count3A_324 : vector<16xi32>
    %eq3A_326 = arith.constant 2 : i32
    %eq3A_327 = vector.broadcast %eq3A_326 : i32 to vector<16xi32>
    %eq3A_328 = arith.cmpi eq, %get3A_315, %eq3A_327 : vector<16xi32>
    %all_reduce_population_count3A_329 = tpu.all_reduce %eq3A_328 {dim = 0 : i64, kind = #tpu.reduction_kind<sum>} : vector<16xi1> -> vector<16xi32>
    %add3A_330 = arith.addi %add3A_288, %all_reduce_population_count3A_329 : vector<16xi32>
    %eq3A_331 = arith.constant 3 : i32
    %eq3A_332 = vector.broadcast %eq3A_331 : i32 to vector<16xi32>
    %eq3A_333 = arith.cmpi eq, %get3A_315, %eq3A_332 : vector<16xi32>
    %all_reduce_population_count3A_334 = tpu.all_reduce %eq3A_333 {dim = 0 : i64, kind = #tpu.reduction_kind<sum>} : vector<16xi1> -> vector<16xi32>
    %add3A_335 = arith.addi %add3A_293, %all_reduce_population_count3A_334 : vector<16xi32>
    %eq3A_336 = arith.constant 4 : i32
    %eq3A_337 = vector.broadcast %eq3A_336 : i32 to vector<16xi32>
    %eq3A_338 = arith.cmpi eq, %get3A_315, %eq3A_337 : vector<16xi32>
    %all_reduce_population_count3A_339 = tpu.all_reduce %eq3A_338 {dim = 0 : i64, kind = #tpu.reduction_kind<sum>} : vector<16xi1> -> vector<16xi32>
    %add3A_340 = arith.addi %add3A_298, %all_reduce_population_count3A_339 : vector<16xi32>
    %eq3A_341 = arith.constant 5 : i32
    %eq3A_342 = vector.broadcast %eq3A_341 : i32 to vector<16xi32>
    %eq3A_343 = arith.cmpi eq, %get3A_315, %eq3A_342 : vector<16xi32>
    %all_reduce_population_count3A_344 = tpu.all_reduce %eq3A_343 {dim = 0 : i64, kind = #tpu.reduction_kind<sum>} : vector<16xi1> -> vector<16xi32>
    %add3A_345 = arith.addi %add3A_303, %all_reduce_population_count3A_344 : vector<16xi32>
    %eq3A_346 = arith.constant 6 : i32
    %eq3A_347 = vector.broadcast %eq3A_346 : i32 to vector<16xi32>
    %eq3A_348 = arith.cmpi eq, %get3A_315, %eq3A_347 : vector<16xi32>
    %all_reduce_population_count3A_349 = tpu.all_reduce %eq3A_348 {dim = 0 : i64, kind = #tpu.reduction_kind<sum>} : vector<16xi1> -> vector<16xi32>
    %add3A_350 = arith.addi %add3A_308, %all_reduce_population_count3A_349 : vector<16xi32>
    %eq3A_351 = arith.constant 7 : i32
    %eq3A_352 = vector.broadcast %eq3A_351 : i32 to vector<16xi32>
    %eq3A_353 = arith.cmpi eq, %get3A_315, %eq3A_352 : vector<16xi32>
    %all_reduce_population_count3A_354 = tpu.all_reduce %eq3A_353 {dim = 0 : i64, kind = #tpu.reduction_kind<sum>} : vector<16xi1> -> vector<16xi32>
    %add3A_355 = arith.addi %add3A_313, %all_reduce_population_count3A_354 : vector<16xi32>
    %get3A_356 = arith.constant 128 : index
    %get3A_357 = tpu.vector_load %arg9[%get3A_356] {strides = array<i32>} : memref<256xi32, #tpu.memory_space<vmem>>, vector<16xi32>,
    %eq3A_358 = arith.constant 0 : i32
    %eq3A_359 = vector.broadcast %eq3A_358 : i32 to vector<16xi32>
    %eq3A_360 = arith.cmpi eq, %get3A_357, %eq3A_359 : vector<16xi32>
    %all_reduce_population_count3A_361 = tpu.all_reduce %eq3A_360 {dim = 0 : i64, kind = #tpu.reduction_kind<sum>} : vector<16xi1> -> vector<16xi32>
    %add3A_362 = arith.addi %add3A_320, %all_reduce_population_count3A_361 : vector<16xi32>
    %eq3A_363 = arith.constant 1 : i32
    %eq3A_364 = vector.broadcast %eq3A_363 : i32 to vector<16xi32>
    %eq3A_365 = arith.cmpi eq, %get3A_357, %eq3A_364 : vector<16xi32>
    %all_reduce_population_count3A_366 = tpu.all_reduce %eq3A_365 {dim = 0 : i64, kind = #tpu.reduction_kind<sum>} : vector<16xi1> -> vector<16xi32>
    %add3A_367 = arith.addi %add3A_325, %all_reduce_population_count3A_366 : vector<16xi32>
    %eq3A_368 = arith.constant 2 : i32
    %eq3A_369 = vector.broadcast %eq3A_368 : i32 to vector<16xi32>
    %eq3A_370 = arith.cmpi eq, %get3A_357, %eq3A_369 : vector<16xi32>
    %all_reduce_population_count3A_371 = tpu.all_reduce %eq3A_370 {dim = 0 : i64, kind = #tpu.reduction_kind<sum>} : vector<16xi1> -> vector<16xi32>
    %add3A_372 = arith.addi %add3A_330, %all_reduce_population_count3A_371 : vector<16xi32>
    %eq3A_373 = arith.constant 3 : i32
    %eq3A_374 = vector.broadcast %eq3A_373 : i32 to vector<16xi32>
    %eq3A_375 = arith.cmpi eq, %get3A_357, %eq3A_374 : vector<16xi32>
    %all_reduce_population_count3A_376 = tpu.all_reduce %eq3A_375 {dim = 0 : i64, kind = #tpu.reduction_kind<sum>} : vector<16xi1> -> vector<16xi32>
    %add3A_377 = arith.addi %add3A_335, %all_reduce_population_count3A_376 : vector<16xi32>
    %eq3A_378 = arith.constant 4 : i32
    %eq3A_379 = vector.broadcast %eq3A_378 : i32 to vector<16xi32>
    %eq3A_380 = arith.cmpi eq, %get3A_357, %eq3A_379 : vector<16xi32>
    %all_reduce_population_count3A_381 = tpu.all_reduce %eq3A_380 {dim = 0 : i64, kind = #tpu.reduction_kind<sum>} : vector<16xi1> -> vector<16xi32>
    %add3A_382 = arith.addi %add3A_340, %all_reduce_population_count3A_381 : vector<16xi32>
    %eq3A_383 = arith.constant 5 : i32
    %eq3A_384 = vector.broadcast %eq3A_383 : i32 to vector<16xi32>
    %eq3A_385 = arith.cmpi eq, %get3A_357, %eq3A_384 : vector<16xi32>
    %all_reduce_population_count3A_386 = tpu.all_reduce %eq3A_385 {dim = 0 : i64, kind = #tpu.reduction_kind<sum>} : vector<16xi1> -> vector<16xi32>
    %add3A_387 = arith.addi %add3A_345, %all_reduce_population_count3A_386 : vector<16xi32>
    %eq3A_388 = arith.constant 6 : i32
    %eq3A_389 = vector.broadcast %eq3A_388 : i32 to vector<16xi32>
    %eq3A_390 = arith.cmpi eq, %get3A_357, %eq3A_389 : vector<16xi32>
    %all_reduce_population_count3A_391 = tpu.all_reduce %eq3A_390 {dim = 0 : i64, kind = #tpu.reduction_kind<sum>} : vector<16xi1> -> vector<16xi32>
    %add3A_392 = arith.addi %add3A_350, %all_reduce_population_count3A_391 : vector<16xi32>
    %eq3A_393 = arith.constant 7 : i32
    %eq3A_394 = vector.broadcast %eq3A_393 : i32 to vector<16xi32>
    %eq3A_395 = arith.cmpi eq, %get3A_357, %eq3A_394 : vector<16xi32>
    %all_reduce_population_count3A_396 = tpu.all_reduce %eq3A_395 {dim = 0 : i64, kind = #tpu.reduction_kind<sum>} : vector<16xi1> -> vector<16xi32>
    %add3A_397 = arith.addi %add3A_355, %all_reduce_population_count3A_396 : vector<16xi32>
    %get3A_398 = arith.constant 144 : index
    %get3A_399 = tpu.vector_load %arg9[%get3A_398] {strides = array<i32>} : memref<256xi32, #tpu.memory_space<vmem>>, vector<16xi32>,
    %eq3A_400 = arith.constant 0 : i32
    %eq3A_401 = vector.broadcast %eq3A_400 : i32 to vector<16xi32>
    %eq3A_402 = arith.cmpi eq, %get3A_399, %eq3A_401 : vector<16xi32>
    %all_reduce_population_count3A_403 = tpu.all_reduce %eq3A_402 {dim = 0 : i64, kind = #tpu.reduction_kind<sum>} : vector<16xi1> -> vector<16xi32>
    %add3A_404 = arith.addi %add3A_362, %all_reduce_population_count3A_403 : vector<16xi32>
    %eq3A_405 = arith.constant 1 : i32
    %eq3A_406 = vector.broadcast %eq3A_405 : i32 to vector<16xi32>
    %eq3A_407 = arith.cmpi eq, %get3A_399, %eq3A_406 : vector<16xi32>
    %all_reduce_population_count3A_408 = tpu.all_reduce %eq3A_407 {dim = 0 : i64, kind = #tpu.reduction_kind<sum>} : vector<16xi1> -> vector<16xi32>
    %add3A_409 = arith.addi %add3A_367, %all_reduce_population_count3A_408 : vector<16xi32>
    %eq3A_410 = arith.constant 2 : i32
    %eq3A_411 = vector.broadcast %eq3A_410 : i32 to vector<16xi32>
    %eq3A_412 = arith.cmpi eq, %get3A_399, %eq3A_411 : vector<16xi32>
    %all_reduce_population_count3A_413 = tpu.all_reduce %eq3A_412 {dim = 0 : i64, kind = #tpu.reduction_kind<sum>} : vector<16xi1> -> vector<16xi32>
    %add3A_414 = arith.addi %add3A_372, %all_reduce_population_count3A_413 : vector<16xi32>
    %eq3A_415 = arith.constant 3 : i32
    %eq3A_416 = vector.broadcast %eq3A_415 : i32 to vector<16xi32>
    %eq3A_417 = arith.cmpi eq, %get3A_399, %eq3A_416 : vector<16xi32>
    %all_reduce_population_count3A_418 = tpu.all_reduce %eq3A_417 {dim = 0 : i64, kind = #tpu.reduction_kind<sum>} : vector<16xi1> -> vector<16xi32>
    %add3A_419 = arith.addi %add3A_377, %all_reduce_population_count3A_418 : vector<16xi32>
    %eq3A_420 = arith.constant 4 : i32
    %eq3A_421 = vector.broadcast %eq3A_420 : i32 to vector<16xi32>
    %eq3A_422 = arith.cmpi eq, %get3A_399, %eq3A_421 : vector<16xi32>
    %all_reduce_population_count3A_423 = tpu.all_reduce %eq3A_422 {dim = 0 : i64, kind = #tpu.reduction_kind<sum>} : vector<16xi1> -> vector<16xi32>
    %add3A_424 = arith.addi %add3A_382, %all_reduce_population_count3A_423 : vector<16xi32>
    %eq3A_425 = arith.constant 5 : i32
    %eq3A_426 = vector.broadcast %eq3A_425 : i32 to vector<16xi32>
    %eq3A_427 = arith.cmpi eq, %get3A_399, %eq3A_426 : vector<16xi32>
    %all_reduce_population_count3A_428 = tpu.all_reduce %eq3A_427 {dim = 0 : i64, kind = #tpu.reduction_kind<sum>} : vector<16xi1> -> vector<16xi32>
    %add3A_429 = arith.addi %add3A_387, %all_reduce_population_count3A_428 : vector<16xi32>
    %eq3A_430 = arith.constant 6 : i32
    %eq3A_431 = vector.broadcast %eq3A_430 : i32 to vector<16xi32>
    %eq3A_432 = arith.cmpi eq, %get3A_399, %eq3A_431 : vector<16xi32>
    %all_reduce_population_count3A_433 = tpu.all_reduce %eq3A_432 {dim = 0 : i64, kind = #tpu.reduction_kind<sum>} : vector<16xi1> -> vector<16xi32>
    %add3A_434 = arith.addi %add3A_392, %all_reduce_population_count3A_433 : vector<16xi32>
    %eq3A_435 = arith.constant 7 : i32
    %eq3A_436 = vector.broadcast %eq3A_435 : i32 to vector<16xi32>
    %eq3A_437 = arith.cmpi eq, %get3A_399, %eq3A_436 : vector<16xi32>
    %all_reduce_population_count3A_438 = tpu.all_reduce %eq3A_437 {dim = 0 : i64, kind = #tpu.reduction_kind<sum>} : vector<16xi1> -> vector<16xi32>
    %add3A_439 = arith.addi %add3A_397, %all_reduce_population_count3A_438 : vector<16xi32>
    %get3A_440 = arith.constant 160 : index
    %get3A_441 = tpu.vector_load %arg9[%get3A_440] {strides = array<i32>} : memref<256xi32, #tpu.memory_space<vmem>>, vector<16xi32>,
    %eq3A_442 = arith.constant 0 : i32
    %eq3A_443 = vector.broadcast %eq3A_442 : i32 to vector<16xi32>
    %eq3A_444 = arith.cmpi eq, %get3A_441, %eq3A_443 : vector<16xi32>
    %all_reduce_population_count3A_445 = tpu.all_reduce %eq3A_444 {dim = 0 : i64, kind = #tpu.reduction_kind<sum>} : vector<16xi1> -> vector<16xi32>
    %add3A_446 = arith.addi %add3A_404, %all_reduce_population_count3A_445 : vector<16xi32>
    %eq3A_447 = arith.constant 1 : i32
    %eq3A_448 = vector.broadcast %eq3A_447 : i32 to vector<16xi32>
    %eq3A_449 = arith.cmpi eq, %get3A_441, %eq3A_448 : vector<16xi32>
    %all_reduce_population_count3A_450 = tpu.all_reduce %eq3A_449 {dim = 0 : i64, kind = #tpu.reduction_kind<sum>} : vector<16xi1> -> vector<16xi32>
    %add3A_451 = arith.addi %add3A_409, %all_reduce_population_count3A_450 : vector<16xi32>
    %eq3A_452 = arith.constant 2 : i32
    %eq3A_453 = vector.broadcast %eq3A_452 : i32 to vector<16xi32>
    %eq3A_454 = arith.cmpi eq, %get3A_441, %eq3A_453 : vector<16xi32>
    %all_reduce_population_count3A_455 = tpu.all_reduce %eq3A_454 {dim = 0 : i64, kind = #tpu.reduction_kind<sum>} : vector<16xi1> -> vector<16xi32>
    %add3A_456 = arith.addi %add3A_414, %all_reduce_population_count3A_455 : vector<16xi32>
    %eq3A_457 = arith.constant 3 : i32
    %eq3A_458 = vector.broadcast %eq3A_457 : i32 to vector<16xi32>
    %eq3A_459 = arith.cmpi eq, %get3A_441, %eq3A_458 : vector<16xi32>
    %all_reduce_population_count3A_460 = tpu.all_reduce %eq3A_459 {dim = 0 : i64, kind = #tpu.reduction_kind<sum>} : vector<16xi1> -> vector<16xi32>
    %add3A_461 = arith.addi %add3A_419, %all_reduce_population_count3A_460 : vector<16xi32>
    %eq3A_462 = arith.constant 4 : i32
    %eq3A_463 = vector.broadcast %eq3A_462 : i32 to vector<16xi32>
    %eq3A_464 = arith.cmpi eq, %get3A_441, %eq3A_463 : vector<16xi32>
    %all_reduce_population_count3A_465 = tpu.all_reduce %eq3A_464 {dim = 0 : i64, kind = #tpu.reduction_kind<sum>} : vector<16xi1> -> vector<16xi32>
    %add3A_466 = arith.addi %add3A_424, %all_reduce_population_count3A_465 : vector<16xi32>
    %eq3A_467 = arith.constant 5 : i32
    %eq3A_468 = vector.broadcast %eq3A_467 : i32 to vector<16xi32>
    %eq3A_469 = arith.cmpi eq, %get3A_441, %eq3A_468 : vector<16xi32>
    %all_reduce_population_count3A_470 = tpu.all_reduce %eq3A_469 {dim = 0 : i64, kind = #tpu.reduction_kind<sum>} : vector<16xi1> -> vector<16xi32>
    %add3A_471 = arith.addi %add3A_429, %all_reduce_population_count3A_470 : vector<16xi32>
    %eq3A_472 = arith.constant 6 : i32
    %eq3A_473 = vector.broadcast %eq3A_472 : i32 to vector<16xi32>
    %eq3A_474 = arith.cmpi eq, %get3A_441, %eq3A_473 : vector<16xi32>
    %all_reduce_population_count3A_475 = tpu.all_reduce %eq3A_474 {dim = 0 : i64, kind = #tpu.reduction_kind<sum>} : vector<16xi1> -> vector<16xi32>
    %add3A_476 = arith.addi %add3A_434, %all_reduce_population_count3A_475 : vector<16xi32>
    %eq3A_477 = arith.constant 7 : i32
    %eq3A_478 = vector.broadcast %eq3A_477 : i32 to vector<16xi32>
    %eq3A_479 = arith.cmpi eq, %get3A_441, %eq3A_478 : vector<16xi32>
    %all_reduce_population_count3A_480 = tpu.all_reduce %eq3A_479 {dim = 0 : i64, kind = #tpu.reduction_kind<sum>} : vector<16xi1> -> vector<16xi32>
    %add3A_481 = arith.addi %add3A_439, %all_reduce_population_count3A_480 : vector<16xi32>
    %get3A_482 = arith.constant 176 : index
    %get3A_483 = tpu.vector_load %arg9[%get3A_482] {strides = array<i32>} : memref<256xi32, #tpu.memory_space<vmem>>, vector<16xi32>,
    %eq3A_484 = arith.constant 0 : i32
    %eq3A_485 = vector.broadcast %eq3A_484 : i32 to vector<16xi32>
    %eq3A_486 = arith.cmpi eq, %get3A_483, %eq3A_485 : vector<16xi32>
    %all_reduce_population_count3A_487 = tpu.all_reduce %eq3A_486 {dim = 0 : i64, kind = #tpu.reduction_kind<sum>} : vector<16xi1> -> vector<16xi32>
    %add3A_488 = arith.addi %add3A_446, %all_reduce_population_count3A_487 : vector<16xi32>
    %eq3A_489 = arith.constant 1 : i32
    %eq3A_490 = vector.broadcast %eq3A_489 : i32 to vector<16xi32>
    %eq3A_491 = arith.cmpi eq, %get3A_483, %eq3A_490 : vector<16xi32>
    %all_reduce_population_count3A_492 = tpu.all_reduce %eq3A_491 {dim = 0 : i64, kind = #tpu.reduction_kind<sum>} : vector<16xi1> -> vector<16xi32>
    %add3A_493 = arith.addi %add3A_451, %all_reduce_population_count3A_492 : vector<16xi32>
    %eq3A_494 = arith.constant 2 : i32
    %eq3A_495 = vector.broadcast %eq3A_494 : i32 to vector<16xi32>
    %eq3A_496 = arith.cmpi eq, %get3A_483, %eq3A_495 : vector<16xi32>
    %all_reduce_population_count3A_497 = tpu.all_reduce %eq3A_496 {dim = 0 : i64, kind = #tpu.reduction_kind<sum>} : vector<16xi1> -> vector<16xi32>
    %add3A_498 = arith.addi %add3A_456, %all_reduce_population_count3A_497 : vector<16xi32>
    %eq3A_499 = arith.constant 3 : i32
    %eq3A_500 = vector.broadcast %eq3A_499 : i32 to vector<16xi32>
    %eq3A_501 = arith.cmpi eq, %get3A_483, %eq3A_500 : vector<16xi32>
    %all_reduce_population_count3A_502 = tpu.all_reduce %eq3A_501 {dim = 0 : i64, kind = #tpu.reduction_kind<sum>} : vector<16xi1> -> vector<16xi32>
    %add3A_503 = arith.addi %add3A_461, %all_reduce_population_count3A_502 : vector<16xi32>
    %eq3A_504 = arith.constant 4 : i32
    %eq3A_505 = vector.broadcast %eq3A_504 : i32 to vector<16xi32>
    %eq3A_506 = arith.cmpi eq, %get3A_483, %eq3A_505 : vector<16xi32>
    %all_reduce_population_count3A_507 = tpu.all_reduce %eq3A_506 {dim = 0 : i64, kind = #tpu.reduction_kind<sum>} : vector<16xi1> -> vector<16xi32>
    %add3A_508 = arith.addi %add3A_466, %all_reduce_population_count3A_507 : vector<16xi32>
    %eq3A_509 = arith.constant 5 : i32
    %eq3A_510 = vector.broadcast %eq3A_509 : i32 to vector<16xi32>
    %eq3A_511 = arith.cmpi eq, %get3A_483, %eq3A_510 : vector<16xi32>
    %all_reduce_population_count3A_512 = tpu.all_reduce %eq3A_511 {dim = 0 : i64, kind = #tpu.reduction_kind<sum>} : vector<16xi1> -> vector<16xi32>
    %add3A_513 = arith.addi %add3A_471, %all_reduce_population_count3A_512 : vector<16xi32>
    %eq3A_514 = arith.constant 6 : i32
    %eq3A_515 = vector.broadcast %eq3A_514 : i32 to vector<16xi32>
    %eq3A_516 = arith.cmpi eq, %get3A_483, %eq3A_515 : vector<16xi32>
    %all_reduce_population_count3A_517 = tpu.all_reduce %eq3A_516 {dim = 0 : i64, kind = #tpu.reduction_kind<sum>} : vector<16xi1> -> vector<16xi32>
    %add3A_518 = arith.addi %add3A_476, %all_reduce_population_count3A_517 : vector<16xi32>
    %eq3A_519 = arith.constant 7 : i32
    %eq3A_520 = vector.broadcast %eq3A_519 : i32 to vector<16xi32>
    %eq3A_521 = arith.cmpi eq, %get3A_483, %eq3A_520 : vector<16xi32>
    %all_reduce_population_count3A_522 = tpu.all_reduce %eq3A_521 {dim = 0 : i64, kind = #tpu.reduction_kind<sum>} : vector<16xi1> -> vector<16xi32>
    %add3A_523 = arith.addi %add3A_481, %all_reduce_population_count3A_522 : vector<16xi32>
    %get3A_524 = arith.constant 192 : index
    %get3A_525 = tpu.vector_load %arg9[%get3A_524] {strides = array<i32>} : memref<256xi32, #tpu.memory_space<vmem>>, vector<16xi32>,
    %eq3A_526 = arith.constant 0 : i32
    %eq3A_527 = vector.broadcast %eq3A_526 : i32 to vector<16xi32>
    %eq3A_528 = arith.cmpi eq, %get3A_525, %eq3A_527 : vector<16xi32>
    %all_reduce_population_count3A_529 = tpu.all_reduce %eq3A_528 {dim = 0 : i64, kind = #tpu.reduction_kind<sum>} : vector<16xi1> -> vector<16xi32>
    %add3A_530 = arith.addi %add3A_488, %all_reduce_population_count3A_529 : vector<16xi32>
    %eq3A_531 = arith.constant 1 : i32
    %eq3A_532 = vector.broadcast %eq3A_531 : i32 to vector<16xi32>
    %eq3A_533 = arith.cmpi eq, %get3A_525, %eq3A_532 : vector<16xi32>
    %all_reduce_population_count3A_534 = tpu.all_reduce %eq3A_533 {dim = 0 : i64, kind = #tpu.reduction_kind<sum>} : vector<16xi1> -> vector<16xi32>
    %add3A_535 = arith.addi %add3A_493, %all_reduce_population_count3A_534 : vector<16xi32>
    %eq3A_536 = arith.constant 2 : i32
    %eq3A_537 = vector.broadcast %eq3A_536 : i32 to vector<16xi32>
    %eq3A_538 = arith.cmpi eq, %get3A_525, %eq3A_537 : vector<16xi32>
    %all_reduce_population_count3A_539 = tpu.all_reduce %eq3A_538 {dim = 0 : i64, kind = #tpu.reduction_kind<sum>} : vector<16xi1> -> vector<16xi32>
    %add3A_540 = arith.addi %add3A_498, %all_reduce_population_count3A_539 : vector<16xi32>
    %eq3A_541 = arith.constant 3 : i32
    %eq3A_542 = vector.broadcast %eq3A_541 : i32 to vector<16xi32>
    %eq3A_543 = arith.cmpi eq, %get3A_525, %eq3A_542 : vector<16xi32>
    %all_reduce_population_count3A_544 = tpu.all_reduce %eq3A_543 {dim = 0 : i64, kind = #tpu.reduction_kind<sum>} : vector<16xi1> -> vector<16xi32>
    %add3A_545 = arith.addi %add3A_503, %all_reduce_population_count3A_544 : vector<16xi32>
    %eq3A_546 = arith.constant 4 : i32
    %eq3A_547 = vector.broadcast %eq3A_546 : i32 to vector<16xi32>
    %eq3A_548 = arith.cmpi eq, %get3A_525, %eq3A_547 : vector<16xi32>
    %all_reduce_population_count3A_549 = tpu.all_reduce %eq3A_548 {dim = 0 : i64, kind = #tpu.reduction_kind<sum>} : vector<16xi1> -> vector<16xi32>
    %add3A_550 = arith.addi %add3A_508, %all_reduce_population_count3A_549 : vector<16xi32>
    %eq3A_551 = arith.constant 5 : i32
    %eq3A_552 = vector.broadcast %eq3A_551 : i32 to vector<16xi32>
    %eq3A_553 = arith.cmpi eq, %get3A_525, %eq3A_552 : vector<16xi32>
    %all_reduce_population_count3A_554 = tpu.all_reduce %eq3A_553 {dim = 0 : i64, kind = #tpu.reduction_kind<sum>} : vector<16xi1> -> vector<16xi32>
    %add3A_555 = arith.addi %add3A_513, %all_reduce_population_count3A_554 : vector<16xi32>
    %eq3A_556 = arith.constant 6 : i32
    %eq3A_557 = vector.broadcast %eq3A_556 : i32 to vector<16xi32>
    %eq3A_558 = arith.cmpi eq, %get3A_525, %eq3A_557 : vector<16xi32>
    %all_reduce_population_count3A_559 = tpu.all_reduce %eq3A_558 {dim = 0 : i64, kind = #tpu.reduction_kind<sum>} : vector<16xi1> -> vector<16xi32>
    %add3A_560 = arith.addi %add3A_518, %all_reduce_population_count3A_559 : vector<16xi32>
    %eq3A_561 = arith.constant 7 : i32
    %eq3A_562 = vector.broadcast %eq3A_561 : i32 to vector<16xi32>
    %eq3A_563 = arith.cmpi eq, %get3A_525, %eq3A_562 : vector<16xi32>
    %all_reduce_population_count3A_564 = tpu.all_reduce %eq3A_563 {dim = 0 : i64, kind = #tpu.reduction_kind<sum>} : vector<16xi1> -> vector<16xi32>
    %add3A_565 = arith.addi %add3A_523, %all_reduce_population_count3A_564 : vector<16xi32>
    %get3A_566 = arith.constant 208 : index
    %get3A_567 = tpu.vector_load %arg9[%get3A_566] {strides = array<i32>} : memref<256xi32, #tpu.memory_space<vmem>>, vector<16xi32>,
    %eq3A_568 = arith.constant 0 : i32
    %eq3A_569 = vector.broadcast %eq3A_568 : i32 to vector<16xi32>
    %eq3A_570 = arith.cmpi eq, %get3A_567, %eq3A_569 : vector<16xi32>
    %all_reduce_population_count3A_571 = tpu.all_reduce %eq3A_570 {dim = 0 : i64, kind = #tpu.reduction_kind<sum>} : vector<16xi1> -> vector<16xi32>
    %add3A_572 = arith.addi %add3A_530, %all_reduce_population_count3A_571 : vector<16xi32>
    %eq3A_573 = arith.constant 1 : i32
    %eq3A_574 = vector.broadcast %eq3A_573 : i32 to vector<16xi32>
    %eq3A_575 = arith.cmpi eq, %get3A_567, %eq3A_574 : vector<16xi32>
    %all_reduce_population_count3A_576 = tpu.all_reduce %eq3A_575 {dim = 0 : i64, kind = #tpu.reduction_kind<sum>} : vector<16xi1> -> vector<16xi32>
    %add3A_577 = arith.addi %add3A_535, %all_reduce_population_count3A_576 : vector<16xi32>
    %eq3A_578 = arith.constant 2 : i32
    %eq3A_579 = vector.broadcast %eq3A_578 : i32 to vector<16xi32>
    %eq3A_580 = arith.cmpi eq, %get3A_567, %eq3A_579 : vector<16xi32>
    %all_reduce_population_count3A_581 = tpu.all_reduce %eq3A_580 {dim = 0 : i64, kind = #tpu.reduction_kind<sum>} : vector<16xi1> -> vector<16xi32>
    %add3A_582 = arith.addi %add3A_540, %all_reduce_population_count3A_581 : vector<16xi32>
    %eq3A_583 = arith.constant 3 : i32
    %eq3A_584 = vector.broadcast %eq3A_583 : i32 to vector<16xi32>
    %eq3A_585 = arith.cmpi eq, %get3A_567, %eq3A_584 : vector<16xi32>
    %all_reduce_population_count3A_586 = tpu.all_reduce %eq3A_585 {dim = 0 : i64, kind = #tpu.reduction_kind<sum>} : vector<16xi1> -> vector<16xi32>
    %add3A_587 = arith.addi %add3A_545, %all_reduce_population_count3A_586 : vector<16xi32>
    %eq3A_588 = arith.constant 4 : i32
    %eq3A_589 = vector.broadcast %eq3A_588 : i32 to vector<16xi32>
    %eq3A_590 = arith.cmpi eq, %get3A_567, %eq3A_589 : vector<16xi32>
    %all_reduce_population_count3A_591 = tpu.all_reduce %eq3A_590 {dim = 0 : i64, kind = #tpu.reduction_kind<sum>} : vector<16xi1> -> vector<16xi32>
    %add3A_592 = arith.addi %add3A_550, %all_reduce_population_count3A_591 : vector<16xi32>
    %eq3A_593 = arith.constant 5 : i32
    %eq3A_594 = vector.broadcast %eq3A_593 : i32 to vector<16xi32>
    %eq3A_595 = arith.cmpi eq, %get3A_567, %eq3A_594 : vector<16xi32>
    %all_reduce_population_count3A_596 = tpu.all_reduce %eq3A_595 {dim = 0 : i64, kind = #tpu.reduction_kind<sum>} : vector<16xi1> -> vector<16xi32>
    %add3A_597 = arith.addi %add3A_555, %all_reduce_population_count3A_596 : vector<16xi32>
    %eq3A_598 = arith.constant 6 : i32
    %eq3A_599 = vector.broadcast %eq3A_598 : i32 to vector<16xi32>
    %eq3A_600 = arith.cmpi eq, %get3A_567, %eq3A_599 : vector<16xi32>
    %all_reduce_population_count3A_601 = tpu.all_reduce %eq3A_600 {dim = 0 : i64, kind = #tpu.reduction_kind<sum>} : vector<16xi1> -> vector<16xi32>
    %add3A_602 = arith.addi %add3A_560, %all_reduce_population_count3A_601 : vector<16xi32>
    %eq3A_603 = arith.constant 7 : i32
    %eq3A_604 = vector.broadcast %eq3A_603 : i32 to vector<16xi32>
    %eq3A_605 = arith.cmpi eq, %get3A_567, %eq3A_604 : vector<16xi32>
    %all_reduce_population_count3A_606 = tpu.all_reduce %eq3A_605 {dim = 0 : i64, kind = #tpu.reduction_kind<sum>} : vector<16xi1> -> vector<16xi32>
    %add3A_607 = arith.addi %add3A_565, %all_reduce_population_count3A_606 : vector<16xi32>
    %get3A_608 = arith.constant 224 : index
    %get3A_609 = tpu.vector_load %arg9[%get3A_608] {strides = array<i32>} : memref<256xi32, #tpu.memory_space<vmem>>, vector<16xi32>,
    %eq3A_610 = arith.constant 0 : i32
    %eq3A_611 = vector.broadcast %eq3A_610 : i32 to vector<16xi32>
    %eq3A_612 = arith.cmpi eq, %get3A_609, %eq3A_611 : vector<16xi32>
    %all_reduce_population_count3A_613 = tpu.all_reduce %eq3A_612 {dim = 0 : i64, kind = #tpu.reduction_kind<sum>} : vector<16xi1> -> vector<16xi32>
    %add3A_614 = arith.addi %add3A_572, %all_reduce_population_count3A_613 : vector<16xi32>
    %eq3A_615 = arith.constant 1 : i32
    %eq3A_616 = vector.broadcast %eq3A_615 : i32 to vector<16xi32>
    %eq3A_617 = arith.cmpi eq, %get3A_609, %eq3A_616 : vector<16xi32>
    %all_reduce_population_count3A_618 = tpu.all_reduce %eq3A_617 {dim = 0 : i64, kind = #tpu.reduction_kind<sum>} : vector<16xi1> -> vector<16xi32>
    %add3A_619 = arith.addi %add3A_577, %all_reduce_population_count3A_618 : vector<16xi32>
    %eq3A_620 = arith.constant 2 : i32
    %eq3A_621 = vector.broadcast %eq3A_620 : i32 to vector<16xi32>
    %eq3A_622 = arith.cmpi eq, %get3A_609, %eq3A_621 : vector<16xi32>
    %all_reduce_population_count3A_623 = tpu.all_reduce %eq3A_622 {dim = 0 : i64, kind = #tpu.reduction_kind<sum>} : vector<16xi1> -> vector<16xi32>
    %add3A_624 = arith.addi %add3A_582, %all_reduce_population_count3A_623 : vector<16xi32>
    %eq3A_625 = arith.constant 3 : i32
    %eq3A_626 = vector.broadcast %eq3A_625 : i32 to vector<16xi32>
    %eq3A_627 = arith.cmpi eq, %get3A_609, %eq3A_626 : vector<16xi32>
    %all_reduce_population_count3A_628 = tpu.all_reduce %eq3A_627 {dim = 0 : i64, kind = #tpu.reduction_kind<sum>} : vector<16xi1> -> vector<16xi32>
    %add3A_629 = arith.addi %add3A_587, %all_reduce_population_count3A_628 : vector<16xi32>
    %eq3A_630 = arith.constant 4 : i32
    %eq3A_631 = vector.broadcast %eq3A_630 : i32 to vector<16xi32>
    %eq3A_632 = arith.cmpi eq, %get3A_609, %eq3A_631 : vector<16xi32>
    %all_reduce_population_count3A_633 = tpu.all_reduce %eq3A_632 {dim = 0 : i64, kind = #tpu.reduction_kind<sum>} : vector<16xi1> -> vector<16xi32>
    %add3A_634 = arith.addi %add3A_592, %all_reduce_population_count3A_633 : vector<16xi32>
    %eq3A_635 = arith.constant 5 : i32
    %eq3A_636 = vector.broadcast %eq3A_635 : i32 to vector<16xi32>
    %eq3A_637 = arith.cmpi eq, %get3A_609, %eq3A_636 : vector<16xi32>
    %all_reduce_population_count3A_638 = tpu.all_reduce %eq3A_637 {dim = 0 : i64, kind = #tpu.reduction_kind<sum>} : vector<16xi1> -> vector<16xi32>
    %add3A_639 = arith.addi %add3A_597, %all_reduce_population_count3A_638 : vector<16xi32>
    %eq3A_640 = arith.constant 6 : i32
    %eq3A_641 = vector.broadcast %eq3A_640 : i32 to vector<16xi32>
    %eq3A_642 = arith.cmpi eq, %get3A_609, %eq3A_641 : vector<16xi32>
    %all_reduce_population_count3A_643 = tpu.all_reduce %eq3A_642 {dim = 0 : i64, kind = #tpu.reduction_kind<sum>} : vector<16xi1> -> vector<16xi32>
    %add3A_644 = arith.addi %add3A_602, %all_reduce_population_count3A_643 : vector<16xi32>
    %eq3A_645 = arith.constant 7 : i32
    %eq3A_646 = vector.broadcast %eq3A_645 : i32 to vector<16xi32>
    %eq3A_647 = arith.cmpi eq, %get3A_609, %eq3A_646 : vector<16xi32>
    %all_reduce_population_count3A_648 = tpu.all_reduce %eq3A_647 {dim = 0 : i64, kind = #tpu.reduction_kind<sum>} : vector<16xi1> -> vector<16xi32>
    %add3A_649 = arith.addi %add3A_607, %all_reduce_population_count3A_648 : vector<16xi32>
    %get3A_650 = arith.constant 240 : index
    %get3A_651 = tpu.vector_load %arg9[%get3A_650] {strides = array<i32>} : memref<256xi32, #tpu.memory_space<vmem>>, vector<16xi32>,
    %eq3A_652 = arith.constant 0 : i32
    %eq3A_653 = vector.broadcast %eq3A_652 : i32 to vector<16xi32>
    %eq3A_654 = arith.cmpi eq, %get3A_651, %eq3A_653 : vector<16xi32>
    %all_reduce_population_count3A_655 = tpu.all_reduce %eq3A_654 {dim = 0 : i64, kind = #tpu.reduction_kind<sum>} : vector<16xi1> -> vector<16xi32>
    %add3A_656 = arith.addi %add3A_614, %all_reduce_population_count3A_655 : vector<16xi32>
    %eq3A_657 = arith.constant 1 : i32
    %eq3A_658 = vector.broadcast %eq3A_657 : i32 to vector<16xi32>
    %eq3A_659 = arith.cmpi eq, %get3A_651, %eq3A_658 : vector<16xi32>
    %all_reduce_population_count3A_660 = tpu.all_reduce %eq3A_659 {dim = 0 : i64, kind = #tpu.reduction_kind<sum>} : vector<16xi1> -> vector<16xi32>
    %add3A_661 = arith.addi %add3A_619, %all_reduce_population_count3A_660 : vector<16xi32>
    %eq3A_662 = arith.constant 2 : i32
    %eq3A_663 = vector.broadcast %eq3A_662 : i32 to vector<16xi32>
    %eq3A_664 = arith.cmpi eq, %get3A_651, %eq3A_663 : vector<16xi32>
    %all_reduce_population_count3A_665 = tpu.all_reduce %eq3A_664 {dim = 0 : i64, kind = #tpu.reduction_kind<sum>} : vector<16xi1> -> vector<16xi32>
    %add3A_666 = arith.addi %add3A_624, %all_reduce_population_count3A_665 : vector<16xi32>
    %eq3A_667 = arith.constant 3 : i32
    %eq3A_668 = vector.broadcast %eq3A_667 : i32 to vector<16xi32>
    %eq3A_669 = arith.cmpi eq, %get3A_651, %eq3A_668 : vector<16xi32>
    %all_reduce_population_count3A_670 = tpu.all_reduce %eq3A_669 {dim = 0 : i64, kind = #tpu.reduction_kind<sum>} : vector<16xi1> -> vector<16xi32>
    %add3A_671 = arith.addi %add3A_629, %all_reduce_population_count3A_670 : vector<16xi32>
    %eq3A_672 = arith.constant 4 : i32
    %eq3A_673 = vector.broadcast %eq3A_672 : i32 to vector<16xi32>
    %eq3A_674 = arith.cmpi eq, %get3A_651, %eq3A_673 : vector<16xi32>
    %all_reduce_population_count3A_675 = tpu.all_reduce %eq3A_674 {dim = 0 : i64, kind = #tpu.reduction_kind<sum>} : vector<16xi1> -> vector<16xi32>
    %add3A_676 = arith.addi %add3A_634, %all_reduce_population_count3A_675 : vector<16xi32>
    %eq3A_677 = arith.constant 5 : i32
    %eq3A_678 = vector.broadcast %eq3A_677 : i32 to vector<16xi32>
    %eq3A_679 = arith.cmpi eq, %get3A_651, %eq3A_678 : vector<16xi32>
    %all_reduce_population_count3A_680 = tpu.all_reduce %eq3A_679 {dim = 0 : i64, kind = #tpu.reduction_kind<sum>} : vector<16xi1> -> vector<16xi32>
    %add3A_681 = arith.addi %add3A_639, %all_reduce_population_count3A_680 : vector<16xi32>
    %eq3A_682 = arith.constant 6 : i32
    %eq3A_683 = vector.broadcast %eq3A_682 : i32 to vector<16xi32>
    %eq3A_684 = arith.cmpi eq, %get3A_651, %eq3A_683 : vector<16xi32>
    %all_reduce_population_count3A_685 = tpu.all_reduce %eq3A_684 {dim = 0 : i64, kind = #tpu.reduction_kind<sum>} : vector<16xi1> -> vector<16xi32>
    %add3A_686 = arith.addi %add3A_644, %all_reduce_population_count3A_685 : vector<16xi32>
    %eq3A_687 = arith.constant 7 : i32
    %eq3A_688 = vector.broadcast %eq3A_687 : i32 to vector<16xi32>
    %eq3A_689 = arith.cmpi eq, %get3A_651, %eq3A_688 : vector<16xi32>
    %all_reduce_population_count3A_690 = tpu.all_reduce %eq3A_689 {dim = 0 : i64, kind = #tpu.reduction_kind<sum>} : vector<16xi1> -> vector<16xi32>
    %add3A_691 = arith.addi %add3A_649, %all_reduce_population_count3A_690 : vector<16xi32>
    %broadcast_in_dim3A_692 = arith.constant 0 : i32
    %broadcast_in_dim3A_693 = vector.broadcast %broadcast_in_dim3A_692 : i32 to vector<16xi32>
    %eq3A_694 = arith.constant 0 : i32
    %eq3A_695 = vector.broadcast %eq3A_694 : i32 to vector<16xi32>
    %eq3A_696 = arith.cmpi eq, %iota3A, %eq3A_695 : vector<16xi32>
    %select_n3A = arith.select %eq3A_696, %add3A_656, %broadcast_in_dim3A_693 : vector<16xi1>, vector<16xi32>
    %eq3A_697 = arith.constant 1 : i32
    %eq3A_698 = vector.broadcast %eq3A_697 : i32 to vector<16xi32>
    %eq3A_699 = arith.cmpi eq, %iota3A, %eq3A_698 : vector<16xi32>
    %select_n3A_700 = arith.select %eq3A_699, %add3A_661, %select_n3A : vector<16xi1>, vector<16xi32>
    %eq3A_701 = arith.constant 2 : i32
    %eq3A_702 = vector.broadcast %eq3A_701 : i32 to vector<16xi32>
    %eq3A_703 = arith.cmpi eq, %iota3A, %eq3A_702 : vector<16xi32>
    %select_n3A_704 = arith.select %eq3A_703, %add3A_666, %select_n3A_700 : vector<16xi1>, vector<16xi32>
    %eq3A_705 = arith.constant 3 : i32
    %eq3A_706 = vector.broadcast %eq3A_705 : i32 to vector<16xi32>
    %eq3A_707 = arith.cmpi eq, %iota3A, %eq3A_706 : vector<16xi32>
    %select_n3A_708 = arith.select %eq3A_707, %add3A_671, %select_n3A_704 : vector<16xi1>, vector<16xi32>
    %eq3A_709 = arith.constant 4 : i32
    %eq3A_710 = vector.broadcast %eq3A_709 : i32 to vector<16xi32>
    %eq3A_711 = arith.cmpi eq, %iota3A, %eq3A_710 : vector<16xi32>
    %select_n3A_712 = arith.select %eq3A_711, %add3A_676, %select_n3A_708 : vector<16xi1>, vector<16xi32>
    %eq3A_713 = arith.constant 5 : i32
    %eq3A_714 = vector.broadcast %eq3A_713 : i32 to vector<16xi32>
    %eq3A_715 = arith.cmpi eq, %iota3A, %eq3A_714 : vector<16xi32>
    %select_n3A_716 = arith.select %eq3A_715, %add3A_681, %select_n3A_712 : vector<16xi1>, vector<16xi32>
    %eq3A_717 = arith.constant 6 : i32
    %eq3A_718 = vector.broadcast %eq3A_717 : i32 to vector<16xi32>
    %eq3A_719 = arith.cmpi eq, %iota3A, %eq3A_718 : vector<16xi32>
    %select_n3A_720 = arith.select %eq3A_719, %add3A_686, %select_n3A_716 : vector<16xi1>, vector<16xi32>
    %eq3A_721 = arith.constant 7 : i32
    %eq3A_722 = vector.broadcast %eq3A_721 : i32 to vector<16xi32>
    %eq3A_723 = arith.cmpi eq, %iota3A, %eq3A_722 : vector<16xi32>
    %select_n3A_724 = arith.select %eq3A_723, %add3A_691, %select_n3A_720 : vector<16xi1>, vector<16xi32>
    %swap3A = arith.constant 0 : index
    %swap3A_725 = tpu.vector_load %arg10[%swap3A] {strides = array<i32>} : memref<16xi32, #tpu.memory_space<vmem>>, vector<16xi32>,
    tpu.vector_store %arg10[%swap3A], %select_n3A_724 {strides = array<i32>} : memref<16xi32, #tpu.memory_space<vmem>>, vector<16xi32>,
    "tpu.region"() ({
      %run_scoped3A = tpu.sem_alloc : memref<!tpu.dma_semaphore, #tpu.memory_space<semaphore_mem>>
      %dma_start3A_3053 = arith.constant 0 : i32
      %dma_start3A_3054 = tpu.memref_slice %arg20[%arg1, %dma_start3A_3053] : memref<16x16xi32, #tpu.memory_space<vmem_shared>> -> memref<1x16xi32, #tpu.memory_space<vmem_shared>>
      %dma_start3A_3055 = tpu.memref_squeeze %dma_start3A_3054 : memref<1x16xi32, #tpu.memory_space<vmem_shared>> -> memref<16xi32, #tpu.memory_space<vmem_shared>>
      %dma_start3A_3056 = arith.constant 0 : i32
      %dma_start3A_3057 = tpu.memref_slice %arg20[%arg1, %dma_start3A_3056] : memref<16x16xi32, #tpu.memory_space<vmem_shared>> -> memref<1x16xi32, #tpu.memory_space<vmem_shared>>
      %dma_start3A_3058 = tpu.memref_squeeze %dma_start3A_3057 : memref<1x16xi32, #tpu.memory_space<vmem_shared>> -> memref<16xi32, #tpu.memory_space<vmem_shared>>
      tpu.enqueue_dma source(%arg10 : memref<16xi32, #tpu.memory_space<vmem>>) target(%dma_start3A_3058 : memref<16xi32, #tpu.memory_space<vmem_shared>>) target_semaphore(%run_scoped3A : memref<!tpu.dma_semaphore, #tpu.memory_space<semaphore_mem>>)
      %dma_wait3A_3059 = arith.constant 0 : i32
      %dma_wait3A_3060 = tpu.memref_slice %arg20[%arg1, %dma_wait3A_3059] : memref<16x16xi32, #tpu.memory_space<vmem_shared>> -> memref<1x16xi32, #tpu.memory_space<vmem_shared>>
      %dma_wait3A_3061 = tpu.memref_squeeze %dma_wait3A_3060 : memref<1x16xi32, #tpu.memory_space<vmem_shared>> -> memref<16xi32, #tpu.memory_space<vmem_shared>>
      %dma_wait3A_3062 = arith.constant 0 : i32
      %dma_wait3A_3063 = tpu.memref_slice %arg20[%arg1, %dma_wait3A_3062] : memref<16x16xi32, #tpu.memory_space<vmem_shared>> -> memref<1x16xi32, #tpu.memory_space<vmem_shared>>
      %dma_wait3A_3064 = tpu.memref_squeeze %dma_wait3A_3063 : memref<1x16xi32, #tpu.memory_space<vmem_shared>> -> memref<16xi32, #tpu.memory_space<vmem_shared>>
      tpu.wait_dma2 semaphore(%run_scoped3A : memref<!tpu.dma_semaphore, #tpu.memory_space<semaphore_mem>>) src(%arg10 : memref<16xi32, #tpu.memory_space<vmem>>) dst(%dma_wait3A_3064 : memref<16xi32, #tpu.memory_space<vmem_shared>>)
      tpu.yield
    }) : () -> ()
    %barrier3A = arith.constant 0 : index
    tpu.barrier barrier_id(%barrier3A)
    "tpu.region"() ({
      %run_scoped3A = tpu.sem_alloc : memref<!tpu.dma_semaphore, #tpu.memory_space<semaphore_mem>>
      tpu.enqueue_dma source(%arg20 : memref<16x16xi32, #tpu.memory_space<vmem_shared>>) target(%arg11 : memref<16x16xi32, #tpu.memory_space<vmem>>) target_semaphore(%run_scoped3A : memref<!tpu.dma_semaphore, #tpu.memory_space<semaphore_mem>>)
      tpu.wait_dma2 semaphore(%run_scoped3A : memref<!tpu.dma_semaphore, #tpu.memory_space<semaphore_mem>>) src(%arg20 : memref<16x16xi32, #tpu.memory_space<vmem_shared>>) dst(%arg11 : memref<16x16xi32, #tpu.memory_space<vmem>>)
      tpu.yield
    }) : () -> ()
    %broadcast_in_dim3A_726 = vector.broadcast %arg1 : i32 to vector<16xi32>
    %broadcast_in_dim3A_727 = arith.constant 0 : i32
    %broadcast_in_dim3A_728 = vector.broadcast %broadcast_in_dim3A_727 : i32 to vector<16xi32>
    %broadcast_in_dim3A_729 = arith.constant 0 : i32
    %broadcast_in_dim3A_730 = vector.broadcast %broadcast_in_dim3A_729 : i32 to vector<16xi32>
    %broadcast_in_dim3A_731 = arith.constant 0 : i32
    %broadcast_in_dim3A_732 = vector.broadcast %broadcast_in_dim3A_731 : i32 to vector<16xi32>
    %get3A_733 = arith.constant 0 : i32
    %get3A_734 = arith.index_cast %get3A_733 : i32 to index
    %get3A_735 = arith.constant 0 : index
    %get3A_736 = tpu.vector_load %arg11[%get3A_734, %get3A_735] {strides = array<i32>} : memref<16x16xi32, #tpu.memory_space<vmem>>, vector<16xi32>,
    %gt3A = arith.constant 0 : i32
    %gt3A_737 = vector.broadcast %gt3A : i32 to vector<16xi32>
    %gt3A_738 = arith.cmpi sgt, %broadcast_in_dim3A_726, %gt3A_737 : vector<16xi32>
    %select_n3A_739 = arith.select %gt3A_738, %get3A_736, %broadcast_in_dim3A_732 : vector<16xi1>, vector<16xi32>
    %add3A_740 = arith.addi %broadcast_in_dim3A_728, %select_n3A_739 : vector<16xi32>
    %add3A_741 = arith.addi %broadcast_in_dim3A_730, %get3A_736 : vector<16xi32>
    %get3A_742 = arith.constant 1 : i32
    %get3A_743 = arith.index_cast %get3A_742 : i32 to index
    %get3A_744 = arith.constant 0 : index
    %get3A_745 = tpu.vector_load %arg11[%get3A_743, %get3A_744] {strides = array<i32>} : memref<16x16xi32, #tpu.memory_space<vmem>>, vector<16xi32>,
    %gt3A_746 = arith.constant 1 : i32
    %gt3A_747 = vector.broadcast %gt3A_746 : i32 to vector<16xi32>
    %gt3A_748 = arith.cmpi sgt, %broadcast_in_dim3A_726, %gt3A_747 : vector<16xi32>
    %select_n3A_749 = arith.select %gt3A_748, %get3A_745, %broadcast_in_dim3A_732 : vector<16xi1>, vector<16xi32>
    %add3A_750 = arith.addi %add3A_740, %select_n3A_749 : vector<16xi32>
    %add3A_751 = arith.addi %add3A_741, %get3A_745 : vector<16xi32>
    %get3A_752 = arith.constant 2 : i32
    %get3A_753 = arith.index_cast %get3A_752 : i32 to index
    %get3A_754 = arith.constant 0 : index
    %get3A_755 = tpu.vector_load %arg11[%get3A_753, %get3A_754] {strides = array<i32>} : memref<16x16xi32, #tpu.memory_space<vmem>>, vector<16xi32>,
    %gt3A_756 = arith.constant 2 : i32
    %gt3A_757 = vector.broadcast %gt3A_756 : i32 to vector<16xi32>
    %gt3A_758 = arith.cmpi sgt, %broadcast_in_dim3A_726, %gt3A_757 : vector<16xi32>
    %select_n3A_759 = arith.select %gt3A_758, %get3A_755, %broadcast_in_dim3A_732 : vector<16xi1>, vector<16xi32>
    %add3A_760 = arith.addi %add3A_750, %select_n3A_759 : vector<16xi32>
    %add3A_761 = arith.addi %add3A_751, %get3A_755 : vector<16xi32>
    %get3A_762 = arith.constant 3 : i32
    %get3A_763 = arith.index_cast %get3A_762 : i32 to index
    %get3A_764 = arith.constant 0 : index
    %get3A_765 = tpu.vector_load %arg11[%get3A_763, %get3A_764] {strides = array<i32>} : memref<16x16xi32, #tpu.memory_space<vmem>>, vector<16xi32>,
    %gt3A_766 = arith.constant 3 : i32
    %gt3A_767 = vector.broadcast %gt3A_766 : i32 to vector<16xi32>
    %gt3A_768 = arith.cmpi sgt, %broadcast_in_dim3A_726, %gt3A_767 : vector<16xi32>
    %select_n3A_769 = arith.select %gt3A_768, %get3A_765, %broadcast_in_dim3A_732 : vector<16xi1>, vector<16xi32>
    %add3A_770 = arith.addi %add3A_760, %select_n3A_769 : vector<16xi32>
    %add3A_771 = arith.addi %add3A_761, %get3A_765 : vector<16xi32>
    %get3A_772 = arith.constant 4 : i32
    %get3A_773 = arith.index_cast %get3A_772 : i32 to index
    %get3A_774 = arith.constant 0 : index
    %get3A_775 = tpu.vector_load %arg11[%get3A_773, %get3A_774] {strides = array<i32>} : memref<16x16xi32, #tpu.memory_space<vmem>>, vector<16xi32>,
    %gt3A_776 = arith.constant 4 : i32
    %gt3A_777 = vector.broadcast %gt3A_776 : i32 to vector<16xi32>
    %gt3A_778 = arith.cmpi sgt, %broadcast_in_dim3A_726, %gt3A_777 : vector<16xi32>
    %select_n3A_779 = arith.select %gt3A_778, %get3A_775, %broadcast_in_dim3A_732 : vector<16xi1>, vector<16xi32>
    %add3A_780 = arith.addi %add3A_770, %select_n3A_779 : vector<16xi32>
    %add3A_781 = arith.addi %add3A_771, %get3A_775 : vector<16xi32>
    %get3A_782 = arith.constant 5 : i32
    %get3A_783 = arith.index_cast %get3A_782 : i32 to index
    %get3A_784 = arith.constant 0 : index
    %get3A_785 = tpu.vector_load %arg11[%get3A_783, %get3A_784] {strides = array<i32>} : memref<16x16xi32, #tpu.memory_space<vmem>>, vector<16xi32>,
    %gt3A_786 = arith.constant 5 : i32
    %gt3A_787 = vector.broadcast %gt3A_786 : i32 to vector<16xi32>
    %gt3A_788 = arith.cmpi sgt, %broadcast_in_dim3A_726, %gt3A_787 : vector<16xi32>
    %select_n3A_789 = arith.select %gt3A_788, %get3A_785, %broadcast_in_dim3A_732 : vector<16xi1>, vector<16xi32>
    %add3A_790 = arith.addi %add3A_780, %select_n3A_789 : vector<16xi32>
    %add3A_791 = arith.addi %add3A_781, %get3A_785 : vector<16xi32>
    %get3A_792 = arith.constant 6 : i32
    %get3A_793 = arith.index_cast %get3A_792 : i32 to index
    %get3A_794 = arith.constant 0 : index
    %get3A_795 = tpu.vector_load %arg11[%get3A_793, %get3A_794] {strides = array<i32>} : memref<16x16xi32, #tpu.memory_space<vmem>>, vector<16xi32>,
    %gt3A_796 = arith.constant 6 : i32
    %gt3A_797 = vector.broadcast %gt3A_796 : i32 to vector<16xi32>
    %gt3A_798 = arith.cmpi sgt, %broadcast_in_dim3A_726, %gt3A_797 : vector<16xi32>
    %select_n3A_799 = arith.select %gt3A_798, %get3A_795, %broadcast_in_dim3A_732 : vector<16xi1>, vector<16xi32>
    %add3A_800 = arith.addi %add3A_790, %select_n3A_799 : vector<16xi32>
    %add3A_801 = arith.addi %add3A_791, %get3A_795 : vector<16xi32>
    %get3A_802 = arith.constant 7 : i32
    %get3A_803 = arith.index_cast %get3A_802 : i32 to index
    %get3A_804 = arith.constant 0 : index
    %get3A_805 = tpu.vector_load %arg11[%get3A_803, %get3A_804] {strides = array<i32>} : memref<16x16xi32, #tpu.memory_space<vmem>>, vector<16xi32>,
    %gt3A_806 = arith.constant 7 : i32
    %gt3A_807 = vector.broadcast %gt3A_806 : i32 to vector<16xi32>
    %gt3A_808 = arith.cmpi sgt, %broadcast_in_dim3A_726, %gt3A_807 : vector<16xi32>
    %select_n3A_809 = arith.select %gt3A_808, %get3A_805, %broadcast_in_dim3A_732 : vector<16xi1>, vector<16xi32>
    %add3A_810 = arith.addi %add3A_800, %select_n3A_809 : vector<16xi32>
    %add3A_811 = arith.addi %add3A_801, %get3A_805 : vector<16xi32>
    %get3A_812 = arith.constant 8 : i32
    %get3A_813 = arith.index_cast %get3A_812 : i32 to index
    %get3A_814 = arith.constant 0 : index
    %get3A_815 = tpu.vector_load %arg11[%get3A_813, %get3A_814] {strides = array<i32>} : memref<16x16xi32, #tpu.memory_space<vmem>>, vector<16xi32>,
    %gt3A_816 = arith.constant 8 : i32
    %gt3A_817 = vector.broadcast %gt3A_816 : i32 to vector<16xi32>
    %gt3A_818 = arith.cmpi sgt, %broadcast_in_dim3A_726, %gt3A_817 : vector<16xi32>
    %select_n3A_819 = arith.select %gt3A_818, %get3A_815, %broadcast_in_dim3A_732 : vector<16xi1>, vector<16xi32>
    %add3A_820 = arith.addi %add3A_810, %select_n3A_819 : vector<16xi32>
    %add3A_821 = arith.addi %add3A_811, %get3A_815 : vector<16xi32>
    %get3A_822 = arith.constant 9 : i32
    %get3A_823 = arith.index_cast %get3A_822 : i32 to index
    %get3A_824 = arith.constant 0 : index
    %get3A_825 = tpu.vector_load %arg11[%get3A_823, %get3A_824] {strides = array<i32>} : memref<16x16xi32, #tpu.memory_space<vmem>>, vector<16xi32>,
    %gt3A_826 = arith.constant 9 : i32
    %gt3A_827 = vector.broadcast %gt3A_826 : i32 to vector<16xi32>
    %gt3A_828 = arith.cmpi sgt, %broadcast_in_dim3A_726, %gt3A_827 : vector<16xi32>
    %select_n3A_829 = arith.select %gt3A_828, %get3A_825, %broadcast_in_dim3A_732 : vector<16xi1>, vector<16xi32>
    %add3A_830 = arith.addi %add3A_820, %select_n3A_829 : vector<16xi32>
    %add3A_831 = arith.addi %add3A_821, %get3A_825 : vector<16xi32>
    %get3A_832 = arith.constant 10 : i32
    %get3A_833 = arith.index_cast %get3A_832 : i32 to index
    %get3A_834 = arith.constant 0 : index
    %get3A_835 = tpu.vector_load %arg11[%get3A_833, %get3A_834] {strides = array<i32>} : memref<16x16xi32, #tpu.memory_space<vmem>>, vector<16xi32>,
    %gt3A_836 = arith.constant 10 : i32
    %gt3A_837 = vector.broadcast %gt3A_836 : i32 to vector<16xi32>
    %gt3A_838 = arith.cmpi sgt, %broadcast_in_dim3A_726, %gt3A_837 : vector<16xi32>
    %select_n3A_839 = arith.select %gt3A_838, %get3A_835, %broadcast_in_dim3A_732 : vector<16xi1>, vector<16xi32>
    %add3A_840 = arith.addi %add3A_830, %select_n3A_839 : vector<16xi32>
    %add3A_841 = arith.addi %add3A_831, %get3A_835 : vector<16xi32>
    %get3A_842 = arith.constant 11 : i32
    %get3A_843 = arith.index_cast %get3A_842 : i32 to index
    %get3A_844 = arith.constant 0 : index
    %get3A_845 = tpu.vector_load %arg11[%get3A_843, %get3A_844] {strides = array<i32>} : memref<16x16xi32, #tpu.memory_space<vmem>>, vector<16xi32>,
    %gt3A_846 = arith.constant 11 : i32
    %gt3A_847 = vector.broadcast %gt3A_846 : i32 to vector<16xi32>
    %gt3A_848 = arith.cmpi sgt, %broadcast_in_dim3A_726, %gt3A_847 : vector<16xi32>
    %select_n3A_849 = arith.select %gt3A_848, %get3A_845, %broadcast_in_dim3A_732 : vector<16xi1>, vector<16xi32>
    %add3A_850 = arith.addi %add3A_840, %select_n3A_849 : vector<16xi32>
    %add3A_851 = arith.addi %add3A_841, %get3A_845 : vector<16xi32>
    %get3A_852 = arith.constant 12 : i32
    %get3A_853 = arith.index_cast %get3A_852 : i32 to index
    %get3A_854 = arith.constant 0 : index
    %get3A_855 = tpu.vector_load %arg11[%get3A_853, %get3A_854] {strides = array<i32>} : memref<16x16xi32, #tpu.memory_space<vmem>>, vector<16xi32>,
    %gt3A_856 = arith.constant 12 : i32
    %gt3A_857 = vector.broadcast %gt3A_856 : i32 to vector<16xi32>
    %gt3A_858 = arith.cmpi sgt, %broadcast_in_dim3A_726, %gt3A_857 : vector<16xi32>
    %select_n3A_859 = arith.select %gt3A_858, %get3A_855, %broadcast_in_dim3A_732 : vector<16xi1>, vector<16xi32>
    %add3A_860 = arith.addi %add3A_850, %select_n3A_859 : vector<16xi32>
    %add3A_861 = arith.addi %add3A_851, %get3A_855 : vector<16xi32>
    %get3A_862 = arith.constant 13 : i32
    %get3A_863 = arith.index_cast %get3A_862 : i32 to index
    %get3A_864 = arith.constant 0 : index
    %get3A_865 = tpu.vector_load %arg11[%get3A_863, %get3A_864] {strides = array<i32>} : memref<16x16xi32, #tpu.memory_space<vmem>>, vector<16xi32>,
    %gt3A_866 = arith.constant 13 : i32
    %gt3A_867 = vector.broadcast %gt3A_866 : i32 to vector<16xi32>
    %gt3A_868 = arith.cmpi sgt, %broadcast_in_dim3A_726, %gt3A_867 : vector<16xi32>
    %select_n3A_869 = arith.select %gt3A_868, %get3A_865, %broadcast_in_dim3A_732 : vector<16xi1>, vector<16xi32>
    %add3A_870 = arith.addi %add3A_860, %select_n3A_869 : vector<16xi32>
    %add3A_871 = arith.addi %add3A_861, %get3A_865 : vector<16xi32>
    %get3A_872 = arith.constant 14 : i32
    %get3A_873 = arith.index_cast %get3A_872 : i32 to index
    %get3A_874 = arith.constant 0 : index
    %get3A_875 = tpu.vector_load %arg11[%get3A_873, %get3A_874] {strides = array<i32>} : memref<16x16xi32, #tpu.memory_space<vmem>>, vector<16xi32>,
    %gt3A_876 = arith.constant 14 : i32
    %gt3A_877 = vector.broadcast %gt3A_876 : i32 to vector<16xi32>
    %gt3A_878 = arith.cmpi sgt, %broadcast_in_dim3A_726, %gt3A_877 : vector<16xi32>
    %select_n3A_879 = arith.select %gt3A_878, %get3A_875, %broadcast_in_dim3A_732 : vector<16xi1>, vector<16xi32>
    %add3A_880 = arith.addi %add3A_870, %select_n3A_879 : vector<16xi32>
    %add3A_881 = arith.addi %add3A_871, %get3A_875 : vector<16xi32>
    %get3A_882 = arith.constant 15 : i32
    %get3A_883 = arith.index_cast %get3A_882 : i32 to index
    %get3A_884 = arith.constant 0 : index
    %get3A_885 = tpu.vector_load %arg11[%get3A_883, %get3A_884] {strides = array<i32>} : memref<16x16xi32, #tpu.memory_space<vmem>>, vector<16xi32>,
    %gt3A_886 = arith.constant 15 : i32
    %gt3A_887 = vector.broadcast %gt3A_886 : i32 to vector<16xi32>
    %gt3A_888 = arith.cmpi sgt, %broadcast_in_dim3A_726, %gt3A_887 : vector<16xi32>
    %select_n3A_889 = arith.select %gt3A_888, %get3A_885, %broadcast_in_dim3A_732 : vector<16xi1>, vector<16xi32>
    %add3A_890 = arith.addi %add3A_880, %select_n3A_889 : vector<16xi32>
    %add3A_891 = arith.addi %add3A_881, %get3A_885 : vector<16xi32>
    %add3A_892 = arith.constant 255 : i32
    %add3A_893 = vector.broadcast %add3A_892 : i32 to vector<16xi32>
    %add3A_894 = arith.addi %add3A_891, %add3A_893 : vector<16xi32>
    %shift_right_arithmetic3A = arith.constant 8 : i32
    %shift_right_arithmetic3A_895 = vector.broadcast %shift_right_arithmetic3A : i32 to vector<16xi32>
    %shift_right_arithmetic3A_896 = arith.shrsi %add3A_894, %shift_right_arithmetic3A_895 : vector<16xi32>
    %broadcast_in_dim3A_897 = arith.constant true
    %broadcast_in_dim3A_898 = vector.broadcast %broadcast_in_dim3A_897 : i1 to vector<16xi1>
    %masked_cumsum3A = tpu.scan <sum>, %shift_right_arithmetic3A_896 masked %broadcast_in_dim3A_898 : vector<16xi32>, vector<16xi1> -> vector<16xi32>
    %sub3A = arith.subi %masked_cumsum3A, %shift_right_arithmetic3A_896 : vector<16xi32>
    %mul3A_899 = arith.constant 256 : i32
    %mul3A_900 = vector.broadcast %mul3A_899 : i32 to vector<16xi32>
    %mul3A_901 = arith.muli %sub3A, %mul3A_900 : vector<16xi32>
    %add3A_902 = arith.addi %mul3A_901, %add3A_890 : vector<16xi32>
    %slice3A = vector.extract_strided_slice %masked_cumsum3A {offsets = [7], sizes = [1], strides = [1]} : vector<16xi32> to vector<1xi32>
    %squeeze3A = vector.extract %slice3A[0] : i32 from vector<1xi32>
    %add3A_903 = arith.constant 0 : i32
    %add3A_904 = vector.broadcast %add3A_903 : i32 to vector<16xi32>
    %add3A_905 = arith.addi %add3A_904, %iota3A : vector<16xi32>
    %broadcast_in_dim3A_906 = arith.constant 0 : i32
    %broadcast_in_dim3A_907 = vector.broadcast %broadcast_in_dim3A_906 : i32 to vector<16xi32>
    %slice3A_908 = vector.extract_strided_slice %masked_cumsum3A {offsets = [0], sizes = [1], strides = [1]} : vector<16xi32> to vector<1xi32>
    %squeeze3A_909 = vector.extract %slice3A_908[0] : i32 from vector<1xi32>
    %broadcast_in_dim3A_910 = vector.broadcast %squeeze3A_909 : i32 to vector<16xi32>
    %ge3A = arith.cmpi sge, %add3A_905, %broadcast_in_dim3A_910 : vector<16xi32>
    %convert_element_type3A_911 = arith.extui %ge3A : vector<16xi1> to vector<16xi32>
    %add3A_912 = arith.addi %broadcast_in_dim3A_907, %convert_element_type3A_911 : vector<16xi32>
    %slice3A_913 = vector.extract_strided_slice %masked_cumsum3A {offsets = [1], sizes = [1], strides = [1]} : vector<16xi32> to vector<1xi32>
    %squeeze3A_914 = vector.extract %slice3A_913[0] : i32 from vector<1xi32>
    %broadcast_in_dim3A_915 = vector.broadcast %squeeze3A_914 : i32 to vector<16xi32>
    %ge3A_916 = arith.cmpi sge, %add3A_905, %broadcast_in_dim3A_915 : vector<16xi32>
    %convert_element_type3A_917 = arith.extui %ge3A_916 : vector<16xi1> to vector<16xi32>
    %add3A_918 = arith.addi %add3A_912, %convert_element_type3A_917 : vector<16xi32>
    %slice3A_919 = vector.extract_strided_slice %masked_cumsum3A {offsets = [2], sizes = [1], strides = [1]} : vector<16xi32> to vector<1xi32>
    %squeeze3A_920 = vector.extract %slice3A_919[0] : i32 from vector<1xi32>
    %broadcast_in_dim3A_921 = vector.broadcast %squeeze3A_920 : i32 to vector<16xi32>
    %ge3A_922 = arith.cmpi sge, %add3A_905, %broadcast_in_dim3A_921 : vector<16xi32>
    %convert_element_type3A_923 = arith.extui %ge3A_922 : vector<16xi1> to vector<16xi32>
    %add3A_924 = arith.addi %add3A_918, %convert_element_type3A_923 : vector<16xi32>
    %slice3A_925 = vector.extract_strided_slice %masked_cumsum3A {offsets = [3], sizes = [1], strides = [1]} : vector<16xi32> to vector<1xi32>
    %squeeze3A_926 = vector.extract %slice3A_925[0] : i32 from vector<1xi32>
    %broadcast_in_dim3A_927 = vector.broadcast %squeeze3A_926 : i32 to vector<16xi32>
    %ge3A_928 = arith.cmpi sge, %add3A_905, %broadcast_in_dim3A_927 : vector<16xi32>
    %convert_element_type3A_929 = arith.extui %ge3A_928 : vector<16xi1> to vector<16xi32>
    %add3A_930 = arith.addi %add3A_924, %convert_element_type3A_929 : vector<16xi32>
    %slice3A_931 = vector.extract_strided_slice %masked_cumsum3A {offsets = [4], sizes = [1], strides = [1]} : vector<16xi32> to vector<1xi32>
    %squeeze3A_932 = vector.extract %slice3A_931[0] : i32 from vector<1xi32>
    %broadcast_in_dim3A_933 = vector.broadcast %squeeze3A_932 : i32 to vector<16xi32>
    %ge3A_934 = arith.cmpi sge, %add3A_905, %broadcast_in_dim3A_933 : vector<16xi32>
    %convert_element_type3A_935 = arith.extui %ge3A_934 : vector<16xi1> to vector<16xi32>
    %add3A_936 = arith.addi %add3A_930, %convert_element_type3A_935 : vector<16xi32>
    %slice3A_937 = vector.extract_strided_slice %masked_cumsum3A {offsets = [5], sizes = [1], strides = [1]} : vector<16xi32> to vector<1xi32>
    %squeeze3A_938 = vector.extract %slice3A_937[0] : i32 from vector<1xi32>
    %broadcast_in_dim3A_939 = vector.broadcast %squeeze3A_938 : i32 to vector<16xi32>
    %ge3A_940 = arith.cmpi sge, %add3A_905, %broadcast_in_dim3A_939 : vector<16xi32>
    %convert_element_type3A_941 = arith.extui %ge3A_940 : vector<16xi1> to vector<16xi32>
    %add3A_942 = arith.addi %add3A_936, %convert_element_type3A_941 : vector<16xi32>
    %slice3A_943 = vector.extract_strided_slice %masked_cumsum3A {offsets = [6], sizes = [1], strides = [1]} : vector<16xi32> to vector<1xi32>
    %squeeze3A_944 = vector.extract %slice3A_943[0] : i32 from vector<1xi32>
    %broadcast_in_dim3A_945 = vector.broadcast %squeeze3A_944 : i32 to vector<16xi32>
    %ge3A_946 = arith.cmpi sge, %add3A_905, %broadcast_in_dim3A_945 : vector<16xi32>
    %convert_element_type3A_947 = arith.extui %ge3A_946 : vector<16xi1> to vector<16xi32>
    %add3A_948 = arith.addi %add3A_942, %convert_element_type3A_947 : vector<16xi32>
    %slice3A_949 = vector.extract_strided_slice %masked_cumsum3A {offsets = [7], sizes = [1], strides = [1]} : vector<16xi32> to vector<1xi32>
    %squeeze3A_950 = vector.extract %slice3A_949[0] : i32 from vector<1xi32>
    %broadcast_in_dim3A_951 = vector.broadcast %squeeze3A_950 : i32 to vector<16xi32>
    %ge3A_952 = arith.cmpi sge, %add3A_905, %broadcast_in_dim3A_951 : vector<16xi32>
    %convert_element_type3A_953 = arith.extui %ge3A_952 : vector<16xi1> to vector<16xi32>
    %add3A_954 = arith.addi %add3A_948, %convert_element_type3A_953 : vector<16xi32>
    %min3A = arith.constant 7 : i32
    %min3A_955 = vector.broadcast %min3A : i32 to vector<16xi32>
    %min3A_956 = arith.minsi %add3A_954, %min3A_955 : vector<16xi32>
    %sub3A_957 = arith.constant 1 : i32
    %sub3A_958 = arith.subi %squeeze3A, %sub3A_957 : i32
    %broadcast_in_dim3A_959 = vector.broadcast %sub3A_958 : i32 to vector<16xi32>
    %min3A_960 = arith.minsi %add3A_905, %broadcast_in_dim3A_959 : vector<16xi32>
    %swap3A_961 = arith.constant 0 : i32
    %swap3A_962 = arith.index_cast %swap3A_961 : i32 to index
    %swap3A_963 = arith.constant 0 : index
    %swap3A_964 = tpu.vector_load %arg15[%swap3A_962, %swap3A_963] {strides = array<i32>} : memref<2x32xi32, #tpu.memory_space<vmem>>, vector<16xi32>,
    tpu.vector_store %arg15[%swap3A_962, %swap3A_963], %min3A_956 {strides = array<i32>} : memref<2x32xi32, #tpu.memory_space<vmem>>, vector<16xi32>,
    %swap3A_965 = arith.constant 1 : i32
    %swap3A_966 = arith.index_cast %swap3A_965 : i32 to index
    %swap3A_967 = arith.constant 0 : index
    %swap3A_968 = tpu.vector_load %arg15[%swap3A_966, %swap3A_967] {strides = array<i32>} : memref<2x32xi32, #tpu.memory_space<vmem>>, vector<16xi32>,
    tpu.vector_store %arg15[%swap3A_966, %swap3A_967], %min3A_960 {strides = array<i32>} : memref<2x32xi32, #tpu.memory_space<vmem>>, vector<16xi32>,
    %add3A_969 = arith.constant 16 : i32
    %add3A_970 = vector.broadcast %add3A_969 : i32 to vector<16xi32>
    %add3A_971 = arith.addi %add3A_970, %iota3A : vector<16xi32>
    %broadcast_in_dim3A_972 = arith.constant 0 : i32
    %broadcast_in_dim3A_973 = vector.broadcast %broadcast_in_dim3A_972 : i32 to vector<16xi32>
    %slice3A_974 = vector.extract_strided_slice %masked_cumsum3A {offsets = [0], sizes = [1], strides = [1]} : vector<16xi32> to vector<1xi32>
    %squeeze3A_975 = vector.extract %slice3A_974[0] : i32 from vector<1xi32>
    %broadcast_in_dim3A_976 = vector.broadcast %squeeze3A_975 : i32 to vector<16xi32>
    %ge3A_977 = arith.cmpi sge, %add3A_971, %broadcast_in_dim3A_976 : vector<16xi32>
    %convert_element_type3A_978 = arith.extui %ge3A_977 : vector<16xi1> to vector<16xi32>
    %add3A_979 = arith.addi %broadcast_in_dim3A_973, %convert_element_type3A_978 : vector<16xi32>
    %slice3A_980 = vector.extract_strided_slice %masked_cumsum3A {offsets = [1], sizes = [1], strides = [1]} : vector<16xi32> to vector<1xi32>
    %squeeze3A_981 = vector.extract %slice3A_980[0] : i32 from vector<1xi32>
    %broadcast_in_dim3A_982 = vector.broadcast %squeeze3A_981 : i32 to vector<16xi32>
    %ge3A_983 = arith.cmpi sge, %add3A_971, %broadcast_in_dim3A_982 : vector<16xi32>
    %convert_element_type3A_984 = arith.extui %ge3A_983 : vector<16xi1> to vector<16xi32>
    %add3A_985 = arith.addi %add3A_979, %convert_element_type3A_984 : vector<16xi32>
    %slice3A_986 = vector.extract_strided_slice %masked_cumsum3A {offsets = [2], sizes = [1], strides = [1]} : vector<16xi32> to vector<1xi32>
    %squeeze3A_987 = vector.extract %slice3A_986[0] : i32 from vector<1xi32>
    %broadcast_in_dim3A_988 = vector.broadcast %squeeze3A_987 : i32 to vector<16xi32>
    %ge3A_989 = arith.cmpi sge, %add3A_971, %broadcast_in_dim3A_988 : vector<16xi32>
    %convert_element_type3A_990 = arith.extui %ge3A_989 : vector<16xi1> to vector<16xi32>
    %add3A_991 = arith.addi %add3A_985, %convert_element_type3A_990 : vector<16xi32>
    %slice3A_992 = vector.extract_strided_slice %masked_cumsum3A {offsets = [3], sizes = [1], strides = [1]} : vector<16xi32> to vector<1xi32>
    %squeeze3A_993 = vector.extract %slice3A_992[0] : i32 from vector<1xi32>
    %broadcast_in_dim3A_994 = vector.broadcast %squeeze3A_993 : i32 to vector<16xi32>
    %ge3A_995 = arith.cmpi sge, %add3A_971, %broadcast_in_dim3A_994 : vector<16xi32>
    %convert_element_type3A_996 = arith.extui %ge3A_995 : vector<16xi1> to vector<16xi32>
    %add3A_997 = arith.addi %add3A_991, %convert_element_type3A_996 : vector<16xi32>
    %slice3A_998 = vector.extract_strided_slice %masked_cumsum3A {offsets = [4], sizes = [1], strides = [1]} : vector<16xi32> to vector<1xi32>
    %squeeze3A_999 = vector.extract %slice3A_998[0] : i32 from vector<1xi32>
    %broadcast_in_dim3A_1000 = vector.broadcast %squeeze3A_999 : i32 to vector<16xi32>
    %ge3A_1001 = arith.cmpi sge, %add3A_971, %broadcast_in_dim3A_1000 : vector<16xi32>
    %convert_element_type3A_1002 = arith.extui %ge3A_1001 : vector<16xi1> to vector<16xi32>
    %add3A_1003 = arith.addi %add3A_997, %convert_element_type3A_1002 : vector<16xi32>
    %slice3A_1004 = vector.extract_strided_slice %masked_cumsum3A {offsets = [5], sizes = [1], strides = [1]} : vector<16xi32> to vector<1xi32>
    %squeeze3A_1005 = vector.extract %slice3A_1004[0] : i32 from vector<1xi32>
    %broadcast_in_dim3A_1006 = vector.broadcast %squeeze3A_1005 : i32 to vector<16xi32>
    %ge3A_1007 = arith.cmpi sge, %add3A_971, %broadcast_in_dim3A_1006 : vector<16xi32>
    %convert_element_type3A_1008 = arith.extui %ge3A_1007 : vector<16xi1> to vector<16xi32>
    %add3A_1009 = arith.addi %add3A_1003, %convert_element_type3A_1008 : vector<16xi32>
    %slice3A_1010 = vector.extract_strided_slice %masked_cumsum3A {offsets = [6], sizes = [1], strides = [1]} : vector<16xi32> to vector<1xi32>
    %squeeze3A_1011 = vector.extract %slice3A_1010[0] : i32 from vector<1xi32>
    %broadcast_in_dim3A_1012 = vector.broadcast %squeeze3A_1011 : i32 to vector<16xi32>
    %ge3A_1013 = arith.cmpi sge, %add3A_971, %broadcast_in_dim3A_1012 : vector<16xi32>
    %convert_element_type3A_1014 = arith.extui %ge3A_1013 : vector<16xi1> to vector<16xi32>
    %add3A_1015 = arith.addi %add3A_1009, %convert_element_type3A_1014 : vector<16xi32>
    %slice3A_1016 = vector.extract_strided_slice %masked_cumsum3A {offsets = [7], sizes = [1], strides = [1]} : vector<16xi32> to vector<1xi32>
    %squeeze3A_1017 = vector.extract %slice3A_1016[0] : i32 from vector<1xi32>
    %broadcast_in_dim3A_1018 = vector.broadcast %squeeze3A_1017 : i32 to vector<16xi32>
    %ge3A_1019 = arith.cmpi sge, %add3A_971, %broadcast_in_dim3A_1018 : vector<16xi32>
    %convert_element_type3A_1020 = arith.extui %ge3A_1019 : vector<16xi1> to vector<16xi32>
    %add3A_1021 = arith.addi %add3A_1015, %convert_element_type3A_1020 : vector<16xi32>
    %min3A_1022 = arith.constant 7 : i32
    %min3A_1023 = vector.broadcast %min3A_1022 : i32 to vector<16xi32>
    %min3A_1024 = arith.minsi %add3A_1021, %min3A_1023 : vector<16xi32>
    %sub3A_1025 = arith.constant 1 : i32
    %sub3A_1026 = arith.subi %squeeze3A, %sub3A_1025 : i32
    %broadcast_in_dim3A_1027 = vector.broadcast %sub3A_1026 : i32 to vector<16xi32>
    %min3A_1028 = arith.minsi %add3A_971, %broadcast_in_dim3A_1027 : vector<16xi32>
    %swap3A_1029 = arith.constant 0 : i32
    %swap3A_1030 = arith.index_cast %swap3A_1029 : i32 to index
    %swap3A_1031 = arith.constant 16 : index
    %swap3A_1032 = tpu.vector_load %arg15[%swap3A_1030, %swap3A_1031] {strides = array<i32>} : memref<2x32xi32, #tpu.memory_space<vmem>>, vector<16xi32>,
    tpu.vector_store %arg15[%swap3A_1030, %swap3A_1031], %min3A_1024 {strides = array<i32>} : memref<2x32xi32, #tpu.memory_space<vmem>>, vector<16xi32>,
    %swap3A_1033 = arith.constant 1 : i32
    %swap3A_1034 = arith.index_cast %swap3A_1033 : i32 to index
    %swap3A_1035 = arith.constant 16 : index
    %swap3A_1036 = tpu.vector_load %arg15[%swap3A_1034, %swap3A_1035] {strides = array<i32>} : memref<2x32xi32, #tpu.memory_space<vmem>>, vector<16xi32>,
    tpu.vector_store %arg15[%swap3A_1034, %swap3A_1035], %min3A_1028 {strides = array<i32>} : memref<2x32xi32, #tpu.memory_space<vmem>>, vector<16xi32>,
    %slice3A_1037 = vector.extract_strided_slice %add3A_902 {offsets = [0], sizes = [1], strides = [1]} : vector<16xi32> to vector<1xi32>
    %squeeze3A_1038 = vector.extract %slice3A_1037[0] : i32 from vector<1xi32>
    %broadcast_in_dim3A_1039 = vector.broadcast %squeeze3A_1038 : i32 to vector<16xi32>
    %slice3A_1040 = vector.extract_strided_slice %add3A_902 {offsets = [1], sizes = [1], strides = [1]} : vector<16xi32> to vector<1xi32>
    %squeeze3A_1041 = vector.extract %slice3A_1040[0] : i32 from vector<1xi32>
    %broadcast_in_dim3A_1042 = vector.broadcast %squeeze3A_1041 : i32 to vector<16xi32>
    %slice3A_1043 = vector.extract_strided_slice %add3A_902 {offsets = [2], sizes = [1], strides = [1]} : vector<16xi32> to vector<1xi32>
    %squeeze3A_1044 = vector.extract %slice3A_1043[0] : i32 from vector<1xi32>
    %broadcast_in_dim3A_1045 = vector.broadcast %squeeze3A_1044 : i32 to vector<16xi32>
    %slice3A_1046 = vector.extract_strided_slice %add3A_902 {offsets = [3], sizes = [1], strides = [1]} : vector<16xi32> to vector<1xi32>
    %squeeze3A_1047 = vector.extract %slice3A_1046[0] : i32 from vector<1xi32>
    %broadcast_in_dim3A_1048 = vector.broadcast %squeeze3A_1047 : i32 to vector<16xi32>
    %slice3A_1049 = vector.extract_strided_slice %add3A_902 {offsets = [4], sizes = [1], strides = [1]} : vector<16xi32> to vector<1xi32>
    %squeeze3A_1050 = vector.extract %slice3A_1049[0] : i32 from vector<1xi32>
    %broadcast_in_dim3A_1051 = vector.broadcast %squeeze3A_1050 : i32 to vector<16xi32>
    %slice3A_1052 = vector.extract_strided_slice %add3A_902 {offsets = [5], sizes = [1], strides = [1]} : vector<16xi32> to vector<1xi32>
    %squeeze3A_1053 = vector.extract %slice3A_1052[0] : i32 from vector<1xi32>
    %broadcast_in_dim3A_1054 = vector.broadcast %squeeze3A_1053 : i32 to vector<16xi32>
    %slice3A_1055 = vector.extract_strided_slice %add3A_902 {offsets = [6], sizes = [1], strides = [1]} : vector<16xi32> to vector<1xi32>
    %squeeze3A_1056 = vector.extract %slice3A_1055[0] : i32 from vector<1xi32>
    %broadcast_in_dim3A_1057 = vector.broadcast %squeeze3A_1056 : i32 to vector<16xi32>
    %slice3A_1058 = vector.extract_strided_slice %add3A_902 {offsets = [7], sizes = [1], strides = [1]} : vector<16xi32> to vector<1xi32>
    %squeeze3A_1059 = vector.extract %slice3A_1058[0] : i32 from vector<1xi32>
    %broadcast_in_dim3A_1060 = vector.broadcast %squeeze3A_1059 : i32 to vector<16xi32>
    %get3A_1061 = arith.constant 0 : index
    %get3A_1062 = tpu.vector_load %arg9[%get3A_1061] {strides = array<i32>} : memref<256xi32, #tpu.memory_space<vmem>>, vector<16xi32>,
    %broadcast_in_dim3A_1063 = arith.constant 0 : i32
    %broadcast_in_dim3A_1064 = vector.broadcast %broadcast_in_dim3A_1063 : i32 to vector<16xi32>
    %eq3A_1065 = arith.constant 0 : i32
    %eq3A_1066 = vector.broadcast %eq3A_1065 : i32 to vector<16xi32>
    %eq3A_1067 = arith.cmpi eq, %get3A_1062, %eq3A_1066 : vector<16xi32>
    %convert_element_type3A_1068 = arith.extui %eq3A_1067 : vector<16xi1> to vector<16xi32>
    %broadcast_in_dim3A_1069 = arith.constant true
    %broadcast_in_dim3A_1070 = vector.broadcast %broadcast_in_dim3A_1069 : i1 to vector<16xi1>
    %masked_cumsum3A_1071 = tpu.scan <sum>, %convert_element_type3A_1068 masked %broadcast_in_dim3A_1070 : vector<16xi32>, vector<16xi1> -> vector<16xi32>
    %add3A_1072 = arith.addi %broadcast_in_dim3A_1039, %masked_cumsum3A_1071 : vector<16xi32>
    %sub3A_1073 = arith.constant 1 : i32
    %sub3A_1074 = vector.broadcast %sub3A_1073 : i32 to vector<16xi32>
    %sub3A_1075 = arith.subi %add3A_1072, %sub3A_1074 : vector<16xi32>
    %select_n3A_1076 = arith.select %eq3A_1067, %sub3A_1075, %broadcast_in_dim3A_1064 : vector<16xi1>, vector<16xi32>
    %all_reduce_population_count3A_1077 = tpu.all_reduce %eq3A_1067 {dim = 0 : i64, kind = #tpu.reduction_kind<sum>} : vector<16xi1> -> vector<16xi32>
    %add3A_1078 = arith.addi %broadcast_in_dim3A_1039, %all_reduce_population_count3A_1077 : vector<16xi32>
    %eq3A_1079 = arith.constant 1 : i32
    %eq3A_1080 = vector.broadcast %eq3A_1079 : i32 to vector<16xi32>
    %eq3A_1081 = arith.cmpi eq, %get3A_1062, %eq3A_1080 : vector<16xi32>
    %convert_element_type3A_1082 = arith.extui %eq3A_1081 : vector<16xi1> to vector<16xi32>
    %broadcast_in_dim3A_1083 = arith.constant true
    %broadcast_in_dim3A_1084 = vector.broadcast %broadcast_in_dim3A_1083 : i1 to vector<16xi1>
    %masked_cumsum3A_1085 = tpu.scan <sum>, %convert_element_type3A_1082 masked %broadcast_in_dim3A_1084 : vector<16xi32>, vector<16xi1> -> vector<16xi32>
    %add3A_1086 = arith.addi %broadcast_in_dim3A_1042, %masked_cumsum3A_1085 : vector<16xi32>
    %sub3A_1087 = arith.constant 1 : i32
    %sub3A_1088 = vector.broadcast %sub3A_1087 : i32 to vector<16xi32>
    %sub3A_1089 = arith.subi %add3A_1086, %sub3A_1088 : vector<16xi32>
    %select_n3A_1090 = arith.select %eq3A_1081, %sub3A_1089, %select_n3A_1076 : vector<16xi1>, vector<16xi32>
    %all_reduce_population_count3A_1091 = tpu.all_reduce %eq3A_1081 {dim = 0 : i64, kind = #tpu.reduction_kind<sum>} : vector<16xi1> -> vector<16xi32>
    %add3A_1092 = arith.addi %broadcast_in_dim3A_1042, %all_reduce_population_count3A_1091 : vector<16xi32>
    %eq3A_1093 = arith.constant 2 : i32
    %eq3A_1094 = vector.broadcast %eq3A_1093 : i32 to vector<16xi32>
    %eq3A_1095 = arith.cmpi eq, %get3A_1062, %eq3A_1094 : vector<16xi32>
    %convert_element_type3A_1096 = arith.extui %eq3A_1095 : vector<16xi1> to vector<16xi32>
    %broadcast_in_dim3A_1097 = arith.constant true
    %broadcast_in_dim3A_1098 = vector.broadcast %broadcast_in_dim3A_1097 : i1 to vector<16xi1>
    %masked_cumsum3A_1099 = tpu.scan <sum>, %convert_element_type3A_1096 masked %broadcast_in_dim3A_1098 : vector<16xi32>, vector<16xi1> -> vector<16xi32>
    %add3A_1100 = arith.addi %broadcast_in_dim3A_1045, %masked_cumsum3A_1099 : vector<16xi32>
    %sub3A_1101 = arith.constant 1 : i32
    %sub3A_1102 = vector.broadcast %sub3A_1101 : i32 to vector<16xi32>
    %sub3A_1103 = arith.subi %add3A_1100, %sub3A_1102 : vector<16xi32>
    %select_n3A_1104 = arith.select %eq3A_1095, %sub3A_1103, %select_n3A_1090 : vector<16xi1>, vector<16xi32>
    %all_reduce_population_count3A_1105 = tpu.all_reduce %eq3A_1095 {dim = 0 : i64, kind = #tpu.reduction_kind<sum>} : vector<16xi1> -> vector<16xi32>
    %add3A_1106 = arith.addi %broadcast_in_dim3A_1045, %all_reduce_population_count3A_1105 : vector<16xi32>
    %eq3A_1107 = arith.constant 3 : i32
    %eq3A_1108 = vector.broadcast %eq3A_1107 : i32 to vector<16xi32>
    %eq3A_1109 = arith.cmpi eq, %get3A_1062, %eq3A_1108 : vector<16xi32>
    %convert_element_type3A_1110 = arith.extui %eq3A_1109 : vector<16xi1> to vector<16xi32>
    %broadcast_in_dim3A_1111 = arith.constant true
    %broadcast_in_dim3A_1112 = vector.broadcast %broadcast_in_dim3A_1111 : i1 to vector<16xi1>
    %masked_cumsum3A_1113 = tpu.scan <sum>, %convert_element_type3A_1110 masked %broadcast_in_dim3A_1112 : vector<16xi32>, vector<16xi1> -> vector<16xi32>
    %add3A_1114 = arith.addi %broadcast_in_dim3A_1048, %masked_cumsum3A_1113 : vector<16xi32>
    %sub3A_1115 = arith.constant 1 : i32
    %sub3A_1116 = vector.broadcast %sub3A_1115 : i32 to vector<16xi32>
    %sub3A_1117 = arith.subi %add3A_1114, %sub3A_1116 : vector<16xi32>
    %select_n3A_1118 = arith.select %eq3A_1109, %sub3A_1117, %select_n3A_1104 : vector<16xi1>, vector<16xi32>
    %all_reduce_population_count3A_1119 = tpu.all_reduce %eq3A_1109 {dim = 0 : i64, kind = #tpu.reduction_kind<sum>} : vector<16xi1> -> vector<16xi32>
    %add3A_1120 = arith.addi %broadcast_in_dim3A_1048, %all_reduce_population_count3A_1119 : vector<16xi32>
    %eq3A_1121 = arith.constant 4 : i32
    %eq3A_1122 = vector.broadcast %eq3A_1121 : i32 to vector<16xi32>
    %eq3A_1123 = arith.cmpi eq, %get3A_1062, %eq3A_1122 : vector<16xi32>
    %convert_element_type3A_1124 = arith.extui %eq3A_1123 : vector<16xi1> to vector<16xi32>
    %broadcast_in_dim3A_1125 = arith.constant true
    %broadcast_in_dim3A_1126 = vector.broadcast %broadcast_in_dim3A_1125 : i1 to vector<16xi1>
    %masked_cumsum3A_1127 = tpu.scan <sum>, %convert_element_type3A_1124 masked %broadcast_in_dim3A_1126 : vector<16xi32>, vector<16xi1> -> vector<16xi32>
    %add3A_1128 = arith.addi %broadcast_in_dim3A_1051, %masked_cumsum3A_1127 : vector<16xi32>
    %sub3A_1129 = arith.constant 1 : i32
    %sub3A_1130 = vector.broadcast %sub3A_1129 : i32 to vector<16xi32>
    %sub3A_1131 = arith.subi %add3A_1128, %sub3A_1130 : vector<16xi32>
    %select_n3A_1132 = arith.select %eq3A_1123, %sub3A_1131, %select_n3A_1118 : vector<16xi1>, vector<16xi32>
    %all_reduce_population_count3A_1133 = tpu.all_reduce %eq3A_1123 {dim = 0 : i64, kind = #tpu.reduction_kind<sum>} : vector<16xi1> -> vector<16xi32>
    %add3A_1134 = arith.addi %broadcast_in_dim3A_1051, %all_reduce_population_count3A_1133 : vector<16xi32>
    %eq3A_1135 = arith.constant 5 : i32
    %eq3A_1136 = vector.broadcast %eq3A_1135 : i32 to vector<16xi32>
    %eq3A_1137 = arith.cmpi eq, %get3A_1062, %eq3A_1136 : vector<16xi32>
    %convert_element_type3A_1138 = arith.extui %eq3A_1137 : vector<16xi1> to vector<16xi32>
    %broadcast_in_dim3A_1139 = arith.constant true
    %broadcast_in_dim3A_1140 = vector.broadcast %broadcast_in_dim3A_1139 : i1 to vector<16xi1>
    %masked_cumsum3A_1141 = tpu.scan <sum>, %convert_element_type3A_1138 masked %broadcast_in_dim3A_1140 : vector<16xi32>, vector<16xi1> -> vector<16xi32>
    %add3A_1142 = arith.addi %broadcast_in_dim3A_1054, %masked_cumsum3A_1141 : vector<16xi32>
    %sub3A_1143 = arith.constant 1 : i32
    %sub3A_1144 = vector.broadcast %sub3A_1143 : i32 to vector<16xi32>
    %sub3A_1145 = arith.subi %add3A_1142, %sub3A_1144 : vector<16xi32>
    %select_n3A_1146 = arith.select %eq3A_1137, %sub3A_1145, %select_n3A_1132 : vector<16xi1>, vector<16xi32>
    %all_reduce_population_count3A_1147 = tpu.all_reduce %eq3A_1137 {dim = 0 : i64, kind = #tpu.reduction_kind<sum>} : vector<16xi1> -> vector<16xi32>
    %add3A_1148 = arith.addi %broadcast_in_dim3A_1054, %all_reduce_population_count3A_1147 : vector<16xi32>
    %eq3A_1149 = arith.constant 6 : i32
    %eq3A_1150 = vector.broadcast %eq3A_1149 : i32 to vector<16xi32>
    %eq3A_1151 = arith.cmpi eq, %get3A_1062, %eq3A_1150 : vector<16xi32>
    %convert_element_type3A_1152 = arith.extui %eq3A_1151 : vector<16xi1> to vector<16xi32>
    %broadcast_in_dim3A_1153 = arith.constant true
    %broadcast_in_dim3A_1154 = vector.broadcast %broadcast_in_dim3A_1153 : i1 to vector<16xi1>
    %masked_cumsum3A_1155 = tpu.scan <sum>, %convert_element_type3A_1152 masked %broadcast_in_dim3A_1154 : vector<16xi32>, vector<16xi1> -> vector<16xi32>
    %add3A_1156 = arith.addi %broadcast_in_dim3A_1057, %masked_cumsum3A_1155 : vector<16xi32>
    %sub3A_1157 = arith.constant 1 : i32
    %sub3A_1158 = vector.broadcast %sub3A_1157 : i32 to vector<16xi32>
    %sub3A_1159 = arith.subi %add3A_1156, %sub3A_1158 : vector<16xi32>
    %select_n3A_1160 = arith.select %eq3A_1151, %sub3A_1159, %select_n3A_1146 : vector<16xi1>, vector<16xi32>
    %all_reduce_population_count3A_1161 = tpu.all_reduce %eq3A_1151 {dim = 0 : i64, kind = #tpu.reduction_kind<sum>} : vector<16xi1> -> vector<16xi32>
    %add3A_1162 = arith.addi %broadcast_in_dim3A_1057, %all_reduce_population_count3A_1161 : vector<16xi32>
    %eq3A_1163 = arith.constant 7 : i32
    %eq3A_1164 = vector.broadcast %eq3A_1163 : i32 to vector<16xi32>
    %eq3A_1165 = arith.cmpi eq, %get3A_1062, %eq3A_1164 : vector<16xi32>
    %convert_element_type3A_1166 = arith.extui %eq3A_1165 : vector<16xi1> to vector<16xi32>
    %broadcast_in_dim3A_1167 = arith.constant true
    %broadcast_in_dim3A_1168 = vector.broadcast %broadcast_in_dim3A_1167 : i1 to vector<16xi1>
    %masked_cumsum3A_1169 = tpu.scan <sum>, %convert_element_type3A_1166 masked %broadcast_in_dim3A_1168 : vector<16xi32>, vector<16xi1> -> vector<16xi32>
    %add3A_1170 = arith.addi %broadcast_in_dim3A_1060, %masked_cumsum3A_1169 : vector<16xi32>
    %sub3A_1171 = arith.constant 1 : i32
    %sub3A_1172 = vector.broadcast %sub3A_1171 : i32 to vector<16xi32>
    %sub3A_1173 = arith.subi %add3A_1170, %sub3A_1172 : vector<16xi32>
    %select_n3A_1174 = arith.select %eq3A_1165, %sub3A_1173, %select_n3A_1160 : vector<16xi1>, vector<16xi32>
    %all_reduce_population_count3A_1175 = tpu.all_reduce %eq3A_1165 {dim = 0 : i64, kind = #tpu.reduction_kind<sum>} : vector<16xi1> -> vector<16xi32>
    %add3A_1176 = arith.addi %broadcast_in_dim3A_1060, %all_reduce_population_count3A_1175 : vector<16xi32>
    %swap3A_1177 = arith.constant 0 : index
    %swap3A_1178 = tpu.vector_load %arg12[%swap3A_1177] {strides = array<i32>} : memref<256xi32, #tpu.memory_space<vmem>>, vector<16xi32>,
    tpu.vector_store %arg12[%swap3A_1177], %select_n3A_1174 {strides = array<i32>} : memref<256xi32, #tpu.memory_space<vmem>>, vector<16xi32>,
    %get3A_1179 = arith.constant 16 : index
    %get3A_1180 = tpu.vector_load %arg9[%get3A_1179] {strides = array<i32>} : memref<256xi32, #tpu.memory_space<vmem>>, vector<16xi32>,
    %broadcast_in_dim3A_1181 = arith.constant 0 : i32
    %broadcast_in_dim3A_1182 = vector.broadcast %broadcast_in_dim3A_1181 : i32 to vector<16xi32>
    %eq3A_1183 = arith.constant 0 : i32
    %eq3A_1184 = vector.broadcast %eq3A_1183 : i32 to vector<16xi32>
    %eq3A_1185 = arith.cmpi eq, %get3A_1180, %eq3A_1184 : vector<16xi32>
    %convert_element_type3A_1186 = arith.extui %eq3A_1185 : vector<16xi1> to vector<16xi32>
    %broadcast_in_dim3A_1187 = arith.constant true
    %broadcast_in_dim3A_1188 = vector.broadcast %broadcast_in_dim3A_1187 : i1 to vector<16xi1>
    %masked_cumsum3A_1189 = tpu.scan <sum>, %convert_element_type3A_1186 masked %broadcast_in_dim3A_1188 : vector<16xi32>, vector<16xi1> -> vector<16xi32>
    %add3A_1190 = arith.addi %add3A_1078, %masked_cumsum3A_1189 : vector<16xi32>
    %sub3A_1191 = arith.constant 1 : i32
    %sub3A_1192 = vector.broadcast %sub3A_1191 : i32 to vector<16xi32>
    %sub3A_1193 = arith.subi %add3A_1190, %sub3A_1192 : vector<16xi32>
    %select_n3A_1194 = arith.select %eq3A_1185, %sub3A_1193, %broadcast_in_dim3A_1182 : vector<16xi1>, vector<16xi32>
    %all_reduce_population_count3A_1195 = tpu.all_reduce %eq3A_1185 {dim = 0 : i64, kind = #tpu.reduction_kind<sum>} : vector<16xi1> -> vector<16xi32>
    %add3A_1196 = arith.addi %add3A_1078, %all_reduce_population_count3A_1195 : vector<16xi32>
    %eq3A_1197 = arith.constant 1 : i32
    %eq3A_1198 = vector.broadcast %eq3A_1197 : i32 to vector<16xi32>
    %eq3A_1199 = arith.cmpi eq, %get3A_1180, %eq3A_1198 : vector<16xi32>
    %convert_element_type3A_1200 = arith.extui %eq3A_1199 : vector<16xi1> to vector<16xi32>
    %broadcast_in_dim3A_1201 = arith.constant true
    %broadcast_in_dim3A_1202 = vector.broadcast %broadcast_in_dim3A_1201 : i1 to vector<16xi1>
    %masked_cumsum3A_1203 = tpu.scan <sum>, %convert_element_type3A_1200 masked %broadcast_in_dim3A_1202 : vector<16xi32>, vector<16xi1> -> vector<16xi32>
    %add3A_1204 = arith.addi %add3A_1092, %masked_cumsum3A_1203 : vector<16xi32>
    %sub3A_1205 = arith.constant 1 : i32
    %sub3A_1206 = vector.broadcast %sub3A_1205 : i32 to vector<16xi32>
    %sub3A_1207 = arith.subi %add3A_1204, %sub3A_1206 : vector<16xi32>
    %select_n3A_1208 = arith.select %eq3A_1199, %sub3A_1207, %select_n3A_1194 : vector<16xi1>, vector<16xi32>
    %all_reduce_population_count3A_1209 = tpu.all_reduce %eq3A_1199 {dim = 0 : i64, kind = #tpu.reduction_kind<sum>} : vector<16xi1> -> vector<16xi32>
    %add3A_1210 = arith.addi %add3A_1092, %all_reduce_population_count3A_1209 : vector<16xi32>
    %eq3A_1211 = arith.constant 2 : i32
    %eq3A_1212 = vector.broadcast %eq3A_1211 : i32 to vector<16xi32>
    %eq3A_1213 = arith.cmpi eq, %get3A_1180, %eq3A_1212 : vector<16xi32>
    %convert_element_type3A_1214 = arith.extui %eq3A_1213 : vector<16xi1> to vector<16xi32>
    %broadcast_in_dim3A_1215 = arith.constant true
    %broadcast_in_dim3A_1216 = vector.broadcast %broadcast_in_dim3A_1215 : i1 to vector<16xi1>
    %masked_cumsum3A_1217 = tpu.scan <sum>, %convert_element_type3A_1214 masked %broadcast_in_dim3A_1216 : vector<16xi32>, vector<16xi1> -> vector<16xi32>
    %add3A_1218 = arith.addi %add3A_1106, %masked_cumsum3A_1217 : vector<16xi32>
    %sub3A_1219 = arith.constant 1 : i32
    %sub3A_1220 = vector.broadcast %sub3A_1219 : i32 to vector<16xi32>
    %sub3A_1221 = arith.subi %add3A_1218, %sub3A_1220 : vector<16xi32>
    %select_n3A_1222 = arith.select %eq3A_1213, %sub3A_1221, %select_n3A_1208 : vector<16xi1>, vector<16xi32>
    %all_reduce_population_count3A_1223 = tpu.all_reduce %eq3A_1213 {dim = 0 : i64, kind = #tpu.reduction_kind<sum>} : vector<16xi1> -> vector<16xi32>
    %add3A_1224 = arith.addi %add3A_1106, %all_reduce_population_count3A_1223 : vector<16xi32>
    %eq3A_1225 = arith.constant 3 : i32
    %eq3A_1226 = vector.broadcast %eq3A_1225 : i32 to vector<16xi32>
    %eq3A_1227 = arith.cmpi eq, %get3A_1180, %eq3A_1226 : vector<16xi32>
    %convert_element_type3A_1228 = arith.extui %eq3A_1227 : vector<16xi1> to vector<16xi32>
    %broadcast_in_dim3A_1229 = arith.constant true
    %broadcast_in_dim3A_1230 = vector.broadcast %broadcast_in_dim3A_1229 : i1 to vector<16xi1>
    %masked_cumsum3A_1231 = tpu.scan <sum>, %convert_element_type3A_1228 masked %broadcast_in_dim3A_1230 : vector<16xi32>, vector<16xi1> -> vector<16xi32>
    %add3A_1232 = arith.addi %add3A_1120, %masked_cumsum3A_1231 : vector<16xi32>
    %sub3A_1233 = arith.constant 1 : i32
    %sub3A_1234 = vector.broadcast %sub3A_1233 : i32 to vector<16xi32>
    %sub3A_1235 = arith.subi %add3A_1232, %sub3A_1234 : vector<16xi32>
    %select_n3A_1236 = arith.select %eq3A_1227, %sub3A_1235, %select_n3A_1222 : vector<16xi1>, vector<16xi32>
    %all_reduce_population_count3A_1237 = tpu.all_reduce %eq3A_1227 {dim = 0 : i64, kind = #tpu.reduction_kind<sum>} : vector<16xi1> -> vector<16xi32>
    %add3A_1238 = arith.addi %add3A_1120, %all_reduce_population_count3A_1237 : vector<16xi32>
    %eq3A_1239 = arith.constant 4 : i32
    %eq3A_1240 = vector.broadcast %eq3A_1239 : i32 to vector<16xi32>
    %eq3A_1241 = arith.cmpi eq, %get3A_1180, %eq3A_1240 : vector<16xi32>
    %convert_element_type3A_1242 = arith.extui %eq3A_1241 : vector<16xi1> to vector<16xi32>
    %broadcast_in_dim3A_1243 = arith.constant true
    %broadcast_in_dim3A_1244 = vector.broadcast %broadcast_in_dim3A_1243 : i1 to vector<16xi1>
    %masked_cumsum3A_1245 = tpu.scan <sum>, %convert_element_type3A_1242 masked %broadcast_in_dim3A_1244 : vector<16xi32>, vector<16xi1> -> vector<16xi32>
    %add3A_1246 = arith.addi %add3A_1134, %masked_cumsum3A_1245 : vector<16xi32>
    %sub3A_1247 = arith.constant 1 : i32
    %sub3A_1248 = vector.broadcast %sub3A_1247 : i32 to vector<16xi32>
    %sub3A_1249 = arith.subi %add3A_1246, %sub3A_1248 : vector<16xi32>
    %select_n3A_1250 = arith.select %eq3A_1241, %sub3A_1249, %select_n3A_1236 : vector<16xi1>, vector<16xi32>
    %all_reduce_population_count3A_1251 = tpu.all_reduce %eq3A_1241 {dim = 0 : i64, kind = #tpu.reduction_kind<sum>} : vector<16xi1> -> vector<16xi32>
    %add3A_1252 = arith.addi %add3A_1134, %all_reduce_population_count3A_1251 : vector<16xi32>
    %eq3A_1253 = arith.constant 5 : i32
    %eq3A_1254 = vector.broadcast %eq3A_1253 : i32 to vector<16xi32>
    %eq3A_1255 = arith.cmpi eq, %get3A_1180, %eq3A_1254 : vector<16xi32>
    %convert_element_type3A_1256 = arith.extui %eq3A_1255 : vector<16xi1> to vector<16xi32>
    %broadcast_in_dim3A_1257 = arith.constant true
    %broadcast_in_dim3A_1258 = vector.broadcast %broadcast_in_dim3A_1257 : i1 to vector<16xi1>
    %masked_cumsum3A_1259 = tpu.scan <sum>, %convert_element_type3A_1256 masked %broadcast_in_dim3A_1258 : vector<16xi32>, vector<16xi1> -> vector<16xi32>
    %add3A_1260 = arith.addi %add3A_1148, %masked_cumsum3A_1259 : vector<16xi32>
    %sub3A_1261 = arith.constant 1 : i32
    %sub3A_1262 = vector.broadcast %sub3A_1261 : i32 to vector<16xi32>
    %sub3A_1263 = arith.subi %add3A_1260, %sub3A_1262 : vector<16xi32>
    %select_n3A_1264 = arith.select %eq3A_1255, %sub3A_1263, %select_n3A_1250 : vector<16xi1>, vector<16xi32>
    %all_reduce_population_count3A_1265 = tpu.all_reduce %eq3A_1255 {dim = 0 : i64, kind = #tpu.reduction_kind<sum>} : vector<16xi1> -> vector<16xi32>
    %add3A_1266 = arith.addi %add3A_1148, %all_reduce_population_count3A_1265 : vector<16xi32>
    %eq3A_1267 = arith.constant 6 : i32
    %eq3A_1268 = vector.broadcast %eq3A_1267 : i32 to vector<16xi32>
    %eq3A_1269 = arith.cmpi eq, %get3A_1180, %eq3A_1268 : vector<16xi32>
    %convert_element_type3A_1270 = arith.extui %eq3A_1269 : vector<16xi1> to vector<16xi32>
    %broadcast_in_dim3A_1271 = arith.constant true
    %broadcast_in_dim3A_1272 = vector.broadcast %broadcast_in_dim3A_1271 : i1 to vector<16xi1>
    %masked_cumsum3A_1273 = tpu.scan <sum>, %convert_element_type3A_1270 masked %broadcast_in_dim3A_1272 : vector<16xi32>, vector<16xi1> -> vector<16xi32>
    %add3A_1274 = arith.addi %add3A_1162, %masked_cumsum3A_1273 : vector<16xi32>
    %sub3A_1275 = arith.constant 1 : i32
    %sub3A_1276 = vector.broadcast %sub3A_1275 : i32 to vector<16xi32>
    %sub3A_1277 = arith.subi %add3A_1274, %sub3A_1276 : vector<16xi32>
    %select_n3A_1278 = arith.select %eq3A_1269, %sub3A_1277, %select_n3A_1264 : vector<16xi1>, vector<16xi32>
    %all_reduce_population_count3A_1279 = tpu.all_reduce %eq3A_1269 {dim = 0 : i64, kind = #tpu.reduction_kind<sum>} : vector<16xi1> -> vector<16xi32>
    %add3A_1280 = arith.addi %add3A_1162, %all_reduce_population_count3A_1279 : vector<16xi32>
    %eq3A_1281 = arith.constant 7 : i32
    %eq3A_1282 = vector.broadcast %eq3A_1281 : i32 to vector<16xi32>
    %eq3A_1283 = arith.cmpi eq, %get3A_1180, %eq3A_1282 : vector<16xi32>
    %convert_element_type3A_1284 = arith.extui %eq3A_1283 : vector<16xi1> to vector<16xi32>
    %broadcast_in_dim3A_1285 = arith.constant true
    %broadcast_in_dim3A_1286 = vector.broadcast %broadcast_in_dim3A_1285 : i1 to vector<16xi1>
    %masked_cumsum3A_1287 = tpu.scan <sum>, %convert_element_type3A_1284 masked %broadcast_in_dim3A_1286 : vector<16xi32>, vector<16xi1> -> vector<16xi32>
    %add3A_1288 = arith.addi %add3A_1176, %masked_cumsum3A_1287 : vector<16xi32>
    %sub3A_1289 = arith.constant 1 : i32
    %sub3A_1290 = vector.broadcast %sub3A_1289 : i32 to vector<16xi32>
    %sub3A_1291 = arith.subi %add3A_1288, %sub3A_1290 : vector<16xi32>
    %select_n3A_1292 = arith.select %eq3A_1283, %sub3A_1291, %select_n3A_1278 : vector<16xi1>, vector<16xi32>
    %all_reduce_population_count3A_1293 = tpu.all_reduce %eq3A_1283 {dim = 0 : i64, kind = #tpu.reduction_kind<sum>} : vector<16xi1> -> vector<16xi32>
    %add3A_1294 = arith.addi %add3A_1176, %all_reduce_population_count3A_1293 : vector<16xi32>
    %swap3A_1295 = arith.constant 16 : index
    %swap3A_1296 = tpu.vector_load %arg12[%swap3A_1295] {strides = array<i32>} : memref<256xi32, #tpu.memory_space<vmem>>, vector<16xi32>,
    tpu.vector_store %arg12[%swap3A_1295], %select_n3A_1292 {strides = array<i32>} : memref<256xi32, #tpu.memory_space<vmem>>, vector<16xi32>,
    %get3A_1297 = arith.constant 32 : index
    %get3A_1298 = tpu.vector_load %arg9[%get3A_1297] {strides = array<i32>} : memref<256xi32, #tpu.memory_space<vmem>>, vector<16xi32>,
    %broadcast_in_dim3A_1299 = arith.constant 0 : i32
    %broadcast_in_dim3A_1300 = vector.broadcast %broadcast_in_dim3A_1299 : i32 to vector<16xi32>
    %eq3A_1301 = arith.constant 0 : i32
    %eq3A_1302 = vector.broadcast %eq3A_1301 : i32 to vector<16xi32>
    %eq3A_1303 = arith.cmpi eq, %get3A_1298, %eq3A_1302 : vector<16xi32>
    %convert_element_type3A_1304 = arith.extui %eq3A_1303 : vector<16xi1> to vector<16xi32>
    %broadcast_in_dim3A_1305 = arith.constant true
    %broadcast_in_dim3A_1306 = vector.broadcast %broadcast_in_dim3A_1305 : i1 to vector<16xi1>
    %masked_cumsum3A_1307 = tpu.scan <sum>, %convert_element_type3A_1304 masked %broadcast_in_dim3A_1306 : vector<16xi32>, vector<16xi1> -> vector<16xi32>
    %add3A_1308 = arith.addi %add3A_1196, %masked_cumsum3A_1307 : vector<16xi32>
    %sub3A_1309 = arith.constant 1 : i32
    %sub3A_1310 = vector.broadcast %sub3A_1309 : i32 to vector<16xi32>
    %sub3A_1311 = arith.subi %add3A_1308, %sub3A_1310 : vector<16xi32>
    %select_n3A_1312 = arith.select %eq3A_1303, %sub3A_1311, %broadcast_in_dim3A_1300 : vector<16xi1>, vector<16xi32>
    %all_reduce_population_count3A_1313 = tpu.all_reduce %eq3A_1303 {dim = 0 : i64, kind = #tpu.reduction_kind<sum>} : vector<16xi1> -> vector<16xi32>
    %add3A_1314 = arith.addi %add3A_1196, %all_reduce_population_count3A_1313 : vector<16xi32>
    %eq3A_1315 = arith.constant 1 : i32
    %eq3A_1316 = vector.broadcast %eq3A_1315 : i32 to vector<16xi32>
    %eq3A_1317 = arith.cmpi eq, %get3A_1298, %eq3A_1316 : vector<16xi32>
    %convert_element_type3A_1318 = arith.extui %eq3A_1317 : vector<16xi1> to vector<16xi32>
    %broadcast_in_dim3A_1319 = arith.constant true
    %broadcast_in_dim3A_1320 = vector.broadcast %broadcast_in_dim3A_1319 : i1 to vector<16xi1>
    %masked_cumsum3A_1321 = tpu.scan <sum>, %convert_element_type3A_1318 masked %broadcast_in_dim3A_1320 : vector<16xi32>, vector<16xi1> -> vector<16xi32>
    %add3A_1322 = arith.addi %add3A_1210, %masked_cumsum3A_1321 : vector<16xi32>
    %sub3A_1323 = arith.constant 1 : i32
    %sub3A_1324 = vector.broadcast %sub3A_1323 : i32 to vector<16xi32>
    %sub3A_1325 = arith.subi %add3A_1322, %sub3A_1324 : vector<16xi32>
    %select_n3A_1326 = arith.select %eq3A_1317, %sub3A_1325, %select_n3A_1312 : vector<16xi1>, vector<16xi32>
    %all_reduce_population_count3A_1327 = tpu.all_reduce %eq3A_1317 {dim = 0 : i64, kind = #tpu.reduction_kind<sum>} : vector<16xi1> -> vector<16xi32>
    %add3A_1328 = arith.addi %add3A_1210, %all_reduce_population_count3A_1327 : vector<16xi32>
    %eq3A_1329 = arith.constant 2 : i32
    %eq3A_1330 = vector.broadcast %eq3A_1329 : i32 to vector<16xi32>
    %eq3A_1331 = arith.cmpi eq, %get3A_1298, %eq3A_1330 : vector<16xi32>
    %convert_element_type3A_1332 = arith.extui %eq3A_1331 : vector<16xi1> to vector<16xi32>
    %broadcast_in_dim3A_1333 = arith.constant true
    %broadcast_in_dim3A_1334 = vector.broadcast %broadcast_in_dim3A_1333 : i1 to vector<16xi1>
    %masked_cumsum3A_1335 = tpu.scan <sum>, %convert_element_type3A_1332 masked %broadcast_in_dim3A_1334 : vector<16xi32>, vector<16xi1> -> vector<16xi32>
    %add3A_1336 = arith.addi %add3A_1224, %masked_cumsum3A_1335 : vector<16xi32>
    %sub3A_1337 = arith.constant 1 : i32
    %sub3A_1338 = vector.broadcast %sub3A_1337 : i32 to vector<16xi32>
    %sub3A_1339 = arith.subi %add3A_1336, %sub3A_1338 : vector<16xi32>
    %select_n3A_1340 = arith.select %eq3A_1331, %sub3A_1339, %select_n3A_1326 : vector<16xi1>, vector<16xi32>
    %all_reduce_population_count3A_1341 = tpu.all_reduce %eq3A_1331 {dim = 0 : i64, kind = #tpu.reduction_kind<sum>} : vector<16xi1> -> vector<16xi32>
    %add3A_1342 = arith.addi %add3A_1224, %all_reduce_population_count3A_1341 : vector<16xi32>
    %eq3A_1343 = arith.constant 3 : i32
    %eq3A_1344 = vector.broadcast %eq3A_1343 : i32 to vector<16xi32>
    %eq3A_1345 = arith.cmpi eq, %get3A_1298, %eq3A_1344 : vector<16xi32>
    %convert_element_type3A_1346 = arith.extui %eq3A_1345 : vector<16xi1> to vector<16xi32>
    %broadcast_in_dim3A_1347 = arith.constant true
    %broadcast_in_dim3A_1348 = vector.broadcast %broadcast_in_dim3A_1347 : i1 to vector<16xi1>
    %masked_cumsum3A_1349 = tpu.scan <sum>, %convert_element_type3A_1346 masked %broadcast_in_dim3A_1348 : vector<16xi32>, vector<16xi1> -> vector<16xi32>
    %add3A_1350 = arith.addi %add3A_1238, %masked_cumsum3A_1349 : vector<16xi32>
    %sub3A_1351 = arith.constant 1 : i32
    %sub3A_1352 = vector.broadcast %sub3A_1351 : i32 to vector<16xi32>
    %sub3A_1353 = arith.subi %add3A_1350, %sub3A_1352 : vector<16xi32>
    %select_n3A_1354 = arith.select %eq3A_1345, %sub3A_1353, %select_n3A_1340 : vector<16xi1>, vector<16xi32>
    %all_reduce_population_count3A_1355 = tpu.all_reduce %eq3A_1345 {dim = 0 : i64, kind = #tpu.reduction_kind<sum>} : vector<16xi1> -> vector<16xi32>
    %add3A_1356 = arith.addi %add3A_1238, %all_reduce_population_count3A_1355 : vector<16xi32>
    %eq3A_1357 = arith.constant 4 : i32
    %eq3A_1358 = vector.broadcast %eq3A_1357 : i32 to vector<16xi32>
    %eq3A_1359 = arith.cmpi eq, %get3A_1298, %eq3A_1358 : vector<16xi32>
    %convert_element_type3A_1360 = arith.extui %eq3A_1359 : vector<16xi1> to vector<16xi32>
    %broadcast_in_dim3A_1361 = arith.constant true
    %broadcast_in_dim3A_1362 = vector.broadcast %broadcast_in_dim3A_1361 : i1 to vector<16xi1>
    %masked_cumsum3A_1363 = tpu.scan <sum>, %convert_element_type3A_1360 masked %broadcast_in_dim3A_1362 : vector<16xi32>, vector<16xi1> -> vector<16xi32>
    %add3A_1364 = arith.addi %add3A_1252, %masked_cumsum3A_1363 : vector<16xi32>
    %sub3A_1365 = arith.constant 1 : i32
    %sub3A_1366 = vector.broadcast %sub3A_1365 : i32 to vector<16xi32>
    %sub3A_1367 = arith.subi %add3A_1364, %sub3A_1366 : vector<16xi32>
    %select_n3A_1368 = arith.select %eq3A_1359, %sub3A_1367, %select_n3A_1354 : vector<16xi1>, vector<16xi32>
    %all_reduce_population_count3A_1369 = tpu.all_reduce %eq3A_1359 {dim = 0 : i64, kind = #tpu.reduction_kind<sum>} : vector<16xi1> -> vector<16xi32>
    %add3A_1370 = arith.addi %add3A_1252, %all_reduce_population_count3A_1369 : vector<16xi32>
    %eq3A_1371 = arith.constant 5 : i32
    %eq3A_1372 = vector.broadcast %eq3A_1371 : i32 to vector<16xi32>
    %eq3A_1373 = arith.cmpi eq, %get3A_1298, %eq3A_1372 : vector<16xi32>
    %convert_element_type3A_1374 = arith.extui %eq3A_1373 : vector<16xi1> to vector<16xi32>
    %broadcast_in_dim3A_1375 = arith.constant true
    %broadcast_in_dim3A_1376 = vector.broadcast %broadcast_in_dim3A_1375 : i1 to vector<16xi1>
    %masked_cumsum3A_1377 = tpu.scan <sum>, %convert_element_type3A_1374 masked %broadcast_in_dim3A_1376 : vector<16xi32>, vector<16xi1> -> vector<16xi32>
    %add3A_1378 = arith.addi %add3A_1266, %masked_cumsum3A_1377 : vector<16xi32>
    %sub3A_1379 = arith.constant 1 : i32
    %sub3A_1380 = vector.broadcast %sub3A_1379 : i32 to vector<16xi32>
    %sub3A_1381 = arith.subi %add3A_1378, %sub3A_1380 : vector<16xi32>
    %select_n3A_1382 = arith.select %eq3A_1373, %sub3A_1381, %select_n3A_1368 : vector<16xi1>, vector<16xi32>
    %all_reduce_population_count3A_1383 = tpu.all_reduce %eq3A_1373 {dim = 0 : i64, kind = #tpu.reduction_kind<sum>} : vector<16xi1> -> vector<16xi32>
    %add3A_1384 = arith.addi %add3A_1266, %all_reduce_population_count3A_1383 : vector<16xi32>
    %eq3A_1385 = arith.constant 6 : i32
    %eq3A_1386 = vector.broadcast %eq3A_1385 : i32 to vector<16xi32>
    %eq3A_1387 = arith.cmpi eq, %get3A_1298, %eq3A_1386 : vector<16xi32>
    %convert_element_type3A_1388 = arith.extui %eq3A_1387 : vector<16xi1> to vector<16xi32>
    %broadcast_in_dim3A_1389 = arith.constant true
    %broadcast_in_dim3A_1390 = vector.broadcast %broadcast_in_dim3A_1389 : i1 to vector<16xi1>
    %masked_cumsum3A_1391 = tpu.scan <sum>, %convert_element_type3A_1388 masked %broadcast_in_dim3A_1390 : vector<16xi32>, vector<16xi1> -> vector<16xi32>
    %add3A_1392 = arith.addi %add3A_1280, %masked_cumsum3A_1391 : vector<16xi32>
    %sub3A_1393 = arith.constant 1 : i32
    %sub3A_1394 = vector.broadcast %sub3A_1393 : i32 to vector<16xi32>
    %sub3A_1395 = arith.subi %add3A_1392, %sub3A_1394 : vector<16xi32>
    %select_n3A_1396 = arith.select %eq3A_1387, %sub3A_1395, %select_n3A_1382 : vector<16xi1>, vector<16xi32>
    %all_reduce_population_count3A_1397 = tpu.all_reduce %eq3A_1387 {dim = 0 : i64, kind = #tpu.reduction_kind<sum>} : vector<16xi1> -> vector<16xi32>
    %add3A_1398 = arith.addi %add3A_1280, %all_reduce_population_count3A_1397 : vector<16xi32>
    %eq3A_1399 = arith.constant 7 : i32
    %eq3A_1400 = vector.broadcast %eq3A_1399 : i32 to vector<16xi32>
    %eq3A_1401 = arith.cmpi eq, %get3A_1298, %eq3A_1400 : vector<16xi32>
    %convert_element_type3A_1402 = arith.extui %eq3A_1401 : vector<16xi1> to vector<16xi32>
    %broadcast_in_dim3A_1403 = arith.constant true
    %broadcast_in_dim3A_1404 = vector.broadcast %broadcast_in_dim3A_1403 : i1 to vector<16xi1>
    %masked_cumsum3A_1405 = tpu.scan <sum>, %convert_element_type3A_1402 masked %broadcast_in_dim3A_1404 : vector<16xi32>, vector<16xi1> -> vector<16xi32>
    %add3A_1406 = arith.addi %add3A_1294, %masked_cumsum3A_1405 : vector<16xi32>
    %sub3A_1407 = arith.constant 1 : i32
    %sub3A_1408 = vector.broadcast %sub3A_1407 : i32 to vector<16xi32>
    %sub3A_1409 = arith.subi %add3A_1406, %sub3A_1408 : vector<16xi32>
    %select_n3A_1410 = arith.select %eq3A_1401, %sub3A_1409, %select_n3A_1396 : vector<16xi1>, vector<16xi32>
    %all_reduce_population_count3A_1411 = tpu.all_reduce %eq3A_1401 {dim = 0 : i64, kind = #tpu.reduction_kind<sum>} : vector<16xi1> -> vector<16xi32>
    %add3A_1412 = arith.addi %add3A_1294, %all_reduce_population_count3A_1411 : vector<16xi32>
    %swap3A_1413 = arith.constant 32 : index
    %swap3A_1414 = tpu.vector_load %arg12[%swap3A_1413] {strides = array<i32>} : memref<256xi32, #tpu.memory_space<vmem>>, vector<16xi32>,
    tpu.vector_store %arg12[%swap3A_1413], %select_n3A_1410 {strides = array<i32>} : memref<256xi32, #tpu.memory_space<vmem>>, vector<16xi32>,
    %get3A_1415 = arith.constant 48 : index
    %get3A_1416 = tpu.vector_load %arg9[%get3A_1415] {strides = array<i32>} : memref<256xi32, #tpu.memory_space<vmem>>, vector<16xi32>,
    %broadcast_in_dim3A_1417 = arith.constant 0 : i32
    %broadcast_in_dim3A_1418 = vector.broadcast %broadcast_in_dim3A_1417 : i32 to vector<16xi32>
    %eq3A_1419 = arith.constant 0 : i32
    %eq3A_1420 = vector.broadcast %eq3A_1419 : i32 to vector<16xi32>
    %eq3A_1421 = arith.cmpi eq, %get3A_1416, %eq3A_1420 : vector<16xi32>
    %convert_element_type3A_1422 = arith.extui %eq3A_1421 : vector<16xi1> to vector<16xi32>
    %broadcast_in_dim3A_1423 = arith.constant true
    %broadcast_in_dim3A_1424 = vector.broadcast %broadcast_in_dim3A_1423 : i1 to vector<16xi1>
    %masked_cumsum3A_1425 = tpu.scan <sum>, %convert_element_type3A_1422 masked %broadcast_in_dim3A_1424 : vector<16xi32>, vector<16xi1> -> vector<16xi32>
    %add3A_1426 = arith.addi %add3A_1314, %masked_cumsum3A_1425 : vector<16xi32>
    %sub3A_1427 = arith.constant 1 : i32
    %sub3A_1428 = vector.broadcast %sub3A_1427 : i32 to vector<16xi32>
    %sub3A_1429 = arith.subi %add3A_1426, %sub3A_1428 : vector<16xi32>
    %select_n3A_1430 = arith.select %eq3A_1421, %sub3A_1429, %broadcast_in_dim3A_1418 : vector<16xi1>, vector<16xi32>
    %all_reduce_population_count3A_1431 = tpu.all_reduce %eq3A_1421 {dim = 0 : i64, kind = #tpu.reduction_kind<sum>} : vector<16xi1> -> vector<16xi32>
    %add3A_1432 = arith.addi %add3A_1314, %all_reduce_population_count3A_1431 : vector<16xi32>
    %eq3A_1433 = arith.constant 1 : i32
    %eq3A_1434 = vector.broadcast %eq3A_1433 : i32 to vector<16xi32>
    %eq3A_1435 = arith.cmpi eq, %get3A_1416, %eq3A_1434 : vector<16xi32>
    %convert_element_type3A_1436 = arith.extui %eq3A_1435 : vector<16xi1> to vector<16xi32>
    %broadcast_in_dim3A_1437 = arith.constant true
    %broadcast_in_dim3A_1438 = vector.broadcast %broadcast_in_dim3A_1437 : i1 to vector<16xi1>
    %masked_cumsum3A_1439 = tpu.scan <sum>, %convert_element_type3A_1436 masked %broadcast_in_dim3A_1438 : vector<16xi32>, vector<16xi1> -> vector<16xi32>
    %add3A_1440 = arith.addi %add3A_1328, %masked_cumsum3A_1439 : vector<16xi32>
    %sub3A_1441 = arith.constant 1 : i32
    %sub3A_1442 = vector.broadcast %sub3A_1441 : i32 to vector<16xi32>
    %sub3A_1443 = arith.subi %add3A_1440, %sub3A_1442 : vector<16xi32>
    %select_n3A_1444 = arith.select %eq3A_1435, %sub3A_1443, %select_n3A_1430 : vector<16xi1>, vector<16xi32>
    %all_reduce_population_count3A_1445 = tpu.all_reduce %eq3A_1435 {dim = 0 : i64, kind = #tpu.reduction_kind<sum>} : vector<16xi1> -> vector<16xi32>
    %add3A_1446 = arith.addi %add3A_1328, %all_reduce_population_count3A_1445 : vector<16xi32>
    %eq3A_1447 = arith.constant 2 : i32
    %eq3A_1448 = vector.broadcast %eq3A_1447 : i32 to vector<16xi32>
    %eq3A_1449 = arith.cmpi eq, %get3A_1416, %eq3A_1448 : vector<16xi32>
    %convert_element_type3A_1450 = arith.extui %eq3A_1449 : vector<16xi1> to vector<16xi32>
    %broadcast_in_dim3A_1451 = arith.constant true
    %broadcast_in_dim3A_1452 = vector.broadcast %broadcast_in_dim3A_1451 : i1 to vector<16xi1>
    %masked_cumsum3A_1453 = tpu.scan <sum>, %convert_element_type3A_1450 masked %broadcast_in_dim3A_1452 : vector<16xi32>, vector<16xi1> -> vector<16xi32>
    %add3A_1454 = arith.addi %add3A_1342, %masked_cumsum3A_1453 : vector<16xi32>
    %sub3A_1455 = arith.constant 1 : i32
    %sub3A_1456 = vector.broadcast %sub3A_1455 : i32 to vector<16xi32>
    %sub3A_1457 = arith.subi %add3A_1454, %sub3A_1456 : vector<16xi32>
    %select_n3A_1458 = arith.select %eq3A_1449, %sub3A_1457, %select_n3A_1444 : vector<16xi1>, vector<16xi32>
    %all_reduce_population_count3A_1459 = tpu.all_reduce %eq3A_1449 {dim = 0 : i64, kind = #tpu.reduction_kind<sum>} : vector<16xi1> -> vector<16xi32>
    %add3A_1460 = arith.addi %add3A_1342, %all_reduce_population_count3A_1459 : vector<16xi32>
    %eq3A_1461 = arith.constant 3 : i32
    %eq3A_1462 = vector.broadcast %eq3A_1461 : i32 to vector<16xi32>
    %eq3A_1463 = arith.cmpi eq, %get3A_1416, %eq3A_1462 : vector<16xi32>
    %convert_element_type3A_1464 = arith.extui %eq3A_1463 : vector<16xi1> to vector<16xi32>
    %broadcast_in_dim3A_1465 = arith.constant true
    %broadcast_in_dim3A_1466 = vector.broadcast %broadcast_in_dim3A_1465 : i1 to vector<16xi1>
    %masked_cumsum3A_1467 = tpu.scan <sum>, %convert_element_type3A_1464 masked %broadcast_in_dim3A_1466 : vector<16xi32>, vector<16xi1> -> vector<16xi32>
    %add3A_1468 = arith.addi %add3A_1356, %masked_cumsum3A_1467 : vector<16xi32>
    %sub3A_1469 = arith.constant 1 : i32
    %sub3A_1470 = vector.broadcast %sub3A_1469 : i32 to vector<16xi32>
    %sub3A_1471 = arith.subi %add3A_1468, %sub3A_1470 : vector<16xi32>
    %select_n3A_1472 = arith.select %eq3A_1463, %sub3A_1471, %select_n3A_1458 : vector<16xi1>, vector<16xi32>
    %all_reduce_population_count3A_1473 = tpu.all_reduce %eq3A_1463 {dim = 0 : i64, kind = #tpu.reduction_kind<sum>} : vector<16xi1> -> vector<16xi32>
    %add3A_1474 = arith.addi %add3A_1356, %all_reduce_population_count3A_1473 : vector<16xi32>
    %eq3A_1475 = arith.constant 4 : i32
    %eq3A_1476 = vector.broadcast %eq3A_1475 : i32 to vector<16xi32>
    %eq3A_1477 = arith.cmpi eq, %get3A_1416, %eq3A_1476 : vector<16xi32>
    %convert_element_type3A_1478 = arith.extui %eq3A_1477 : vector<16xi1> to vector<16xi32>
    %broadcast_in_dim3A_1479 = arith.constant true
    %broadcast_in_dim3A_1480 = vector.broadcast %broadcast_in_dim3A_1479 : i1 to vector<16xi1>
    %masked_cumsum3A_1481 = tpu.scan <sum>, %convert_element_type3A_1478 masked %broadcast_in_dim3A_1480 : vector<16xi32>, vector<16xi1> -> vector<16xi32>
    %add3A_1482 = arith.addi %add3A_1370, %masked_cumsum3A_1481 : vector<16xi32>
    %sub3A_1483 = arith.constant 1 : i32
    %sub3A_1484 = vector.broadcast %sub3A_1483 : i32 to vector<16xi32>
    %sub3A_1485 = arith.subi %add3A_1482, %sub3A_1484 : vector<16xi32>
    %select_n3A_1486 = arith.select %eq3A_1477, %sub3A_1485, %select_n3A_1472 : vector<16xi1>, vector<16xi32>
    %all_reduce_population_count3A_1487 = tpu.all_reduce %eq3A_1477 {dim = 0 : i64, kind = #tpu.reduction_kind<sum>} : vector<16xi1> -> vector<16xi32>
    %add3A_1488 = arith.addi %add3A_1370, %all_reduce_population_count3A_1487 : vector<16xi32>
    %eq3A_1489 = arith.constant 5 : i32
    %eq3A_1490 = vector.broadcast %eq3A_1489 : i32 to vector<16xi32>
    %eq3A_1491 = arith.cmpi eq, %get3A_1416, %eq3A_1490 : vector<16xi32>
    %convert_element_type3A_1492 = arith.extui %eq3A_1491 : vector<16xi1> to vector<16xi32>
    %broadcast_in_dim3A_1493 = arith.constant true
    %broadcast_in_dim3A_1494 = vector.broadcast %broadcast_in_dim3A_1493 : i1 to vector<16xi1>
    %masked_cumsum3A_1495 = tpu.scan <sum>, %convert_element_type3A_1492 masked %broadcast_in_dim3A_1494 : vector<16xi32>, vector<16xi1> -> vector<16xi32>
    %add3A_1496 = arith.addi %add3A_1384, %masked_cumsum3A_1495 : vector<16xi32>
    %sub3A_1497 = arith.constant 1 : i32
    %sub3A_1498 = vector.broadcast %sub3A_1497 : i32 to vector<16xi32>
    %sub3A_1499 = arith.subi %add3A_1496, %sub3A_1498 : vector<16xi32>
    %select_n3A_1500 = arith.select %eq3A_1491, %sub3A_1499, %select_n3A_1486 : vector<16xi1>, vector<16xi32>
    %all_reduce_population_count3A_1501 = tpu.all_reduce %eq3A_1491 {dim = 0 : i64, kind = #tpu.reduction_kind<sum>} : vector<16xi1> -> vector<16xi32>
    %add3A_1502 = arith.addi %add3A_1384, %all_reduce_population_count3A_1501 : vector<16xi32>
    %eq3A_1503 = arith.constant 6 : i32
    %eq3A_1504 = vector.broadcast %eq3A_1503 : i32 to vector<16xi32>
    %eq3A_1505 = arith.cmpi eq, %get3A_1416, %eq3A_1504 : vector<16xi32>
    %convert_element_type3A_1506 = arith.extui %eq3A_1505 : vector<16xi1> to vector<16xi32>
    %broadcast_in_dim3A_1507 = arith.constant true
    %broadcast_in_dim3A_1508 = vector.broadcast %broadcast_in_dim3A_1507 : i1 to vector<16xi1>
    %masked_cumsum3A_1509 = tpu.scan <sum>, %convert_element_type3A_1506 masked %broadcast_in_dim3A_1508 : vector<16xi32>, vector<16xi1> -> vector<16xi32>
    %add3A_1510 = arith.addi %add3A_1398, %masked_cumsum3A_1509 : vector<16xi32>
    %sub3A_1511 = arith.constant 1 : i32
    %sub3A_1512 = vector.broadcast %sub3A_1511 : i32 to vector<16xi32>
    %sub3A_1513 = arith.subi %add3A_1510, %sub3A_1512 : vector<16xi32>
    %select_n3A_1514 = arith.select %eq3A_1505, %sub3A_1513, %select_n3A_1500 : vector<16xi1>, vector<16xi32>
    %all_reduce_population_count3A_1515 = tpu.all_reduce %eq3A_1505 {dim = 0 : i64, kind = #tpu.reduction_kind<sum>} : vector<16xi1> -> vector<16xi32>
    %add3A_1516 = arith.addi %add3A_1398, %all_reduce_population_count3A_1515 : vector<16xi32>
    %eq3A_1517 = arith.constant 7 : i32
    %eq3A_1518 = vector.broadcast %eq3A_1517 : i32 to vector<16xi32>
    %eq3A_1519 = arith.cmpi eq, %get3A_1416, %eq3A_1518 : vector<16xi32>
    %convert_element_type3A_1520 = arith.extui %eq3A_1519 : vector<16xi1> to vector<16xi32>
    %broadcast_in_dim3A_1521 = arith.constant true
    %broadcast_in_dim3A_1522 = vector.broadcast %broadcast_in_dim3A_1521 : i1 to vector<16xi1>
    %masked_cumsum3A_1523 = tpu.scan <sum>, %convert_element_type3A_1520 masked %broadcast_in_dim3A_1522 : vector<16xi32>, vector<16xi1> -> vector<16xi32>
    %add3A_1524 = arith.addi %add3A_1412, %masked_cumsum3A_1523 : vector<16xi32>
    %sub3A_1525 = arith.constant 1 : i32
    %sub3A_1526 = vector.broadcast %sub3A_1525 : i32 to vector<16xi32>
    %sub3A_1527 = arith.subi %add3A_1524, %sub3A_1526 : vector<16xi32>
    %select_n3A_1528 = arith.select %eq3A_1519, %sub3A_1527, %select_n3A_1514 : vector<16xi1>, vector<16xi32>
    %all_reduce_population_count3A_1529 = tpu.all_reduce %eq3A_1519 {dim = 0 : i64, kind = #tpu.reduction_kind<sum>} : vector<16xi1> -> vector<16xi32>
    %add3A_1530 = arith.addi %add3A_1412, %all_reduce_population_count3A_1529 : vector<16xi32>
    %swap3A_1531 = arith.constant 48 : index
    %swap3A_1532 = tpu.vector_load %arg12[%swap3A_1531] {strides = array<i32>} : memref<256xi32, #tpu.memory_space<vmem>>, vector<16xi32>,
    tpu.vector_store %arg12[%swap3A_1531], %select_n3A_1528 {strides = array<i32>} : memref<256xi32, #tpu.memory_space<vmem>>, vector<16xi32>,
    %get3A_1533 = arith.constant 64 : index
    %get3A_1534 = tpu.vector_load %arg9[%get3A_1533] {strides = array<i32>} : memref<256xi32, #tpu.memory_space<vmem>>, vector<16xi32>,
    %broadcast_in_dim3A_1535 = arith.constant 0 : i32
    %broadcast_in_dim3A_1536 = vector.broadcast %broadcast_in_dim3A_1535 : i32 to vector<16xi32>
    %eq3A_1537 = arith.constant 0 : i32
    %eq3A_1538 = vector.broadcast %eq3A_1537 : i32 to vector<16xi32>
    %eq3A_1539 = arith.cmpi eq, %get3A_1534, %eq3A_1538 : vector<16xi32>
    %convert_element_type3A_1540 = arith.extui %eq3A_1539 : vector<16xi1> to vector<16xi32>
    %broadcast_in_dim3A_1541 = arith.constant true
    %broadcast_in_dim3A_1542 = vector.broadcast %broadcast_in_dim3A_1541 : i1 to vector<16xi1>
    %masked_cumsum3A_1543 = tpu.scan <sum>, %convert_element_type3A_1540 masked %broadcast_in_dim3A_1542 : vector<16xi32>, vector<16xi1> -> vector<16xi32>
    %add3A_1544 = arith.addi %add3A_1432, %masked_cumsum3A_1543 : vector<16xi32>
    %sub3A_1545 = arith.constant 1 : i32
    %sub3A_1546 = vector.broadcast %sub3A_1545 : i32 to vector<16xi32>
    %sub3A_1547 = arith.subi %add3A_1544, %sub3A_1546 : vector<16xi32>
    %select_n3A_1548 = arith.select %eq3A_1539, %sub3A_1547, %broadcast_in_dim3A_1536 : vector<16xi1>, vector<16xi32>
    %all_reduce_population_count3A_1549 = tpu.all_reduce %eq3A_1539 {dim = 0 : i64, kind = #tpu.reduction_kind<sum>} : vector<16xi1> -> vector<16xi32>
    %add3A_1550 = arith.addi %add3A_1432, %all_reduce_population_count3A_1549 : vector<16xi32>
    %eq3A_1551 = arith.constant 1 : i32
    %eq3A_1552 = vector.broadcast %eq3A_1551 : i32 to vector<16xi32>
    %eq3A_1553 = arith.cmpi eq, %get3A_1534, %eq3A_1552 : vector<16xi32>
    %convert_element_type3A_1554 = arith.extui %eq3A_1553 : vector<16xi1> to vector<16xi32>
    %broadcast_in_dim3A_1555 = arith.constant true
    %broadcast_in_dim3A_1556 = vector.broadcast %broadcast_in_dim3A_1555 : i1 to vector<16xi1>
    %masked_cumsum3A_1557 = tpu.scan <sum>, %convert_element_type3A_1554 masked %broadcast_in_dim3A_1556 : vector<16xi32>, vector<16xi1> -> vector<16xi32>
    %add3A_1558 = arith.addi %add3A_1446, %masked_cumsum3A_1557 : vector<16xi32>
    %sub3A_1559 = arith.constant 1 : i32
    %sub3A_1560 = vector.broadcast %sub3A_1559 : i32 to vector<16xi32>
    %sub3A_1561 = arith.subi %add3A_1558, %sub3A_1560 : vector<16xi32>
    %select_n3A_1562 = arith.select %eq3A_1553, %sub3A_1561, %select_n3A_1548 : vector<16xi1>, vector<16xi32>
    %all_reduce_population_count3A_1563 = tpu.all_reduce %eq3A_1553 {dim = 0 : i64, kind = #tpu.reduction_kind<sum>} : vector<16xi1> -> vector<16xi32>
    %add3A_1564 = arith.addi %add3A_1446, %all_reduce_population_count3A_1563 : vector<16xi32>
    %eq3A_1565 = arith.constant 2 : i32
    %eq3A_1566 = vector.broadcast %eq3A_1565 : i32 to vector<16xi32>
    %eq3A_1567 = arith.cmpi eq, %get3A_1534, %eq3A_1566 : vector<16xi32>
    %convert_element_type3A_1568 = arith.extui %eq3A_1567 : vector<16xi1> to vector<16xi32>
    %broadcast_in_dim3A_1569 = arith.constant true
    %broadcast_in_dim3A_1570 = vector.broadcast %broadcast_in_dim3A_1569 : i1 to vector<16xi1>
    %masked_cumsum3A_1571 = tpu.scan <sum>, %convert_element_type3A_1568 masked %broadcast_in_dim3A_1570 : vector<16xi32>, vector<16xi1> -> vector<16xi32>
    %add3A_1572 = arith.addi %add3A_1460, %masked_cumsum3A_1571 : vector<16xi32>
    %sub3A_1573 = arith.constant 1 : i32
    %sub3A_1574 = vector.broadcast %sub3A_1573 : i32 to vector<16xi32>
    %sub3A_1575 = arith.subi %add3A_1572, %sub3A_1574 : vector<16xi32>
    %select_n3A_1576 = arith.select %eq3A_1567, %sub3A_1575, %select_n3A_1562 : vector<16xi1>, vector<16xi32>
    %all_reduce_population_count3A_1577 = tpu.all_reduce %eq3A_1567 {dim = 0 : i64, kind = #tpu.reduction_kind<sum>} : vector<16xi1> -> vector<16xi32>
    %add3A_1578 = arith.addi %add3A_1460, %all_reduce_population_count3A_1577 : vector<16xi32>
    %eq3A_1579 = arith.constant 3 : i32
    %eq3A_1580 = vector.broadcast %eq3A_1579 : i32 to vector<16xi32>
    %eq3A_1581 = arith.cmpi eq, %get3A_1534, %eq3A_1580 : vector<16xi32>
    %convert_element_type3A_1582 = arith.extui %eq3A_1581 : vector<16xi1> to vector<16xi32>
    %broadcast_in_dim3A_1583 = arith.constant true
    %broadcast_in_dim3A_1584 = vector.broadcast %broadcast_in_dim3A_1583 : i1 to vector<16xi1>
    %masked_cumsum3A_1585 = tpu.scan <sum>, %convert_element_type3A_1582 masked %broadcast_in_dim3A_1584 : vector<16xi32>, vector<16xi1> -> vector<16xi32>
    %add3A_1586 = arith.addi %add3A_1474, %masked_cumsum3A_1585 : vector<16xi32>
    %sub3A_1587 = arith.constant 1 : i32
    %sub3A_1588 = vector.broadcast %sub3A_1587 : i32 to vector<16xi32>
    %sub3A_1589 = arith.subi %add3A_1586, %sub3A_1588 : vector<16xi32>
    %select_n3A_1590 = arith.select %eq3A_1581, %sub3A_1589, %select_n3A_1576 : vector<16xi1>, vector<16xi32>
    %all_reduce_population_count3A_1591 = tpu.all_reduce %eq3A_1581 {dim = 0 : i64, kind = #tpu.reduction_kind<sum>} : vector<16xi1> -> vector<16xi32>
    %add3A_1592 = arith.addi %add3A_1474, %all_reduce_population_count3A_1591 : vector<16xi32>
    %eq3A_1593 = arith.constant 4 : i32
    %eq3A_1594 = vector.broadcast %eq3A_1593 : i32 to vector<16xi32>
    %eq3A_1595 = arith.cmpi eq, %get3A_1534, %eq3A_1594 : vector<16xi32>
    %convert_element_type3A_1596 = arith.extui %eq3A_1595 : vector<16xi1> to vector<16xi32>
    %broadcast_in_dim3A_1597 = arith.constant true
    %broadcast_in_dim3A_1598 = vector.broadcast %broadcast_in_dim3A_1597 : i1 to vector<16xi1>
    %masked_cumsum3A_1599 = tpu.scan <sum>, %convert_element_type3A_1596 masked %broadcast_in_dim3A_1598 : vector<16xi32>, vector<16xi1> -> vector<16xi32>
    %add3A_1600 = arith.addi %add3A_1488, %masked_cumsum3A_1599 : vector<16xi32>
    %sub3A_1601 = arith.constant 1 : i32
    %sub3A_1602 = vector.broadcast %sub3A_1601 : i32 to vector<16xi32>
    %sub3A_1603 = arith.subi %add3A_1600, %sub3A_1602 : vector<16xi32>
    %select_n3A_1604 = arith.select %eq3A_1595, %sub3A_1603, %select_n3A_1590 : vector<16xi1>, vector<16xi32>
    %all_reduce_population_count3A_1605 = tpu.all_reduce %eq3A_1595 {dim = 0 : i64, kind = #tpu.reduction_kind<sum>} : vector<16xi1> -> vector<16xi32>
    %add3A_1606 = arith.addi %add3A_1488, %all_reduce_population_count3A_1605 : vector<16xi32>
    %eq3A_1607 = arith.constant 5 : i32
    %eq3A_1608 = vector.broadcast %eq3A_1607 : i32 to vector<16xi32>
    %eq3A_1609 = arith.cmpi eq, %get3A_1534, %eq3A_1608 : vector<16xi32>
    %convert_element_type3A_1610 = arith.extui %eq3A_1609 : vector<16xi1> to vector<16xi32>
    %broadcast_in_dim3A_1611 = arith.constant true
    %broadcast_in_dim3A_1612 = vector.broadcast %broadcast_in_dim3A_1611 : i1 to vector<16xi1>
    %masked_cumsum3A_1613 = tpu.scan <sum>, %convert_element_type3A_1610 masked %broadcast_in_dim3A_1612 : vector<16xi32>, vector<16xi1> -> vector<16xi32>
    %add3A_1614 = arith.addi %add3A_1502, %masked_cumsum3A_1613 : vector<16xi32>
    %sub3A_1615 = arith.constant 1 : i32
    %sub3A_1616 = vector.broadcast %sub3A_1615 : i32 to vector<16xi32>
    %sub3A_1617 = arith.subi %add3A_1614, %sub3A_1616 : vector<16xi32>
    %select_n3A_1618 = arith.select %eq3A_1609, %sub3A_1617, %select_n3A_1604 : vector<16xi1>, vector<16xi32>
    %all_reduce_population_count3A_1619 = tpu.all_reduce %eq3A_1609 {dim = 0 : i64, kind = #tpu.reduction_kind<sum>} : vector<16xi1> -> vector<16xi32>
    %add3A_1620 = arith.addi %add3A_1502, %all_reduce_population_count3A_1619 : vector<16xi32>
    %eq3A_1621 = arith.constant 6 : i32
    %eq3A_1622 = vector.broadcast %eq3A_1621 : i32 to vector<16xi32>
    %eq3A_1623 = arith.cmpi eq, %get3A_1534, %eq3A_1622 : vector<16xi32>
    %convert_element_type3A_1624 = arith.extui %eq3A_1623 : vector<16xi1> to vector<16xi32>
    %broadcast_in_dim3A_1625 = arith.constant true
    %broadcast_in_dim3A_1626 = vector.broadcast %broadcast_in_dim3A_1625 : i1 to vector<16xi1>
    %masked_cumsum3A_1627 = tpu.scan <sum>, %convert_element_type3A_1624 masked %broadcast_in_dim3A_1626 : vector<16xi32>, vector<16xi1> -> vector<16xi32>
    %add3A_1628 = arith.addi %add3A_1516, %masked_cumsum3A_1627 : vector<16xi32>
    %sub3A_1629 = arith.constant 1 : i32
    %sub3A_1630 = vector.broadcast %sub3A_1629 : i32 to vector<16xi32>
    %sub3A_1631 = arith.subi %add3A_1628, %sub3A_1630 : vector<16xi32>
    %select_n3A_1632 = arith.select %eq3A_1623, %sub3A_1631, %select_n3A_1618 : vector<16xi1>, vector<16xi32>
    %all_reduce_population_count3A_1633 = tpu.all_reduce %eq3A_1623 {dim = 0 : i64, kind = #tpu.reduction_kind<sum>} : vector<16xi1> -> vector<16xi32>
    %add3A_1634 = arith.addi %add3A_1516, %all_reduce_population_count3A_1633 : vector<16xi32>
    %eq3A_1635 = arith.constant 7 : i32
    %eq3A_1636 = vector.broadcast %eq3A_1635 : i32 to vector<16xi32>
    %eq3A_1637 = arith.cmpi eq, %get3A_1534, %eq3A_1636 : vector<16xi32>
    %convert_element_type3A_1638 = arith.extui %eq3A_1637 : vector<16xi1> to vector<16xi32>
    %broadcast_in_dim3A_1639 = arith.constant true
    %broadcast_in_dim3A_1640 = vector.broadcast %broadcast_in_dim3A_1639 : i1 to vector<16xi1>
    %masked_cumsum3A_1641 = tpu.scan <sum>, %convert_element_type3A_1638 masked %broadcast_in_dim3A_1640 : vector<16xi32>, vector<16xi1> -> vector<16xi32>
    %add3A_1642 = arith.addi %add3A_1530, %masked_cumsum3A_1641 : vector<16xi32>
    %sub3A_1643 = arith.constant 1 : i32
    %sub3A_1644 = vector.broadcast %sub3A_1643 : i32 to vector<16xi32>
    %sub3A_1645 = arith.subi %add3A_1642, %sub3A_1644 : vector<16xi32>
    %select_n3A_1646 = arith.select %eq3A_1637, %sub3A_1645, %select_n3A_1632 : vector<16xi1>, vector<16xi32>
    %all_reduce_population_count3A_1647 = tpu.all_reduce %eq3A_1637 {dim = 0 : i64, kind = #tpu.reduction_kind<sum>} : vector<16xi1> -> vector<16xi32>
    %add3A_1648 = arith.addi %add3A_1530, %all_reduce_population_count3A_1647 : vector<16xi32>
    %swap3A_1649 = arith.constant 64 : index
    %swap3A_1650 = tpu.vector_load %arg12[%swap3A_1649] {strides = array<i32>} : memref<256xi32, #tpu.memory_space<vmem>>, vector<16xi32>,
    tpu.vector_store %arg12[%swap3A_1649], %select_n3A_1646 {strides = array<i32>} : memref<256xi32, #tpu.memory_space<vmem>>, vector<16xi32>,
    %get3A_1651 = arith.constant 80 : index
    %get3A_1652 = tpu.vector_load %arg9[%get3A_1651] {strides = array<i32>} : memref<256xi32, #tpu.memory_space<vmem>>, vector<16xi32>,
    %broadcast_in_dim3A_1653 = arith.constant 0 : i32
    %broadcast_in_dim3A_1654 = vector.broadcast %broadcast_in_dim3A_1653 : i32 to vector<16xi32>
    %eq3A_1655 = arith.constant 0 : i32
    %eq3A_1656 = vector.broadcast %eq3A_1655 : i32 to vector<16xi32>
    %eq3A_1657 = arith.cmpi eq, %get3A_1652, %eq3A_1656 : vector<16xi32>
    %convert_element_type3A_1658 = arith.extui %eq3A_1657 : vector<16xi1> to vector<16xi32>
    %broadcast_in_dim3A_1659 = arith.constant true
    %broadcast_in_dim3A_1660 = vector.broadcast %broadcast_in_dim3A_1659 : i1 to vector<16xi1>
    %masked_cumsum3A_1661 = tpu.scan <sum>, %convert_element_type3A_1658 masked %broadcast_in_dim3A_1660 : vector<16xi32>, vector<16xi1> -> vector<16xi32>
    %add3A_1662 = arith.addi %add3A_1550, %masked_cumsum3A_1661 : vector<16xi32>
    %sub3A_1663 = arith.constant 1 : i32
    %sub3A_1664 = vector.broadcast %sub3A_1663 : i32 to vector<16xi32>
    %sub3A_1665 = arith.subi %add3A_1662, %sub3A_1664 : vector<16xi32>
    %select_n3A_1666 = arith.select %eq3A_1657, %sub3A_1665, %broadcast_in_dim3A_1654 : vector<16xi1>, vector<16xi32>
    %all_reduce_population_count3A_1667 = tpu.all_reduce %eq3A_1657 {dim = 0 : i64, kind = #tpu.reduction_kind<sum>} : vector<16xi1> -> vector<16xi32>
    %add3A_1668 = arith.addi %add3A_1550, %all_reduce_population_count3A_1667 : vector<16xi32>
    %eq3A_1669 = arith.constant 1 : i32
    %eq3A_1670 = vector.broadcast %eq3A_1669 : i32 to vector<16xi32>
    %eq3A_1671 = arith.cmpi eq, %get3A_1652, %eq3A_1670 : vector<16xi32>
    %convert_element_type3A_1672 = arith.extui %eq3A_1671 : vector<16xi1> to vector<16xi32>
    %broadcast_in_dim3A_1673 = arith.constant true
    %broadcast_in_dim3A_1674 = vector.broadcast %broadcast_in_dim3A_1673 : i1 to vector<16xi1>
    %masked_cumsum3A_1675 = tpu.scan <sum>, %convert_element_type3A_1672 masked %broadcast_in_dim3A_1674 : vector<16xi32>, vector<16xi1> -> vector<16xi32>
    %add3A_1676 = arith.addi %add3A_1564, %masked_cumsum3A_1675 : vector<16xi32>
    %sub3A_1677 = arith.constant 1 : i32
    %sub3A_1678 = vector.broadcast %sub3A_1677 : i32 to vector<16xi32>
    %sub3A_1679 = arith.subi %add3A_1676, %sub3A_1678 : vector<16xi32>
    %select_n3A_1680 = arith.select %eq3A_1671, %sub3A_1679, %select_n3A_1666 : vector<16xi1>, vector<16xi32>
    %all_reduce_population_count3A_1681 = tpu.all_reduce %eq3A_1671 {dim = 0 : i64, kind = #tpu.reduction_kind<sum>} : vector<16xi1> -> vector<16xi32>
    %add3A_1682 = arith.addi %add3A_1564, %all_reduce_population_count3A_1681 : vector<16xi32>
    %eq3A_1683 = arith.constant 2 : i32
    %eq3A_1684 = vector.broadcast %eq3A_1683 : i32 to vector<16xi32>
    %eq3A_1685 = arith.cmpi eq, %get3A_1652, %eq3A_1684 : vector<16xi32>
    %convert_element_type3A_1686 = arith.extui %eq3A_1685 : vector<16xi1> to vector<16xi32>
    %broadcast_in_dim3A_1687 = arith.constant true
    %broadcast_in_dim3A_1688 = vector.broadcast %broadcast_in_dim3A_1687 : i1 to vector<16xi1>
    %masked_cumsum3A_1689 = tpu.scan <sum>, %convert_element_type3A_1686 masked %broadcast_in_dim3A_1688 : vector<16xi32>, vector<16xi1> -> vector<16xi32>
    %add3A_1690 = arith.addi %add3A_1578, %masked_cumsum3A_1689 : vector<16xi32>
    %sub3A_1691 = arith.constant 1 : i32
    %sub3A_1692 = vector.broadcast %sub3A_1691 : i32 to vector<16xi32>
    %sub3A_1693 = arith.subi %add3A_1690, %sub3A_1692 : vector<16xi32>
    %select_n3A_1694 = arith.select %eq3A_1685, %sub3A_1693, %select_n3A_1680 : vector<16xi1>, vector<16xi32>
    %all_reduce_population_count3A_1695 = tpu.all_reduce %eq3A_1685 {dim = 0 : i64, kind = #tpu.reduction_kind<sum>} : vector<16xi1> -> vector<16xi32>
    %add3A_1696 = arith.addi %add3A_1578, %all_reduce_population_count3A_1695 : vector<16xi32>
    %eq3A_1697 = arith.constant 3 : i32
    %eq3A_1698 = vector.broadcast %eq3A_1697 : i32 to vector<16xi32>
    %eq3A_1699 = arith.cmpi eq, %get3A_1652, %eq3A_1698 : vector<16xi32>
    %convert_element_type3A_1700 = arith.extui %eq3A_1699 : vector<16xi1> to vector<16xi32>
    %broadcast_in_dim3A_1701 = arith.constant true
    %broadcast_in_dim3A_1702 = vector.broadcast %broadcast_in_dim3A_1701 : i1 to vector<16xi1>
    %masked_cumsum3A_1703 = tpu.scan <sum>, %convert_element_type3A_1700 masked %broadcast_in_dim3A_1702 : vector<16xi32>, vector<16xi1> -> vector<16xi32>
    %add3A_1704 = arith.addi %add3A_1592, %masked_cumsum3A_1703 : vector<16xi32>
    %sub3A_1705 = arith.constant 1 : i32
    %sub3A_1706 = vector.broadcast %sub3A_1705 : i32 to vector<16xi32>
    %sub3A_1707 = arith.subi %add3A_1704, %sub3A_1706 : vector<16xi32>
    %select_n3A_1708 = arith.select %eq3A_1699, %sub3A_1707, %select_n3A_1694 : vector<16xi1>, vector<16xi32>
    %all_reduce_population_count3A_1709 = tpu.all_reduce %eq3A_1699 {dim = 0 : i64, kind = #tpu.reduction_kind<sum>} : vector<16xi1> -> vector<16xi32>
    %add3A_1710 = arith.addi %add3A_1592, %all_reduce_population_count3A_1709 : vector<16xi32>
    %eq3A_1711 = arith.constant 4 : i32
    %eq3A_1712 = vector.broadcast %eq3A_1711 : i32 to vector<16xi32>
    %eq3A_1713 = arith.cmpi eq, %get3A_1652, %eq3A_1712 : vector<16xi32>
    %convert_element_type3A_1714 = arith.extui %eq3A_1713 : vector<16xi1> to vector<16xi32>
    %broadcast_in_dim3A_1715 = arith.constant true
    %broadcast_in_dim3A_1716 = vector.broadcast %broadcast_in_dim3A_1715 : i1 to vector<16xi1>
    %masked_cumsum3A_1717 = tpu.scan <sum>, %convert_element_type3A_1714 masked %broadcast_in_dim3A_1716 : vector<16xi32>, vector<16xi1> -> vector<16xi32>
    %add3A_1718 = arith.addi %add3A_1606, %masked_cumsum3A_1717 : vector<16xi32>
    %sub3A_1719 = arith.constant 1 : i32
    %sub3A_1720 = vector.broadcast %sub3A_1719 : i32 to vector<16xi32>
    %sub3A_1721 = arith.subi %add3A_1718, %sub3A_1720 : vector<16xi32>
    %select_n3A_1722 = arith.select %eq3A_1713, %sub3A_1721, %select_n3A_1708 : vector<16xi1>, vector<16xi32>
    %all_reduce_population_count3A_1723 = tpu.all_reduce %eq3A_1713 {dim = 0 : i64, kind = #tpu.reduction_kind<sum>} : vector<16xi1> -> vector<16xi32>
    %add3A_1724 = arith.addi %add3A_1606, %all_reduce_population_count3A_1723 : vector<16xi32>
    %eq3A_1725 = arith.constant 5 : i32
    %eq3A_1726 = vector.broadcast %eq3A_1725 : i32 to vector<16xi32>
    %eq3A_1727 = arith.cmpi eq, %get3A_1652, %eq3A_1726 : vector<16xi32>
    %convert_element_type3A_1728 = arith.extui %eq3A_1727 : vector<16xi1> to vector<16xi32>
    %broadcast_in_dim3A_1729 = arith.constant true
    %broadcast_in_dim3A_1730 = vector.broadcast %broadcast_in_dim3A_1729 : i1 to vector<16xi1>
    %masked_cumsum3A_1731 = tpu.scan <sum>, %convert_element_type3A_1728 masked %broadcast_in_dim3A_1730 : vector<16xi32>, vector<16xi1> -> vector<16xi32>
    %add3A_1732 = arith.addi %add3A_1620, %masked_cumsum3A_1731 : vector<16xi32>
    %sub3A_1733 = arith.constant 1 : i32
    %sub3A_1734 = vector.broadcast %sub3A_1733 : i32 to vector<16xi32>
    %sub3A_1735 = arith.subi %add3A_1732, %sub3A_1734 : vector<16xi32>
    %select_n3A_1736 = arith.select %eq3A_1727, %sub3A_1735, %select_n3A_1722 : vector<16xi1>, vector<16xi32>
    %all_reduce_population_count3A_1737 = tpu.all_reduce %eq3A_1727 {dim = 0 : i64, kind = #tpu.reduction_kind<sum>} : vector<16xi1> -> vector<16xi32>
    %add3A_1738 = arith.addi %add3A_1620, %all_reduce_population_count3A_1737 : vector<16xi32>
    %eq3A_1739 = arith.constant 6 : i32
    %eq3A_1740 = vector.broadcast %eq3A_1739 : i32 to vector<16xi32>
    %eq3A_1741 = arith.cmpi eq, %get3A_1652, %eq3A_1740 : vector<16xi32>
    %convert_element_type3A_1742 = arith.extui %eq3A_1741 : vector<16xi1> to vector<16xi32>
    %broadcast_in_dim3A_1743 = arith.constant true
    %broadcast_in_dim3A_1744 = vector.broadcast %broadcast_in_dim3A_1743 : i1 to vector<16xi1>
    %masked_cumsum3A_1745 = tpu.scan <sum>, %convert_element_type3A_1742 masked %broadcast_in_dim3A_1744 : vector<16xi32>, vector<16xi1> -> vector<16xi32>
    %add3A_1746 = arith.addi %add3A_1634, %masked_cumsum3A_1745 : vector<16xi32>
    %sub3A_1747 = arith.constant 1 : i32
    %sub3A_1748 = vector.broadcast %sub3A_1747 : i32 to vector<16xi32>
    %sub3A_1749 = arith.subi %add3A_1746, %sub3A_1748 : vector<16xi32>
    %select_n3A_1750 = arith.select %eq3A_1741, %sub3A_1749, %select_n3A_1736 : vector<16xi1>, vector<16xi32>
    %all_reduce_population_count3A_1751 = tpu.all_reduce %eq3A_1741 {dim = 0 : i64, kind = #tpu.reduction_kind<sum>} : vector<16xi1> -> vector<16xi32>
    %add3A_1752 = arith.addi %add3A_1634, %all_reduce_population_count3A_1751 : vector<16xi32>
    %eq3A_1753 = arith.constant 7 : i32
    %eq3A_1754 = vector.broadcast %eq3A_1753 : i32 to vector<16xi32>
    %eq3A_1755 = arith.cmpi eq, %get3A_1652, %eq3A_1754 : vector<16xi32>
    %convert_element_type3A_1756 = arith.extui %eq3A_1755 : vector<16xi1> to vector<16xi32>
    %broadcast_in_dim3A_1757 = arith.constant true
    %broadcast_in_dim3A_1758 = vector.broadcast %broadcast_in_dim3A_1757 : i1 to vector<16xi1>
    %masked_cumsum3A_1759 = tpu.scan <sum>, %convert_element_type3A_1756 masked %broadcast_in_dim3A_1758 : vector<16xi32>, vector<16xi1> -> vector<16xi32>
    %add3A_1760 = arith.addi %add3A_1648, %masked_cumsum3A_1759 : vector<16xi32>
    %sub3A_1761 = arith.constant 1 : i32
    %sub3A_1762 = vector.broadcast %sub3A_1761 : i32 to vector<16xi32>
    %sub3A_1763 = arith.subi %add3A_1760, %sub3A_1762 : vector<16xi32>
    %select_n3A_1764 = arith.select %eq3A_1755, %sub3A_1763, %select_n3A_1750 : vector<16xi1>, vector<16xi32>
    %all_reduce_population_count3A_1765 = tpu.all_reduce %eq3A_1755 {dim = 0 : i64, kind = #tpu.reduction_kind<sum>} : vector<16xi1> -> vector<16xi32>
    %add3A_1766 = arith.addi %add3A_1648, %all_reduce_population_count3A_1765 : vector<16xi32>
    %swap3A_1767 = arith.constant 80 : index
    %swap3A_1768 = tpu.vector_load %arg12[%swap3A_1767] {strides = array<i32>} : memref<256xi32, #tpu.memory_space<vmem>>, vector<16xi32>,
    tpu.vector_store %arg12[%swap3A_1767], %select_n3A_1764 {strides = array<i32>} : memref<256xi32, #tpu.memory_space<vmem>>, vector<16xi32>,
    %get3A_1769 = arith.constant 96 : index
    %get3A_1770 = tpu.vector_load %arg9[%get3A_1769] {strides = array<i32>} : memref<256xi32, #tpu.memory_space<vmem>>, vector<16xi32>,
    %broadcast_in_dim3A_1771 = arith.constant 0 : i32
    %broadcast_in_dim3A_1772 = vector.broadcast %broadcast_in_dim3A_1771 : i32 to vector<16xi32>
    %eq3A_1773 = arith.constant 0 : i32
    %eq3A_1774 = vector.broadcast %eq3A_1773 : i32 to vector<16xi32>
    %eq3A_1775 = arith.cmpi eq, %get3A_1770, %eq3A_1774 : vector<16xi32>
    %convert_element_type3A_1776 = arith.extui %eq3A_1775 : vector<16xi1> to vector<16xi32>
    %broadcast_in_dim3A_1777 = arith.constant true
    %broadcast_in_dim3A_1778 = vector.broadcast %broadcast_in_dim3A_1777 : i1 to vector<16xi1>
    %masked_cumsum3A_1779 = tpu.scan <sum>, %convert_element_type3A_1776 masked %broadcast_in_dim3A_1778 : vector<16xi32>, vector<16xi1> -> vector<16xi32>
    %add3A_1780 = arith.addi %add3A_1668, %masked_cumsum3A_1779 : vector<16xi32>
    %sub3A_1781 = arith.constant 1 : i32
    %sub3A_1782 = vector.broadcast %sub3A_1781 : i32 to vector<16xi32>
    %sub3A_1783 = arith.subi %add3A_1780, %sub3A_1782 : vector<16xi32>
    %select_n3A_1784 = arith.select %eq3A_1775, %sub3A_1783, %broadcast_in_dim3A_1772 : vector<16xi1>, vector<16xi32>
    %all_reduce_population_count3A_1785 = tpu.all_reduce %eq3A_1775 {dim = 0 : i64, kind = #tpu.reduction_kind<sum>} : vector<16xi1> -> vector<16xi32>
    %add3A_1786 = arith.addi %add3A_1668, %all_reduce_population_count3A_1785 : vector<16xi32>
    %eq3A_1787 = arith.constant 1 : i32
    %eq3A_1788 = vector.broadcast %eq3A_1787 : i32 to vector<16xi32>
    %eq3A_1789 = arith.cmpi eq, %get3A_1770, %eq3A_1788 : vector<16xi32>
    %convert_element_type3A_1790 = arith.extui %eq3A_1789 : vector<16xi1> to vector<16xi32>
    %broadcast_in_dim3A_1791 = arith.constant true
    %broadcast_in_dim3A_1792 = vector.broadcast %broadcast_in_dim3A_1791 : i1 to vector<16xi1>
    %masked_cumsum3A_1793 = tpu.scan <sum>, %convert_element_type3A_1790 masked %broadcast_in_dim3A_1792 : vector<16xi32>, vector<16xi1> -> vector<16xi32>
    %add3A_1794 = arith.addi %add3A_1682, %masked_cumsum3A_1793 : vector<16xi32>
    %sub3A_1795 = arith.constant 1 : i32
    %sub3A_1796 = vector.broadcast %sub3A_1795 : i32 to vector<16xi32>
    %sub3A_1797 = arith.subi %add3A_1794, %sub3A_1796 : vector<16xi32>
    %select_n3A_1798 = arith.select %eq3A_1789, %sub3A_1797, %select_n3A_1784 : vector<16xi1>, vector<16xi32>
    %all_reduce_population_count3A_1799 = tpu.all_reduce %eq3A_1789 {dim = 0 : i64, kind = #tpu.reduction_kind<sum>} : vector<16xi1> -> vector<16xi32>
    %add3A_1800 = arith.addi %add3A_1682, %all_reduce_population_count3A_1799 : vector<16xi32>
    %eq3A_1801 = arith.constant 2 : i32
    %eq3A_1802 = vector.broadcast %eq3A_1801 : i32 to vector<16xi32>
    %eq3A_1803 = arith.cmpi eq, %get3A_1770, %eq3A_1802 : vector<16xi32>
    %convert_element_type3A_1804 = arith.extui %eq3A_1803 : vector<16xi1> to vector<16xi32>
    %broadcast_in_dim3A_1805 = arith.constant true
    %broadcast_in_dim3A_1806 = vector.broadcast %broadcast_in_dim3A_1805 : i1 to vector<16xi1>
    %masked_cumsum3A_1807 = tpu.scan <sum>, %convert_element_type3A_1804 masked %broadcast_in_dim3A_1806 : vector<16xi32>, vector<16xi1> -> vector<16xi32>
    %add3A_1808 = arith.addi %add3A_1696, %masked_cumsum3A_1807 : vector<16xi32>
    %sub3A_1809 = arith.constant 1 : i32
    %sub3A_1810 = vector.broadcast %sub3A_1809 : i32 to vector<16xi32>
    %sub3A_1811 = arith.subi %add3A_1808, %sub3A_1810 : vector<16xi32>
    %select_n3A_1812 = arith.select %eq3A_1803, %sub3A_1811, %select_n3A_1798 : vector<16xi1>, vector<16xi32>
    %all_reduce_population_count3A_1813 = tpu.all_reduce %eq3A_1803 {dim = 0 : i64, kind = #tpu.reduction_kind<sum>} : vector<16xi1> -> vector<16xi32>
    %add3A_1814 = arith.addi %add3A_1696, %all_reduce_population_count3A_1813 : vector<16xi32>
    %eq3A_1815 = arith.constant 3 : i32
    %eq3A_1816 = vector.broadcast %eq3A_1815 : i32 to vector<16xi32>
    %eq3A_1817 = arith.cmpi eq, %get3A_1770, %eq3A_1816 : vector<16xi32>
    %convert_element_type3A_1818 = arith.extui %eq3A_1817 : vector<16xi1> to vector<16xi32>
    %broadcast_in_dim3A_1819 = arith.constant true
    %broadcast_in_dim3A_1820 = vector.broadcast %broadcast_in_dim3A_1819 : i1 to vector<16xi1>
    %masked_cumsum3A_1821 = tpu.scan <sum>, %convert_element_type3A_1818 masked %broadcast_in_dim3A_1820 : vector<16xi32>, vector<16xi1> -> vector<16xi32>
    %add3A_1822 = arith.addi %add3A_1710, %masked_cumsum3A_1821 : vector<16xi32>
    %sub3A_1823 = arith.constant 1 : i32
    %sub3A_1824 = vector.broadcast %sub3A_1823 : i32 to vector<16xi32>
    %sub3A_1825 = arith.subi %add3A_1822, %sub3A_1824 : vector<16xi32>
    %select_n3A_1826 = arith.select %eq3A_1817, %sub3A_1825, %select_n3A_1812 : vector<16xi1>, vector<16xi32>
    %all_reduce_population_count3A_1827 = tpu.all_reduce %eq3A_1817 {dim = 0 : i64, kind = #tpu.reduction_kind<sum>} : vector<16xi1> -> vector<16xi32>
    %add3A_1828 = arith.addi %add3A_1710, %all_reduce_population_count3A_1827 : vector<16xi32>
    %eq3A_1829 = arith.constant 4 : i32
    %eq3A_1830 = vector.broadcast %eq3A_1829 : i32 to vector<16xi32>
    %eq3A_1831 = arith.cmpi eq, %get3A_1770, %eq3A_1830 : vector<16xi32>
    %convert_element_type3A_1832 = arith.extui %eq3A_1831 : vector<16xi1> to vector<16xi32>
    %broadcast_in_dim3A_1833 = arith.constant true
    %broadcast_in_dim3A_1834 = vector.broadcast %broadcast_in_dim3A_1833 : i1 to vector<16xi1>
    %masked_cumsum3A_1835 = tpu.scan <sum>, %convert_element_type3A_1832 masked %broadcast_in_dim3A_1834 : vector<16xi32>, vector<16xi1> -> vector<16xi32>
    %add3A_1836 = arith.addi %add3A_1724, %masked_cumsum3A_1835 : vector<16xi32>
    %sub3A_1837 = arith.constant 1 : i32
    %sub3A_1838 = vector.broadcast %sub3A_1837 : i32 to vector<16xi32>
    %sub3A_1839 = arith.subi %add3A_1836, %sub3A_1838 : vector<16xi32>
    %select_n3A_1840 = arith.select %eq3A_1831, %sub3A_1839, %select_n3A_1826 : vector<16xi1>, vector<16xi32>
    %all_reduce_population_count3A_1841 = tpu.all_reduce %eq3A_1831 {dim = 0 : i64, kind = #tpu.reduction_kind<sum>} : vector<16xi1> -> vector<16xi32>
    %add3A_1842 = arith.addi %add3A_1724, %all_reduce_population_count3A_1841 : vector<16xi32>
    %eq3A_1843 = arith.constant 5 : i32
    %eq3A_1844 = vector.broadcast %eq3A_1843 : i32 to vector<16xi32>
    %eq3A_1845 = arith.cmpi eq, %get3A_1770, %eq3A_1844 : vector<16xi32>
    %convert_element_type3A_1846 = arith.extui %eq3A_1845 : vector<16xi1> to vector<16xi32>
    %broadcast_in_dim3A_1847 = arith.constant true
    %broadcast_in_dim3A_1848 = vector.broadcast %broadcast_in_dim3A_1847 : i1 to vector<16xi1>
    %masked_cumsum3A_1849 = tpu.scan <sum>, %convert_element_type3A_1846 masked %broadcast_in_dim3A_1848 : vector<16xi32>, vector<16xi1> -> vector<16xi32>
    %add3A_1850 = arith.addi %add3A_1738, %masked_cumsum3A_1849 : vector<16xi32>
    %sub3A_1851 = arith.constant 1 : i32
    %sub3A_1852 = vector.broadcast %sub3A_1851 : i32 to vector<16xi32>
    %sub3A_1853 = arith.subi %add3A_1850, %sub3A_1852 : vector<16xi32>
    %select_n3A_1854 = arith.select %eq3A_1845, %sub3A_1853, %select_n3A_1840 : vector<16xi1>, vector<16xi32>
    %all_reduce_population_count3A_1855 = tpu.all_reduce %eq3A_1845 {dim = 0 : i64, kind = #tpu.reduction_kind<sum>} : vector<16xi1> -> vector<16xi32>
    %add3A_1856 = arith.addi %add3A_1738, %all_reduce_population_count3A_1855 : vector<16xi32>
    %eq3A_1857 = arith.constant 6 : i32
    %eq3A_1858 = vector.broadcast %eq3A_1857 : i32 to vector<16xi32>
    %eq3A_1859 = arith.cmpi eq, %get3A_1770, %eq3A_1858 : vector<16xi32>
    %convert_element_type3A_1860 = arith.extui %eq3A_1859 : vector<16xi1> to vector<16xi32>
    %broadcast_in_dim3A_1861 = arith.constant true
    %broadcast_in_dim3A_1862 = vector.broadcast %broadcast_in_dim3A_1861 : i1 to vector<16xi1>
    %masked_cumsum3A_1863 = tpu.scan <sum>, %convert_element_type3A_1860 masked %broadcast_in_dim3A_1862 : vector<16xi32>, vector<16xi1> -> vector<16xi32>
    %add3A_1864 = arith.addi %add3A_1752, %masked_cumsum3A_1863 : vector<16xi32>
    %sub3A_1865 = arith.constant 1 : i32
    %sub3A_1866 = vector.broadcast %sub3A_1865 : i32 to vector<16xi32>
    %sub3A_1867 = arith.subi %add3A_1864, %sub3A_1866 : vector<16xi32>
    %select_n3A_1868 = arith.select %eq3A_1859, %sub3A_1867, %select_n3A_1854 : vector<16xi1>, vector<16xi32>
    %all_reduce_population_count3A_1869 = tpu.all_reduce %eq3A_1859 {dim = 0 : i64, kind = #tpu.reduction_kind<sum>} : vector<16xi1> -> vector<16xi32>
    %add3A_1870 = arith.addi %add3A_1752, %all_reduce_population_count3A_1869 : vector<16xi32>
    %eq3A_1871 = arith.constant 7 : i32
    %eq3A_1872 = vector.broadcast %eq3A_1871 : i32 to vector<16xi32>
    %eq3A_1873 = arith.cmpi eq, %get3A_1770, %eq3A_1872 : vector<16xi32>
    %convert_element_type3A_1874 = arith.extui %eq3A_1873 : vector<16xi1> to vector<16xi32>
    %broadcast_in_dim3A_1875 = arith.constant true
    %broadcast_in_dim3A_1876 = vector.broadcast %broadcast_in_dim3A_1875 : i1 to vector<16xi1>
    %masked_cumsum3A_1877 = tpu.scan <sum>, %convert_element_type3A_1874 masked %broadcast_in_dim3A_1876 : vector<16xi32>, vector<16xi1> -> vector<16xi32>
    %add3A_1878 = arith.addi %add3A_1766, %masked_cumsum3A_1877 : vector<16xi32>
    %sub3A_1879 = arith.constant 1 : i32
    %sub3A_1880 = vector.broadcast %sub3A_1879 : i32 to vector<16xi32>
    %sub3A_1881 = arith.subi %add3A_1878, %sub3A_1880 : vector<16xi32>
    %select_n3A_1882 = arith.select %eq3A_1873, %sub3A_1881, %select_n3A_1868 : vector<16xi1>, vector<16xi32>
    %all_reduce_population_count3A_1883 = tpu.all_reduce %eq3A_1873 {dim = 0 : i64, kind = #tpu.reduction_kind<sum>} : vector<16xi1> -> vector<16xi32>
    %add3A_1884 = arith.addi %add3A_1766, %all_reduce_population_count3A_1883 : vector<16xi32>
    %swap3A_1885 = arith.constant 96 : index
    %swap3A_1886 = tpu.vector_load %arg12[%swap3A_1885] {strides = array<i32>} : memref<256xi32, #tpu.memory_space<vmem>>, vector<16xi32>,
    tpu.vector_store %arg12[%swap3A_1885], %select_n3A_1882 {strides = array<i32>} : memref<256xi32, #tpu.memory_space<vmem>>, vector<16xi32>,
    %get3A_1887 = arith.constant 112 : index
    %get3A_1888 = tpu.vector_load %arg9[%get3A_1887] {strides = array<i32>} : memref<256xi32, #tpu.memory_space<vmem>>, vector<16xi32>,
    %broadcast_in_dim3A_1889 = arith.constant 0 : i32
    %broadcast_in_dim3A_1890 = vector.broadcast %broadcast_in_dim3A_1889 : i32 to vector<16xi32>
    %eq3A_1891 = arith.constant 0 : i32
    %eq3A_1892 = vector.broadcast %eq3A_1891 : i32 to vector<16xi32>
    %eq3A_1893 = arith.cmpi eq, %get3A_1888, %eq3A_1892 : vector<16xi32>
    %convert_element_type3A_1894 = arith.extui %eq3A_1893 : vector<16xi1> to vector<16xi32>
    %broadcast_in_dim3A_1895 = arith.constant true
    %broadcast_in_dim3A_1896 = vector.broadcast %broadcast_in_dim3A_1895 : i1 to vector<16xi1>
    %masked_cumsum3A_1897 = tpu.scan <sum>, %convert_element_type3A_1894 masked %broadcast_in_dim3A_1896 : vector<16xi32>, vector<16xi1> -> vector<16xi32>
    %add3A_1898 = arith.addi %add3A_1786, %masked_cumsum3A_1897 : vector<16xi32>
    %sub3A_1899 = arith.constant 1 : i32
    %sub3A_1900 = vector.broadcast %sub3A_1899 : i32 to vector<16xi32>
    %sub3A_1901 = arith.subi %add3A_1898, %sub3A_1900 : vector<16xi32>
    %select_n3A_1902 = arith.select %eq3A_1893, %sub3A_1901, %broadcast_in_dim3A_1890 : vector<16xi1>, vector<16xi32>
    %all_reduce_population_count3A_1903 = tpu.all_reduce %eq3A_1893 {dim = 0 : i64, kind = #tpu.reduction_kind<sum>} : vector<16xi1> -> vector<16xi32>
    %add3A_1904 = arith.addi %add3A_1786, %all_reduce_population_count3A_1903 : vector<16xi32>
    %eq3A_1905 = arith.constant 1 : i32
    %eq3A_1906 = vector.broadcast %eq3A_1905 : i32 to vector<16xi32>
    %eq3A_1907 = arith.cmpi eq, %get3A_1888, %eq3A_1906 : vector<16xi32>
    %convert_element_type3A_1908 = arith.extui %eq3A_1907 : vector<16xi1> to vector<16xi32>
    %broadcast_in_dim3A_1909 = arith.constant true
    %broadcast_in_dim3A_1910 = vector.broadcast %broadcast_in_dim3A_1909 : i1 to vector<16xi1>
    %masked_cumsum3A_1911 = tpu.scan <sum>, %convert_element_type3A_1908 masked %broadcast_in_dim3A_1910 : vector<16xi32>, vector<16xi1> -> vector<16xi32>
    %add3A_1912 = arith.addi %add3A_1800, %masked_cumsum3A_1911 : vector<16xi32>
    %sub3A_1913 = arith.constant 1 : i32
    %sub3A_1914 = vector.broadcast %sub3A_1913 : i32 to vector<16xi32>
    %sub3A_1915 = arith.subi %add3A_1912, %sub3A_1914 : vector<16xi32>
    %select_n3A_1916 = arith.select %eq3A_1907, %sub3A_1915, %select_n3A_1902 : vector<16xi1>, vector<16xi32>
    %all_reduce_population_count3A_1917 = tpu.all_reduce %eq3A_1907 {dim = 0 : i64, kind = #tpu.reduction_kind<sum>} : vector<16xi1> -> vector<16xi32>
    %add3A_1918 = arith.addi %add3A_1800, %all_reduce_population_count3A_1917 : vector<16xi32>
    %eq3A_1919 = arith.constant 2 : i32
    %eq3A_1920 = vector.broadcast %eq3A_1919 : i32 to vector<16xi32>
    %eq3A_1921 = arith.cmpi eq, %get3A_1888, %eq3A_1920 : vector<16xi32>
    %convert_element_type3A_1922 = arith.extui %eq3A_1921 : vector<16xi1> to vector<16xi32>
    %broadcast_in_dim3A_1923 = arith.constant true
    %broadcast_in_dim3A_1924 = vector.broadcast %broadcast_in_dim3A_1923 : i1 to vector<16xi1>
    %masked_cumsum3A_1925 = tpu.scan <sum>, %convert_element_type3A_1922 masked %broadcast_in_dim3A_1924 : vector<16xi32>, vector<16xi1> -> vector<16xi32>
    %add3A_1926 = arith.addi %add3A_1814, %masked_cumsum3A_1925 : vector<16xi32>
    %sub3A_1927 = arith.constant 1 : i32
    %sub3A_1928 = vector.broadcast %sub3A_1927 : i32 to vector<16xi32>
    %sub3A_1929 = arith.subi %add3A_1926, %sub3A_1928 : vector<16xi32>
    %select_n3A_1930 = arith.select %eq3A_1921, %sub3A_1929, %select_n3A_1916 : vector<16xi1>, vector<16xi32>
    %all_reduce_population_count3A_1931 = tpu.all_reduce %eq3A_1921 {dim = 0 : i64, kind = #tpu.reduction_kind<sum>} : vector<16xi1> -> vector<16xi32>
    %add3A_1932 = arith.addi %add3A_1814, %all_reduce_population_count3A_1931 : vector<16xi32>
    %eq3A_1933 = arith.constant 3 : i32
    %eq3A_1934 = vector.broadcast %eq3A_1933 : i32 to vector<16xi32>
    %eq3A_1935 = arith.cmpi eq, %get3A_1888, %eq3A_1934 : vector<16xi32>
    %convert_element_type3A_1936 = arith.extui %eq3A_1935 : vector<16xi1> to vector<16xi32>
    %broadcast_in_dim3A_1937 = arith.constant true
    %broadcast_in_dim3A_1938 = vector.broadcast %broadcast_in_dim3A_1937 : i1 to vector<16xi1>
    %masked_cumsum3A_1939 = tpu.scan <sum>, %convert_element_type3A_1936 masked %broadcast_in_dim3A_1938 : vector<16xi32>, vector<16xi1> -> vector<16xi32>
    %add3A_1940 = arith.addi %add3A_1828, %masked_cumsum3A_1939 : vector<16xi32>
    %sub3A_1941 = arith.constant 1 : i32
    %sub3A_1942 = vector.broadcast %sub3A_1941 : i32 to vector<16xi32>
    %sub3A_1943 = arith.subi %add3A_1940, %sub3A_1942 : vector<16xi32>
    %select_n3A_1944 = arith.select %eq3A_1935, %sub3A_1943, %select_n3A_1930 : vector<16xi1>, vector<16xi32>
    %all_reduce_population_count3A_1945 = tpu.all_reduce %eq3A_1935 {dim = 0 : i64, kind = #tpu.reduction_kind<sum>} : vector<16xi1> -> vector<16xi32>
    %add3A_1946 = arith.addi %add3A_1828, %all_reduce_population_count3A_1945 : vector<16xi32>
    %eq3A_1947 = arith.constant 4 : i32
    %eq3A_1948 = vector.broadcast %eq3A_1947 : i32 to vector<16xi32>
    %eq3A_1949 = arith.cmpi eq, %get3A_1888, %eq3A_1948 : vector<16xi32>
    %convert_element_type3A_1950 = arith.extui %eq3A_1949 : vector<16xi1> to vector<16xi32>
    %broadcast_in_dim3A_1951 = arith.constant true
    %broadcast_in_dim3A_1952 = vector.broadcast %broadcast_in_dim3A_1951 : i1 to vector<16xi1>
    %masked_cumsum3A_1953 = tpu.scan <sum>, %convert_element_type3A_1950 masked %broadcast_in_dim3A_1952 : vector<16xi32>, vector<16xi1> -> vector<16xi32>
    %add3A_1954 = arith.addi %add3A_1842, %masked_cumsum3A_1953 : vector<16xi32>
    %sub3A_1955 = arith.constant 1 : i32
    %sub3A_1956 = vector.broadcast %sub3A_1955 : i32 to vector<16xi32>
    %sub3A_1957 = arith.subi %add3A_1954, %sub3A_1956 : vector<16xi32>
    %select_n3A_1958 = arith.select %eq3A_1949, %sub3A_1957, %select_n3A_1944 : vector<16xi1>, vector<16xi32>
    %all_reduce_population_count3A_1959 = tpu.all_reduce %eq3A_1949 {dim = 0 : i64, kind = #tpu.reduction_kind<sum>} : vector<16xi1> -> vector<16xi32>
    %add3A_1960 = arith.addi %add3A_1842, %all_reduce_population_count3A_1959 : vector<16xi32>
    %eq3A_1961 = arith.constant 5 : i32
    %eq3A_1962 = vector.broadcast %eq3A_1961 : i32 to vector<16xi32>
    %eq3A_1963 = arith.cmpi eq, %get3A_1888, %eq3A_1962 : vector<16xi32>
    %convert_element_type3A_1964 = arith.extui %eq3A_1963 : vector<16xi1> to vector<16xi32>
    %broadcast_in_dim3A_1965 = arith.constant true
    %broadcast_in_dim3A_1966 = vector.broadcast %broadcast_in_dim3A_1965 : i1 to vector<16xi1>
    %masked_cumsum3A_1967 = tpu.scan <sum>, %convert_element_type3A_1964 masked %broadcast_in_dim3A_1966 : vector<16xi32>, vector<16xi1> -> vector<16xi32>
    %add3A_1968 = arith.addi %add3A_1856, %masked_cumsum3A_1967 : vector<16xi32>
    %sub3A_1969 = arith.constant 1 : i32
    %sub3A_1970 = vector.broadcast %sub3A_1969 : i32 to vector<16xi32>
    %sub3A_1971 = arith.subi %add3A_1968, %sub3A_1970 : vector<16xi32>
    %select_n3A_1972 = arith.select %eq3A_1963, %sub3A_1971, %select_n3A_1958 : vector<16xi1>, vector<16xi32>
    %all_reduce_population_count3A_1973 = tpu.all_reduce %eq3A_1963 {dim = 0 : i64, kind = #tpu.reduction_kind<sum>} : vector<16xi1> -> vector<16xi32>
    %add3A_1974 = arith.addi %add3A_1856, %all_reduce_population_count3A_1973 : vector<16xi32>
    %eq3A_1975 = arith.constant 6 : i32
    %eq3A_1976 = vector.broadcast %eq3A_1975 : i32 to vector<16xi32>
    %eq3A_1977 = arith.cmpi eq, %get3A_1888, %eq3A_1976 : vector<16xi32>
    %convert_element_type3A_1978 = arith.extui %eq3A_1977 : vector<16xi1> to vector<16xi32>
    %broadcast_in_dim3A_1979 = arith.constant true
    %broadcast_in_dim3A_1980 = vector.broadcast %broadcast_in_dim3A_1979 : i1 to vector<16xi1>
    %masked_cumsum3A_1981 = tpu.scan <sum>, %convert_element_type3A_1978 masked %broadcast_in_dim3A_1980 : vector<16xi32>, vector<16xi1> -> vector<16xi32>
    %add3A_1982 = arith.addi %add3A_1870, %masked_cumsum3A_1981 : vector<16xi32>
    %sub3A_1983 = arith.constant 1 : i32
    %sub3A_1984 = vector.broadcast %sub3A_1983 : i32 to vector<16xi32>
    %sub3A_1985 = arith.subi %add3A_1982, %sub3A_1984 : vector<16xi32>
    %select_n3A_1986 = arith.select %eq3A_1977, %sub3A_1985, %select_n3A_1972 : vector<16xi1>, vector<16xi32>
    %all_reduce_population_count3A_1987 = tpu.all_reduce %eq3A_1977 {dim = 0 : i64, kind = #tpu.reduction_kind<sum>} : vector<16xi1> -> vector<16xi32>
    %add3A_1988 = arith.addi %add3A_1870, %all_reduce_population_count3A_1987 : vector<16xi32>
    %eq3A_1989 = arith.constant 7 : i32
    %eq3A_1990 = vector.broadcast %eq3A_1989 : i32 to vector<16xi32>
    %eq3A_1991 = arith.cmpi eq, %get3A_1888, %eq3A_1990 : vector<16xi32>
    %convert_element_type3A_1992 = arith.extui %eq3A_1991 : vector<16xi1> to vector<16xi32>
    %broadcast_in_dim3A_1993 = arith.constant true
    %broadcast_in_dim3A_1994 = vector.broadcast %broadcast_in_dim3A_1993 : i1 to vector<16xi1>
    %masked_cumsum3A_1995 = tpu.scan <sum>, %convert_element_type3A_1992 masked %broadcast_in_dim3A_1994 : vector<16xi32>, vector<16xi1> -> vector<16xi32>
    %add3A_1996 = arith.addi %add3A_1884, %masked_cumsum3A_1995 : vector<16xi32>
    %sub3A_1997 = arith.constant 1 : i32
    %sub3A_1998 = vector.broadcast %sub3A_1997 : i32 to vector<16xi32>
    %sub3A_1999 = arith.subi %add3A_1996, %sub3A_1998 : vector<16xi32>
    %select_n3A_2000 = arith.select %eq3A_1991, %sub3A_1999, %select_n3A_1986 : vector<16xi1>, vector<16xi32>
    %all_reduce_population_count3A_2001 = tpu.all_reduce %eq3A_1991 {dim = 0 : i64, kind = #tpu.reduction_kind<sum>} : vector<16xi1> -> vector<16xi32>
    %add3A_2002 = arith.addi %add3A_1884, %all_reduce_population_count3A_2001 : vector<16xi32>
    %swap3A_2003 = arith.constant 112 : index
    %swap3A_2004 = tpu.vector_load %arg12[%swap3A_2003] {strides = array<i32>} : memref<256xi32, #tpu.memory_space<vmem>>, vector<16xi32>,
    tpu.vector_store %arg12[%swap3A_2003], %select_n3A_2000 {strides = array<i32>} : memref<256xi32, #tpu.memory_space<vmem>>, vector<16xi32>,
    %get3A_2005 = arith.constant 128 : index
    %get3A_2006 = tpu.vector_load %arg9[%get3A_2005] {strides = array<i32>} : memref<256xi32, #tpu.memory_space<vmem>>, vector<16xi32>,
    %broadcast_in_dim3A_2007 = arith.constant 0 : i32
    %broadcast_in_dim3A_2008 = vector.broadcast %broadcast_in_dim3A_2007 : i32 to vector<16xi32>
    %eq3A_2009 = arith.constant 0 : i32
    %eq3A_2010 = vector.broadcast %eq3A_2009 : i32 to vector<16xi32>
    %eq3A_2011 = arith.cmpi eq, %get3A_2006, %eq3A_2010 : vector<16xi32>
    %convert_element_type3A_2012 = arith.extui %eq3A_2011 : vector<16xi1> to vector<16xi32>
    %broadcast_in_dim3A_2013 = arith.constant true
    %broadcast_in_dim3A_2014 = vector.broadcast %broadcast_in_dim3A_2013 : i1 to vector<16xi1>
    %masked_cumsum3A_2015 = tpu.scan <sum>, %convert_element_type3A_2012 masked %broadcast_in_dim3A_2014 : vector<16xi32>, vector<16xi1> -> vector<16xi32>
    %add3A_2016 = arith.addi %add3A_1904, %masked_cumsum3A_2015 : vector<16xi32>
    %sub3A_2017 = arith.constant 1 : i32
    %sub3A_2018 = vector.broadcast %sub3A_2017 : i32 to vector<16xi32>
    %sub3A_2019 = arith.subi %add3A_2016, %sub3A_2018 : vector<16xi32>
    %select_n3A_2020 = arith.select %eq3A_2011, %sub3A_2019, %broadcast_in_dim3A_2008 : vector<16xi1>, vector<16xi32>
    %all_reduce_population_count3A_2021 = tpu.all_reduce %eq3A_2011 {dim = 0 : i64, kind = #tpu.reduction_kind<sum>} : vector<16xi1> -> vector<16xi32>
    %add3A_2022 = arith.addi %add3A_1904, %all_reduce_population_count3A_2021 : vector<16xi32>
    %eq3A_2023 = arith.constant 1 : i32
    %eq3A_2024 = vector.broadcast %eq3A_2023 : i32 to vector<16xi32>
    %eq3A_2025 = arith.cmpi eq, %get3A_2006, %eq3A_2024 : vector<16xi32>
    %convert_element_type3A_2026 = arith.extui %eq3A_2025 : vector<16xi1> to vector<16xi32>
    %broadcast_in_dim3A_2027 = arith.constant true
    %broadcast_in_dim3A_2028 = vector.broadcast %broadcast_in_dim3A_2027 : i1 to vector<16xi1>
    %masked_cumsum3A_2029 = tpu.scan <sum>, %convert_element_type3A_2026 masked %broadcast_in_dim3A_2028 : vector<16xi32>, vector<16xi1> -> vector<16xi32>
    %add3A_2030 = arith.addi %add3A_1918, %masked_cumsum3A_2029 : vector<16xi32>
    %sub3A_2031 = arith.constant 1 : i32
    %sub3A_2032 = vector.broadcast %sub3A_2031 : i32 to vector<16xi32>
    %sub3A_2033 = arith.subi %add3A_2030, %sub3A_2032 : vector<16xi32>
    %select_n3A_2034 = arith.select %eq3A_2025, %sub3A_2033, %select_n3A_2020 : vector<16xi1>, vector<16xi32>
    %all_reduce_population_count3A_2035 = tpu.all_reduce %eq3A_2025 {dim = 0 : i64, kind = #tpu.reduction_kind<sum>} : vector<16xi1> -> vector<16xi32>
    %add3A_2036 = arith.addi %add3A_1918, %all_reduce_population_count3A_2035 : vector<16xi32>
    %eq3A_2037 = arith.constant 2 : i32
    %eq3A_2038 = vector.broadcast %eq3A_2037 : i32 to vector<16xi32>
    %eq3A_2039 = arith.cmpi eq, %get3A_2006, %eq3A_2038 : vector<16xi32>
    %convert_element_type3A_2040 = arith.extui %eq3A_2039 : vector<16xi1> to vector<16xi32>
    %broadcast_in_dim3A_2041 = arith.constant true
    %broadcast_in_dim3A_2042 = vector.broadcast %broadcast_in_dim3A_2041 : i1 to vector<16xi1>
    %masked_cumsum3A_2043 = tpu.scan <sum>, %convert_element_type3A_2040 masked %broadcast_in_dim3A_2042 : vector<16xi32>, vector<16xi1> -> vector<16xi32>
    %add3A_2044 = arith.addi %add3A_1932, %masked_cumsum3A_2043 : vector<16xi32>
    %sub3A_2045 = arith.constant 1 : i32
    %sub3A_2046 = vector.broadcast %sub3A_2045 : i32 to vector<16xi32>
    %sub3A_2047 = arith.subi %add3A_2044, %sub3A_2046 : vector<16xi32>
    %select_n3A_2048 = arith.select %eq3A_2039, %sub3A_2047, %select_n3A_2034 : vector<16xi1>, vector<16xi32>
    %all_reduce_population_count3A_2049 = tpu.all_reduce %eq3A_2039 {dim = 0 : i64, kind = #tpu.reduction_kind<sum>} : vector<16xi1> -> vector<16xi32>
    %add3A_2050 = arith.addi %add3A_1932, %all_reduce_population_count3A_2049 : vector<16xi32>
    %eq3A_2051 = arith.constant 3 : i32
    %eq3A_2052 = vector.broadcast %eq3A_2051 : i32 to vector<16xi32>
    %eq3A_2053 = arith.cmpi eq, %get3A_2006, %eq3A_2052 : vector<16xi32>
    %convert_element_type3A_2054 = arith.extui %eq3A_2053 : vector<16xi1> to vector<16xi32>
    %broadcast_in_dim3A_2055 = arith.constant true
    %broadcast_in_dim3A_2056 = vector.broadcast %broadcast_in_dim3A_2055 : i1 to vector<16xi1>
    %masked_cumsum3A_2057 = tpu.scan <sum>, %convert_element_type3A_2054 masked %broadcast_in_dim3A_2056 : vector<16xi32>, vector<16xi1> -> vector<16xi32>
    %add3A_2058 = arith.addi %add3A_1946, %masked_cumsum3A_2057 : vector<16xi32>
    %sub3A_2059 = arith.constant 1 : i32
    %sub3A_2060 = vector.broadcast %sub3A_2059 : i32 to vector<16xi32>
    %sub3A_2061 = arith.subi %add3A_2058, %sub3A_2060 : vector<16xi32>
    %select_n3A_2062 = arith.select %eq3A_2053, %sub3A_2061, %select_n3A_2048 : vector<16xi1>, vector<16xi32>
    %all_reduce_population_count3A_2063 = tpu.all_reduce %eq3A_2053 {dim = 0 : i64, kind = #tpu.reduction_kind<sum>} : vector<16xi1> -> vector<16xi32>
    %add3A_2064 = arith.addi %add3A_1946, %all_reduce_population_count3A_2063 : vector<16xi32>
    %eq3A_2065 = arith.constant 4 : i32
    %eq3A_2066 = vector.broadcast %eq3A_2065 : i32 to vector<16xi32>
    %eq3A_2067 = arith.cmpi eq, %get3A_2006, %eq3A_2066 : vector<16xi32>
    %convert_element_type3A_2068 = arith.extui %eq3A_2067 : vector<16xi1> to vector<16xi32>
    %broadcast_in_dim3A_2069 = arith.constant true
    %broadcast_in_dim3A_2070 = vector.broadcast %broadcast_in_dim3A_2069 : i1 to vector<16xi1>
    %masked_cumsum3A_2071 = tpu.scan <sum>, %convert_element_type3A_2068 masked %broadcast_in_dim3A_2070 : vector<16xi32>, vector<16xi1> -> vector<16xi32>
    %add3A_2072 = arith.addi %add3A_1960, %masked_cumsum3A_2071 : vector<16xi32>
    %sub3A_2073 = arith.constant 1 : i32
    %sub3A_2074 = vector.broadcast %sub3A_2073 : i32 to vector<16xi32>
    %sub3A_2075 = arith.subi %add3A_2072, %sub3A_2074 : vector<16xi32>
    %select_n3A_2076 = arith.select %eq3A_2067, %sub3A_2075, %select_n3A_2062 : vector<16xi1>, vector<16xi32>
    %all_reduce_population_count3A_2077 = tpu.all_reduce %eq3A_2067 {dim = 0 : i64, kind = #tpu.reduction_kind<sum>} : vector<16xi1> -> vector<16xi32>
    %add3A_2078 = arith.addi %add3A_1960, %all_reduce_population_count3A_2077 : vector<16xi32>
    %eq3A_2079 = arith.constant 5 : i32
    %eq3A_2080 = vector.broadcast %eq3A_2079 : i32 to vector<16xi32>
    %eq3A_2081 = arith.cmpi eq, %get3A_2006, %eq3A_2080 : vector<16xi32>
    %convert_element_type3A_2082 = arith.extui %eq3A_2081 : vector<16xi1> to vector<16xi32>
    %broadcast_in_dim3A_2083 = arith.constant true
    %broadcast_in_dim3A_2084 = vector.broadcast %broadcast_in_dim3A_2083 : i1 to vector<16xi1>
    %masked_cumsum3A_2085 = tpu.scan <sum>, %convert_element_type3A_2082 masked %broadcast_in_dim3A_2084 : vector<16xi32>, vector<16xi1> -> vector<16xi32>
    %add3A_2086 = arith.addi %add3A_1974, %masked_cumsum3A_2085 : vector<16xi32>
    %sub3A_2087 = arith.constant 1 : i32
    %sub3A_2088 = vector.broadcast %sub3A_2087 : i32 to vector<16xi32>
    %sub3A_2089 = arith.subi %add3A_2086, %sub3A_2088 : vector<16xi32>
    %select_n3A_2090 = arith.select %eq3A_2081, %sub3A_2089, %select_n3A_2076 : vector<16xi1>, vector<16xi32>
    %all_reduce_population_count3A_2091 = tpu.all_reduce %eq3A_2081 {dim = 0 : i64, kind = #tpu.reduction_kind<sum>} : vector<16xi1> -> vector<16xi32>
    %add3A_2092 = arith.addi %add3A_1974, %all_reduce_population_count3A_2091 : vector<16xi32>
    %eq3A_2093 = arith.constant 6 : i32
    %eq3A_2094 = vector.broadcast %eq3A_2093 : i32 to vector<16xi32>
    %eq3A_2095 = arith.cmpi eq, %get3A_2006, %eq3A_2094 : vector<16xi32>
    %convert_element_type3A_2096 = arith.extui %eq3A_2095 : vector<16xi1> to vector<16xi32>
    %broadcast_in_dim3A_2097 = arith.constant true
    %broadcast_in_dim3A_2098 = vector.broadcast %broadcast_in_dim3A_2097 : i1 to vector<16xi1>
    %masked_cumsum3A_2099 = tpu.scan <sum>, %convert_element_type3A_2096 masked %broadcast_in_dim3A_2098 : vector<16xi32>, vector<16xi1> -> vector<16xi32>
    %add3A_2100 = arith.addi %add3A_1988, %masked_cumsum3A_2099 : vector<16xi32>
    %sub3A_2101 = arith.constant 1 : i32
    %sub3A_2102 = vector.broadcast %sub3A_2101 : i32 to vector<16xi32>
    %sub3A_2103 = arith.subi %add3A_2100, %sub3A_2102 : vector<16xi32>
    %select_n3A_2104 = arith.select %eq3A_2095, %sub3A_2103, %select_n3A_2090 : vector<16xi1>, vector<16xi32>
    %all_reduce_population_count3A_2105 = tpu.all_reduce %eq3A_2095 {dim = 0 : i64, kind = #tpu.reduction_kind<sum>} : vector<16xi1> -> vector<16xi32>
    %add3A_2106 = arith.addi %add3A_1988, %all_reduce_population_count3A_2105 : vector<16xi32>
    %eq3A_2107 = arith.constant 7 : i32
    %eq3A_2108 = vector.broadcast %eq3A_2107 : i32 to vector<16xi32>
    %eq3A_2109 = arith.cmpi eq, %get3A_2006, %eq3A_2108 : vector<16xi32>
    %convert_element_type3A_2110 = arith.extui %eq3A_2109 : vector<16xi1> to vector<16xi32>
    %broadcast_in_dim3A_2111 = arith.constant true
    %broadcast_in_dim3A_2112 = vector.broadcast %broadcast_in_dim3A_2111 : i1 to vector<16xi1>
    %masked_cumsum3A_2113 = tpu.scan <sum>, %convert_element_type3A_2110 masked %broadcast_in_dim3A_2112 : vector<16xi32>, vector<16xi1> -> vector<16xi32>
    %add3A_2114 = arith.addi %add3A_2002, %masked_cumsum3A_2113 : vector<16xi32>
    %sub3A_2115 = arith.constant 1 : i32
    %sub3A_2116 = vector.broadcast %sub3A_2115 : i32 to vector<16xi32>
    %sub3A_2117 = arith.subi %add3A_2114, %sub3A_2116 : vector<16xi32>
    %select_n3A_2118 = arith.select %eq3A_2109, %sub3A_2117, %select_n3A_2104 : vector<16xi1>, vector<16xi32>
    %all_reduce_population_count3A_2119 = tpu.all_reduce %eq3A_2109 {dim = 0 : i64, kind = #tpu.reduction_kind<sum>} : vector<16xi1> -> vector<16xi32>
    %add3A_2120 = arith.addi %add3A_2002, %all_reduce_population_count3A_2119 : vector<16xi32>
    %swap3A_2121 = arith.constant 128 : index
    %swap3A_2122 = tpu.vector_load %arg12[%swap3A_2121] {strides = array<i32>} : memref<256xi32, #tpu.memory_space<vmem>>, vector<16xi32>,
    tpu.vector_store %arg12[%swap3A_2121], %select_n3A_2118 {strides = array<i32>} : memref<256xi32, #tpu.memory_space<vmem>>, vector<16xi32>,
    %get3A_2123 = arith.constant 144 : index
    %get3A_2124 = tpu.vector_load %arg9[%get3A_2123] {strides = array<i32>} : memref<256xi32, #tpu.memory_space<vmem>>, vector<16xi32>,
    %broadcast_in_dim3A_2125 = arith.constant 0 : i32
    %broadcast_in_dim3A_2126 = vector.broadcast %broadcast_in_dim3A_2125 : i32 to vector<16xi32>
    %eq3A_2127 = arith.constant 0 : i32
    %eq3A_2128 = vector.broadcast %eq3A_2127 : i32 to vector<16xi32>
    %eq3A_2129 = arith.cmpi eq, %get3A_2124, %eq3A_2128 : vector<16xi32>
    %convert_element_type3A_2130 = arith.extui %eq3A_2129 : vector<16xi1> to vector<16xi32>
    %broadcast_in_dim3A_2131 = arith.constant true
    %broadcast_in_dim3A_2132 = vector.broadcast %broadcast_in_dim3A_2131 : i1 to vector<16xi1>
    %masked_cumsum3A_2133 = tpu.scan <sum>, %convert_element_type3A_2130 masked %broadcast_in_dim3A_2132 : vector<16xi32>, vector<16xi1> -> vector<16xi32>
    %add3A_2134 = arith.addi %add3A_2022, %masked_cumsum3A_2133 : vector<16xi32>
    %sub3A_2135 = arith.constant 1 : i32
    %sub3A_2136 = vector.broadcast %sub3A_2135 : i32 to vector<16xi32>
    %sub3A_2137 = arith.subi %add3A_2134, %sub3A_2136 : vector<16xi32>
    %select_n3A_2138 = arith.select %eq3A_2129, %sub3A_2137, %broadcast_in_dim3A_2126 : vector<16xi1>, vector<16xi32>
    %all_reduce_population_count3A_2139 = tpu.all_reduce %eq3A_2129 {dim = 0 : i64, kind = #tpu.reduction_kind<sum>} : vector<16xi1> -> vector<16xi32>
    %add3A_2140 = arith.addi %add3A_2022, %all_reduce_population_count3A_2139 : vector<16xi32>
    %eq3A_2141 = arith.constant 1 : i32
    %eq3A_2142 = vector.broadcast %eq3A_2141 : i32 to vector<16xi32>
    %eq3A_2143 = arith.cmpi eq, %get3A_2124, %eq3A_2142 : vector<16xi32>
    %convert_element_type3A_2144 = arith.extui %eq3A_2143 : vector<16xi1> to vector<16xi32>
    %broadcast_in_dim3A_2145 = arith.constant true
    %broadcast_in_dim3A_2146 = vector.broadcast %broadcast_in_dim3A_2145 : i1 to vector<16xi1>
    %masked_cumsum3A_2147 = tpu.scan <sum>, %convert_element_type3A_2144 masked %broadcast_in_dim3A_2146 : vector<16xi32>, vector<16xi1> -> vector<16xi32>
    %add3A_2148 = arith.addi %add3A_2036, %masked_cumsum3A_2147 : vector<16xi32>
    %sub3A_2149 = arith.constant 1 : i32
    %sub3A_2150 = vector.broadcast %sub3A_2149 : i32 to vector<16xi32>
    %sub3A_2151 = arith.subi %add3A_2148, %sub3A_2150 : vector<16xi32>
    %select_n3A_2152 = arith.select %eq3A_2143, %sub3A_2151, %select_n3A_2138 : vector<16xi1>, vector<16xi32>
    %all_reduce_population_count3A_2153 = tpu.all_reduce %eq3A_2143 {dim = 0 : i64, kind = #tpu.reduction_kind<sum>} : vector<16xi1> -> vector<16xi32>
    %add3A_2154 = arith.addi %add3A_2036, %all_reduce_population_count3A_2153 : vector<16xi32>
    %eq3A_2155 = arith.constant 2 : i32
    %eq3A_2156 = vector.broadcast %eq3A_2155 : i32 to vector<16xi32>
    %eq3A_2157 = arith.cmpi eq, %get3A_2124, %eq3A_2156 : vector<16xi32>
    %convert_element_type3A_2158 = arith.extui %eq3A_2157 : vector<16xi1> to vector<16xi32>
    %broadcast_in_dim3A_2159 = arith.constant true
    %broadcast_in_dim3A_2160 = vector.broadcast %broadcast_in_dim3A_2159 : i1 to vector<16xi1>
    %masked_cumsum3A_2161 = tpu.scan <sum>, %convert_element_type3A_2158 masked %broadcast_in_dim3A_2160 : vector<16xi32>, vector<16xi1> -> vector<16xi32>
    %add3A_2162 = arith.addi %add3A_2050, %masked_cumsum3A_2161 : vector<16xi32>
    %sub3A_2163 = arith.constant 1 : i32
    %sub3A_2164 = vector.broadcast %sub3A_2163 : i32 to vector<16xi32>
    %sub3A_2165 = arith.subi %add3A_2162, %sub3A_2164 : vector<16xi32>
    %select_n3A_2166 = arith.select %eq3A_2157, %sub3A_2165, %select_n3A_2152 : vector<16xi1>, vector<16xi32>
    %all_reduce_population_count3A_2167 = tpu.all_reduce %eq3A_2157 {dim = 0 : i64, kind = #tpu.reduction_kind<sum>} : vector<16xi1> -> vector<16xi32>
    %add3A_2168 = arith.addi %add3A_2050, %all_reduce_population_count3A_2167 : vector<16xi32>
    %eq3A_2169 = arith.constant 3 : i32
    %eq3A_2170 = vector.broadcast %eq3A_2169 : i32 to vector<16xi32>
    %eq3A_2171 = arith.cmpi eq, %get3A_2124, %eq3A_2170 : vector<16xi32>
    %convert_element_type3A_2172 = arith.extui %eq3A_2171 : vector<16xi1> to vector<16xi32>
    %broadcast_in_dim3A_2173 = arith.constant true
    %broadcast_in_dim3A_2174 = vector.broadcast %broadcast_in_dim3A_2173 : i1 to vector<16xi1>
    %masked_cumsum3A_2175 = tpu.scan <sum>, %convert_element_type3A_2172 masked %broadcast_in_dim3A_2174 : vector<16xi32>, vector<16xi1> -> vector<16xi32>
    %add3A_2176 = arith.addi %add3A_2064, %masked_cumsum3A_2175 : vector<16xi32>
    %sub3A_2177 = arith.constant 1 : i32
    %sub3A_2178 = vector.broadcast %sub3A_2177 : i32 to vector<16xi32>
    %sub3A_2179 = arith.subi %add3A_2176, %sub3A_2178 : vector<16xi32>
    %select_n3A_2180 = arith.select %eq3A_2171, %sub3A_2179, %select_n3A_2166 : vector<16xi1>, vector<16xi32>
    %all_reduce_population_count3A_2181 = tpu.all_reduce %eq3A_2171 {dim = 0 : i64, kind = #tpu.reduction_kind<sum>} : vector<16xi1> -> vector<16xi32>
    %add3A_2182 = arith.addi %add3A_2064, %all_reduce_population_count3A_2181 : vector<16xi32>
    %eq3A_2183 = arith.constant 4 : i32
    %eq3A_2184 = vector.broadcast %eq3A_2183 : i32 to vector<16xi32>
    %eq3A_2185 = arith.cmpi eq, %get3A_2124, %eq3A_2184 : vector<16xi32>
    %convert_element_type3A_2186 = arith.extui %eq3A_2185 : vector<16xi1> to vector<16xi32>
    %broadcast_in_dim3A_2187 = arith.constant true
    %broadcast_in_dim3A_2188 = vector.broadcast %broadcast_in_dim3A_2187 : i1 to vector<16xi1>
    %masked_cumsum3A_2189 = tpu.scan <sum>, %convert_element_type3A_2186 masked %broadcast_in_dim3A_2188 : vector<16xi32>, vector<16xi1> -> vector<16xi32>
    %add3A_2190 = arith.addi %add3A_2078, %masked_cumsum3A_2189 : vector<16xi32>
    %sub3A_2191 = arith.constant 1 : i32
    %sub3A_2192 = vector.broadcast %sub3A_2191 : i32 to vector<16xi32>
    %sub3A_2193 = arith.subi %add3A_2190, %sub3A_2192 : vector<16xi32>
    %select_n3A_2194 = arith.select %eq3A_2185, %sub3A_2193, %select_n3A_2180 : vector<16xi1>, vector<16xi32>
    %all_reduce_population_count3A_2195 = tpu.all_reduce %eq3A_2185 {dim = 0 : i64, kind = #tpu.reduction_kind<sum>} : vector<16xi1> -> vector<16xi32>
    %add3A_2196 = arith.addi %add3A_2078, %all_reduce_population_count3A_2195 : vector<16xi32>
    %eq3A_2197 = arith.constant 5 : i32
    %eq3A_2198 = vector.broadcast %eq3A_2197 : i32 to vector<16xi32>
    %eq3A_2199 = arith.cmpi eq, %get3A_2124, %eq3A_2198 : vector<16xi32>
    %convert_element_type3A_2200 = arith.extui %eq3A_2199 : vector<16xi1> to vector<16xi32>
    %broadcast_in_dim3A_2201 = arith.constant true
    %broadcast_in_dim3A_2202 = vector.broadcast %broadcast_in_dim3A_2201 : i1 to vector<16xi1>
    %masked_cumsum3A_2203 = tpu.scan <sum>, %convert_element_type3A_2200 masked %broadcast_in_dim3A_2202 : vector<16xi32>, vector<16xi1> -> vector<16xi32>
    %add3A_2204 = arith.addi %add3A_2092, %masked_cumsum3A_2203 : vector<16xi32>
    %sub3A_2205 = arith.constant 1 : i32
    %sub3A_2206 = vector.broadcast %sub3A_2205 : i32 to vector<16xi32>
    %sub3A_2207 = arith.subi %add3A_2204, %sub3A_2206 : vector<16xi32>
    %select_n3A_2208 = arith.select %eq3A_2199, %sub3A_2207, %select_n3A_2194 : vector<16xi1>, vector<16xi32>
    %all_reduce_population_count3A_2209 = tpu.all_reduce %eq3A_2199 {dim = 0 : i64, kind = #tpu.reduction_kind<sum>} : vector<16xi1> -> vector<16xi32>
    %add3A_2210 = arith.addi %add3A_2092, %all_reduce_population_count3A_2209 : vector<16xi32>
    %eq3A_2211 = arith.constant 6 : i32
    %eq3A_2212 = vector.broadcast %eq3A_2211 : i32 to vector<16xi32>
    %eq3A_2213 = arith.cmpi eq, %get3A_2124, %eq3A_2212 : vector<16xi32>
    %convert_element_type3A_2214 = arith.extui %eq3A_2213 : vector<16xi1> to vector<16xi32>
    %broadcast_in_dim3A_2215 = arith.constant true
    %broadcast_in_dim3A_2216 = vector.broadcast %broadcast_in_dim3A_2215 : i1 to vector<16xi1>
    %masked_cumsum3A_2217 = tpu.scan <sum>, %convert_element_type3A_2214 masked %broadcast_in_dim3A_2216 : vector<16xi32>, vector<16xi1> -> vector<16xi32>
    %add3A_2218 = arith.addi %add3A_2106, %masked_cumsum3A_2217 : vector<16xi32>
    %sub3A_2219 = arith.constant 1 : i32
    %sub3A_2220 = vector.broadcast %sub3A_2219 : i32 to vector<16xi32>
    %sub3A_2221 = arith.subi %add3A_2218, %sub3A_2220 : vector<16xi32>
    %select_n3A_2222 = arith.select %eq3A_2213, %sub3A_2221, %select_n3A_2208 : vector<16xi1>, vector<16xi32>
    %all_reduce_population_count3A_2223 = tpu.all_reduce %eq3A_2213 {dim = 0 : i64, kind = #tpu.reduction_kind<sum>} : vector<16xi1> -> vector<16xi32>
    %add3A_2224 = arith.addi %add3A_2106, %all_reduce_population_count3A_2223 : vector<16xi32>
    %eq3A_2225 = arith.constant 7 : i32
    %eq3A_2226 = vector.broadcast %eq3A_2225 : i32 to vector<16xi32>
    %eq3A_2227 = arith.cmpi eq, %get3A_2124, %eq3A_2226 : vector<16xi32>
    %convert_element_type3A_2228 = arith.extui %eq3A_2227 : vector<16xi1> to vector<16xi32>
    %broadcast_in_dim3A_2229 = arith.constant true
    %broadcast_in_dim3A_2230 = vector.broadcast %broadcast_in_dim3A_2229 : i1 to vector<16xi1>
    %masked_cumsum3A_2231 = tpu.scan <sum>, %convert_element_type3A_2228 masked %broadcast_in_dim3A_2230 : vector<16xi32>, vector<16xi1> -> vector<16xi32>
    %add3A_2232 = arith.addi %add3A_2120, %masked_cumsum3A_2231 : vector<16xi32>
    %sub3A_2233 = arith.constant 1 : i32
    %sub3A_2234 = vector.broadcast %sub3A_2233 : i32 to vector<16xi32>
    %sub3A_2235 = arith.subi %add3A_2232, %sub3A_2234 : vector<16xi32>
    %select_n3A_2236 = arith.select %eq3A_2227, %sub3A_2235, %select_n3A_2222 : vector<16xi1>, vector<16xi32>
    %all_reduce_population_count3A_2237 = tpu.all_reduce %eq3A_2227 {dim = 0 : i64, kind = #tpu.reduction_kind<sum>} : vector<16xi1> -> vector<16xi32>
    %add3A_2238 = arith.addi %add3A_2120, %all_reduce_population_count3A_2237 : vector<16xi32>
    %swap3A_2239 = arith.constant 144 : index
    %swap3A_2240 = tpu.vector_load %arg12[%swap3A_2239] {strides = array<i32>} : memref<256xi32, #tpu.memory_space<vmem>>, vector<16xi32>,
    tpu.vector_store %arg12[%swap3A_2239], %select_n3A_2236 {strides = array<i32>} : memref<256xi32, #tpu.memory_space<vmem>>, vector<16xi32>,
    %get3A_2241 = arith.constant 160 : index
    %get3A_2242 = tpu.vector_load %arg9[%get3A_2241] {strides = array<i32>} : memref<256xi32, #tpu.memory_space<vmem>>, vector<16xi32>,
    %broadcast_in_dim3A_2243 = arith.constant 0 : i32
    %broadcast_in_dim3A_2244 = vector.broadcast %broadcast_in_dim3A_2243 : i32 to vector<16xi32>
    %eq3A_2245 = arith.constant 0 : i32
    %eq3A_2246 = vector.broadcast %eq3A_2245 : i32 to vector<16xi32>
    %eq3A_2247 = arith.cmpi eq, %get3A_2242, %eq3A_2246 : vector<16xi32>
    %convert_element_type3A_2248 = arith.extui %eq3A_2247 : vector<16xi1> to vector<16xi32>
    %broadcast_in_dim3A_2249 = arith.constant true
    %broadcast_in_dim3A_2250 = vector.broadcast %broadcast_in_dim3A_2249 : i1 to vector<16xi1>
    %masked_cumsum3A_2251 = tpu.scan <sum>, %convert_element_type3A_2248 masked %broadcast_in_dim3A_2250 : vector<16xi32>, vector<16xi1> -> vector<16xi32>
    %add3A_2252 = arith.addi %add3A_2140, %masked_cumsum3A_2251 : vector<16xi32>
    %sub3A_2253 = arith.constant 1 : i32
    %sub3A_2254 = vector.broadcast %sub3A_2253 : i32 to vector<16xi32>
    %sub3A_2255 = arith.subi %add3A_2252, %sub3A_2254 : vector<16xi32>
    %select_n3A_2256 = arith.select %eq3A_2247, %sub3A_2255, %broadcast_in_dim3A_2244 : vector<16xi1>, vector<16xi32>
    %all_reduce_population_count3A_2257 = tpu.all_reduce %eq3A_2247 {dim = 0 : i64, kind = #tpu.reduction_kind<sum>} : vector<16xi1> -> vector<16xi32>
    %add3A_2258 = arith.addi %add3A_2140, %all_reduce_population_count3A_2257 : vector<16xi32>
    %eq3A_2259 = arith.constant 1 : i32
    %eq3A_2260 = vector.broadcast %eq3A_2259 : i32 to vector<16xi32>
    %eq3A_2261 = arith.cmpi eq, %get3A_2242, %eq3A_2260 : vector<16xi32>
    %convert_element_type3A_2262 = arith.extui %eq3A_2261 : vector<16xi1> to vector<16xi32>
    %broadcast_in_dim3A_2263 = arith.constant true
    %broadcast_in_dim3A_2264 = vector.broadcast %broadcast_in_dim3A_2263 : i1 to vector<16xi1>
    %masked_cumsum3A_2265 = tpu.scan <sum>, %convert_element_type3A_2262 masked %broadcast_in_dim3A_2264 : vector<16xi32>, vector<16xi1> -> vector<16xi32>
    %add3A_2266 = arith.addi %add3A_2154, %masked_cumsum3A_2265 : vector<16xi32>
    %sub3A_2267 = arith.constant 1 : i32
    %sub3A_2268 = vector.broadcast %sub3A_2267 : i32 to vector<16xi32>
    %sub3A_2269 = arith.subi %add3A_2266, %sub3A_2268 : vector<16xi32>
    %select_n3A_2270 = arith.select %eq3A_2261, %sub3A_2269, %select_n3A_2256 : vector<16xi1>, vector<16xi32>
    %all_reduce_population_count3A_2271 = tpu.all_reduce %eq3A_2261 {dim = 0 : i64, kind = #tpu.reduction_kind<sum>} : vector<16xi1> -> vector<16xi32>
    %add3A_2272 = arith.addi %add3A_2154, %all_reduce_population_count3A_2271 : vector<16xi32>
    %eq3A_2273 = arith.constant 2 : i32
    %eq3A_2274 = vector.broadcast %eq3A_2273 : i32 to vector<16xi32>
    %eq3A_2275 = arith.cmpi eq, %get3A_2242, %eq3A_2274 : vector<16xi32>
    %convert_element_type3A_2276 = arith.extui %eq3A_2275 : vector<16xi1> to vector<16xi32>
    %broadcast_in_dim3A_2277 = arith.constant true
    %broadcast_in_dim3A_2278 = vector.broadcast %broadcast_in_dim3A_2277 : i1 to vector<16xi1>
    %masked_cumsum3A_2279 = tpu.scan <sum>, %convert_element_type3A_2276 masked %broadcast_in_dim3A_2278 : vector<16xi32>, vector<16xi1> -> vector<16xi32>
    %add3A_2280 = arith.addi %add3A_2168, %masked_cumsum3A_2279 : vector<16xi32>
    %sub3A_2281 = arith.constant 1 : i32
    %sub3A_2282 = vector.broadcast %sub3A_2281 : i32 to vector<16xi32>
    %sub3A_2283 = arith.subi %add3A_2280, %sub3A_2282 : vector<16xi32>
    %select_n3A_2284 = arith.select %eq3A_2275, %sub3A_2283, %select_n3A_2270 : vector<16xi1>, vector<16xi32>
    %all_reduce_population_count3A_2285 = tpu.all_reduce %eq3A_2275 {dim = 0 : i64, kind = #tpu.reduction_kind<sum>} : vector<16xi1> -> vector<16xi32>
    %add3A_2286 = arith.addi %add3A_2168, %all_reduce_population_count3A_2285 : vector<16xi32>
    %eq3A_2287 = arith.constant 3 : i32
    %eq3A_2288 = vector.broadcast %eq3A_2287 : i32 to vector<16xi32>
    %eq3A_2289 = arith.cmpi eq, %get3A_2242, %eq3A_2288 : vector<16xi32>
    %convert_element_type3A_2290 = arith.extui %eq3A_2289 : vector<16xi1> to vector<16xi32>
    %broadcast_in_dim3A_2291 = arith.constant true
    %broadcast_in_dim3A_2292 = vector.broadcast %broadcast_in_dim3A_2291 : i1 to vector<16xi1>
    %masked_cumsum3A_2293 = tpu.scan <sum>, %convert_element_type3A_2290 masked %broadcast_in_dim3A_2292 : vector<16xi32>, vector<16xi1> -> vector<16xi32>
    %add3A_2294 = arith.addi %add3A_2182, %masked_cumsum3A_2293 : vector<16xi32>
    %sub3A_2295 = arith.constant 1 : i32
    %sub3A_2296 = vector.broadcast %sub3A_2295 : i32 to vector<16xi32>
    %sub3A_2297 = arith.subi %add3A_2294, %sub3A_2296 : vector<16xi32>
    %select_n3A_2298 = arith.select %eq3A_2289, %sub3A_2297, %select_n3A_2284 : vector<16xi1>, vector<16xi32>
    %all_reduce_population_count3A_2299 = tpu.all_reduce %eq3A_2289 {dim = 0 : i64, kind = #tpu.reduction_kind<sum>} : vector<16xi1> -> vector<16xi32>
    %add3A_2300 = arith.addi %add3A_2182, %all_reduce_population_count3A_2299 : vector<16xi32>
    %eq3A_2301 = arith.constant 4 : i32
    %eq3A_2302 = vector.broadcast %eq3A_2301 : i32 to vector<16xi32>
    %eq3A_2303 = arith.cmpi eq, %get3A_2242, %eq3A_2302 : vector<16xi32>
    %convert_element_type3A_2304 = arith.extui %eq3A_2303 : vector<16xi1> to vector<16xi32>
    %broadcast_in_dim3A_2305 = arith.constant true
    %broadcast_in_dim3A_2306 = vector.broadcast %broadcast_in_dim3A_2305 : i1 to vector<16xi1>
    %masked_cumsum3A_2307 = tpu.scan <sum>, %convert_element_type3A_2304 masked %broadcast_in_dim3A_2306 : vector<16xi32>, vector<16xi1> -> vector<16xi32>
    %add3A_2308 = arith.addi %add3A_2196, %masked_cumsum3A_2307 : vector<16xi32>
    %sub3A_2309 = arith.constant 1 : i32
    %sub3A_2310 = vector.broadcast %sub3A_2309 : i32 to vector<16xi32>
    %sub3A_2311 = arith.subi %add3A_2308, %sub3A_2310 : vector<16xi32>
    %select_n3A_2312 = arith.select %eq3A_2303, %sub3A_2311, %select_n3A_2298 : vector<16xi1>, vector<16xi32>
    %all_reduce_population_count3A_2313 = tpu.all_reduce %eq3A_2303 {dim = 0 : i64, kind = #tpu.reduction_kind<sum>} : vector<16xi1> -> vector<16xi32>
    %add3A_2314 = arith.addi %add3A_2196, %all_reduce_population_count3A_2313 : vector<16xi32>
    %eq3A_2315 = arith.constant 5 : i32
    %eq3A_2316 = vector.broadcast %eq3A_2315 : i32 to vector<16xi32>
    %eq3A_2317 = arith.cmpi eq, %get3A_2242, %eq3A_2316 : vector<16xi32>
    %convert_element_type3A_2318 = arith.extui %eq3A_2317 : vector<16xi1> to vector<16xi32>
    %broadcast_in_dim3A_2319 = arith.constant true
    %broadcast_in_dim3A_2320 = vector.broadcast %broadcast_in_dim3A_2319 : i1 to vector<16xi1>
    %masked_cumsum3A_2321 = tpu.scan <sum>, %convert_element_type3A_2318 masked %broadcast_in_dim3A_2320 : vector<16xi32>, vector<16xi1> -> vector<16xi32>
    %add3A_2322 = arith.addi %add3A_2210, %masked_cumsum3A_2321 : vector<16xi32>
    %sub3A_2323 = arith.constant 1 : i32
    %sub3A_2324 = vector.broadcast %sub3A_2323 : i32 to vector<16xi32>
    %sub3A_2325 = arith.subi %add3A_2322, %sub3A_2324 : vector<16xi32>
    %select_n3A_2326 = arith.select %eq3A_2317, %sub3A_2325, %select_n3A_2312 : vector<16xi1>, vector<16xi32>
    %all_reduce_population_count3A_2327 = tpu.all_reduce %eq3A_2317 {dim = 0 : i64, kind = #tpu.reduction_kind<sum>} : vector<16xi1> -> vector<16xi32>
    %add3A_2328 = arith.addi %add3A_2210, %all_reduce_population_count3A_2327 : vector<16xi32>
    %eq3A_2329 = arith.constant 6 : i32
    %eq3A_2330 = vector.broadcast %eq3A_2329 : i32 to vector<16xi32>
    %eq3A_2331 = arith.cmpi eq, %get3A_2242, %eq3A_2330 : vector<16xi32>
    %convert_element_type3A_2332 = arith.extui %eq3A_2331 : vector<16xi1> to vector<16xi32>
    %broadcast_in_dim3A_2333 = arith.constant true
    %broadcast_in_dim3A_2334 = vector.broadcast %broadcast_in_dim3A_2333 : i1 to vector<16xi1>
    %masked_cumsum3A_2335 = tpu.scan <sum>, %convert_element_type3A_2332 masked %broadcast_in_dim3A_2334 : vector<16xi32>, vector<16xi1> -> vector<16xi32>
    %add3A_2336 = arith.addi %add3A_2224, %masked_cumsum3A_2335 : vector<16xi32>
    %sub3A_2337 = arith.constant 1 : i32
    %sub3A_2338 = vector.broadcast %sub3A_2337 : i32 to vector<16xi32>
    %sub3A_2339 = arith.subi %add3A_2336, %sub3A_2338 : vector<16xi32>
    %select_n3A_2340 = arith.select %eq3A_2331, %sub3A_2339, %select_n3A_2326 : vector<16xi1>, vector<16xi32>
    %all_reduce_population_count3A_2341 = tpu.all_reduce %eq3A_2331 {dim = 0 : i64, kind = #tpu.reduction_kind<sum>} : vector<16xi1> -> vector<16xi32>
    %add3A_2342 = arith.addi %add3A_2224, %all_reduce_population_count3A_2341 : vector<16xi32>
    %eq3A_2343 = arith.constant 7 : i32
    %eq3A_2344 = vector.broadcast %eq3A_2343 : i32 to vector<16xi32>
    %eq3A_2345 = arith.cmpi eq, %get3A_2242, %eq3A_2344 : vector<16xi32>
    %convert_element_type3A_2346 = arith.extui %eq3A_2345 : vector<16xi1> to vector<16xi32>
    %broadcast_in_dim3A_2347 = arith.constant true
    %broadcast_in_dim3A_2348 = vector.broadcast %broadcast_in_dim3A_2347 : i1 to vector<16xi1>
    %masked_cumsum3A_2349 = tpu.scan <sum>, %convert_element_type3A_2346 masked %broadcast_in_dim3A_2348 : vector<16xi32>, vector<16xi1> -> vector<16xi32>
    %add3A_2350 = arith.addi %add3A_2238, %masked_cumsum3A_2349 : vector<16xi32>
    %sub3A_2351 = arith.constant 1 : i32
    %sub3A_2352 = vector.broadcast %sub3A_2351 : i32 to vector<16xi32>
    %sub3A_2353 = arith.subi %add3A_2350, %sub3A_2352 : vector<16xi32>
    %select_n3A_2354 = arith.select %eq3A_2345, %sub3A_2353, %select_n3A_2340 : vector<16xi1>, vector<16xi32>
    %all_reduce_population_count3A_2355 = tpu.all_reduce %eq3A_2345 {dim = 0 : i64, kind = #tpu.reduction_kind<sum>} : vector<16xi1> -> vector<16xi32>
    %add3A_2356 = arith.addi %add3A_2238, %all_reduce_population_count3A_2355 : vector<16xi32>
    %swap3A_2357 = arith.constant 160 : index
    %swap3A_2358 = tpu.vector_load %arg12[%swap3A_2357] {strides = array<i32>} : memref<256xi32, #tpu.memory_space<vmem>>, vector<16xi32>,
    tpu.vector_store %arg12[%swap3A_2357], %select_n3A_2354 {strides = array<i32>} : memref<256xi32, #tpu.memory_space<vmem>>, vector<16xi32>,
    %get3A_2359 = arith.constant 176 : index
    %get3A_2360 = tpu.vector_load %arg9[%get3A_2359] {strides = array<i32>} : memref<256xi32, #tpu.memory_space<vmem>>, vector<16xi32>,
    %broadcast_in_dim3A_2361 = arith.constant 0 : i32
    %broadcast_in_dim3A_2362 = vector.broadcast %broadcast_in_dim3A_2361 : i32 to vector<16xi32>
    %eq3A_2363 = arith.constant 0 : i32
    %eq3A_2364 = vector.broadcast %eq3A_2363 : i32 to vector<16xi32>
    %eq3A_2365 = arith.cmpi eq, %get3A_2360, %eq3A_2364 : vector<16xi32>
    %convert_element_type3A_2366 = arith.extui %eq3A_2365 : vector<16xi1> to vector<16xi32>
    %broadcast_in_dim3A_2367 = arith.constant true
    %broadcast_in_dim3A_2368 = vector.broadcast %broadcast_in_dim3A_2367 : i1 to vector<16xi1>
    %masked_cumsum3A_2369 = tpu.scan <sum>, %convert_element_type3A_2366 masked %broadcast_in_dim3A_2368 : vector<16xi32>, vector<16xi1> -> vector<16xi32>
    %add3A_2370 = arith.addi %add3A_2258, %masked_cumsum3A_2369 : vector<16xi32>
    %sub3A_2371 = arith.constant 1 : i32
    %sub3A_2372 = vector.broadcast %sub3A_2371 : i32 to vector<16xi32>
    %sub3A_2373 = arith.subi %add3A_2370, %sub3A_2372 : vector<16xi32>
    %select_n3A_2374 = arith.select %eq3A_2365, %sub3A_2373, %broadcast_in_dim3A_2362 : vector<16xi1>, vector<16xi32>
    %all_reduce_population_count3A_2375 = tpu.all_reduce %eq3A_2365 {dim = 0 : i64, kind = #tpu.reduction_kind<sum>} : vector<16xi1> -> vector<16xi32>
    %add3A_2376 = arith.addi %add3A_2258, %all_reduce_population_count3A_2375 : vector<16xi32>
    %eq3A_2377 = arith.constant 1 : i32
    %eq3A_2378 = vector.broadcast %eq3A_2377 : i32 to vector<16xi32>
    %eq3A_2379 = arith.cmpi eq, %get3A_2360, %eq3A_2378 : vector<16xi32>
    %convert_element_type3A_2380 = arith.extui %eq3A_2379 : vector<16xi1> to vector<16xi32>
    %broadcast_in_dim3A_2381 = arith.constant true
    %broadcast_in_dim3A_2382 = vector.broadcast %broadcast_in_dim3A_2381 : i1 to vector<16xi1>
    %masked_cumsum3A_2383 = tpu.scan <sum>, %convert_element_type3A_2380 masked %broadcast_in_dim3A_2382 : vector<16xi32>, vector<16xi1> -> vector<16xi32>
    %add3A_2384 = arith.addi %add3A_2272, %masked_cumsum3A_2383 : vector<16xi32>
    %sub3A_2385 = arith.constant 1 : i32
    %sub3A_2386 = vector.broadcast %sub3A_2385 : i32 to vector<16xi32>
    %sub3A_2387 = arith.subi %add3A_2384, %sub3A_2386 : vector<16xi32>
    %select_n3A_2388 = arith.select %eq3A_2379, %sub3A_2387, %select_n3A_2374 : vector<16xi1>, vector<16xi32>
    %all_reduce_population_count3A_2389 = tpu.all_reduce %eq3A_2379 {dim = 0 : i64, kind = #tpu.reduction_kind<sum>} : vector<16xi1> -> vector<16xi32>
    %add3A_2390 = arith.addi %add3A_2272, %all_reduce_population_count3A_2389 : vector<16xi32>
    %eq3A_2391 = arith.constant 2 : i32
    %eq3A_2392 = vector.broadcast %eq3A_2391 : i32 to vector<16xi32>
    %eq3A_2393 = arith.cmpi eq, %get3A_2360, %eq3A_2392 : vector<16xi32>
    %convert_element_type3A_2394 = arith.extui %eq3A_2393 : vector<16xi1> to vector<16xi32>
    %broadcast_in_dim3A_2395 = arith.constant true
    %broadcast_in_dim3A_2396 = vector.broadcast %broadcast_in_dim3A_2395 : i1 to vector<16xi1>
    %masked_cumsum3A_2397 = tpu.scan <sum>, %convert_element_type3A_2394 masked %broadcast_in_dim3A_2396 : vector<16xi32>, vector<16xi1> -> vector<16xi32>
    %add3A_2398 = arith.addi %add3A_2286, %masked_cumsum3A_2397 : vector<16xi32>
    %sub3A_2399 = arith.constant 1 : i32
    %sub3A_2400 = vector.broadcast %sub3A_2399 : i32 to vector<16xi32>
    %sub3A_2401 = arith.subi %add3A_2398, %sub3A_2400 : vector<16xi32>
    %select_n3A_2402 = arith.select %eq3A_2393, %sub3A_2401, %select_n3A_2388 : vector<16xi1>, vector<16xi32>
    %all_reduce_population_count3A_2403 = tpu.all_reduce %eq3A_2393 {dim = 0 : i64, kind = #tpu.reduction_kind<sum>} : vector<16xi1> -> vector<16xi32>
    %add3A_2404 = arith.addi %add3A_2286, %all_reduce_population_count3A_2403 : vector<16xi32>
    %eq3A_2405 = arith.constant 3 : i32
    %eq3A_2406 = vector.broadcast %eq3A_2405 : i32 to vector<16xi32>
    %eq3A_2407 = arith.cmpi eq, %get3A_2360, %eq3A_2406 : vector<16xi32>
    %convert_element_type3A_2408 = arith.extui %eq3A_2407 : vector<16xi1> to vector<16xi32>
    %broadcast_in_dim3A_2409 = arith.constant true
    %broadcast_in_dim3A_2410 = vector.broadcast %broadcast_in_dim3A_2409 : i1 to vector<16xi1>
    %masked_cumsum3A_2411 = tpu.scan <sum>, %convert_element_type3A_2408 masked %broadcast_in_dim3A_2410 : vector<16xi32>, vector<16xi1> -> vector<16xi32>
    %add3A_2412 = arith.addi %add3A_2300, %masked_cumsum3A_2411 : vector<16xi32>
    %sub3A_2413 = arith.constant 1 : i32
    %sub3A_2414 = vector.broadcast %sub3A_2413 : i32 to vector<16xi32>
    %sub3A_2415 = arith.subi %add3A_2412, %sub3A_2414 : vector<16xi32>
    %select_n3A_2416 = arith.select %eq3A_2407, %sub3A_2415, %select_n3A_2402 : vector<16xi1>, vector<16xi32>
    %all_reduce_population_count3A_2417 = tpu.all_reduce %eq3A_2407 {dim = 0 : i64, kind = #tpu.reduction_kind<sum>} : vector<16xi1> -> vector<16xi32>
    %add3A_2418 = arith.addi %add3A_2300, %all_reduce_population_count3A_2417 : vector<16xi32>
    %eq3A_2419 = arith.constant 4 : i32
    %eq3A_2420 = vector.broadcast %eq3A_2419 : i32 to vector<16xi32>
    %eq3A_2421 = arith.cmpi eq, %get3A_2360, %eq3A_2420 : vector<16xi32>
    %convert_element_type3A_2422 = arith.extui %eq3A_2421 : vector<16xi1> to vector<16xi32>
    %broadcast_in_dim3A_2423 = arith.constant true
    %broadcast_in_dim3A_2424 = vector.broadcast %broadcast_in_dim3A_2423 : i1 to vector<16xi1>
    %masked_cumsum3A_2425 = tpu.scan <sum>, %convert_element_type3A_2422 masked %broadcast_in_dim3A_2424 : vector<16xi32>, vector<16xi1> -> vector<16xi32>
    %add3A_2426 = arith.addi %add3A_2314, %masked_cumsum3A_2425 : vector<16xi32>
    %sub3A_2427 = arith.constant 1 : i32
    %sub3A_2428 = vector.broadcast %sub3A_2427 : i32 to vector<16xi32>
    %sub3A_2429 = arith.subi %add3A_2426, %sub3A_2428 : vector<16xi32>
    %select_n3A_2430 = arith.select %eq3A_2421, %sub3A_2429, %select_n3A_2416 : vector<16xi1>, vector<16xi32>
    %all_reduce_population_count3A_2431 = tpu.all_reduce %eq3A_2421 {dim = 0 : i64, kind = #tpu.reduction_kind<sum>} : vector<16xi1> -> vector<16xi32>
    %add3A_2432 = arith.addi %add3A_2314, %all_reduce_population_count3A_2431 : vector<16xi32>
    %eq3A_2433 = arith.constant 5 : i32
    %eq3A_2434 = vector.broadcast %eq3A_2433 : i32 to vector<16xi32>
    %eq3A_2435 = arith.cmpi eq, %get3A_2360, %eq3A_2434 : vector<16xi32>
    %convert_element_type3A_2436 = arith.extui %eq3A_2435 : vector<16xi1> to vector<16xi32>
    %broadcast_in_dim3A_2437 = arith.constant true
    %broadcast_in_dim3A_2438 = vector.broadcast %broadcast_in_dim3A_2437 : i1 to vector<16xi1>
    %masked_cumsum3A_2439 = tpu.scan <sum>, %convert_element_type3A_2436 masked %broadcast_in_dim3A_2438 : vector<16xi32>, vector<16xi1> -> vector<16xi32>
    %add3A_2440 = arith.addi %add3A_2328, %masked_cumsum3A_2439 : vector<16xi32>
    %sub3A_2441 = arith.constant 1 : i32
    %sub3A_2442 = vector.broadcast %sub3A_2441 : i32 to vector<16xi32>
    %sub3A_2443 = arith.subi %add3A_2440, %sub3A_2442 : vector<16xi32>
    %select_n3A_2444 = arith.select %eq3A_2435, %sub3A_2443, %select_n3A_2430 : vector<16xi1>, vector<16xi32>
    %all_reduce_population_count3A_2445 = tpu.all_reduce %eq3A_2435 {dim = 0 : i64, kind = #tpu.reduction_kind<sum>} : vector<16xi1> -> vector<16xi32>
    %add3A_2446 = arith.addi %add3A_2328, %all_reduce_population_count3A_2445 : vector<16xi32>
    %eq3A_2447 = arith.constant 6 : i32
    %eq3A_2448 = vector.broadcast %eq3A_2447 : i32 to vector<16xi32>
    %eq3A_2449 = arith.cmpi eq, %get3A_2360, %eq3A_2448 : vector<16xi32>
    %convert_element_type3A_2450 = arith.extui %eq3A_2449 : vector<16xi1> to vector<16xi32>
    %broadcast_in_dim3A_2451 = arith.constant true
    %broadcast_in_dim3A_2452 = vector.broadcast %broadcast_in_dim3A_2451 : i1 to vector<16xi1>
    %masked_cumsum3A_2453 = tpu.scan <sum>, %convert_element_type3A_2450 masked %broadcast_in_dim3A_2452 : vector<16xi32>, vector<16xi1> -> vector<16xi32>
    %add3A_2454 = arith.addi %add3A_2342, %masked_cumsum3A_2453 : vector<16xi32>
    %sub3A_2455 = arith.constant 1 : i32
    %sub3A_2456 = vector.broadcast %sub3A_2455 : i32 to vector<16xi32>
    %sub3A_2457 = arith.subi %add3A_2454, %sub3A_2456 : vector<16xi32>
    %select_n3A_2458 = arith.select %eq3A_2449, %sub3A_2457, %select_n3A_2444 : vector<16xi1>, vector<16xi32>
    %all_reduce_population_count3A_2459 = tpu.all_reduce %eq3A_2449 {dim = 0 : i64, kind = #tpu.reduction_kind<sum>} : vector<16xi1> -> vector<16xi32>
    %add3A_2460 = arith.addi %add3A_2342, %all_reduce_population_count3A_2459 : vector<16xi32>
    %eq3A_2461 = arith.constant 7 : i32
    %eq3A_2462 = vector.broadcast %eq3A_2461 : i32 to vector<16xi32>
    %eq3A_2463 = arith.cmpi eq, %get3A_2360, %eq3A_2462 : vector<16xi32>
    %convert_element_type3A_2464 = arith.extui %eq3A_2463 : vector<16xi1> to vector<16xi32>
    %broadcast_in_dim3A_2465 = arith.constant true
    %broadcast_in_dim3A_2466 = vector.broadcast %broadcast_in_dim3A_2465 : i1 to vector<16xi1>
    %masked_cumsum3A_2467 = tpu.scan <sum>, %convert_element_type3A_2464 masked %broadcast_in_dim3A_2466 : vector<16xi32>, vector<16xi1> -> vector<16xi32>
    %add3A_2468 = arith.addi %add3A_2356, %masked_cumsum3A_2467 : vector<16xi32>
    %sub3A_2469 = arith.constant 1 : i32
    %sub3A_2470 = vector.broadcast %sub3A_2469 : i32 to vector<16xi32>
    %sub3A_2471 = arith.subi %add3A_2468, %sub3A_2470 : vector<16xi32>
    %select_n3A_2472 = arith.select %eq3A_2463, %sub3A_2471, %select_n3A_2458 : vector<16xi1>, vector<16xi32>
    %all_reduce_population_count3A_2473 = tpu.all_reduce %eq3A_2463 {dim = 0 : i64, kind = #tpu.reduction_kind<sum>} : vector<16xi1> -> vector<16xi32>
    %add3A_2474 = arith.addi %add3A_2356, %all_reduce_population_count3A_2473 : vector<16xi32>
    %swap3A_2475 = arith.constant 176 : index
    %swap3A_2476 = tpu.vector_load %arg12[%swap3A_2475] {strides = array<i32>} : memref<256xi32, #tpu.memory_space<vmem>>, vector<16xi32>,
    tpu.vector_store %arg12[%swap3A_2475], %select_n3A_2472 {strides = array<i32>} : memref<256xi32, #tpu.memory_space<vmem>>, vector<16xi32>,
    %get3A_2477 = arith.constant 192 : index
    %get3A_2478 = tpu.vector_load %arg9[%get3A_2477] {strides = array<i32>} : memref<256xi32, #tpu.memory_space<vmem>>, vector<16xi32>,
    %broadcast_in_dim3A_2479 = arith.constant 0 : i32
    %broadcast_in_dim3A_2480 = vector.broadcast %broadcast_in_dim3A_2479 : i32 to vector<16xi32>
    %eq3A_2481 = arith.constant 0 : i32
    %eq3A_2482 = vector.broadcast %eq3A_2481 : i32 to vector<16xi32>
    %eq3A_2483 = arith.cmpi eq, %get3A_2478, %eq3A_2482 : vector<16xi32>
    %convert_element_type3A_2484 = arith.extui %eq3A_2483 : vector<16xi1> to vector<16xi32>
    %broadcast_in_dim3A_2485 = arith.constant true
    %broadcast_in_dim3A_2486 = vector.broadcast %broadcast_in_dim3A_2485 : i1 to vector<16xi1>
    %masked_cumsum3A_2487 = tpu.scan <sum>, %convert_element_type3A_2484 masked %broadcast_in_dim3A_2486 : vector<16xi32>, vector<16xi1> -> vector<16xi32>
    %add3A_2488 = arith.addi %add3A_2376, %masked_cumsum3A_2487 : vector<16xi32>
    %sub3A_2489 = arith.constant 1 : i32
    %sub3A_2490 = vector.broadcast %sub3A_2489 : i32 to vector<16xi32>
    %sub3A_2491 = arith.subi %add3A_2488, %sub3A_2490 : vector<16xi32>
    %select_n3A_2492 = arith.select %eq3A_2483, %sub3A_2491, %broadcast_in_dim3A_2480 : vector<16xi1>, vector<16xi32>
    %all_reduce_population_count3A_2493 = tpu.all_reduce %eq3A_2483 {dim = 0 : i64, kind = #tpu.reduction_kind<sum>} : vector<16xi1> -> vector<16xi32>
    %add3A_2494 = arith.addi %add3A_2376, %all_reduce_population_count3A_2493 : vector<16xi32>
    %eq3A_2495 = arith.constant 1 : i32
    %eq3A_2496 = vector.broadcast %eq3A_2495 : i32 to vector<16xi32>
    %eq3A_2497 = arith.cmpi eq, %get3A_2478, %eq3A_2496 : vector<16xi32>
    %convert_element_type3A_2498 = arith.extui %eq3A_2497 : vector<16xi1> to vector<16xi32>
    %broadcast_in_dim3A_2499 = arith.constant true
    %broadcast_in_dim3A_2500 = vector.broadcast %broadcast_in_dim3A_2499 : i1 to vector<16xi1>
    %masked_cumsum3A_2501 = tpu.scan <sum>, %convert_element_type3A_2498 masked %broadcast_in_dim3A_2500 : vector<16xi32>, vector<16xi1> -> vector<16xi32>
    %add3A_2502 = arith.addi %add3A_2390, %masked_cumsum3A_2501 : vector<16xi32>
    %sub3A_2503 = arith.constant 1 : i32
    %sub3A_2504 = vector.broadcast %sub3A_2503 : i32 to vector<16xi32>
    %sub3A_2505 = arith.subi %add3A_2502, %sub3A_2504 : vector<16xi32>
    %select_n3A_2506 = arith.select %eq3A_2497, %sub3A_2505, %select_n3A_2492 : vector<16xi1>, vector<16xi32>
    %all_reduce_population_count3A_2507 = tpu.all_reduce %eq3A_2497 {dim = 0 : i64, kind = #tpu.reduction_kind<sum>} : vector<16xi1> -> vector<16xi32>
    %add3A_2508 = arith.addi %add3A_2390, %all_reduce_population_count3A_2507 : vector<16xi32>
    %eq3A_2509 = arith.constant 2 : i32
    %eq3A_2510 = vector.broadcast %eq3A_2509 : i32 to vector<16xi32>
    %eq3A_2511 = arith.cmpi eq, %get3A_2478, %eq3A_2510 : vector<16xi32>
    %convert_element_type3A_2512 = arith.extui %eq3A_2511 : vector<16xi1> to vector<16xi32>
    %broadcast_in_dim3A_2513 = arith.constant true
    %broadcast_in_dim3A_2514 = vector.broadcast %broadcast_in_dim3A_2513 : i1 to vector<16xi1>
    %masked_cumsum3A_2515 = tpu.scan <sum>, %convert_element_type3A_2512 masked %broadcast_in_dim3A_2514 : vector<16xi32>, vector<16xi1> -> vector<16xi32>
    %add3A_2516 = arith.addi %add3A_2404, %masked_cumsum3A_2515 : vector<16xi32>
    %sub3A_2517 = arith.constant 1 : i32
    %sub3A_2518 = vector.broadcast %sub3A_2517 : i32 to vector<16xi32>
    %sub3A_2519 = arith.subi %add3A_2516, %sub3A_2518 : vector<16xi32>
    %select_n3A_2520 = arith.select %eq3A_2511, %sub3A_2519, %select_n3A_2506 : vector<16xi1>, vector<16xi32>
    %all_reduce_population_count3A_2521 = tpu.all_reduce %eq3A_2511 {dim = 0 : i64, kind = #tpu.reduction_kind<sum>} : vector<16xi1> -> vector<16xi32>
    %add3A_2522 = arith.addi %add3A_2404, %all_reduce_population_count3A_2521 : vector<16xi32>
    %eq3A_2523 = arith.constant 3 : i32
    %eq3A_2524 = vector.broadcast %eq3A_2523 : i32 to vector<16xi32>
    %eq3A_2525 = arith.cmpi eq, %get3A_2478, %eq3A_2524 : vector<16xi32>
    %convert_element_type3A_2526 = arith.extui %eq3A_2525 : vector<16xi1> to vector<16xi32>
    %broadcast_in_dim3A_2527 = arith.constant true
    %broadcast_in_dim3A_2528 = vector.broadcast %broadcast_in_dim3A_2527 : i1 to vector<16xi1>
    %masked_cumsum3A_2529 = tpu.scan <sum>, %convert_element_type3A_2526 masked %broadcast_in_dim3A_2528 : vector<16xi32>, vector<16xi1> -> vector<16xi32>
    %add3A_2530 = arith.addi %add3A_2418, %masked_cumsum3A_2529 : vector<16xi32>
    %sub3A_2531 = arith.constant 1 : i32
    %sub3A_2532 = vector.broadcast %sub3A_2531 : i32 to vector<16xi32>
    %sub3A_2533 = arith.subi %add3A_2530, %sub3A_2532 : vector<16xi32>
    %select_n3A_2534 = arith.select %eq3A_2525, %sub3A_2533, %select_n3A_2520 : vector<16xi1>, vector<16xi32>
    %all_reduce_population_count3A_2535 = tpu.all_reduce %eq3A_2525 {dim = 0 : i64, kind = #tpu.reduction_kind<sum>} : vector<16xi1> -> vector<16xi32>
    %add3A_2536 = arith.addi %add3A_2418, %all_reduce_population_count3A_2535 : vector<16xi32>
    %eq3A_2537 = arith.constant 4 : i32
    %eq3A_2538 = vector.broadcast %eq3A_2537 : i32 to vector<16xi32>
    %eq3A_2539 = arith.cmpi eq, %get3A_2478, %eq3A_2538 : vector<16xi32>
    %convert_element_type3A_2540 = arith.extui %eq3A_2539 : vector<16xi1> to vector<16xi32>
    %broadcast_in_dim3A_2541 = arith.constant true
    %broadcast_in_dim3A_2542 = vector.broadcast %broadcast_in_dim3A_2541 : i1 to vector<16xi1>
    %masked_cumsum3A_2543 = tpu.scan <sum>, %convert_element_type3A_2540 masked %broadcast_in_dim3A_2542 : vector<16xi32>, vector<16xi1> -> vector<16xi32>
    %add3A_2544 = arith.addi %add3A_2432, %masked_cumsum3A_2543 : vector<16xi32>
    %sub3A_2545 = arith.constant 1 : i32
    %sub3A_2546 = vector.broadcast %sub3A_2545 : i32 to vector<16xi32>
    %sub3A_2547 = arith.subi %add3A_2544, %sub3A_2546 : vector<16xi32>
    %select_n3A_2548 = arith.select %eq3A_2539, %sub3A_2547, %select_n3A_2534 : vector<16xi1>, vector<16xi32>
    %all_reduce_population_count3A_2549 = tpu.all_reduce %eq3A_2539 {dim = 0 : i64, kind = #tpu.reduction_kind<sum>} : vector<16xi1> -> vector<16xi32>
    %add3A_2550 = arith.addi %add3A_2432, %all_reduce_population_count3A_2549 : vector<16xi32>
    %eq3A_2551 = arith.constant 5 : i32
    %eq3A_2552 = vector.broadcast %eq3A_2551 : i32 to vector<16xi32>
    %eq3A_2553 = arith.cmpi eq, %get3A_2478, %eq3A_2552 : vector<16xi32>
    %convert_element_type3A_2554 = arith.extui %eq3A_2553 : vector<16xi1> to vector<16xi32>
    %broadcast_in_dim3A_2555 = arith.constant true
    %broadcast_in_dim3A_2556 = vector.broadcast %broadcast_in_dim3A_2555 : i1 to vector<16xi1>
    %masked_cumsum3A_2557 = tpu.scan <sum>, %convert_element_type3A_2554 masked %broadcast_in_dim3A_2556 : vector<16xi32>, vector<16xi1> -> vector<16xi32>
    %add3A_2558 = arith.addi %add3A_2446, %masked_cumsum3A_2557 : vector<16xi32>
    %sub3A_2559 = arith.constant 1 : i32
    %sub3A_2560 = vector.broadcast %sub3A_2559 : i32 to vector<16xi32>
    %sub3A_2561 = arith.subi %add3A_2558, %sub3A_2560 : vector<16xi32>
    %select_n3A_2562 = arith.select %eq3A_2553, %sub3A_2561, %select_n3A_2548 : vector<16xi1>, vector<16xi32>
    %all_reduce_population_count3A_2563 = tpu.all_reduce %eq3A_2553 {dim = 0 : i64, kind = #tpu.reduction_kind<sum>} : vector<16xi1> -> vector<16xi32>
    %add3A_2564 = arith.addi %add3A_2446, %all_reduce_population_count3A_2563 : vector<16xi32>
    %eq3A_2565 = arith.constant 6 : i32
    %eq3A_2566 = vector.broadcast %eq3A_2565 : i32 to vector<16xi32>
    %eq3A_2567 = arith.cmpi eq, %get3A_2478, %eq3A_2566 : vector<16xi32>
    %convert_element_type3A_2568 = arith.extui %eq3A_2567 : vector<16xi1> to vector<16xi32>
    %broadcast_in_dim3A_2569 = arith.constant true
    %broadcast_in_dim3A_2570 = vector.broadcast %broadcast_in_dim3A_2569 : i1 to vector<16xi1>
    %masked_cumsum3A_2571 = tpu.scan <sum>, %convert_element_type3A_2568 masked %broadcast_in_dim3A_2570 : vector<16xi32>, vector<16xi1> -> vector<16xi32>
    %add3A_2572 = arith.addi %add3A_2460, %masked_cumsum3A_2571 : vector<16xi32>
    %sub3A_2573 = arith.constant 1 : i32
    %sub3A_2574 = vector.broadcast %sub3A_2573 : i32 to vector<16xi32>
    %sub3A_2575 = arith.subi %add3A_2572, %sub3A_2574 : vector<16xi32>
    %select_n3A_2576 = arith.select %eq3A_2567, %sub3A_2575, %select_n3A_2562 : vector<16xi1>, vector<16xi32>
    %all_reduce_population_count3A_2577 = tpu.all_reduce %eq3A_2567 {dim = 0 : i64, kind = #tpu.reduction_kind<sum>} : vector<16xi1> -> vector<16xi32>
    %add3A_2578 = arith.addi %add3A_2460, %all_reduce_population_count3A_2577 : vector<16xi32>
    %eq3A_2579 = arith.constant 7 : i32
    %eq3A_2580 = vector.broadcast %eq3A_2579 : i32 to vector<16xi32>
    %eq3A_2581 = arith.cmpi eq, %get3A_2478, %eq3A_2580 : vector<16xi32>
    %convert_element_type3A_2582 = arith.extui %eq3A_2581 : vector<16xi1> to vector<16xi32>
    %broadcast_in_dim3A_2583 = arith.constant true
    %broadcast_in_dim3A_2584 = vector.broadcast %broadcast_in_dim3A_2583 : i1 to vector<16xi1>
    %masked_cumsum3A_2585 = tpu.scan <sum>, %convert_element_type3A_2582 masked %broadcast_in_dim3A_2584 : vector<16xi32>, vector<16xi1> -> vector<16xi32>
    %add3A_2586 = arith.addi %add3A_2474, %masked_cumsum3A_2585 : vector<16xi32>
    %sub3A_2587 = arith.constant 1 : i32
    %sub3A_2588 = vector.broadcast %sub3A_2587 : i32 to vector<16xi32>
    %sub3A_2589 = arith.subi %add3A_2586, %sub3A_2588 : vector<16xi32>
    %select_n3A_2590 = arith.select %eq3A_2581, %sub3A_2589, %select_n3A_2576 : vector<16xi1>, vector<16xi32>
    %all_reduce_population_count3A_2591 = tpu.all_reduce %eq3A_2581 {dim = 0 : i64, kind = #tpu.reduction_kind<sum>} : vector<16xi1> -> vector<16xi32>
    %add3A_2592 = arith.addi %add3A_2474, %all_reduce_population_count3A_2591 : vector<16xi32>
    %swap3A_2593 = arith.constant 192 : index
    %swap3A_2594 = tpu.vector_load %arg12[%swap3A_2593] {strides = array<i32>} : memref<256xi32, #tpu.memory_space<vmem>>, vector<16xi32>,
    tpu.vector_store %arg12[%swap3A_2593], %select_n3A_2590 {strides = array<i32>} : memref<256xi32, #tpu.memory_space<vmem>>, vector<16xi32>,
    %get3A_2595 = arith.constant 208 : index
    %get3A_2596 = tpu.vector_load %arg9[%get3A_2595] {strides = array<i32>} : memref<256xi32, #tpu.memory_space<vmem>>, vector<16xi32>,
    %broadcast_in_dim3A_2597 = arith.constant 0 : i32
    %broadcast_in_dim3A_2598 = vector.broadcast %broadcast_in_dim3A_2597 : i32 to vector<16xi32>
    %eq3A_2599 = arith.constant 0 : i32
    %eq3A_2600 = vector.broadcast %eq3A_2599 : i32 to vector<16xi32>
    %eq3A_2601 = arith.cmpi eq, %get3A_2596, %eq3A_2600 : vector<16xi32>
    %convert_element_type3A_2602 = arith.extui %eq3A_2601 : vector<16xi1> to vector<16xi32>
    %broadcast_in_dim3A_2603 = arith.constant true
    %broadcast_in_dim3A_2604 = vector.broadcast %broadcast_in_dim3A_2603 : i1 to vector<16xi1>
    %masked_cumsum3A_2605 = tpu.scan <sum>, %convert_element_type3A_2602 masked %broadcast_in_dim3A_2604 : vector<16xi32>, vector<16xi1> -> vector<16xi32>
    %add3A_2606 = arith.addi %add3A_2494, %masked_cumsum3A_2605 : vector<16xi32>
    %sub3A_2607 = arith.constant 1 : i32
    %sub3A_2608 = vector.broadcast %sub3A_2607 : i32 to vector<16xi32>
    %sub3A_2609 = arith.subi %add3A_2606, %sub3A_2608 : vector<16xi32>
    %select_n3A_2610 = arith.select %eq3A_2601, %sub3A_2609, %broadcast_in_dim3A_2598 : vector<16xi1>, vector<16xi32>
    %all_reduce_population_count3A_2611 = tpu.all_reduce %eq3A_2601 {dim = 0 : i64, kind = #tpu.reduction_kind<sum>} : vector<16xi1> -> vector<16xi32>
    %add3A_2612 = arith.addi %add3A_2494, %all_reduce_population_count3A_2611 : vector<16xi32>
    %eq3A_2613 = arith.constant 1 : i32
    %eq3A_2614 = vector.broadcast %eq3A_2613 : i32 to vector<16xi32>
    %eq3A_2615 = arith.cmpi eq, %get3A_2596, %eq3A_2614 : vector<16xi32>
    %convert_element_type3A_2616 = arith.extui %eq3A_2615 : vector<16xi1> to vector<16xi32>
    %broadcast_in_dim3A_2617 = arith.constant true
    %broadcast_in_dim3A_2618 = vector.broadcast %broadcast_in_dim3A_2617 : i1 to vector<16xi1>
    %masked_cumsum3A_2619 = tpu.scan <sum>, %convert_element_type3A_2616 masked %broadcast_in_dim3A_2618 : vector<16xi32>, vector<16xi1> -> vector<16xi32>
    %add3A_2620 = arith.addi %add3A_2508, %masked_cumsum3A_2619 : vector<16xi32>
    %sub3A_2621 = arith.constant 1 : i32
    %sub3A_2622 = vector.broadcast %sub3A_2621 : i32 to vector<16xi32>
    %sub3A_2623 = arith.subi %add3A_2620, %sub3A_2622 : vector<16xi32>
    %select_n3A_2624 = arith.select %eq3A_2615, %sub3A_2623, %select_n3A_2610 : vector<16xi1>, vector<16xi32>
    %all_reduce_population_count3A_2625 = tpu.all_reduce %eq3A_2615 {dim = 0 : i64, kind = #tpu.reduction_kind<sum>} : vector<16xi1> -> vector<16xi32>
    %add3A_2626 = arith.addi %add3A_2508, %all_reduce_population_count3A_2625 : vector<16xi32>
    %eq3A_2627 = arith.constant 2 : i32
    %eq3A_2628 = vector.broadcast %eq3A_2627 : i32 to vector<16xi32>
    %eq3A_2629 = arith.cmpi eq, %get3A_2596, %eq3A_2628 : vector<16xi32>
    %convert_element_type3A_2630 = arith.extui %eq3A_2629 : vector<16xi1> to vector<16xi32>
    %broadcast_in_dim3A_2631 = arith.constant true
    %broadcast_in_dim3A_2632 = vector.broadcast %broadcast_in_dim3A_2631 : i1 to vector<16xi1>
    %masked_cumsum3A_2633 = tpu.scan <sum>, %convert_element_type3A_2630 masked %broadcast_in_dim3A_2632 : vector<16xi32>, vector<16xi1> -> vector<16xi32>
    %add3A_2634 = arith.addi %add3A_2522, %masked_cumsum3A_2633 : vector<16xi32>
    %sub3A_2635 = arith.constant 1 : i32
    %sub3A_2636 = vector.broadcast %sub3A_2635 : i32 to vector<16xi32>
    %sub3A_2637 = arith.subi %add3A_2634, %sub3A_2636 : vector<16xi32>
    %select_n3A_2638 = arith.select %eq3A_2629, %sub3A_2637, %select_n3A_2624 : vector<16xi1>, vector<16xi32>
    %all_reduce_population_count3A_2639 = tpu.all_reduce %eq3A_2629 {dim = 0 : i64, kind = #tpu.reduction_kind<sum>} : vector<16xi1> -> vector<16xi32>
    %add3A_2640 = arith.addi %add3A_2522, %all_reduce_population_count3A_2639 : vector<16xi32>
    %eq3A_2641 = arith.constant 3 : i32
    %eq3A_2642 = vector.broadcast %eq3A_2641 : i32 to vector<16xi32>
    %eq3A_2643 = arith.cmpi eq, %get3A_2596, %eq3A_2642 : vector<16xi32>
    %convert_element_type3A_2644 = arith.extui %eq3A_2643 : vector<16xi1> to vector<16xi32>
    %broadcast_in_dim3A_2645 = arith.constant true
    %broadcast_in_dim3A_2646 = vector.broadcast %broadcast_in_dim3A_2645 : i1 to vector<16xi1>
    %masked_cumsum3A_2647 = tpu.scan <sum>, %convert_element_type3A_2644 masked %broadcast_in_dim3A_2646 : vector<16xi32>, vector<16xi1> -> vector<16xi32>
    %add3A_2648 = arith.addi %add3A_2536, %masked_cumsum3A_2647 : vector<16xi32>
    %sub3A_2649 = arith.constant 1 : i32
    %sub3A_2650 = vector.broadcast %sub3A_2649 : i32 to vector<16xi32>
    %sub3A_2651 = arith.subi %add3A_2648, %sub3A_2650 : vector<16xi32>
    %select_n3A_2652 = arith.select %eq3A_2643, %sub3A_2651, %select_n3A_2638 : vector<16xi1>, vector<16xi32>
    %all_reduce_population_count3A_2653 = tpu.all_reduce %eq3A_2643 {dim = 0 : i64, kind = #tpu.reduction_kind<sum>} : vector<16xi1> -> vector<16xi32>
    %add3A_2654 = arith.addi %add3A_2536, %all_reduce_population_count3A_2653 : vector<16xi32>
    %eq3A_2655 = arith.constant 4 : i32
    %eq3A_2656 = vector.broadcast %eq3A_2655 : i32 to vector<16xi32>
    %eq3A_2657 = arith.cmpi eq, %get3A_2596, %eq3A_2656 : vector<16xi32>
    %convert_element_type3A_2658 = arith.extui %eq3A_2657 : vector<16xi1> to vector<16xi32>
    %broadcast_in_dim3A_2659 = arith.constant true
    %broadcast_in_dim3A_2660 = vector.broadcast %broadcast_in_dim3A_2659 : i1 to vector<16xi1>
    %masked_cumsum3A_2661 = tpu.scan <sum>, %convert_element_type3A_2658 masked %broadcast_in_dim3A_2660 : vector<16xi32>, vector<16xi1> -> vector<16xi32>
    %add3A_2662 = arith.addi %add3A_2550, %masked_cumsum3A_2661 : vector<16xi32>
    %sub3A_2663 = arith.constant 1 : i32
    %sub3A_2664 = vector.broadcast %sub3A_2663 : i32 to vector<16xi32>
    %sub3A_2665 = arith.subi %add3A_2662, %sub3A_2664 : vector<16xi32>
    %select_n3A_2666 = arith.select %eq3A_2657, %sub3A_2665, %select_n3A_2652 : vector<16xi1>, vector<16xi32>
    %all_reduce_population_count3A_2667 = tpu.all_reduce %eq3A_2657 {dim = 0 : i64, kind = #tpu.reduction_kind<sum>} : vector<16xi1> -> vector<16xi32>
    %add3A_2668 = arith.addi %add3A_2550, %all_reduce_population_count3A_2667 : vector<16xi32>
    %eq3A_2669 = arith.constant 5 : i32
    %eq3A_2670 = vector.broadcast %eq3A_2669 : i32 to vector<16xi32>
    %eq3A_2671 = arith.cmpi eq, %get3A_2596, %eq3A_2670 : vector<16xi32>
    %convert_element_type3A_2672 = arith.extui %eq3A_2671 : vector<16xi1> to vector<16xi32>
    %broadcast_in_dim3A_2673 = arith.constant true
    %broadcast_in_dim3A_2674 = vector.broadcast %broadcast_in_dim3A_2673 : i1 to vector<16xi1>
    %masked_cumsum3A_2675 = tpu.scan <sum>, %convert_element_type3A_2672 masked %broadcast_in_dim3A_2674 : vector<16xi32>, vector<16xi1> -> vector<16xi32>
    %add3A_2676 = arith.addi %add3A_2564, %masked_cumsum3A_2675 : vector<16xi32>
    %sub3A_2677 = arith.constant 1 : i32
    %sub3A_2678 = vector.broadcast %sub3A_2677 : i32 to vector<16xi32>
    %sub3A_2679 = arith.subi %add3A_2676, %sub3A_2678 : vector<16xi32>
    %select_n3A_2680 = arith.select %eq3A_2671, %sub3A_2679, %select_n3A_2666 : vector<16xi1>, vector<16xi32>
    %all_reduce_population_count3A_2681 = tpu.all_reduce %eq3A_2671 {dim = 0 : i64, kind = #tpu.reduction_kind<sum>} : vector<16xi1> -> vector<16xi32>
    %add3A_2682 = arith.addi %add3A_2564, %all_reduce_population_count3A_2681 : vector<16xi32>
    %eq3A_2683 = arith.constant 6 : i32
    %eq3A_2684 = vector.broadcast %eq3A_2683 : i32 to vector<16xi32>
    %eq3A_2685 = arith.cmpi eq, %get3A_2596, %eq3A_2684 : vector<16xi32>
    %convert_element_type3A_2686 = arith.extui %eq3A_2685 : vector<16xi1> to vector<16xi32>
    %broadcast_in_dim3A_2687 = arith.constant true
    %broadcast_in_dim3A_2688 = vector.broadcast %broadcast_in_dim3A_2687 : i1 to vector<16xi1>
    %masked_cumsum3A_2689 = tpu.scan <sum>, %convert_element_type3A_2686 masked %broadcast_in_dim3A_2688 : vector<16xi32>, vector<16xi1> -> vector<16xi32>
    %add3A_2690 = arith.addi %add3A_2578, %masked_cumsum3A_2689 : vector<16xi32>
    %sub3A_2691 = arith.constant 1 : i32
    %sub3A_2692 = vector.broadcast %sub3A_2691 : i32 to vector<16xi32>
    %sub3A_2693 = arith.subi %add3A_2690, %sub3A_2692 : vector<16xi32>
    %select_n3A_2694 = arith.select %eq3A_2685, %sub3A_2693, %select_n3A_2680 : vector<16xi1>, vector<16xi32>
    %all_reduce_population_count3A_2695 = tpu.all_reduce %eq3A_2685 {dim = 0 : i64, kind = #tpu.reduction_kind<sum>} : vector<16xi1> -> vector<16xi32>
    %add3A_2696 = arith.addi %add3A_2578, %all_reduce_population_count3A_2695 : vector<16xi32>
    %eq3A_2697 = arith.constant 7 : i32
    %eq3A_2698 = vector.broadcast %eq3A_2697 : i32 to vector<16xi32>
    %eq3A_2699 = arith.cmpi eq, %get3A_2596, %eq3A_2698 : vector<16xi32>
    %convert_element_type3A_2700 = arith.extui %eq3A_2699 : vector<16xi1> to vector<16xi32>
    %broadcast_in_dim3A_2701 = arith.constant true
    %broadcast_in_dim3A_2702 = vector.broadcast %broadcast_in_dim3A_2701 : i1 to vector<16xi1>
    %masked_cumsum3A_2703 = tpu.scan <sum>, %convert_element_type3A_2700 masked %broadcast_in_dim3A_2702 : vector<16xi32>, vector<16xi1> -> vector<16xi32>
    %add3A_2704 = arith.addi %add3A_2592, %masked_cumsum3A_2703 : vector<16xi32>
    %sub3A_2705 = arith.constant 1 : i32
    %sub3A_2706 = vector.broadcast %sub3A_2705 : i32 to vector<16xi32>
    %sub3A_2707 = arith.subi %add3A_2704, %sub3A_2706 : vector<16xi32>
    %select_n3A_2708 = arith.select %eq3A_2699, %sub3A_2707, %select_n3A_2694 : vector<16xi1>, vector<16xi32>
    %all_reduce_population_count3A_2709 = tpu.all_reduce %eq3A_2699 {dim = 0 : i64, kind = #tpu.reduction_kind<sum>} : vector<16xi1> -> vector<16xi32>
    %add3A_2710 = arith.addi %add3A_2592, %all_reduce_population_count3A_2709 : vector<16xi32>
    %swap3A_2711 = arith.constant 208 : index
    %swap3A_2712 = tpu.vector_load %arg12[%swap3A_2711] {strides = array<i32>} : memref<256xi32, #tpu.memory_space<vmem>>, vector<16xi32>,
    tpu.vector_store %arg12[%swap3A_2711], %select_n3A_2708 {strides = array<i32>} : memref<256xi32, #tpu.memory_space<vmem>>, vector<16xi32>,
    %get3A_2713 = arith.constant 224 : index
    %get3A_2714 = tpu.vector_load %arg9[%get3A_2713] {strides = array<i32>} : memref<256xi32, #tpu.memory_space<vmem>>, vector<16xi32>,
    %broadcast_in_dim3A_2715 = arith.constant 0 : i32
    %broadcast_in_dim3A_2716 = vector.broadcast %broadcast_in_dim3A_2715 : i32 to vector<16xi32>
    %eq3A_2717 = arith.constant 0 : i32
    %eq3A_2718 = vector.broadcast %eq3A_2717 : i32 to vector<16xi32>
    %eq3A_2719 = arith.cmpi eq, %get3A_2714, %eq3A_2718 : vector<16xi32>
    %convert_element_type3A_2720 = arith.extui %eq3A_2719 : vector<16xi1> to vector<16xi32>
    %broadcast_in_dim3A_2721 = arith.constant true
    %broadcast_in_dim3A_2722 = vector.broadcast %broadcast_in_dim3A_2721 : i1 to vector<16xi1>
    %masked_cumsum3A_2723 = tpu.scan <sum>, %convert_element_type3A_2720 masked %broadcast_in_dim3A_2722 : vector<16xi32>, vector<16xi1> -> vector<16xi32>
    %add3A_2724 = arith.addi %add3A_2612, %masked_cumsum3A_2723 : vector<16xi32>
    %sub3A_2725 = arith.constant 1 : i32
    %sub3A_2726 = vector.broadcast %sub3A_2725 : i32 to vector<16xi32>
    %sub3A_2727 = arith.subi %add3A_2724, %sub3A_2726 : vector<16xi32>
    %select_n3A_2728 = arith.select %eq3A_2719, %sub3A_2727, %broadcast_in_dim3A_2716 : vector<16xi1>, vector<16xi32>
    %all_reduce_population_count3A_2729 = tpu.all_reduce %eq3A_2719 {dim = 0 : i64, kind = #tpu.reduction_kind<sum>} : vector<16xi1> -> vector<16xi32>
    %add3A_2730 = arith.addi %add3A_2612, %all_reduce_population_count3A_2729 : vector<16xi32>
    %eq3A_2731 = arith.constant 1 : i32
    %eq3A_2732 = vector.broadcast %eq3A_2731 : i32 to vector<16xi32>
    %eq3A_2733 = arith.cmpi eq, %get3A_2714, %eq3A_2732 : vector<16xi32>
    %convert_element_type3A_2734 = arith.extui %eq3A_2733 : vector<16xi1> to vector<16xi32>
    %broadcast_in_dim3A_2735 = arith.constant true
    %broadcast_in_dim3A_2736 = vector.broadcast %broadcast_in_dim3A_2735 : i1 to vector<16xi1>
    %masked_cumsum3A_2737 = tpu.scan <sum>, %convert_element_type3A_2734 masked %broadcast_in_dim3A_2736 : vector<16xi32>, vector<16xi1> -> vector<16xi32>
    %add3A_2738 = arith.addi %add3A_2626, %masked_cumsum3A_2737 : vector<16xi32>
    %sub3A_2739 = arith.constant 1 : i32
    %sub3A_2740 = vector.broadcast %sub3A_2739 : i32 to vector<16xi32>
    %sub3A_2741 = arith.subi %add3A_2738, %sub3A_2740 : vector<16xi32>
    %select_n3A_2742 = arith.select %eq3A_2733, %sub3A_2741, %select_n3A_2728 : vector<16xi1>, vector<16xi32>
    %all_reduce_population_count3A_2743 = tpu.all_reduce %eq3A_2733 {dim = 0 : i64, kind = #tpu.reduction_kind<sum>} : vector<16xi1> -> vector<16xi32>
    %add3A_2744 = arith.addi %add3A_2626, %all_reduce_population_count3A_2743 : vector<16xi32>
    %eq3A_2745 = arith.constant 2 : i32
    %eq3A_2746 = vector.broadcast %eq3A_2745 : i32 to vector<16xi32>
    %eq3A_2747 = arith.cmpi eq, %get3A_2714, %eq3A_2746 : vector<16xi32>
    %convert_element_type3A_2748 = arith.extui %eq3A_2747 : vector<16xi1> to vector<16xi32>
    %broadcast_in_dim3A_2749 = arith.constant true
    %broadcast_in_dim3A_2750 = vector.broadcast %broadcast_in_dim3A_2749 : i1 to vector<16xi1>
    %masked_cumsum3A_2751 = tpu.scan <sum>, %convert_element_type3A_2748 masked %broadcast_in_dim3A_2750 : vector<16xi32>, vector<16xi1> -> vector<16xi32>
    %add3A_2752 = arith.addi %add3A_2640, %masked_cumsum3A_2751 : vector<16xi32>
    %sub3A_2753 = arith.constant 1 : i32
    %sub3A_2754 = vector.broadcast %sub3A_2753 : i32 to vector<16xi32>
    %sub3A_2755 = arith.subi %add3A_2752, %sub3A_2754 : vector<16xi32>
    %select_n3A_2756 = arith.select %eq3A_2747, %sub3A_2755, %select_n3A_2742 : vector<16xi1>, vector<16xi32>
    %all_reduce_population_count3A_2757 = tpu.all_reduce %eq3A_2747 {dim = 0 : i64, kind = #tpu.reduction_kind<sum>} : vector<16xi1> -> vector<16xi32>
    %add3A_2758 = arith.addi %add3A_2640, %all_reduce_population_count3A_2757 : vector<16xi32>
    %eq3A_2759 = arith.constant 3 : i32
    %eq3A_2760 = vector.broadcast %eq3A_2759 : i32 to vector<16xi32>
    %eq3A_2761 = arith.cmpi eq, %get3A_2714, %eq3A_2760 : vector<16xi32>
    %convert_element_type3A_2762 = arith.extui %eq3A_2761 : vector<16xi1> to vector<16xi32>
    %broadcast_in_dim3A_2763 = arith.constant true
    %broadcast_in_dim3A_2764 = vector.broadcast %broadcast_in_dim3A_2763 : i1 to vector<16xi1>
    %masked_cumsum3A_2765 = tpu.scan <sum>, %convert_element_type3A_2762 masked %broadcast_in_dim3A_2764 : vector<16xi32>, vector<16xi1> -> vector<16xi32>
    %add3A_2766 = arith.addi %add3A_2654, %masked_cumsum3A_2765 : vector<16xi32>
    %sub3A_2767 = arith.constant 1 : i32
    %sub3A_2768 = vector.broadcast %sub3A_2767 : i32 to vector<16xi32>
    %sub3A_2769 = arith.subi %add3A_2766, %sub3A_2768 : vector<16xi32>
    %select_n3A_2770 = arith.select %eq3A_2761, %sub3A_2769, %select_n3A_2756 : vector<16xi1>, vector<16xi32>
    %all_reduce_population_count3A_2771 = tpu.all_reduce %eq3A_2761 {dim = 0 : i64, kind = #tpu.reduction_kind<sum>} : vector<16xi1> -> vector<16xi32>
    %add3A_2772 = arith.addi %add3A_2654, %all_reduce_population_count3A_2771 : vector<16xi32>
    %eq3A_2773 = arith.constant 4 : i32
    %eq3A_2774 = vector.broadcast %eq3A_2773 : i32 to vector<16xi32>
    %eq3A_2775 = arith.cmpi eq, %get3A_2714, %eq3A_2774 : vector<16xi32>
    %convert_element_type3A_2776 = arith.extui %eq3A_2775 : vector<16xi1> to vector<16xi32>
    %broadcast_in_dim3A_2777 = arith.constant true
    %broadcast_in_dim3A_2778 = vector.broadcast %broadcast_in_dim3A_2777 : i1 to vector<16xi1>
    %masked_cumsum3A_2779 = tpu.scan <sum>, %convert_element_type3A_2776 masked %broadcast_in_dim3A_2778 : vector<16xi32>, vector<16xi1> -> vector<16xi32>
    %add3A_2780 = arith.addi %add3A_2668, %masked_cumsum3A_2779 : vector<16xi32>
    %sub3A_2781 = arith.constant 1 : i32
    %sub3A_2782 = vector.broadcast %sub3A_2781 : i32 to vector<16xi32>
    %sub3A_2783 = arith.subi %add3A_2780, %sub3A_2782 : vector<16xi32>
    %select_n3A_2784 = arith.select %eq3A_2775, %sub3A_2783, %select_n3A_2770 : vector<16xi1>, vector<16xi32>
    %all_reduce_population_count3A_2785 = tpu.all_reduce %eq3A_2775 {dim = 0 : i64, kind = #tpu.reduction_kind<sum>} : vector<16xi1> -> vector<16xi32>
    %add3A_2786 = arith.addi %add3A_2668, %all_reduce_population_count3A_2785 : vector<16xi32>
    %eq3A_2787 = arith.constant 5 : i32
    %eq3A_2788 = vector.broadcast %eq3A_2787 : i32 to vector<16xi32>
    %eq3A_2789 = arith.cmpi eq, %get3A_2714, %eq3A_2788 : vector<16xi32>
    %convert_element_type3A_2790 = arith.extui %eq3A_2789 : vector<16xi1> to vector<16xi32>
    %broadcast_in_dim3A_2791 = arith.constant true
    %broadcast_in_dim3A_2792 = vector.broadcast %broadcast_in_dim3A_2791 : i1 to vector<16xi1>
    %masked_cumsum3A_2793 = tpu.scan <sum>, %convert_element_type3A_2790 masked %broadcast_in_dim3A_2792 : vector<16xi32>, vector<16xi1> -> vector<16xi32>
    %add3A_2794 = arith.addi %add3A_2682, %masked_cumsum3A_2793 : vector<16xi32>
    %sub3A_2795 = arith.constant 1 : i32
    %sub3A_2796 = vector.broadcast %sub3A_2795 : i32 to vector<16xi32>
    %sub3A_2797 = arith.subi %add3A_2794, %sub3A_2796 : vector<16xi32>
    %select_n3A_2798 = arith.select %eq3A_2789, %sub3A_2797, %select_n3A_2784 : vector<16xi1>, vector<16xi32>
    %all_reduce_population_count3A_2799 = tpu.all_reduce %eq3A_2789 {dim = 0 : i64, kind = #tpu.reduction_kind<sum>} : vector<16xi1> -> vector<16xi32>
    %add3A_2800 = arith.addi %add3A_2682, %all_reduce_population_count3A_2799 : vector<16xi32>
    %eq3A_2801 = arith.constant 6 : i32
    %eq3A_2802 = vector.broadcast %eq3A_2801 : i32 to vector<16xi32>
    %eq3A_2803 = arith.cmpi eq, %get3A_2714, %eq3A_2802 : vector<16xi32>
    %convert_element_type3A_2804 = arith.extui %eq3A_2803 : vector<16xi1> to vector<16xi32>
    %broadcast_in_dim3A_2805 = arith.constant true
    %broadcast_in_dim3A_2806 = vector.broadcast %broadcast_in_dim3A_2805 : i1 to vector<16xi1>
    %masked_cumsum3A_2807 = tpu.scan <sum>, %convert_element_type3A_2804 masked %broadcast_in_dim3A_2806 : vector<16xi32>, vector<16xi1> -> vector<16xi32>
    %add3A_2808 = arith.addi %add3A_2696, %masked_cumsum3A_2807 : vector<16xi32>
    %sub3A_2809 = arith.constant 1 : i32
    %sub3A_2810 = vector.broadcast %sub3A_2809 : i32 to vector<16xi32>
    %sub3A_2811 = arith.subi %add3A_2808, %sub3A_2810 : vector<16xi32>
    %select_n3A_2812 = arith.select %eq3A_2803, %sub3A_2811, %select_n3A_2798 : vector<16xi1>, vector<16xi32>
    %all_reduce_population_count3A_2813 = tpu.all_reduce %eq3A_2803 {dim = 0 : i64, kind = #tpu.reduction_kind<sum>} : vector<16xi1> -> vector<16xi32>
    %add3A_2814 = arith.addi %add3A_2696, %all_reduce_population_count3A_2813 : vector<16xi32>
    %eq3A_2815 = arith.constant 7 : i32
    %eq3A_2816 = vector.broadcast %eq3A_2815 : i32 to vector<16xi32>
    %eq3A_2817 = arith.cmpi eq, %get3A_2714, %eq3A_2816 : vector<16xi32>
    %convert_element_type3A_2818 = arith.extui %eq3A_2817 : vector<16xi1> to vector<16xi32>
    %broadcast_in_dim3A_2819 = arith.constant true
    %broadcast_in_dim3A_2820 = vector.broadcast %broadcast_in_dim3A_2819 : i1 to vector<16xi1>
    %masked_cumsum3A_2821 = tpu.scan <sum>, %convert_element_type3A_2818 masked %broadcast_in_dim3A_2820 : vector<16xi32>, vector<16xi1> -> vector<16xi32>
    %add3A_2822 = arith.addi %add3A_2710, %masked_cumsum3A_2821 : vector<16xi32>
    %sub3A_2823 = arith.constant 1 : i32
    %sub3A_2824 = vector.broadcast %sub3A_2823 : i32 to vector<16xi32>
    %sub3A_2825 = arith.subi %add3A_2822, %sub3A_2824 : vector<16xi32>
    %select_n3A_2826 = arith.select %eq3A_2817, %sub3A_2825, %select_n3A_2812 : vector<16xi1>, vector<16xi32>
    %all_reduce_population_count3A_2827 = tpu.all_reduce %eq3A_2817 {dim = 0 : i64, kind = #tpu.reduction_kind<sum>} : vector<16xi1> -> vector<16xi32>
    %add3A_2828 = arith.addi %add3A_2710, %all_reduce_population_count3A_2827 : vector<16xi32>
    %swap3A_2829 = arith.constant 224 : index
    %swap3A_2830 = tpu.vector_load %arg12[%swap3A_2829] {strides = array<i32>} : memref<256xi32, #tpu.memory_space<vmem>>, vector<16xi32>,
    tpu.vector_store %arg12[%swap3A_2829], %select_n3A_2826 {strides = array<i32>} : memref<256xi32, #tpu.memory_space<vmem>>, vector<16xi32>,
    %get3A_2831 = arith.constant 240 : index
    %get3A_2832 = tpu.vector_load %arg9[%get3A_2831] {strides = array<i32>} : memref<256xi32, #tpu.memory_space<vmem>>, vector<16xi32>,
    %broadcast_in_dim3A_2833 = arith.constant 0 : i32
    %broadcast_in_dim3A_2834 = vector.broadcast %broadcast_in_dim3A_2833 : i32 to vector<16xi32>
    %eq3A_2835 = arith.constant 0 : i32
    %eq3A_2836 = vector.broadcast %eq3A_2835 : i32 to vector<16xi32>
    %eq3A_2837 = arith.cmpi eq, %get3A_2832, %eq3A_2836 : vector<16xi32>
    %convert_element_type3A_2838 = arith.extui %eq3A_2837 : vector<16xi1> to vector<16xi32>
    %broadcast_in_dim3A_2839 = arith.constant true
    %broadcast_in_dim3A_2840 = vector.broadcast %broadcast_in_dim3A_2839 : i1 to vector<16xi1>
    %masked_cumsum3A_2841 = tpu.scan <sum>, %convert_element_type3A_2838 masked %broadcast_in_dim3A_2840 : vector<16xi32>, vector<16xi1> -> vector<16xi32>
    %add3A_2842 = arith.addi %add3A_2730, %masked_cumsum3A_2841 : vector<16xi32>
    %sub3A_2843 = arith.constant 1 : i32
    %sub3A_2844 = vector.broadcast %sub3A_2843 : i32 to vector<16xi32>
    %sub3A_2845 = arith.subi %add3A_2842, %sub3A_2844 : vector<16xi32>
    %select_n3A_2846 = arith.select %eq3A_2837, %sub3A_2845, %broadcast_in_dim3A_2834 : vector<16xi1>, vector<16xi32>
    %all_reduce_population_count3A_2847 = tpu.all_reduce %eq3A_2837 {dim = 0 : i64, kind = #tpu.reduction_kind<sum>} : vector<16xi1> -> vector<16xi32>
    %add3A_2848 = arith.addi %add3A_2730, %all_reduce_population_count3A_2847 : vector<16xi32>
    %eq3A_2849 = arith.constant 1 : i32
    %eq3A_2850 = vector.broadcast %eq3A_2849 : i32 to vector<16xi32>
    %eq3A_2851 = arith.cmpi eq, %get3A_2832, %eq3A_2850 : vector<16xi32>
    %convert_element_type3A_2852 = arith.extui %eq3A_2851 : vector<16xi1> to vector<16xi32>
    %broadcast_in_dim3A_2853 = arith.constant true
    %broadcast_in_dim3A_2854 = vector.broadcast %broadcast_in_dim3A_2853 : i1 to vector<16xi1>
    %masked_cumsum3A_2855 = tpu.scan <sum>, %convert_element_type3A_2852 masked %broadcast_in_dim3A_2854 : vector<16xi32>, vector<16xi1> -> vector<16xi32>
    %add3A_2856 = arith.addi %add3A_2744, %masked_cumsum3A_2855 : vector<16xi32>
    %sub3A_2857 = arith.constant 1 : i32
    %sub3A_2858 = vector.broadcast %sub3A_2857 : i32 to vector<16xi32>
    %sub3A_2859 = arith.subi %add3A_2856, %sub3A_2858 : vector<16xi32>
    %select_n3A_2860 = arith.select %eq3A_2851, %sub3A_2859, %select_n3A_2846 : vector<16xi1>, vector<16xi32>
    %all_reduce_population_count3A_2861 = tpu.all_reduce %eq3A_2851 {dim = 0 : i64, kind = #tpu.reduction_kind<sum>} : vector<16xi1> -> vector<16xi32>
    %add3A_2862 = arith.addi %add3A_2744, %all_reduce_population_count3A_2861 : vector<16xi32>
    %eq3A_2863 = arith.constant 2 : i32
    %eq3A_2864 = vector.broadcast %eq3A_2863 : i32 to vector<16xi32>
    %eq3A_2865 = arith.cmpi eq, %get3A_2832, %eq3A_2864 : vector<16xi32>
    %convert_element_type3A_2866 = arith.extui %eq3A_2865 : vector<16xi1> to vector<16xi32>
    %broadcast_in_dim3A_2867 = arith.constant true
    %broadcast_in_dim3A_2868 = vector.broadcast %broadcast_in_dim3A_2867 : i1 to vector<16xi1>
    %masked_cumsum3A_2869 = tpu.scan <sum>, %convert_element_type3A_2866 masked %broadcast_in_dim3A_2868 : vector<16xi32>, vector<16xi1> -> vector<16xi32>
    %add3A_2870 = arith.addi %add3A_2758, %masked_cumsum3A_2869 : vector<16xi32>
    %sub3A_2871 = arith.constant 1 : i32
    %sub3A_2872 = vector.broadcast %sub3A_2871 : i32 to vector<16xi32>
    %sub3A_2873 = arith.subi %add3A_2870, %sub3A_2872 : vector<16xi32>
    %select_n3A_2874 = arith.select %eq3A_2865, %sub3A_2873, %select_n3A_2860 : vector<16xi1>, vector<16xi32>
    %all_reduce_population_count3A_2875 = tpu.all_reduce %eq3A_2865 {dim = 0 : i64, kind = #tpu.reduction_kind<sum>} : vector<16xi1> -> vector<16xi32>
    %add3A_2876 = arith.addi %add3A_2758, %all_reduce_population_count3A_2875 : vector<16xi32>
    %eq3A_2877 = arith.constant 3 : i32
    %eq3A_2878 = vector.broadcast %eq3A_2877 : i32 to vector<16xi32>
    %eq3A_2879 = arith.cmpi eq, %get3A_2832, %eq3A_2878 : vector<16xi32>
    %convert_element_type3A_2880 = arith.extui %eq3A_2879 : vector<16xi1> to vector<16xi32>
    %broadcast_in_dim3A_2881 = arith.constant true
    %broadcast_in_dim3A_2882 = vector.broadcast %broadcast_in_dim3A_2881 : i1 to vector<16xi1>
    %masked_cumsum3A_2883 = tpu.scan <sum>, %convert_element_type3A_2880 masked %broadcast_in_dim3A_2882 : vector<16xi32>, vector<16xi1> -> vector<16xi32>
    %add3A_2884 = arith.addi %add3A_2772, %masked_cumsum3A_2883 : vector<16xi32>
    %sub3A_2885 = arith.constant 1 : i32
    %sub3A_2886 = vector.broadcast %sub3A_2885 : i32 to vector<16xi32>
    %sub3A_2887 = arith.subi %add3A_2884, %sub3A_2886 : vector<16xi32>
    %select_n3A_2888 = arith.select %eq3A_2879, %sub3A_2887, %select_n3A_2874 : vector<16xi1>, vector<16xi32>
    %all_reduce_population_count3A_2889 = tpu.all_reduce %eq3A_2879 {dim = 0 : i64, kind = #tpu.reduction_kind<sum>} : vector<16xi1> -> vector<16xi32>
    %add3A_2890 = arith.addi %add3A_2772, %all_reduce_population_count3A_2889 : vector<16xi32>
    %eq3A_2891 = arith.constant 4 : i32
    %eq3A_2892 = vector.broadcast %eq3A_2891 : i32 to vector<16xi32>
    %eq3A_2893 = arith.cmpi eq, %get3A_2832, %eq3A_2892 : vector<16xi32>
    %convert_element_type3A_2894 = arith.extui %eq3A_2893 : vector<16xi1> to vector<16xi32>
    %broadcast_in_dim3A_2895 = arith.constant true
    %broadcast_in_dim3A_2896 = vector.broadcast %broadcast_in_dim3A_2895 : i1 to vector<16xi1>
    %masked_cumsum3A_2897 = tpu.scan <sum>, %convert_element_type3A_2894 masked %broadcast_in_dim3A_2896 : vector<16xi32>, vector<16xi1> -> vector<16xi32>
    %add3A_2898 = arith.addi %add3A_2786, %masked_cumsum3A_2897 : vector<16xi32>
    %sub3A_2899 = arith.constant 1 : i32
    %sub3A_2900 = vector.broadcast %sub3A_2899 : i32 to vector<16xi32>
    %sub3A_2901 = arith.subi %add3A_2898, %sub3A_2900 : vector<16xi32>
    %select_n3A_2902 = arith.select %eq3A_2893, %sub3A_2901, %select_n3A_2888 : vector<16xi1>, vector<16xi32>
    %all_reduce_population_count3A_2903 = tpu.all_reduce %eq3A_2893 {dim = 0 : i64, kind = #tpu.reduction_kind<sum>} : vector<16xi1> -> vector<16xi32>
    %add3A_2904 = arith.addi %add3A_2786, %all_reduce_population_count3A_2903 : vector<16xi32>
    %eq3A_2905 = arith.constant 5 : i32
    %eq3A_2906 = vector.broadcast %eq3A_2905 : i32 to vector<16xi32>
    %eq3A_2907 = arith.cmpi eq, %get3A_2832, %eq3A_2906 : vector<16xi32>
    %convert_element_type3A_2908 = arith.extui %eq3A_2907 : vector<16xi1> to vector<16xi32>
    %broadcast_in_dim3A_2909 = arith.constant true
    %broadcast_in_dim3A_2910 = vector.broadcast %broadcast_in_dim3A_2909 : i1 to vector<16xi1>
    %masked_cumsum3A_2911 = tpu.scan <sum>, %convert_element_type3A_2908 masked %broadcast_in_dim3A_2910 : vector<16xi32>, vector<16xi1> -> vector<16xi32>
    %add3A_2912 = arith.addi %add3A_2800, %masked_cumsum3A_2911 : vector<16xi32>
    %sub3A_2913 = arith.constant 1 : i32
    %sub3A_2914 = vector.broadcast %sub3A_2913 : i32 to vector<16xi32>
    %sub3A_2915 = arith.subi %add3A_2912, %sub3A_2914 : vector<16xi32>
    %select_n3A_2916 = arith.select %eq3A_2907, %sub3A_2915, %select_n3A_2902 : vector<16xi1>, vector<16xi32>
    %all_reduce_population_count3A_2917 = tpu.all_reduce %eq3A_2907 {dim = 0 : i64, kind = #tpu.reduction_kind<sum>} : vector<16xi1> -> vector<16xi32>
    %add3A_2918 = arith.addi %add3A_2800, %all_reduce_population_count3A_2917 : vector<16xi32>
    %eq3A_2919 = arith.constant 6 : i32
    %eq3A_2920 = vector.broadcast %eq3A_2919 : i32 to vector<16xi32>
    %eq3A_2921 = arith.cmpi eq, %get3A_2832, %eq3A_2920 : vector<16xi32>
    %convert_element_type3A_2922 = arith.extui %eq3A_2921 : vector<16xi1> to vector<16xi32>
    %broadcast_in_dim3A_2923 = arith.constant true
    %broadcast_in_dim3A_2924 = vector.broadcast %broadcast_in_dim3A_2923 : i1 to vector<16xi1>
    %masked_cumsum3A_2925 = tpu.scan <sum>, %convert_element_type3A_2922 masked %broadcast_in_dim3A_2924 : vector<16xi32>, vector<16xi1> -> vector<16xi32>
    %add3A_2926 = arith.addi %add3A_2814, %masked_cumsum3A_2925 : vector<16xi32>
    %sub3A_2927 = arith.constant 1 : i32
    %sub3A_2928 = vector.broadcast %sub3A_2927 : i32 to vector<16xi32>
    %sub3A_2929 = arith.subi %add3A_2926, %sub3A_2928 : vector<16xi32>
    %select_n3A_2930 = arith.select %eq3A_2921, %sub3A_2929, %select_n3A_2916 : vector<16xi1>, vector<16xi32>
    %all_reduce_population_count3A_2931 = tpu.all_reduce %eq3A_2921 {dim = 0 : i64, kind = #tpu.reduction_kind<sum>} : vector<16xi1> -> vector<16xi32>
    %add3A_2932 = arith.addi %add3A_2814, %all_reduce_population_count3A_2931 : vector<16xi32>
    %eq3A_2933 = arith.constant 7 : i32
    %eq3A_2934 = vector.broadcast %eq3A_2933 : i32 to vector<16xi32>
    %eq3A_2935 = arith.cmpi eq, %get3A_2832, %eq3A_2934 : vector<16xi32>
    %convert_element_type3A_2936 = arith.extui %eq3A_2935 : vector<16xi1> to vector<16xi32>
    %broadcast_in_dim3A_2937 = arith.constant true
    %broadcast_in_dim3A_2938 = vector.broadcast %broadcast_in_dim3A_2937 : i1 to vector<16xi1>
    %masked_cumsum3A_2939 = tpu.scan <sum>, %convert_element_type3A_2936 masked %broadcast_in_dim3A_2938 : vector<16xi32>, vector<16xi1> -> vector<16xi32>
    %add3A_2940 = arith.addi %add3A_2828, %masked_cumsum3A_2939 : vector<16xi32>
    %sub3A_2941 = arith.constant 1 : i32
    %sub3A_2942 = vector.broadcast %sub3A_2941 : i32 to vector<16xi32>
    %sub3A_2943 = arith.subi %add3A_2940, %sub3A_2942 : vector<16xi32>
    %select_n3A_2944 = arith.select %eq3A_2935, %sub3A_2943, %select_n3A_2930 : vector<16xi1>, vector<16xi32>
    %all_reduce_population_count3A_2945 = tpu.all_reduce %eq3A_2935 {dim = 0 : i64, kind = #tpu.reduction_kind<sum>} : vector<16xi1> -> vector<16xi32>
    %add3A_2946 = arith.addi %add3A_2828, %all_reduce_population_count3A_2945 : vector<16xi32>
    %swap3A_2947 = arith.constant 240 : index
    %swap3A_2948 = tpu.vector_load %arg12[%swap3A_2947] {strides = array<i32>} : memref<256xi32, #tpu.memory_space<vmem>>, vector<16xi32>,
    tpu.vector_store %arg12[%swap3A_2947], %select_n3A_2944 {strides = array<i32>} : memref<256xi32, #tpu.memory_space<vmem>>, vector<16xi32>,
    %mul3A_2949 = arith.constant 256 : i32
    %mul3A_2950 = arith.muli %arg1, %mul3A_2949 : i32
    "tpu.region"() ({
      %run_scoped3A = tpu.sem_alloc : memref<!tpu.dma_semaphore, #tpu.memory_space<semaphore_mem>>
      %dma_start3A_3053 = tpu.memref_slice %arg21[%mul3A_2950] : memref<4096xi32, #tpu.memory_space<vmem_shared>> -> memref<256xi32, #tpu.memory_space<vmem_shared>>
      %dma_start3A_3054 = tpu.memref_slice %arg21[%mul3A_2950] : memref<4096xi32, #tpu.memory_space<vmem_shared>> -> memref<256xi32, #tpu.memory_space<vmem_shared>>
      tpu.enqueue_dma source(%arg12 : memref<256xi32, #tpu.memory_space<vmem>>) target(%dma_start3A_3054 : memref<256xi32, #tpu.memory_space<vmem_shared>>) target_semaphore(%run_scoped3A : memref<!tpu.dma_semaphore, #tpu.memory_space<semaphore_mem>>)
      %dma_wait3A_3055 = tpu.memref_slice %arg21[%mul3A_2950] : memref<4096xi32, #tpu.memory_space<vmem_shared>> -> memref<256xi32, #tpu.memory_space<vmem_shared>>
      %dma_wait3A_3056 = tpu.memref_slice %arg21[%mul3A_2950] : memref<4096xi32, #tpu.memory_space<vmem_shared>> -> memref<256xi32, #tpu.memory_space<vmem_shared>>
      tpu.wait_dma2 semaphore(%run_scoped3A : memref<!tpu.dma_semaphore, #tpu.memory_space<semaphore_mem>>) src(%arg12 : memref<256xi32, #tpu.memory_space<vmem>>) dst(%dma_wait3A_3056 : memref<256xi32, #tpu.memory_space<vmem_shared>>)
      tpu.yield
    }) : () -> ()
    %barrier3A_2951 = arith.constant 0 : index
    tpu.barrier barrier_id(%barrier3A_2951)
    "tpu.region"() ({
      %run_scoped3A = tpu.sem_alloc : memref<!tpu.dma_semaphore, #tpu.memory_space<semaphore_mem>>
      tpu.enqueue_dma source(%arg21 : memref<4096xi32, #tpu.memory_space<vmem_shared>>) target(%arg13 : memref<4096xi32, #tpu.memory_space<vmem>>) target_semaphore(%run_scoped3A : memref<!tpu.dma_semaphore, #tpu.memory_space<semaphore_mem>>)
      tpu.wait_dma2 semaphore(%run_scoped3A : memref<!tpu.dma_semaphore, #tpu.memory_space<semaphore_mem>>) src(%arg21 : memref<4096xi32, #tpu.memory_space<vmem_shared>>) dst(%arg13 : memref<4096xi32, #tpu.memory_space<vmem>>)
      tpu.yield
    }) : () -> ()
    %eq3A_2952 = arith.constant 0 : i32
    %eq3A_2953 = arith.cmpi eq, %add3A, %eq3A_2952 : i32
    %convert_element_type3A_2954 = arith.extui %eq3A_2953 : i1 to i32
    %cond3A = arith.constant 0 : i32
    %cond3A_2955 = arith.cmpi ne, %convert_element_type3A_2954, %cond3A : i32
    scf.if %cond3A_2955 {
      "tpu.region"() ({
        %run_scoped3A = tpu.sem_alloc : memref<!tpu.dma_semaphore, #tpu.memory_space<semaphore_mem>>
        %dma_start3A_3053 = arith.constant 0 : i32
        %dma_start3A_3054 = arith.constant 0 : i32
        %dma_start3A_3055 = tpu.memref_slice %arg7[%dma_start3A_3053, %dma_start3A_3054] : memref<2x32xi32, #tpu.memory_space<hbm>> -> memref<2x32xi32, #tpu.memory_space<hbm>>
        %dma_start3A_3056 = arith.constant 0 : i32
        %dma_start3A_3057 = arith.constant 0 : i32
        %dma_start3A_3058 = tpu.memref_slice %arg7[%dma_start3A_3056, %dma_start3A_3057] : memref<2x32xi32, #tpu.memory_space<hbm>> -> memref<2x32xi32, #tpu.memory_space<hbm>>
        tpu.enqueue_dma source(%arg15 : memref<2x32xi32, #tpu.memory_space<vmem>>) target(%dma_start3A_3058 : memref<2x32xi32, #tpu.memory_space<hbm>>) target_semaphore(%run_scoped3A : memref<!tpu.dma_semaphore, #tpu.memory_space<semaphore_mem>>)
        %dma_wait3A_3059 = arith.constant 0 : i32
        %dma_wait3A_3060 = arith.constant 0 : i32
        %dma_wait3A_3061 = tpu.memref_slice %arg7[%dma_wait3A_3059, %dma_wait3A_3060] : memref<2x32xi32, #tpu.memory_space<hbm>> -> memref<2x32xi32, #tpu.memory_space<hbm>>
        %dma_wait3A_3062 = arith.constant 0 : i32
        %dma_wait3A_3063 = arith.constant 0 : i32
        %dma_wait3A_3064 = tpu.memref_slice %arg7[%dma_wait3A_3062, %dma_wait3A_3063] : memref<2x32xi32, #tpu.memory_space<hbm>> -> memref<2x32xi32, #tpu.memory_space<hbm>>
        tpu.wait_dma2 semaphore(%run_scoped3A : memref<!tpu.dma_semaphore, #tpu.memory_space<semaphore_mem>>) src(%arg15 : memref<2x32xi32, #tpu.memory_space<vmem>>) dst(%dma_wait3A_3064 : memref<2x32xi32, #tpu.memory_space<hbm>>)
        tpu.yield
      }) : () -> ()
    } else {
    }
    %eq3A_2956 = arith.constant 0 : i32
    %eq3A_2957 = arith.cmpi eq, %arg0, %eq3A_2956 : i32
    %convert_element_type3A_2958 = arith.extui %eq3A_2957 : i1 to i32
    %cond3A_2959 = arith.constant 0 : i32
    %cond3A_2960 = arith.cmpi ne, %convert_element_type3A_2958, %cond3A_2959 : i32
    scf.if %cond3A_2960 {
      %mul3A_3053 = arith.constant 256 : i32
      %mul3A_3054 = arith.muli %arg1, %mul3A_3053 : i32
      "tpu.region"() ({
        %run_scoped3A = tpu.sem_alloc : memref<!tpu.dma_semaphore, #tpu.memory_space<semaphore_mem>>
        %dma_start3A_3055 = tpu.memref_slice %arg8[%mul3A_3054] : memref<4096xi32, #tpu.memory_space<hbm>> -> memref<256xi32, #tpu.memory_space<hbm>>
        %dma_start3A_3056 = tpu.memref_slice %arg8[%mul3A_3054] : memref<4096xi32, #tpu.memory_space<hbm>> -> memref<256xi32, #tpu.memory_space<hbm>>
        tpu.enqueue_dma source(%arg12 : memref<256xi32, #tpu.memory_space<vmem>>) target(%dma_start3A_3056 : memref<256xi32, #tpu.memory_space<hbm>>) target_semaphore(%run_scoped3A : memref<!tpu.dma_semaphore, #tpu.memory_space<semaphore_mem>>)
        %dma_wait3A_3057 = tpu.memref_slice %arg8[%mul3A_3054] : memref<4096xi32, #tpu.memory_space<hbm>> -> memref<256xi32, #tpu.memory_space<hbm>>
        %dma_wait3A_3058 = tpu.memref_slice %arg8[%mul3A_3054] : memref<4096xi32, #tpu.memory_space<hbm>> -> memref<256xi32, #tpu.memory_space<hbm>>
        tpu.wait_dma2 semaphore(%run_scoped3A : memref<!tpu.dma_semaphore, #tpu.memory_space<semaphore_mem>>) src(%arg12 : memref<256xi32, #tpu.memory_space<vmem>>) dst(%dma_wait3A_3058 : memref<256xi32, #tpu.memory_space<hbm>>)
        tpu.yield
      }) : () -> ()
    } else {
    }
    %scan3A = arith.constant 0 : i32
    %scan3A_2961 = arith.constant 0 : i32
    %scan3A_2962 = arith.constant 384 : i32
    %scan3A_2963 = arith.addi %scan3A_2961, %scan3A_2962 : i32
    %scan3A_2964 = arith.constant 1 : i32
    scf.for %scan3A_3053 = %scan3A_2961 to %scan3A_2963 step %scan3A_2964  : i32 {
      %mul3A_3054 = arith.constant 16 : i32
      %mul3A_3055 = arith.muli %scan3A_3053, %mul3A_3054 : i32
      %add3A_3056 = vector.broadcast %mul3A_3055 : i32 to vector<16xi32>
      %add3A_3057 = arith.addi %add3A_3056, %iota3A : vector<16xi32>
      %and3A = arith.constant 2047 : i32
      %and3A_3058 = vector.broadcast %and3A : i32 to vector<16xi32>
      %and3A_3059 = arith.andi %add3A_3057, %and3A_3058 : vector<16xi32>
      %mul3A_3060 = arith.constant 16 : i32
      %mul3A_3061 = arith.muli %scan3A_3053, %mul3A_3060 : i32
      %swap3A_3062 = arith.index_cast %mul3A_3061 : i32 to index
      %swap3A_3063 = tpu.vector_load %arg16[%swap3A_3062] {strides = array<i32>} : memref<6144xi32, #tpu.memory_space<vmem>>, vector<16xi32>,
      tpu.vector_store %arg16[%swap3A_3062], %and3A_3059 {strides = array<i32>} : memref<6144xi32, #tpu.memory_space<vmem>>, vector<16xi32>,
      %mul3A_3064 = arith.constant 16 : i32
      %mul3A_3065 = arith.muli %scan3A_3053, %mul3A_3064 : i32
      %swap3A_3066 = arith.index_cast %mul3A_3065 : i32 to index
      %swap3A_3067 = tpu.vector_load %arg17[%swap3A_3066] {strides = array<i32>} : memref<6144xf32, #tpu.memory_space<vmem>>, vector<16xf32>,
      tpu.vector_store %arg17[%swap3A_3066], %mul3A_5 {strides = array<i32>} : memref<6144xf32, #tpu.memory_space<vmem>>, vector<16xf32>,
    }
    %scan3A_2965 = arith.constant 384 : i32
    %scan3A_2966 = arith.constant 0 : i32
    %scan3A_2967 = arith.constant 0 : i32
    %scan3A_2968 = arith.constant 256 : i32
    %scan3A_2969 = arith.addi %scan3A_2967, %scan3A_2968 : i32
    %scan3A_2970 = arith.constant 1 : i32
    scf.for %scan3A_3053 = %scan3A_2967 to %scan3A_2969 step %scan3A_2970  : i32 {
      %mul3A_3054 = arith.constant 16 : i32
      %mul3A_3055 = arith.muli %scan3A_3053, %mul3A_3054 : i32
      %get3A_3056 = arith.index_cast %mul3A_3055 : i32 to index
      %get3A_3057 = tpu.vector_load %arg13[%get3A_3056] {strides = array<i32>} : memref<4096xi32, #tpu.memory_space<vmem>>, vector<16xi32>,
      %mul3A_3058 = arith.constant 16 : i32
      %mul3A_3059 = arith.muli %scan3A_3053, %mul3A_3058 : i32
      %add3A_3060 = vector.broadcast %mul3A_3059 : i32 to vector<16xi32>
      %add3A_3061 = arith.addi %add3A_3060, %iota3A : vector<16xi32>
      %shift_right_arithmetic3A_3062 = arith.constant 1 : i32
      %shift_right_arithmetic3A_3063 = vector.broadcast %shift_right_arithmetic3A_3062 : i32 to vector<16xi32>
      %shift_right_arithmetic3A_3064 = arith.shrsi %add3A_3061, %shift_right_arithmetic3A_3063 : vector<16xi32>
      tpu.vector_store_idx %arg16[%get3A_3057], %shift_right_arithmetic3A_3064 : memref<6144xi32, #tpu.memory_space<vmem>>[vector<16xi32>], vector<16xi32>,
      %mul3A_3065 = arith.constant 16 : i32
      %mul3A_3066 = arith.muli %scan3A_3053, %mul3A_3065 : i32
      %get3A_3067 = arith.index_cast %mul3A_3066 : i32 to index
      %get3A_3068 = tpu.vector_load %arg14[%get3A_3067] {strides = array<i32>} : memref<4096xf32, #tpu.memory_space<vmem>>, vector<16xf32>,
      tpu.vector_store_idx %arg17[%get3A_3057], %get3A_3068 : memref<6144xf32, #tpu.memory_space<vmem>>[vector<16xi32>], vector<16xf32>,
    }
    %scan3A_2971 = arith.constant 256 : i32
    %eq3A_2972 = arith.constant 0 : i32
    %eq3A_2973 = arith.cmpi eq, %add3A, %eq3A_2972 : i32
    %convert_element_type3A_2974 = arith.extui %eq3A_2973 : i1 to i32
    %cond3A_2975 = arith.constant 0 : i32
    %cond3A_2976 = arith.cmpi ne, %convert_element_type3A_2974, %cond3A_2975 : i32
    scf.if %cond3A_2976 {
      "tpu.region"() ({
        %run_scoped3A = tpu.sem_alloc : memref<!tpu.dma_semaphore, #tpu.memory_space<semaphore_mem>>
        %dma_start3A_3053 = arith.constant 0 : i32
        %dma_start3A_3054 = tpu.memref_slice %arg6[%dma_start3A_3053] : memref<6144xf32, #tpu.memory_space<hbm>> -> memref<6144xf32, #tpu.memory_space<hbm>>
        %dma_start3A_3055 = arith.constant 0 : i32
        %dma_start3A_3056 = tpu.memref_slice %arg6[%dma_start3A_3055] : memref<6144xf32, #tpu.memory_space<hbm>> -> memref<6144xf32, #tpu.memory_space<hbm>>
        tpu.enqueue_dma source(%arg17 : memref<6144xf32, #tpu.memory_space<vmem>>) target(%dma_start3A_3056 : memref<6144xf32, #tpu.memory_space<hbm>>) target_semaphore(%run_scoped3A : memref<!tpu.dma_semaphore, #tpu.memory_space<semaphore_mem>>)
        %dma_wait3A_3057 = arith.constant 0 : i32
        %dma_wait3A_3058 = tpu.memref_slice %arg6[%dma_wait3A_3057] : memref<6144xf32, #tpu.memory_space<hbm>> -> memref<6144xf32, #tpu.memory_space<hbm>>
        %dma_wait3A_3059 = arith.constant 0 : i32
        %dma_wait3A_3060 = tpu.memref_slice %arg6[%dma_wait3A_3059] : memref<6144xf32, #tpu.memory_space<hbm>> -> memref<6144xf32, #tpu.memory_space<hbm>>
        tpu.wait_dma2 semaphore(%run_scoped3A : memref<!tpu.dma_semaphore, #tpu.memory_space<semaphore_mem>>) src(%arg17 : memref<6144xf32, #tpu.memory_space<vmem>>) dst(%dma_wait3A_3060 : memref<6144xf32, #tpu.memory_space<hbm>>)
        tpu.yield
      }) : () -> ()
    } else {
    }
    %dma_start3A = tpu.memref_slice %arg16[%mul3A_2] : memref<6144xi32, #tpu.memory_space<vmem>> -> memref<48xi32, #tpu.memory_space<vmem>>
    %dma_start3A_2977 = arith.constant 0 : i32
    %dma_start3A_2978 = arith.constant 0 : i32
    %dma_start3A_2979 = tpu.memref_slice %arg2[%dma_start3A_2977, %dma_start3A_2978] : memref<2048x1024xf32, #tpu.memory_space<hbm>> -> memref<2048x1024xf32, #tpu.memory_space<hbm>>
    tpu.enqueue_indirect_dma source(%dma_start3A_2979 : memref<2048x1024xf32, #tpu.memory_space<hbm>>) target(%arg18 : memref<48x1024xf32, #tpu.memory_space<vmem>>) offsets(%dma_start3A : memref<48xi32, #tpu.memory_space<vmem>>) semaphore(%arg22 : memref<!tpu.dma_semaphore, #tpu.memory_space<semaphore_mem>>)
    %add3A_2980 = arith.constant 48 : i32
    %add3A_2981 = arith.addi %mul3A_2, %add3A_2980 : i32
    %dma_start3A_2982 = tpu.memref_slice %arg16[%add3A_2981] : memref<6144xi32, #tpu.memory_space<vmem>> -> memref<48xi32, #tpu.memory_space<vmem>>
    %dma_start3A_2983 = arith.constant 0 : i32
    %dma_start3A_2984 = arith.constant 0 : i32
    %dma_start3A_2985 = tpu.memref_slice %arg2[%dma_start3A_2983, %dma_start3A_2984] : memref<2048x1024xf32, #tpu.memory_space<hbm>> -> memref<2048x1024xf32, #tpu.memory_space<hbm>>
    tpu.enqueue_indirect_dma source(%dma_start3A_2985 : memref<2048x1024xf32, #tpu.memory_space<hbm>>) target(%arg19 : memref<48x1024xf32, #tpu.memory_space<vmem>>) offsets(%dma_start3A_2982 : memref<48xi32, #tpu.memory_space<vmem>>) semaphore(%arg23 : memref<!tpu.dma_semaphore, #tpu.memory_space<semaphore_mem>>)
    %dma_wait3A = tpu.memref_slice %arg16[%mul3A_2] : memref<6144xi32, #tpu.memory_space<vmem>> -> memref<48xi32, #tpu.memory_space<vmem>>
    %dma_wait3A_2986 = arith.constant 0 : i32
    %dma_wait3A_2987 = arith.constant 0 : i32
    %dma_wait3A_2988 = tpu.memref_slice %arg2[%dma_wait3A_2986, %dma_wait3A_2987] : memref<2048x1024xf32, #tpu.memory_space<hbm>> -> memref<2048x1024xf32, #tpu.memory_space<hbm>>
    tpu.wait_indirect_dma semaphore(%arg22 : memref<!tpu.dma_semaphore, #tpu.memory_space<semaphore_mem>>) src(%dma_wait3A_2988 : memref<2048x1024xf32, #tpu.memory_space<hbm>>) dst(%arg18 : memref<48x1024xf32, #tpu.memory_space<vmem>>)
    %add3A_2989 = arith.constant 0 : i32
    %add3A_2990 = arith.addi %mul3A_2, %add3A_2989 : i32
    %dma_start3A_2991 = arith.constant 0 : i32
    %dma_start3A_2992 = tpu.memref_slice %arg5[%add3A_2990, %dma_start3A_2991] : memref<6144x1024xf32, #tpu.memory_space<hbm>> -> memref<48x1024xf32, #tpu.memory_space<hbm>>
    %dma_start3A_2993 = arith.constant 0 : i32
    %dma_start3A_2994 = tpu.memref_slice %arg5[%add3A_2990, %dma_start3A_2993] : memref<6144x1024xf32, #tpu.memory_space<hbm>> -> memref<48x1024xf32, #tpu.memory_space<hbm>>
    tpu.enqueue_dma source(%arg18 : memref<48x1024xf32, #tpu.memory_space<vmem>>) target(%dma_start3A_2994 : memref<48x1024xf32, #tpu.memory_space<hbm>>) target_semaphore(%arg24 : memref<!tpu.dma_semaphore, #tpu.memory_space<semaphore_mem>>)
    %dma_wait3A_2995 = arith.constant 0 : i32
    %dma_wait3A_2996 = tpu.memref_slice %arg5[%add3A_2990, %dma_wait3A_2995] : memref<6144x1024xf32, #tpu.memory_space<hbm>> -> memref<48x1024xf32, #tpu.memory_space<hbm>>
    %dma_wait3A_2997 = arith.constant 0 : i32
    %dma_wait3A_2998 = tpu.memref_slice %arg5[%add3A_2990, %dma_wait3A_2997] : memref<6144x1024xf32, #tpu.memory_space<hbm>> -> memref<48x1024xf32, #tpu.memory_space<hbm>>
    tpu.wait_dma2 semaphore(%arg24 : memref<!tpu.dma_semaphore, #tpu.memory_space<semaphore_mem>>) src(%arg18 : memref<48x1024xf32, #tpu.memory_space<vmem>>) dst(%dma_wait3A_2998 : memref<48x1024xf32, #tpu.memory_space<hbm>>)
    %add3A_2999 = arith.constant 96 : i32
    %add3A_3000 = arith.addi %mul3A_2, %add3A_2999 : i32
    %dma_start3A_3001 = tpu.memref_slice %arg16[%add3A_3000] : memref<6144xi32, #tpu.memory_space<vmem>> -> memref<48xi32, #tpu.memory_space<vmem>>
    %dma_start3A_3002 = arith.constant 0 : i32
    %dma_start3A_3003 = arith.constant 0 : i32
    %dma_start3A_3004 = tpu.memref_slice %arg2[%dma_start3A_3002, %dma_start3A_3003] : memref<2048x1024xf32, #tpu.memory_space<hbm>> -> memref<2048x1024xf32, #tpu.memory_space<hbm>>
    tpu.enqueue_indirect_dma source(%dma_start3A_3004 : memref<2048x1024xf32, #tpu.memory_space<hbm>>) target(%arg18 : memref<48x1024xf32, #tpu.memory_space<vmem>>) offsets(%dma_start3A_3001 : memref<48xi32, #tpu.memory_space<vmem>>) semaphore(%arg22 : memref<!tpu.dma_semaphore, #tpu.memory_space<semaphore_mem>>)
    %dma_wait3A_3005 = tpu.memref_slice %arg16[%add3A_2981] : memref<6144xi32, #tpu.memory_space<vmem>> -> memref<48xi32, #tpu.memory_space<vmem>>
    %dma_wait3A_3006 = arith.constant 0 : i32
    %dma_wait3A_3007 = arith.constant 0 : i32
    %dma_wait3A_3008 = tpu.memref_slice %arg2[%dma_wait3A_3006, %dma_wait3A_3007] : memref<2048x1024xf32, #tpu.memory_space<hbm>> -> memref<2048x1024xf32, #tpu.memory_space<hbm>>
    tpu.wait_indirect_dma semaphore(%arg23 : memref<!tpu.dma_semaphore, #tpu.memory_space<semaphore_mem>>) src(%dma_wait3A_3008 : memref<2048x1024xf32, #tpu.memory_space<hbm>>) dst(%arg19 : memref<48x1024xf32, #tpu.memory_space<vmem>>)
    %add3A_3009 = arith.constant 48 : i32
    %add3A_3010 = arith.addi %mul3A_2, %add3A_3009 : i32
    %dma_start3A_3011 = arith.constant 0 : i32
    %dma_start3A_3012 = tpu.memref_slice %arg5[%add3A_3010, %dma_start3A_3011] : memref<6144x1024xf32, #tpu.memory_space<hbm>> -> memref<48x1024xf32, #tpu.memory_space<hbm>>
    %dma_start3A_3013 = arith.constant 0 : i32
    %dma_start3A_3014 = tpu.memref_slice %arg5[%add3A_3010, %dma_start3A_3013] : memref<6144x1024xf32, #tpu.memory_space<hbm>> -> memref<48x1024xf32, #tpu.memory_space<hbm>>
    tpu.enqueue_dma source(%arg19 : memref<48x1024xf32, #tpu.memory_space<vmem>>) target(%dma_start3A_3014 : memref<48x1024xf32, #tpu.memory_space<hbm>>) target_semaphore(%arg25 : memref<!tpu.dma_semaphore, #tpu.memory_space<semaphore_mem>>)
    %dma_wait3A_3015 = arith.constant 0 : i32
    %dma_wait3A_3016 = tpu.memref_slice %arg5[%add3A_3010, %dma_wait3A_3015] : memref<6144x1024xf32, #tpu.memory_space<hbm>> -> memref<48x1024xf32, #tpu.memory_space<hbm>>
    %dma_wait3A_3017 = arith.constant 0 : i32
    %dma_wait3A_3018 = tpu.memref_slice %arg5[%add3A_3010, %dma_wait3A_3017] : memref<6144x1024xf32, #tpu.memory_space<hbm>> -> memref<48x1024xf32, #tpu.memory_space<hbm>>
    tpu.wait_dma2 semaphore(%arg25 : memref<!tpu.dma_semaphore, #tpu.memory_space<semaphore_mem>>) src(%arg19 : memref<48x1024xf32, #tpu.memory_space<vmem>>) dst(%dma_wait3A_3018 : memref<48x1024xf32, #tpu.memory_space<hbm>>)
    %add3A_3019 = arith.constant 144 : i32
    %add3A_3020 = arith.addi %mul3A_2, %add3A_3019 : i32
    %dma_start3A_3021 = tpu.memref_slice %arg16[%add3A_3020] : memref<6144xi32, #tpu.memory_space<vmem>> -> memref<48xi32, #tpu.memory_space<vmem>>
    %dma_start3A_3022 = arith.constant 0 : i32
    %dma_start3A_3023 = arith.constant 0 : i32
    %dma_start3A_3024 = tpu.memref_slice %arg2[%dma_start3A_3022, %dma_start3A_3023] : memref<2048x1024xf32, #tpu.memory_space<hbm>> -> memref<2048x1024xf32, #tpu.memory_space<hbm>>
    tpu.enqueue_indirect_dma source(%dma_start3A_3024 : memref<2048x1024xf32, #tpu.memory_space<hbm>>) target(%arg19 : memref<48x1024xf32, #tpu.memory_space<vmem>>) offsets(%dma_start3A_3021 : memref<48xi32, #tpu.memory_space<vmem>>) semaphore(%arg23 : memref<!tpu.dma_semaphore, #tpu.memory_space<semaphore_mem>>)
    %dma_wait3A_3025 = tpu.memref_slice %arg16[%add3A_3000] : memref<6144xi32, #tpu.memory_space<vmem>> -> memref<48xi32, #tpu.memory_space<vmem>>
    %dma_wait3A_3026 = arith.constant 0 : i32
    %dma_wait3A_3027 = arith.constant 0 : i32
    %dma_wait3A_3028 = tpu.memref_slice %arg2[%dma_wait3A_3026, %dma_wait3A_3027] : memref<2048x1024xf32, #tpu.memory_space<hbm>> -> memref<2048x1024xf32, #tpu.memory_space<hbm>>
    tpu.wait_indirect_dma semaphore(%arg22 : memref<!tpu.dma_semaphore, #tpu.memory_space<semaphore_mem>>) src(%dma_wait3A_3028 : memref<2048x1024xf32, #tpu.memory_space<hbm>>) dst(%arg18 : memref<48x1024xf32, #tpu.memory_space<vmem>>)
    %add3A_3029 = arith.constant 96 : i32
    %add3A_3030 = arith.addi %mul3A_2, %add3A_3029 : i32
    %dma_start3A_3031 = arith.constant 0 : i32
    %dma_start3A_3032 = tpu.memref_slice %arg5[%add3A_3030, %dma_start3A_3031] : memref<6144x1024xf32, #tpu.memory_space<hbm>> -> memref<48x1024xf32, #tpu.memory_space<hbm>>
    %dma_start3A_3033 = arith.constant 0 : i32
    %dma_start3A_3034 = tpu.memref_slice %arg5[%add3A_3030, %dma_start3A_3033] : memref<6144x1024xf32, #tpu.memory_space<hbm>> -> memref<48x1024xf32, #tpu.memory_space<hbm>>
    tpu.enqueue_dma source(%arg18 : memref<48x1024xf32, #tpu.memory_space<vmem>>) target(%dma_start3A_3034 : memref<48x1024xf32, #tpu.memory_space<hbm>>) target_semaphore(%arg24 : memref<!tpu.dma_semaphore, #tpu.memory_space<semaphore_mem>>)
    %dma_wait3A_3035 = tpu.memref_slice %arg16[%add3A_3020] : memref<6144xi32, #tpu.memory_space<vmem>> -> memref<48xi32, #tpu.memory_space<vmem>>
    %dma_wait3A_3036 = arith.constant 0 : i32
    %dma_wait3A_3037 = arith.constant 0 : i32
    %dma_wait3A_3038 = tpu.memref_slice %arg2[%dma_wait3A_3036, %dma_wait3A_3037] : memref<2048x1024xf32, #tpu.memory_space<hbm>> -> memref<2048x1024xf32, #tpu.memory_space<hbm>>
    tpu.wait_indirect_dma semaphore(%arg23 : memref<!tpu.dma_semaphore, #tpu.memory_space<semaphore_mem>>) src(%dma_wait3A_3038 : memref<2048x1024xf32, #tpu.memory_space<hbm>>) dst(%arg19 : memref<48x1024xf32, #tpu.memory_space<vmem>>)
    %add3A_3039 = arith.constant 144 : i32
    %add3A_3040 = arith.addi %mul3A_2, %add3A_3039 : i32
    %dma_start3A_3041 = arith.constant 0 : i32
    %dma_start3A_3042 = tpu.memref_slice %arg5[%add3A_3040, %dma_start3A_3041] : memref<6144x1024xf32, #tpu.memory_space<hbm>> -> memref<48x1024xf32, #tpu.memory_space<hbm>>
    %dma_start3A_3043 = arith.constant 0 : i32
    %dma_start3A_3044 = tpu.memref_slice %arg5[%add3A_3040, %dma_start3A_3043] : memref<6144x1024xf32, #tpu.memory_space<hbm>> -> memref<48x1024xf32, #tpu.memory_space<hbm>>
    tpu.enqueue_dma source(%arg19 : memref<48x1024xf32, #tpu.memory_space<vmem>>) target(%dma_start3A_3044 : memref<48x1024xf32, #tpu.memory_space<hbm>>) target_semaphore(%arg25 : memref<!tpu.dma_semaphore, #tpu.memory_space<semaphore_mem>>)
    %dma_wait3A_3045 = arith.constant 0 : i32
    %dma_wait3A_3046 = tpu.memref_slice %arg5[%add3A_3030, %dma_wait3A_3045] : memref<6144x1024xf32, #tpu.memory_space<hbm>> -> memref<48x1024xf32, #tpu.memory_space<hbm>>
    %dma_wait3A_3047 = arith.constant 0 : i32
    %dma_wait3A_3048 = tpu.memref_slice %arg5[%add3A_3030, %dma_wait3A_3047] : memref<6144x1024xf32, #tpu.memory_space<hbm>> -> memref<48x1024xf32, #tpu.memory_space<hbm>>
    tpu.wait_dma2 semaphore(%arg24 : memref<!tpu.dma_semaphore, #tpu.memory_space<semaphore_mem>>) src(%arg18 : memref<48x1024xf32, #tpu.memory_space<vmem>>) dst(%dma_wait3A_3048 : memref<48x1024xf32, #tpu.memory_space<hbm>>)
    %dma_wait3A_3049 = arith.constant 0 : i32
    %dma_wait3A_3050 = tpu.memref_slice %arg5[%add3A_3040, %dma_wait3A_3049] : memref<6144x1024xf32, #tpu.memory_space<hbm>> -> memref<48x1024xf32, #tpu.memory_space<hbm>>
    %dma_wait3A_3051 = arith.constant 0 : i32
    %dma_wait3A_3052 = tpu.memref_slice %arg5[%add3A_3040, %dma_wait3A_3051] : memref<6144x1024xf32, #tpu.memory_space<hbm>> -> memref<48x1024xf32, #tpu.memory_space<hbm>>
    tpu.wait_dma2 semaphore(%arg25 : memref<!tpu.dma_semaphore, #tpu.memory_space<semaphore_mem>>) src(%arg19 : memref<48x1024xf32, #tpu.memory_space<vmem>>) dst(%dma_wait3A_3052 : memref<48x1024xf32, #tpu.memory_space<hbm>>)
    return
  }
}

module attributes {stable_mosaic.version = 14 : i64} {
  func.func @tc_expert_blocks(%arg0: i32, %arg1: memref<2x32xi32, #tpu.memory_space<smem>>, %arg2: memref<256x1024xf32, #tpu.memory_space<vmem>>, %arg3: memref<1x1024x1024xf32, #tpu.memory_space<vmem>>, %arg4: memref<1x1024x1024xf32, #tpu.memory_space<vmem>>, %arg5: memref<1x1024x1024xf32, #tpu.memory_space<vmem>>, %arg6: memref<1x1x256xf32, #tpu.memory_space<vmem>>, %arg7: memref<256x1024xf32, #tpu.memory_space<vmem>>) attributes {dimension_semantics = [#tpu.dimension_semantics<arbitrary>], iteration_bounds = array<i64: 24>, scalar_prefetch = 1 : i64, scratch_operands = 0 : i64, tpu.core_type = #tpu.core_type<tc>, window_params = [{transform_indices = @transform_0, window_bounds = array<i64: 256, 1024>}, {transform_indices = @transform_1, window_bounds = array<i64: 1, 1024, 1024>}, {transform_indices = @transform_2, window_bounds = array<i64: 1, 1024, 1024>}, {transform_indices = @transform_3, window_bounds = array<i64: 1, 1024, 1024>}, {transform_indices = @transform_4, window_bounds = array<i64: 1, 1, 256>}, {transform_indices = @transform_5, window_bounds = array<i64: 256, 1024>}]} {
    %get3A = arith.constant 1 : index
    %get3A_0 = arith.index_cast %arg0 : i32 to index
    %get3A_1 = memref.load %arg1[%get3A, %get3A_0] : memref<2x32xi32, #tpu.memory_space<smem>>
    %eq3A = arith.cmpi eq, %get3A_1, %arg0 : i32
    %convert_element_type3A = arith.extui %eq3A : i1 to i32
    %cond3A = arith.constant 0 : i32
    %cond3A_2 = arith.cmpi ne, %convert_element_type3A, %cond3A : i32
    scf.if %cond3A_2 {
      %get3A_3 = arith.constant 0 : index
      %get3A_4 = arith.constant 0 : index
      %get3A_5 = vector.load %arg2[%get3A_3, %get3A_4] : memref<256x1024xf32, #tpu.memory_space<vmem>>, vector<256x1024xf32>
      %get3A_6 = arith.constant 0 : index
      %get3A_7 = arith.constant 0 : index
      %get3A_8 = arith.constant 0 : index
      %get3A_9 = vector.load %arg3[%get3A_6, %get3A_7, %get3A_8] : memref<1x1024x1024xf32, #tpu.memory_space<vmem>>, vector<1x1024x1024xf32>
      %get3A_10 = vector.shape_cast %get3A_9 : vector<1x1024x1024xf32> to vector<1024x1024xf32>
      %dot_general3A = arith.constant dense<0.000000e+00> : vector<256x1024xf32>
      %dot_general3A_11 = tpu.matmul %get3A_5, %get3A_10, %dot_general3A {dimension_numbers = #tpu.dot_dimension_numbers<[1], [1], [0], [0], [0, 0, 1, 0], [], []>, transpose_lhs_hint = false} : vector<256x1024xf32>, vector<1024x1024xf32>, vector<256x1024xf32> -> vector<256x1024xf32>
      %get3A_12 = arith.constant 0 : index
      %get3A_13 = arith.constant 0 : index
      %get3A_14 = arith.constant 0 : index
      %get3A_15 = vector.load %arg4[%get3A_12, %get3A_13, %get3A_14] : memref<1x1024x1024xf32, #tpu.memory_space<vmem>>, vector<1x1024x1024xf32>
      %get3A_16 = vector.shape_cast %get3A_15 : vector<1x1024x1024xf32> to vector<1024x1024xf32>
      %dot_general3A_17 = arith.constant dense<0.000000e+00> : vector<256x1024xf32>
      %dot_general3A_18 = tpu.matmul %get3A_5, %get3A_16, %dot_general3A_17 {dimension_numbers = #tpu.dot_dimension_numbers<[1], [1], [0], [0], [0, 0, 1, 0], [], []>, transpose_lhs_hint = false} : vector<256x1024xf32>, vector<1024x1024xf32>, vector<256x1024xf32> -> vector<256x1024xf32>
      %neg3A = arith.constant 0.000000e+00 : f32
      %neg3A_19 = vector.broadcast %neg3A : f32 to vector<256x1024xf32>
      %neg3A_20 = arith.subf %neg3A_19, %dot_general3A_11 : vector<256x1024xf32>
      %exp3A = math.exp %neg3A_20 : vector<256x1024xf32>
      %add3A = arith.constant 1.000000e+00 : f32
      %add3A_21 = vector.broadcast %add3A : f32 to vector<256x1024xf32>
      %add3A_22 = arith.addf %add3A_21, %exp3A : vector<256x1024xf32>
      %div3A = arith.divf %dot_general3A_11, %add3A_22 : vector<256x1024xf32>
      %mul3A = arith.mulf %div3A, %dot_general3A_18 : vector<256x1024xf32>
      %get3A_23 = arith.constant 0 : index
      %get3A_24 = arith.constant 0 : index
      %get3A_25 = arith.constant 0 : index
      %get3A_26 = vector.load %arg5[%get3A_23, %get3A_24, %get3A_25] : memref<1x1024x1024xf32, #tpu.memory_space<vmem>>, vector<1x1024x1024xf32>
      %get3A_27 = vector.shape_cast %get3A_26 : vector<1x1024x1024xf32> to vector<1024x1024xf32>
      %dot_general3A_28 = arith.constant dense<0.000000e+00> : vector<256x1024xf32>
      %dot_general3A_29 = tpu.matmul %mul3A, %get3A_27, %dot_general3A_28 {dimension_numbers = #tpu.dot_dimension_numbers<[1], [0], [0], [1], [0, 0, 1, 1], [], []>, transpose_lhs_hint = false} : vector<256x1024xf32>, vector<1024x1024xf32>, vector<256x1024xf32> -> vector<256x1024xf32>
      %get3A_30 = arith.constant 0 : index
      %get3A_31 = arith.constant 0 : index
      %get3A_32 = arith.constant 0 : index
      %get3A_33 = vector.load %arg6[%get3A_30, %get3A_31, %get3A_32] : memref<1x1x256xf32, #tpu.memory_space<vmem>>, vector<1x1x256xf32>
      %get3A_34 = vector.shape_cast %get3A_33 : vector<1x1x256xf32> to vector<256xf32>
      %broadcast_in_dim3A = vector.shape_cast %get3A_34 : vector<256xf32> to vector<256x1xf32>
      %mul3A_35 = vector.broadcast %broadcast_in_dim3A : vector<256x1xf32> to vector<256x1024xf32>
      %mul3A_36 = arith.mulf %dot_general3A_29, %mul3A_35 : vector<256x1024xf32>
      %swap3A = arith.constant 0 : index
      %swap3A_37 = arith.constant 0 : index
      %swap3A_38 = vector.load %arg7[%swap3A, %swap3A_37] : memref<256x1024xf32, #tpu.memory_space<vmem>>, vector<256x1024xf32>
      tpu.vector_store %arg7[%swap3A, %swap3A_37], %mul3A_36 {strides = array<i32>} : memref<256x1024xf32, #tpu.memory_space<vmem>>, vector<256x1024xf32>,
    } else {
    }
    return
  }
  func.func @transform_0(%arg0: i32, %arg1: memref<2x32xi32, #tpu.memory_space<smem>>) -> (i32, i32) {
    %get3A = arith.constant 1 : index
    %get3A_0 = arith.index_cast %arg0 : i32 to index
    %get3A_1 = memref.load %arg1[%get3A, %get3A_0] : memref<2x32xi32, #tpu.memory_space<smem>>
    %c0_i32 = arith.constant 0 : i32
    %c0_i32_2 = arith.constant 0 : i32
    return %get3A_1, %c0_i32 : i32, i32
  }
  func.func @transform_1(%arg0: i32, %arg1: memref<2x32xi32, #tpu.memory_space<smem>>) -> (i32, i32, i32) {
    %get3A = arith.constant 0 : index
    %get3A_0 = arith.index_cast %arg0 : i32 to index
    %get3A_1 = memref.load %arg1[%get3A, %get3A_0] : memref<2x32xi32, #tpu.memory_space<smem>>
    %c0_i32 = arith.constant 0 : i32
    %c0_i32_2 = arith.constant 0 : i32
    %c0_i32_3 = arith.constant 0 : i32
    return %get3A_1, %c0_i32, %c0_i32_2 : i32, i32, i32
  }
  func.func @transform_2(%arg0: i32, %arg1: memref<2x32xi32, #tpu.memory_space<smem>>) -> (i32, i32, i32) {
    %get3A = arith.constant 0 : index
    %get3A_0 = arith.index_cast %arg0 : i32 to index
    %get3A_1 = memref.load %arg1[%get3A, %get3A_0] : memref<2x32xi32, #tpu.memory_space<smem>>
    %c0_i32 = arith.constant 0 : i32
    %c0_i32_2 = arith.constant 0 : i32
    %c0_i32_3 = arith.constant 0 : i32
    return %get3A_1, %c0_i32, %c0_i32_2 : i32, i32, i32
  }
  func.func @transform_3(%arg0: i32, %arg1: memref<2x32xi32, #tpu.memory_space<smem>>) -> (i32, i32, i32) {
    %get3A = arith.constant 0 : index
    %get3A_0 = arith.index_cast %arg0 : i32 to index
    %get3A_1 = memref.load %arg1[%get3A, %get3A_0] : memref<2x32xi32, #tpu.memory_space<smem>>
    %c0_i32 = arith.constant 0 : i32
    %c0_i32_2 = arith.constant 0 : i32
    %c0_i32_3 = arith.constant 0 : i32
    return %get3A_1, %c0_i32, %c0_i32_2 : i32, i32, i32
  }
  func.func @transform_4(%arg0: i32, %arg1: memref<2x32xi32, #tpu.memory_space<smem>>) -> (i32, i32, i32) {
    %get3A = arith.constant 1 : index
    %get3A_0 = arith.index_cast %arg0 : i32 to index
    %get3A_1 = memref.load %arg1[%get3A, %get3A_0] : memref<2x32xi32, #tpu.memory_space<smem>>
    %c0_i32 = arith.constant 0 : i32
    %c0_i32_2 = arith.constant 0 : i32
    %c0_i32_3 = arith.constant 0 : i32
    return %get3A_1, %c0_i32, %c0_i32_2 : i32, i32, i32
  }
  func.func @transform_5(%arg0: i32, %arg1: memref<2x32xi32, #tpu.memory_space<smem>>) -> (i32, i32) {
    %get3A = arith.constant 1 : index
    %get3A_0 = arith.index_cast %arg0 : i32 to index
    %get3A_1 = memref.load %arg1[%get3A, %get3A_0] : memref<2x32xi32, #tpu.memory_space<smem>>
    %c0_i32 = arith.constant 0 : i32
    %c0_i32_2 = arith.constant 0 : i32
    return %get3A_1, %c0_i32 : i32, i32
  }
}

module attributes {stable_mosaic.version = 14 : i64} {
  func.func @tc_pair_add(%arg0: i32, %arg1: memref<512x1024xf32, #tpu.memory_space<vmem>>, %arg2: memref<512x1024xf32, #tpu.memory_space<vmem>>, %arg3: memref<512x1024xf32, #tpu.memory_space<vmem>>) attributes {dimension_semantics = [#tpu.dimension_semantics<arbitrary>], iteration_bounds = array<i64: 4>, scalar_prefetch = 0 : i64, scratch_operands = 0 : i64, tpu.core_type = #tpu.core_type<tc>, window_params = [{transform_indices = @transform_0, window_bounds = array<i64: 512, 1024>}, {transform_indices = @transform_1, window_bounds = array<i64: 512, 1024>}, {transform_indices = @transform_2, window_bounds = array<i64: 512, 1024>}]} {
    %get3A = arith.constant 0 : index
    %get3A_0 = arith.constant 0 : index
    %get3A_1 = vector.load %arg1[%get3A, %get3A_0] : memref<512x1024xf32, #tpu.memory_space<vmem>>, vector<512x1024xf32>
    %get3A_2 = arith.constant 0 : index
    %get3A_3 = arith.constant 0 : index
    %get3A_4 = vector.load %arg2[%get3A_2, %get3A_3] : memref<512x1024xf32, #tpu.memory_space<vmem>>, vector<512x1024xf32>
    %add3A = arith.addf %get3A_1, %get3A_4 : vector<512x1024xf32>
    %swap3A = arith.constant 0 : index
    %swap3A_5 = arith.constant 0 : index
    %swap3A_6 = vector.load %arg3[%swap3A, %swap3A_5] : memref<512x1024xf32, #tpu.memory_space<vmem>>, vector<512x1024xf32>
    tpu.vector_store %arg3[%swap3A, %swap3A_5], %add3A {strides = array<i32>} : memref<512x1024xf32, #tpu.memory_space<vmem>>, vector<512x1024xf32>,
    return
  }
  func.func @transform_0(%arg0: i32) -> (i32, i32) {
    %c0_i32 = arith.constant 0 : i32
    %c0_i32_0 = arith.constant 0 : i32
    return %arg0, %c0_i32 : i32, i32
  }
  func.func @transform_1(%arg0: i32) -> (i32, i32) {
    %add3A = arith.constant 4 : i32
    %add3A_0 = arith.addi %arg0, %add3A : i32
    %c0_i32 = arith.constant 0 : i32
    %c0_i32_1 = arith.constant 0 : i32
    return %add3A_0, %c0_i32 : i32, i32
  }
  func.func @transform_2(%arg0: i32) -> (i32, i32) {
    %c0_i32 = arith.constant 0 : i32
    %c0_i32_0 = arith.constant 0 : i32
    return %arg0, %c0_i32 : i32, i32
  }
}

</mosaic_0001>

<sc_bundles>
// kernel: sc_gather_x.3.cloned.1.call-start
scs
__scs_entry_jumppad:
0x0: {  	(pc) =	sbr.rel $0x88, $3  }
0x1: {  	(tag) =	ssettag $0x0;
	lr =	simm.s32 $0x1  }
0x2: {  	[smem:$0x3F9C] =	sst lr;
	_ =	strace $0xD0000000  }
0x3: {  	_ = 	snop  }
0x4: {  	_ = 	snop  }
0x5: {  	_ = 	snop  }
0x6: {  	_ = 	snop  }
0x7: {  	_ = 	snop  }
__scs_overlays_trampoline_lowered:
0x8: {  	[smem:$0x3FAB] =	sst s0  }
0x9: {  	[smem:$0x3FAC] =	sst s1  }
0xa: {  	[smem:$0x3FAD] =	sst s2  }
0xb: {  	[smem:$0x3FAE] =	sst s3  }
0xc: {  	[smem:$0x3FAF] =	sst s4  }
0xd: {  	[smem:$0x3FB0] =	sst s5  }
0xe: {  	[smem:$0x3FB1] =	sst s6  }
0xf: {  	[smem:$0x3FB2] =	sst s7  }
0x10: {  	[smem:$0x3FB3] =	sst s8  }
0x11: {  	[smem:$0x3FB4] =	sst s9;
	s0 =	simm.s32 @!p0 $0x0  }
0x12: {  	s1 =	sld [smem:$0x3F9A];
	s0 =	simm.s32 @p0 $0x1  }
0x13: {  	[smem:$0x3FB5] =	sst s0;
	s0 =	simm.s32 @!p1 $0x0  }
0x14: {  	s2 =	sld [smem:$0x3F99];
	s0 =	simm.s32 @p1 $0x1  }
0x15: {  	[smem:$0x3FB6] =	sst s0;
	s0 =	simm.s32 @!p2 $0x0  }
0x16: {  	s3 =	sld [smem:$0x3FDB];
	s0 =	simm.s32 @p2 $0x1  }
0x17: {  	s4 =	simm.s32 $0x1BF5;
	[smem:$0x3FB8] =	sst s0  }
0x18: {  	s0 =	sld [smem:$0x3F9B];
	_ =	swait.ge [sflag:s4], $0x0  }
0x19: {  	s7 =	sld [smem:$0x3F9C]  }
0x1a: {  	s8 =	sadd.s32 $0xFFFFE003, lr  }
0x1b: {  	s9 =	sadd.s32 $0xFFFFFEF7, lr;
	s5 =	simm.s32 $0xFFFFFFFF;
	p2 =	slt.u32 s8, $0xFFFFF086  }
0x1c: {  	p1 =	slt.u32 s9, $0xF7A;
	s5 =	simm.s32 @!p2 $0x0  }
0x1d: {  	s5 =	simm.s32 @p1 $0x1;
	p0 =	seq.s32 s7, s2  }
0x1e: {  	s7 =	smul.u32 @!p0 $0xF7A, s2;
	p2 =	seq.s32 @!p0 s5, $0x0  }
0x1f: {  	s9 =	smul.u32 $0xF7A, s1;
	s8 =	simm.s32 @!p0 $0x1BF5;
	p2 =	por !p2, p0  }
0x20: {  	[sflag:s8] =	ssyncset.s32 @!p0 $0xFFFFF086;
	s6 =	sadd.s32 @!p0 s3, s7;
	s7 =	simm.s32 @!p0 $0x108  }
0x21: {  	s3 =	sadd.s32 s3, s9;
	s6 =	sadd.s32 @!p0 $0x88, s6;
	s7 =	simm.s32 @p2 $0x1082  }
0x22: {  	[simem:s7], [sflag:s8] =	dma.local @!p0 [hbm:s6], $0xF7A  }
0x23: {  	s9 =	sor.u32 $0xD0000000, s2;
	s6 =	simm.s32 $0x108;
	_ =	swait.ge @!p0 [sflag:s8], $0x0  }
0x24: {  	s3 =	sadd.s32 $0x88, s3;
	s6 =	simm.s32 @!p1 $0x1082;
	[sflag:s4] =	ssyncset.s32 $0xFFFFF086  }
0x25: {  	[simem:s6], [sflag:s4] =	dma.local [hbm:s3], $0xF7A  }
0x26: {  	[smem:$0x3F9C] =	sst s1;
	(tag) =	ssettag s2;
	_ =	strace s9  }
0x27: {  	s1 =	sld [smem:$0x3FAC]  }
0x28: {  	s2 =	sld [smem:$0x3FAD]  }
0x29: {  	s4 =	sld [smem:$0x3FAF]  }
0x2a: {  	p0 =	seq.s32 s5, $0x0;
	s5 =	sld [smem:$0x3FB0]  }
0x2b: {  	s6 =	sld [smem:$0x3FB1]  }
0x2c: {  	s7 =	sld [smem:$0x3FB2]  }
0x2d: {  	s3 =	simm.s32 $0x108;
	s8 =	sld [smem:$0x3FB3]  }
0x2e: {  	s3 =	simm.s32 @!p0 $0x1082;
	s9 =	sld [smem:$0x3FB4]  }
0x2f: {  	lr =	sadd.s32 s0, s3;
	s0 =	sld [smem:$0x3FAB]  }
0x30: {  	s3 =	sld [smem:$0x3FAE]  }
0x31: {  	[smem:$0x3FB7] =	sst s10  }
0x32: {  	s10 =	sld [smem:$0x3FB5];
	_ =	sdelay $0x3  }
0x33: {  	p0 =	seq.s32 s10, $0x1;
	s10 =	sld [smem:$0x3FB7];
	_ =	sdelay $0x3  }
0x34: {  	[smem:$0x3FB7] =	sst s10  }
0x35: {  	s10 =	sld [smem:$0x3FB6];
	_ =	sdelay $0x3  }
0x36: {  	p1 =	seq.s32 s10, $0x1;
	s10 =	sld [smem:$0x3FB7];
	_ =	sdelay $0x3  }
0x37: {  	[smem:$0x3FB7] =	sst s10  }
0x38: {  	s10 =	sld [smem:$0x3FB8]  }
0x39: {  	_ = 	snop;
	(pc) =	sbr.ind lr, $3  }
0x3a: {  	_ = 	snop  }
0x3b: {  	_ = 	snop  }
0x3c: {  	p2 =	seq.s32 s10, $0x1;
	s10 =	sld [smem:$0x3FB7]  }
0x3d: {  	_ =	shalt  }
0x3e: {  	_ =	shalt  }
0x3f: {  	_ =	shalt  }
0x40: {  	_ =	shalt  }
0x41: {  	_ =	shalt  }
0x42: {  	_ =	shalt  }
0x43: {  	_ =	shalt  }
0x44: {  	_ =	shalt  }
0x45: {  	_ =	shalt  }
0x46: {  	_ =	shalt  }
0x47: {  	_ =	shalt  }
0x48: {  	_ =	shalt  }
0x49: {  	_ =	shalt  }
0x4a: {  	_ =	shalt  }
0x4b: {  	_ =	shalt  }
0x4c: {  	_ =	shalt  }
0x4d: {  	_ =	shalt  }
0x4e: {  	_ =	shalt  }
0x4f: {  	_ =	shalt  }
0x50: {  	_ =	shalt  }
0x51: {  	_ =	shalt  }
0x52: {  	_ =	shalt  }
0x53: {  	_ =	shalt  }
0x54: {  	_ =	shalt  }
0x55: {  	_ =	shalt  }
0x56: {  	_ =	shalt  }
0x57: {  	_ =	shalt  }
0x58: {  	_ =	shalt  }
0x59: {  	_ =	shalt  }
0x5a: {  	_ =	shalt  }
0x5b: {  	_ =	shalt  }
0x5c: {  	_ =	shalt  }
0x5d: {  	_ =	shalt  }
0x5e: {  	_ =	shalt  }
0x5f: {  	_ =	shalt  }
0x60: {  	_ =	shalt  }
0x61: {  	_ =	shalt  }
0x62: {  	_ =	shalt  }
0x63: {  	_ =	shalt  }
0x64: {  	_ =	shalt  }
0x65: {  	_ =	shalt  }
0x66: {  	_ =	shalt  }
0x67: {  	_ =	shalt  }
0x68: {  	_ =	shalt  }
0x69: {  	_ =	shalt  }
0x6a: {  	_ =	shalt  }
0x6b: {  	_ =	shalt  }
0x6c: {  	_ =	shalt  }
0x6d: {  	_ =	shalt  }
0x6e: {  	_ =	shalt  }
0x6f: {  	_ =	shalt  }
0x70: {  	_ =	shalt  }
0x71: {  	_ =	shalt  }
0x72: {  	_ =	shalt  }
0x73: {  	_ =	shalt  }
0x74: {  	_ =	shalt  }
0x75: {  	_ =	shalt  }
0x76: {  	_ =	shalt  }
0x77: {  	_ =	shalt  }
0x78: {  	_ =	shalt  }
0x79: {  	_ =	shalt  }
0x7a: {  	_ =	shalt  }
0x7b: {  	_ =	shalt  }
0x7c: {  	_ =	shalt  }
0x7d: {  	_ =	shalt  }
0x7e: {  	_ =	shalt  }
0x7f: {  	_ =	shalt  }
0x80: {  	_ =	shalt  }
0x81: {  	_ =	shalt  }
0x82: {  	_ =	shalt  }
0x83: {  	_ =	shalt  }
0x84: {  	_ =	shalt  }
0x85: {  	_ =	shalt  }
0x86: {  	_ =	shalt  }
0x87: {  	_ =	shalt  }
.Lfunc_end0:
.L_simem_size_0:
called_computation_lowered:
.L_overlay_start_0:
0x88: {  	s2 =	sld [smem:$0x3FD9]  }
0x89: {  	s3 =	sld [smem:$0x3FFE];
	_ =	sdelay $0x1  }
0x8a: {  	s1 =	srdreg.scid  }
0x8b: {  	s0 =	sand.u32 $0x1, s1  }
0x8c: {  	s17 =	sshll.u32 s0, $0xA;
	s2 =	sadd.s32 s3, s2  }
0x8d: {  	s2 =	sadd.s32 s2, s17  }
0x8e: {  	[smem:$0x3FC3] =	sst s2  }
0x8f: {  	_ = 	snop  }
0x90: {  	s2 =	sld [smem:$0x3FC9]  }
0x91: {  	s18 =	sld [smem:$0x3FD0];
	(tm) =	ssettm $0x1  }
0x92: {  	s4 =	sld [smem:$0x3FFB];
	_ =	sdelay $0x3  }
0x93: {  	_ =	strace s4  }
0x94: {  	s4 =	sld [smem:$0x3FFC];
	_ =	sdelay $0x3  }
0x95: {  	_ =	strace s4  }
0x96: {  	s4 =	sld [smem:$0x3FFD];
	_ =	sdelay $0x3  }
0x97: {  	_ =	strace s4  }
0x98: {  	_ =	strace $0x8FFFFFFF  }
0x99: {  	s19 =	sld [smem:$0x3FDB];
	_ =	sdelay $0x1  }
0x9a: {  	s5 =	simm.s32 $_scs_section_size  }
0x9b: {  	s6 =	simm.s32 $_size__tile_overlayer_lowered;
	s7 =	simm.s32 $_tile_overlayer_lowered  }
0x9c: {  	s22 =	simm.s32 $0x1BFF;
	s21 =	sshll.u32 s7, $0x1;
	s4 =	sadd.s32 s5, s19  }
0x9d: {  	s8 =	simm.s32 $0x0;
	s20 =	sshll.u32 s6, $0x1;
	s6 =	sadd.s32 s21, s4  }
0x9e: {  	[timem:s8], [sflag:s22] =	dma.local [hbm:s6], s20  }
0x9f: {  	_ =	swait.ge [sflag:s22], s20  }
0xa0: {  	s5 =	ssub.s32 $0x0, s20;
	[sflag:s22] =	ssyncset.done $0x0  }
0xa1: {  	[sflag:s22] =	ssyncadd.s32 s5;
	_ =	sdelay $0x1  }
0xa2: {  	s23 =	simm.s32 $0x1B8B  }
0xa3: {  	_ =	swait.ge [sflag:s23], $0x1  }
0xa4: {  	[sflag:s23] =	ssyncset.done $0x0  }
0xa5: {  	s25 =	simm.s32 $0x1B8E;
	s24 =	sld [smem:$0x3FFE];
	[sflag:s23] =	ssyncadd.s32 $0xFFFFFFFF  }
0xa6: {  	s26 =	simm.s32 $execute0_lowered;
	[smem:$0x3FD2] =	sst s25  }
0xa7: {  	s6 =	sshll.u32 s26, $0x1;
	_ =	strace $0x80000046;
	[dreg:$0x1] =	wrdreg $0xFFFFFFFF  }
0xa8: {  	s28 =	simm.s32 $_size_execute0_lowered;
	s4 =	sadd.s32 s4, s6;
	[dreg:$0x0] =	wrdreg $0x0  }
0xa9: {  	s6 =	sshll.u32 s28, $0x1;
	[dreg:$0x2] =	wrdreg s4  }
0xaa: {  	[dreg:$0x3] =	wrdreg s6  }
0xab: {  	[dreg:$0x4] =	wrdreg $0xC0  }
0xac: {  	_ =	task [dreg:s8], $0x5FFFF  }
0xad: {  	[dreg:$0x1] =	wrdreg $0xFFFFFFFF  }
0xae: {  	[dreg:$0x0] =	wrdreg $0x60  }
0xaf: {  	[dreg:$0x2] =	wrdreg s2  }
0xb0: {  	[dreg:$0x3] =	wrdreg s24  }
0xb1: {  	[dreg:$0x4] =	wrdreg s18  }
0xb2: {  	[dreg:$0x5] =	wrdreg $0x1DB800  }
0xb3: {  	[dreg:$0x6] =	wrdreg $0x1DB900  }
0xb4: {  	[dreg:$0x7] =	wrdreg $0x9  }
0xb5: {  	_ =	task.clear_ibuf [dreg:s8], $0x8FFFF;
	_ =	strace $0x90000046  }
0xb6: {  	s29 =	simm.s32 $0x9;
	_ =	strace $0x80000048  }
0xb7: {  	_ =	swait.ge [sflag:s29], $0x1  }
0xb8: {  	[sflag:s29] =	ssyncadd.s32 $0xFFFFFFFF  }
0xb9: {  	_ =	strace $0x90000048  }
0xba: {  	_ =	sfence  }
0xbb: {  	s30 =	sld [smem:$0x0];
	_ =	sdelay $0x2  }
0xbc: {  	s31 =	sshll.u32 s1, $0xD;
	s1 =	sshrl.u32 s1, $0x2  }
0xbd: {  	s3 =	sand.u32 $0x4000, s31;
	s1 =	sadd.s32 s1, s30  }
0xbe: {  	s0 =	sor.u32 s3, s0;
	s1 =	sshll.u32 s1, $0x11  }
0xbf: {  	s0 =	sor.u32 s1, s0  }
0xc0: {  	s0 =	sadd.s32 $0x8F2B, s0  }
0xc1: {  	[sflag:s0] =	ssyncadd.remote.s32 $0x1  }
0xc2: {  	_ =	sfence.sel $0xFFFF  }
0xc3: {  	[dreg:$0x0] =	wrdreg $0xFFFFFFFF;
	(pc) =	sbr.abs _section_cstart, $3  }
0xc4: {  	[dreg:$0x1] =	wrdreg $0xFFFFFFFF  }
0xc5: {  	_ =	task.clear_ibuf [dreg:s8], $0x2FFFF;
	_ =	strace $0x9FFFFFFF  }
0xc6: {  	(tm) =	ssettm $0x7FFFFFFF  }
0xc7: {  	_ =	shalt  }
tec
execute0_lowered:
.L_overlay_start_1:
0x0: {  	(tag) =	ssettag $0x1  }
0x1: {  	s1 =	rddreg [dreg:$0x0]  }
0x2: {  	s8 =	rddreg [dreg:$0x1]  }
0x3: {  	s10 =	rddreg [dreg:$0x3]  }
0x4: {  	s11 =	rddreg [dreg:$0x4]  }
0x5: {  	s6 =	simm.s32 $0x0;
	s0 =	srdreg.scid;
	s12 =	stileid.u32  }
0x6: {  	s28 =	simm.s32 $0x9380;
	s29 =	simm.s32 $0x9B80;
	s30 =	simm.s32 $0xAB80  }
0x7: {  	s31 =	simm.s32 $0xF380;
	[smem:$0x7FF] =	sst s6;
	s2 =	sadd.s32 $0x800, s8  }
0x8: {  	s0 =	sand.u32 $0x1, s0;
	s3 =	sadd.s32 $0x600, s8;
	s4 =	sshll.u32 s12, $0x1  }
0x9: {  	s5 =	sshll.u32 s12, $0x5;
	s15 =	sshll.u32 s12, $0x7;
	s16 =	sshll.u32 s12, $0x8;
	v0 =	vmov s12  }
0xa: {  	v1 =	vimm.s32 $0x0;
	s12 =	simm.s32 $0xE380;
	_ =	strace $0x80000047;
	[dreg:$0x6] =	wrdreg s3;
	vm0 =	veq.s32 v0, $0xF  }
0xb: {  	s9 =	ssub.s32 $0x2, s0;
	s13 =	sor.u32 s0, s4;
	s5 =	sadd.s32 s5, s8;
	v1 =	vsel vm0, $0xFFFFFFFF, v1  }
0xc: {  	s17 =	sadd.s32 s16, s11;
	p1 =	sne.s32 s0, $0x0;
	s0 =	simm.s32 $0x2B80;
	vm4 =	vgt.u32 v0, $0xD;
	[tilespmem:$0x1FF70] =	vst v1;
	v1 =	vimm.s32 $0x0  }
0xd: {  	s16 =	simm.s32 $0x8380;
	s11 =	simm.s32 $0xA380;
	s7 =	sshrl.u32 s9, $0x1;
	v1 =	vsel vm4, $0xFFFFFFFF, v1  }
0xe: {  	vm5 =	vgt.u32 v0, $0xC;
	s14 =	sadd.s32 $0x200, s5;
	[dreg:$0x9] =	wrdreg s17;
	s18 =	smul.u32 $0x6000, s13;
	[tilespmem:$0x1FF80] =	vst v1;
	v1 =	vimm.s32 $0x0  }
0xf: {  	s5 =	sadd.s32 $0x400, s5;
	p0 =	sne.s32 s13, $0x0;
	s17 =	simm.s32 $0xCB80;
	v1 =	vsel vm5, $0xFFFFFFFF, v1  }
0x10: {  	vm6 =	vgt.u32 v0, $0xB;
	s3 =	ssub.s32 s9, s7;
	s9 =	smul.u32 $0xC0, s13;
	[dreg:$0x7] =	wrdreg s14;
	[tilespmem:$0x1FF90] =	vst v1;
	v1 =	vimm.s32 $0x0  }
0x11: {  	s7 =	sadd.s32 s15, s10;
	[dreg:$0xa] =	wrdreg s5;
	s10 =	sadd.s32 $0x100, s1;
	v1 =	vsel vm6, $0xFFFFFFFF, v1  }
0x12: {  	vm7 =	vgt.u32 v0, $0xA;
	s15 =	simm.s32 $0xC380;
	[dreg:$0x8] =	wrdreg s7;
	s20 =	sadd.s32 s2, s18;
	[tilespmem:$0x1FFA0] =	vst v1;
	v1 =	vimm.s32 $0x0  }
0x13: {  	s14 =	simm.s32 $0x1;
	s26 =	smax.u32 s3, $0x1;
	[dreg:$0xb] =	wrdreg s20;
	v1 =	vsel vm7, $0xFFFFFFFF, v1  }
0x14: {  	vm4 =	vgt.u32 v0, $0x9;
	s18 =	simm.s32 $0xD380;
	s19 =	sor.u32 $0x30, s9;
	[dreg:$0x13] =	wrdreg s9;
	[tilespmem:$0x1FFB0] =	vst v1;
	v1 =	vimm.s32 $0x0  }
0x15: {  	vm15 =	vmmov $0x1;
	s21 =	sadd.s32 $0x60, s9;
	s22 =	sadd.s32 $0x90, s9;
	[dreg:$0xf] =	wrdreg s26;
	v1 =	vsel vm4, $0xFFFFFFFF, v1  }
0x16: {  	v2 =	vimm.s32 $0x0;
	s26 =	simm.s32 $0x8B80;
	s20 =	simm.s32 $0xEB80;
	[dreg:$0x10] =	wrdreg s19;
	vm5 =	vgt.u32 v0, $0x8;
	[tilespmem:$0x1FFC0] =	vst v1;
	v1 =	vimm.s32 $0x0  }
0x17: {  	v5 =	vimm.f32 $0.0e+00;
	vm9 =	vgt.u32 v0, $0x5;
	s23 =	sshll.u32 s19, $0x7;
	[dreg:$0x11] =	wrdreg s21;
	s7 =	sshll.u32 s21, $0x7;
	v1 =	vsel vm5, $0xFFFFFFFF, v1  }
0x18: {  	vm10 =	vgt.u32 v0, $0x4;
	[dreg:$0x12] =	wrdreg s22;
	s24 =	sshll.u32 s22, $0x7;
	s22 =	sadd.s32 $0x200, s1;
	vm6 =	vgt.u32 v0, $0x7;
	[tilespmem:$0x1FFD0] =	vst v1;
	v1 =	vimm.s32 $0x0  }
0x19: {  	vm11 =	vgt.u32 v0, $0x3;
	vm12 =	vgt.u32 v0, $0x2;
	s19 =	simm.s32 $0xB380;
	s21 =	simm.s32 $0xFB80;
	s5 =	sadd.s32 s2, s23;
	v1 =	vsel vm6, $0xFFFFFFFF, v1  }
0x1a: {  	vm13 =	vgt.u32 v0, $0x1;
	s25 =	sadd.s32 s2, s7;
	s2 =	sadd.s32 s2, s24;
	[dreg:$0xc] =	wrdreg s5;
	vm7 =	vgt.u32 v0, $0x6;
	[tilespmem:$0x1FFE0] =	vst v1;
	v1 =	vimm.s32 $0x0  }
0x1b: {  	vm14 =	veq.s32 v0, $0x0;
	s23 =	sadd.s32 $0x300, s1;
	s7 =	simm.s32 $0x4380;
	[dreg:$0xd] =	wrdreg s25;
	v0 =	vlaneseq.u32;
	v1 =	vsel vm7, $0xFFFFFFFF, v1  }
0x1c: {  	s1 =	simm.s32 $0x0;
	[dreg:$0xe] =	wrdreg s2;
	s25 =	simm.s32 $0x10B80;
	v3 =	vadd.s32 $0x11, v0;
	v4 =	vor.u32 $0x10, v0;
	[tilespmem:$0x1FFF0] =	vst v1;
	v1 =	vadd.s32 $0x1, v0  }
.LBB2_1:
0x1d: {  	s2 =	rddreg [dreg:$0x7];
	s3 =	simm.s32 $0x5  }
0x1e: {  	[tilespmem:s6], [sflag:$0x5] =	stream.linear.gather [hbm4b:s2+s6], $0x100, $0x38;
	[tilespmem:$0x1DC90] =	vst v63  }
0x1f: {  	_ =	swait.ge [sflag:s3], $0x100  }
0x20: {  	[sflag:s3] =	ssyncset.done $0x0  }
0x21: {  	[sflag:s3] =	ssyncadd.s32 $0xFFFFFF00  }
0x22: {  	s5 =	simm.s32 $0x1A80;
	s8 =	rddreg [dreg:$0x1]  }
0x23: {  	[tilespmem:s5], [sflag:$0x5] =	stream.linear.gather [hbm4b:s8+s6], $0x1000, $0x38;
	[tilespmem:$0x1DC90] =	vst v63  }
0x24: {  	_ =	swait.ge [sflag:s3], $0x1000  }
0x25: {  	[sflag:s3] =	ssyncset.done $0x0  }
0x26: {  	[sflag:s3] =	ssyncadd.s32 $0xFFFFF000  }
0x27: {  	v6 =	vld [tilespmem:$0x0];
	_ =	sdelay $0x2  }
0x28: {  	v7 =	vld [tilespmem:$0x10];
	_ =	sdelay $0x1  }
0x29: {  	vm0 =	veq.s32 v6, $0x0;
	vm6 =	veq.s32 v6, $0x1;
	vm1 =	veq.s32 v6, $0x2  }
0x2a: {  	vm7 =	veq.s32 v6, $0x3;
	vm4 =	veq.s32 v6, $0x4;
	v8 =	vmpcnt.ones.xlane vm0  }
0x2b: {  	vm5 =	veq.s32 v6, $0x5;
	v9 =	vmpcnt.ones.xlane vm6;
	v10 =	vmpcnt.ones.xlane vm1  }
0x2c: {  	vm2 =	veq.s32 v7, $0x1;
	v11 =	vmpcnt.ones.xlane vm7;
	v12 =	vmpcnt.ones.xlane vm4  }
0x2d: {  	v13 =	vmpcnt.ones.xlane vm5;
	vm6 =	veq.s32 v6, $0x6;
	vm7 =	veq.s32 v7, $0x0  }
0x2e: {  	v17 =	vld [tilespmem:$0x20];
	v15 =	vmpcnt.ones.xlane vm2;
	vm4 =	veq.s32 v7, $0x2;
	v14 =	vmpcnt.ones.xlane vm7  }
0x2f: {  	vm5 =	veq.s32 v6, $0x7;
	v16 =	vmpcnt.ones.xlane vm6;
	v6 =	vmpcnt.ones.xlane vm4  }
0x30: {  	v18 =	vmpcnt.ones.xlane vm5;
	vm6 =	veq.s32 v7, $0x3;
	vm7 =	veq.s32 v7, $0x4  }
0x31: {  	vm4 =	veq.s32 v7, $0x5;
	vm5 =	veq.s32 v7, $0x6;
	v46 =	vmpcnt.ones.xlane vm6  }
0x32: {  	v9 =	vadd.s32 v9, v15;
	v47 =	vmpcnt.ones.xlane vm7;
	v48 =	vmpcnt.ones.xlane vm4  }
0x33: {  	vm6 =	veq.s32 v7, $0x7;
	v7 =	vmpcnt.ones.xlane vm5;
	vm7 =	veq.s32 v17, $0x0  }
0x34: {  	vm4 =	veq.s32 v17, $0x1;
	vm5 =	veq.s32 v17, $0x2;
	v8 =	vadd.s32 v8, v14  }
0x35: {  	v6 =	vadd.s32 v10, v6;
	v19 =	vmpcnt.ones.xlane vm6;
	v50 =	vmpcnt.ones.xlane vm7  }
0x36: {  	v54 =	vld [tilespmem:$0x30];
	v52 =	vmpcnt.ones.xlane vm4;
	v53 =	vmpcnt.ones.xlane vm5;
	vm6 =	veq.s32 v17, $0x3  }
0x37: {  	vm7 =	veq.s32 v17, $0x4;
	vm4 =	veq.s32 v17, $0x5;
	vm5 =	veq.s32 v17, $0x6  }
0x38: {  	v10 =	vadd.s32 v11, v46;
	v49 =	vadd.s32 v12, v47;
	v13 =	vadd.s32 v13, v48  }
0x39: {  	v7 =	vadd.s32 v16, v7;
	v55 =	vmpcnt.ones.xlane vm6;
	v56 =	vmpcnt.ones.xlane vm7  }
0x3a: {  	v20 =	vmpcnt.ones.xlane vm4;
	v57 =	vmpcnt.ones.xlane vm5;
	vm6 =	veq.s32 v17, $0x7  }
0x3b: {  	vm7 =	veq.s32 v54, $0x0;
	vm4 =	veq.s32 v54, $0x1;
	vm5 =	veq.s32 v54, $0x2  }
0x3c: {  	v51 =	vadd.s32 v18, v19;
	v8 =	vadd.s32 v50, v8;
	v9 =	vadd.s32 v52, v9  }
0x3d: {  	v6 =	vadd.s32 v53, v6;
	v58 =	vmpcnt.ones.xlane vm6;
	v59 =	vmpcnt.ones.xlane vm7  }
0x3e: {  	v63 =	vld [tilespmem:$0x40];
	v60 =	vmpcnt.ones.xlane vm4;
	vm6 =	veq.s32 v54, $0x3;
	v61 =	vmpcnt.ones.xlane vm5  }
0x3f: {  	vm7 =	veq.s32 v54, $0x4;
	vm4 =	veq.s32 v54, $0x5;
	vm5 =	veq.s32 v54, $0x6  }
0x40: {  	v10 =	vadd.s32 v55, v10;
	v11 =	vadd.s32 v56, v49;
	v13 =	vadd.s32 v20, v13  }
0x41: {  	v7 =	vadd.s32 v57, v7;
	v62 =	vmpcnt.ones.xlane vm6;
	v22 =	vmpcnt.ones.xlane vm7  }
0x42: {  	v23 =	vmpcnt.ones.xlane vm4;
	v24 =	vmpcnt.ones.xlane vm5;
	vm6 =	veq.s32 v54, $0x7  }
0x43: {  	vm7 =	veq.s32 v63, $0x0;
	vm4 =	veq.s32 v63, $0x1;
	vm5 =	veq.s32 v63, $0x2  }
0x44: {  	v12 =	vadd.s32 v58, v51;
	v8 =	vadd.s32 v59, v8;
	v9 =	vadd.s32 v60, v9  }
0x45: {  	v6 =	vadd.s32 v61, v6;
	v16 =	vmpcnt.ones.xlane vm6;
	v25 =	vmpcnt.ones.xlane vm7  }
0x46: {  	v28 =	vld [tilespmem:$0x50];
	v26 =	vmpcnt.ones.xlane vm4;
	v27 =	vmpcnt.ones.xlane vm5;
	vm6 =	veq.s32 v63, $0x3  }
0x47: {  	vm7 =	veq.s32 v63, $0x4;
	vm4 =	veq.s32 v63, $0x5;
	vm5 =	veq.s32 v63, $0x6  }
0x48: {  	v10 =	vadd.s32 v62, v10;
	v11 =	vadd.s32 v22, v11;
	v13 =	vadd.s32 v23, v13  }
0x49: {  	v7 =	vadd.s32 v24, v7;
	v29 =	vmpcnt.ones.xlane vm6;
	v30 =	vmpcnt.ones.xlane vm7  }
0x4a: {  	v31 =	vmpcnt.ones.xlane vm4;
	vm6 =	veq.s32 v63, $0x7;
	v32 =	vmpcnt.ones.xlane vm5  }
0x4b: {  	vm7 =	veq.s32 v28, $0x0;
	vm4 =	veq.s32 v28, $0x1;
	vm5 =	veq.s32 v28, $0x2  }
0x4c: {  	v12 =	vadd.s32 v16, v12;
	v8 =	vadd.s32 v25, v8;
	v9 =	vadd.s32 v26, v9  }
0x4d: {  	v6 =	vadd.s32 v27, v6;
	v33 =	vmpcnt.ones.xlane vm6;
	v34 =	vmpcnt.ones.xlane vm7  }
0x4e: {  	v37 =	vld [tilespmem:$0x60];
	v35 =	vmpcnt.ones.xlane vm4;
	v36 =	vmpcnt.ones.xlane vm5;
	vm6 =	veq.s32 v28, $0x3  }
0x4f: {  	vm7 =	veq.s32 v28, $0x4;
	vm4 =	veq.s32 v28, $0x5;
	vm5 =	veq.s32 v28, $0x6  }
0x50: {  	v10 =	vadd.s32 v29, v10;
	v11 =	vadd.s32 v30, v11;
	v13 =	vadd.s32 v31, v13  }
0x51: {  	v7 =	vadd.s32 v32, v7;
	v38 =	vmpcnt.ones.xlane vm6;
	v39 =	vmpcnt.ones.xlane vm7  }
0x52: {  	v40 =	vmpcnt.ones.xlane vm4;
	v41 =	vmpcnt.ones.xlane vm5;
	vm6 =	veq.s32 v28, $0x7  }
0x53: {  	vm7 =	veq.s32 v37, $0x0;
	vm4 =	veq.s32 v37, $0x1;
	vm5 =	veq.s32 v37, $0x2  }
0x54: {  	v12 =	vadd.s32 v33, v12;
	v8 =	vadd.s32 v34, v8;
	v9 =	vadd.s32 v35, v9  }
0x55: {  	v6 =	vadd.s32 v36, v6;
	v42 =	vmpcnt.ones.xlane vm6;
	v43 =	vmpcnt.ones.xlane vm7  }
0x56: {  	v47 =	vld [tilespmem:$0x70];
	v44 =	vmpcnt.ones.xlane vm4;
	vm6 =	veq.s32 v37, $0x3;
	v45 =	vmpcnt.ones.xlane vm5  }
0x57: {  	vm7 =	veq.s32 v37, $0x4;
	vm4 =	veq.s32 v37, $0x5;
	vm5 =	veq.s32 v37, $0x6  }
0x58: {  	v10 =	vadd.s32 v38, v10;
	v11 =	vadd.s32 v39, v11;
	v13 =	vadd.s32 v40, v13  }
0x59: {  	v7 =	vadd.s32 v41, v7;
	v46 =	vmpcnt.ones.xlane vm6;
	v48 =	vmpcnt.ones.xlane vm7  }
0x5a: {  	v49 =	vmpcnt.ones.xlane vm4;
	v50 =	vmpcnt.ones.xlane vm5;
	vm6 =	veq.s32 v37, $0x7  }
0x5b: {  	vm7 =	veq.s32 v47, $0x0;
	vm4 =	veq.s32 v47, $0x1;
	vm5 =	veq.s32 v47, $0x2  }
0x5c: {  	v12 =	vadd.s32 v42, v12;
	v8 =	vadd.s32 v43, v8;
	v9 =	vadd.s32 v44, v9  }
0x5d: {  	v6 =	vadd.s32 v45, v6;
	v51 =	vmpcnt.ones.xlane vm6;
	v52 =	vmpcnt.ones.xlane vm7  }
0x5e: {  	v55 =	vld [tilespmem:$0x80];
	v53 =	vmpcnt.ones.xlane vm4;
	v54 =	vmpcnt.ones.xlane vm5;
	vm6 =	veq.s32 v47, $0x3  }
0x5f: {  	vm7 =	veq.s32 v47, $0x4;
	vm4 =	veq.s32 v47, $0x5;
	vm5 =	veq.s32 v47, $0x6  }
0x60: {  	v10 =	vadd.s32 v46, v10;
	v11 =	vadd.s32 v48, v11;
	v13 =	vadd.s32 v49, v13  }
0x61: {  	v7 =	vadd.s32 v50, v7;
	v56 =	vmpcnt.ones.xlane vm6;
	v57 =	vmpcnt.ones.xlane vm7  }
0x62: {  	v58 =	vmpcnt.ones.xlane vm4;
	vm6 =	veq.s32 v47, $0x7;
	v59 =	vmpcnt.ones.xlane vm5  }
0x63: {  	vm7 =	veq.s32 v55, $0x0;
	vm4 =	veq.s32 v55, $0x1;
	vm5 =	veq.s32 v55, $0x2  }
0x64: {  	v12 =	vadd.s32 v51, v12;
	v8 =	vadd.s32 v52, v8;
	v9 =	vadd.s32 v53, v9  }
0x65: {  	v6 =	vadd.s32 v54, v6;
	v60 =	vmpcnt.ones.xlane vm6;
	v61 =	vmpcnt.ones.xlane vm7  }
0x66: {  	v24 =	vld [tilespmem:$0x90];
	v62 =	vmpcnt.ones.xlane vm4;
	v63 =	vmpcnt.ones.xlane vm5;
	vm6 =	veq.s32 v55, $0x3  }
0x67: {  	vm7 =	veq.s32 v55, $0x4;
	vm4 =	veq.s32 v55, $0x5;
	vm5 =	veq.s32 v55, $0x6  }
0x68: {  	v10 =	vadd.s32 v56, v10;
	v11 =	vadd.s32 v57, v11;
	v13 =	vadd.s32 v58, v13  }
0x69: {  	v7 =	vadd.s32 v59, v7;
	v25 =	vmpcnt.ones.xlane vm6;
	v26 =	vmpcnt.ones.xlane vm7  }
0x6a: {  	v27 =	vmpcnt.ones.xlane vm4;
	v28 =	vmpcnt.ones.xlane vm5;
	vm6 =	veq.s32 v55, $0x7  }
0x6b: {  	vm7 =	veq.s32 v24, $0x0;
	vm4 =	veq.s32 v24, $0x1;
	vm5 =	veq.s32 v24, $0x2  }
0x6c: {  	v12 =	vadd.s32 v60, v12;
	v8 =	vadd.s32 v61, v8;
	v9 =	vadd.s32 v62, v9  }
0x6d: {  	v6 =	vadd.s32 v63, v6;
	v29 =	vmpcnt.ones.xlane vm6;
	v30 =	vmpcnt.ones.xlane vm7  }
0x6e: {  	v34 =	vld [tilespmem:$0xA0];
	v31 =	vmpcnt.ones.xlane vm4;
	vm6 =	veq.s32 v24, $0x3;
	v32 =	vmpcnt.ones.xlane vm5  }
0x6f: {  	vm7 =	veq.s32 v24, $0x4;
	vm4 =	veq.s32 v24, $0x5;
	vm5 =	veq.s32 v24, $0x6  }
0x70: {  	v10 =	vadd.s32 v25, v10;
	v11 =	vadd.s32 v26, v11;
	v13 =	vadd.s32 v27, v13  }
0x71: {  	v7 =	vadd.s32 v28, v7;
	v33 =	vmpcnt.ones.xlane vm6;
	v35 =	vmpcnt.ones.xlane vm7  }
0x72: {  	v36 =	vmpcnt.ones.xlane vm4;
	v37 =	vmpcnt.ones.xlane vm5;
	vm6 =	veq.s32 v24, $0x7  }
0x73: {  	vm7 =	veq.s32 v34, $0x0;
	vm4 =	veq.s32 v34, $0x1;
	vm5 =	veq.s32 v34, $0x2  }
0x74: {  	v12 =	vadd.s32 v29, v12;
	v8 =	vadd.s32 v30, v8;
	v9 =	vadd.s32 v31, v9  }
0x75: {  	v6 =	vadd.s32 v32, v6;
	v38 =	vmpcnt.ones.xlane vm6;
	v39 =	vmpcnt.ones.xlane vm7  }
0x76: {  	v42 =	vld [tilespmem:$0xB0];
	v40 =	vmpcnt.ones.xlane vm4;
	v41 =	vmpcnt.ones.xlane vm5;
	vm6 =	veq.s32 v34, $0x3  }
0x77: {  	vm7 =	veq.s32 v34, $0x4;
	vm4 =	veq.s32 v34, $0x5;
	vm5 =	veq.s32 v34, $0x6  }
0x78: {  	v10 =	vadd.s32 v33, v10;
	v11 =	vadd.s32 v35, v11;
	v13 =	vadd.s32 v36, v13  }
0x79: {  	v7 =	vadd.s32 v37, v7;
	v43 =	vmpcnt.ones.xlane vm6;
	v44 =	vmpcnt.ones.xlane vm7  }
0x7a: {  	v45 =	vmpcnt.ones.xlane vm4;
	vm6 =	veq.s32 v34, $0x7;
	v46 =	vmpcnt.ones.xlane vm5  }
0x7b: {  	vm7 =	veq.s32 v42, $0x0;
	vm4 =	veq.s32 v42, $0x1;
	vm5 =	veq.s32 v42, $0x2  }
0x7c: {  	v12 =	vadd.s32 v38, v12;
	v8 =	vadd.s32 v39, v8;
	v9 =	vadd.s32 v40, v9  }
0x7d: {  	v6 =	vadd.s32 v41, v6;
	v47 =	vmpcnt.ones.xlane vm6;
	v48 =	vmpcnt.ones.xlane vm7  }
0x7e: {  	v51 =	vld [tilespmem:$0xC0];
	v49 =	vmpcnt.ones.xlane vm4;
	v50 =	vmpcnt.ones.xlane vm5;
	vm6 =	veq.s32 v42, $0x3  }
0x7f: {  	vm7 =	veq.s32 v42, $0x4;
	vm4 =	veq.s32 v42, $0x5;
	vm5 =	veq.s32 v42, $0x6  }
0x80: {  	v10 =	vadd.s32 v43, v10;
	v11 =	vadd.s32 v44, v11;
	v13 =	vadd.s32 v45, v13  }
0x81: {  	v7 =	vadd.s32 v46, v7;
	v52 =	vmpcnt.ones.xlane vm6;
	v53 =	vmpcnt.ones.xlane vm7  }
0x82: {  	v54 =	vmpcnt.ones.xlane vm4;
	v55 =	vmpcnt.ones.xlane vm5;
	vm6 =	veq.s32 v42, $0x7  }
0x83: {  	vm7 =	veq.s32 v51, $0x0;
	vm4 =	veq.s32 v51, $0x1;
	vm5 =	veq.s32 v51, $0x2  }
0x84: {  	v12 =	vadd.s32 v47, v12;
	v8 =	vadd.s32 v48, v8;
	v9 =	vadd.s32 v49, v9  }
0x85: {  	v6 =	vadd.s32 v50, v6;
	v56 =	vmpcnt.ones.xlane vm6;
	v57 =	vmpcnt.ones.xlane vm7  }
0x86: {  	v61 =	vld [tilespmem:$0xD0];
	v58 =	vmpcnt.ones.xlane vm4;
	vm6 =	veq.s32 v51, $0x3;
	v59 =	vmpcnt.ones.xlane vm5  }
0x87: {  	vm7 =	veq.s32 v51, $0x4;
	vm4 =	veq.s32 v51, $0x5;
	vm5 =	veq.s32 v51, $0x6  }
0x88: {  	v10 =	vadd.s32 v52, v10;
	v11 =	vadd.s32 v53, v11;
	v13 =	vadd.s32 v54, v13  }
0x89: {  	v7 =	vadd.s32 v55, v7;
	v60 =	vmpcnt.ones.xlane vm6;
	v62 =	vmpcnt.ones.xlane vm7  }
0x8a: {  	v63 =	vmpcnt.ones.xlane vm4;
	v21 =	vmpcnt.ones.xlane vm5;
	vm6 =	veq.s32 v51, $0x7  }
0x8b: {  	vm7 =	veq.s32 v61, $0x0;
	vm4 =	veq.s32 v61, $0x1;
	vm5 =	veq.s32 v61, $0x2  }
0x8c: {  	v12 =	vadd.s32 v56, v12;
	v8 =	vadd.s32 v57, v8;
	v9 =	vadd.s32 v58, v9  }
0x8d: {  	v6 =	vadd.s32 v59, v6;
	v22 =	vmpcnt.ones.xlane vm6;
	v23 =	vmpcnt.ones.xlane vm7  }
0x8e: {  	v26 =	vld [tilespmem:$0xE0];
	v24 =	vmpcnt.ones.xlane vm4;
	v25 =	vmpcnt.ones.xlane vm5;
	vm6 =	veq.s32 v61, $0x3  }
0x8f: {  	vm7 =	veq.s32 v61, $0x4;
	vm4 =	veq.s32 v61, $0x5;
	vm5 =	veq.s32 v61, $0x6  }
0x90: {  	v10 =	vadd.s32 v60, v10;
	v11 =	vadd.s32 v62, v11;
	v13 =	vadd.s32 v63, v13  }
0x91: {  	v7 =	vadd.s32 v21, v7;
	v27 =	vmpcnt.ones.xlane vm6;
	v28 =	vmpcnt.ones.xlane vm7  }
0x92: {  	v29 =	vmpcnt.ones.xlane vm4;
	vm6 =	veq.s32 v61, $0x7;
	v30 =	vmpcnt.ones.xlane vm5  }
0x93: {  	vm7 =	veq.s32 v26, $0x0;
	vm4 =	veq.s32 v26, $0x1;
	vm5 =	veq.s32 v26, $0x2  }
0x94: {  	v12 =	vadd.s32 v22, v12;
	v8 =	vadd.s32 v23, v8;
	v9 =	vadd.s32 v24, v9  }
0x95: {  	v6 =	vadd.s32 v25, v6;
	v31 =	vmpcnt.ones.xlane vm6;
	v32 =	vmpcnt.ones.xlane vm7  }
0x96: {  	v35 =	vld [tilespmem:$0xF0];
	v33 =	vmpcnt.ones.xlane vm4;
	v34 =	vmpcnt.ones.xlane vm5;
	vm6 =	veq.s32 v26, $0x3  }
0x97: {  	vm7 =	veq.s32 v26, $0x4;
	vm4 =	veq.s32 v26, $0x5;
	vm5 =	veq.s32 v26, $0x6  }
0x98: {  	v10 =	vadd.s32 v27, v10;
	v11 =	vadd.s32 v28, v11;
	v13 =	vadd.s32 v29, v13  }
0x99: {  	v7 =	vadd.s32 v30, v7;
	v36 =	vmpcnt.ones.xlane vm6;
	v37 =	vmpcnt.ones.xlane vm7  }
0x9a: {  	v38 =	vmpcnt.ones.xlane vm4;
	v39 =	vmpcnt.ones.xlane vm5;
	vm6 =	veq.s32 v26, $0x7  }
0x9b: {  	vm7 =	veq.s32 v35, $0x0;
	vm4 =	veq.s32 v35, $0x1;
	vm5 =	veq.s32 v35, $0x2  }
0x9c: {  	v12 =	vadd.s32 v31, v12;
	v8 =	vadd.s32 v32, v8;
	v9 =	vadd.s32 v33, v9  }
0x9d: {  	v6 =	vadd.s32 v34, v6;
	v40 =	vmpcnt.ones.xlane vm6;
	v41 =	vmpcnt.ones.xlane vm7  }
0x9e: {  	v42 =	vmpcnt.ones.xlane vm4;
	vm6 =	veq.s32 v35, $0x3;
	v43 =	vmpcnt.ones.xlane vm5  }
0x9f: {  	vm7 =	veq.s32 v35, $0x4;
	vm4 =	veq.s32 v35, $0x5;
	vm5 =	vcmask $0x320  }
0xa0: {  	v10 =	vadd.s32 v36, v10;
	v11 =	vadd.s32 v37, v11;
	v13 =	vadd.s32 v38, v13  }
0xa1: {  	v7 =	vadd.s32 v39, v7;
	v44 =	vmpcnt.ones.xlane vm6;
	v45 =	vmpcnt.ones.xlane vm7  }
0xa2: {  	v46 =	vmpcnt.ones.xlane vm4;
	vm6 =	veq.s32 v35, $0x6;
	vm7 =	vcmask $0x720  }
0xa3: {  	vm4 =	veq.s32 v35, $0x7;
	v8 =	vadd.s32 v41, v8;
	v9 =	vadd.s32 v42, v9  }
0xa4: {  	v6 =	vadd.s32 v43, v6;
	v47 =	vmpcnt.ones.xlane vm6;
	v8 =	vnsel vm15, $0x0, v8  }
0xa5: {  	v48 =	vmpcnt.ones.xlane vm4;
	vm6 =	vcmask $0xF20;
	v8 =	vsel vm5, v8, v9  }
0xa6: {  	v10 =	vadd.s32 v44, v10;
	vm5 =	vcmask $0xB20;
	v6 =	vsel vm7, v8, v6  }
0xa7: {  	v49 =	vadd.s32 v40, v12;
	v11 =	vadd.s32 v45, v11;
	v6 =	vsel vm5, v6, v10  }
0xa8: {  	v9 =	vadd.s32 v46, v13;
	vm7 =	vcmask $0x1320;
	v6 =	vsel vm6, v6, v11  }
0xa9: {  	vm4 =	vcmask $0x1720;
	v7 =	vadd.s32 v47, v7;
	v6 =	vsel vm7, v6, v9  }
0xaa: {  	v50 =	vadd.s32 v48, v49;
	vm5 =	vcmask $0x1B20;
	v6 =	vsel vm4, v6, v7  }
0xab: {  	v6 =	vsel vm5, v6, v50  }
0xac: {  	s13 =	simm.s32 $0x100;
	s9 =	rddreg [dreg:$0x8];
	[tilespmem:$0x100] =	vst v6  }
0xad: {  	[spmem:s9] =	stream.linear.scatter [tilespmem:s13], [sflag:$0x5], $0x80, $0x38;
	[tilespmem:$0x1DC90] =	vst v63  }
0xae: {  	_ =	swait.ge [sflag:s3], $0x80  }
0xaf: {  	[sflag:s3] =	ssyncset.done $0x0  }
0xb0: {  	[sflag:s3] =	ssyncadd.s32 $0xFFFFFF80  }
0xb1: {  	[bflag:$0x0] =	sbarrier.arrive $0xFFFF  }
0xb2: {  	s4 =	simm.s32 $0x180;
	s24 =	rddreg [dreg:$0x3]  }
0xb3: {  	[tilespmem:s4], [sflag:$0x5] =	stream.linear.gather [spmem:s24], $0x800, $0x38;
	[tilespmem:$0x1DC90] =	vst v63  }
0xb4: {  	_ =	swait.ge [sflag:s3], $0x800  }
0xb5: {  	[sflag:s3] =	ssyncset.done $0x0  }
0xb6: {  	[sflag:s3] =	ssyncadd.s32 $0xFFFFF800  }
0xb7: {  	v6 =	vld [tilespmem:$0x180]  }
0xb8: {  	v7 =	vld [tilespmem:$0x200]  }
0xb9: {  	v51 =	vld [tilespmem:$0x280]  }
0xba: {  	v52 =	vld [tilespmem:$0x300]  }
0xbb: {  	v53 =	vld [tilespmem:$0x380]  }
0xbc: {  	v54 =	vld [tilespmem:$0x400]  }
0xbd: {  	v56 =	vadd.s32 v7, v6;
	v6 =	vsel vm14, $0x0, v6;
	v7 =	vnsel vm13, $0x0, v7  }
0xbe: {  	v6 =	vadd.s32 v6, v7;
	v7 =	vnsel vm12, $0x0, v51  }
0xbf: {  	v6 =	vadd.s32 v7, v6;
	v7 =	vnsel vm11, $0x0, v52  }
0xc0: {  	v6 =	vadd.s32 v7, v6;
	v7 =	vnsel vm10, $0x0, v53  }
0xc1: {  	v6 =	vadd.s32 v7, v6;
	v7 =	vnsel vm9, $0x0, v54  }
0xc2: {  	v6 =	vadd.s32 v7, v6;
	v7 =	vld [tilespmem:$0x1FFF0]  }
0xc3: {  	v55 =	vld [tilespmem:$0x480];
	_ =	sdelay $0x3  }
0xc4: {  	vm6 =	vnez.u8 v7  }
0xc5: {  	v7 =	vnsel vm6, $0x0, v55  }
0xc6: {  	v6 =	vadd.s32 v7, v6;
	v7 =	vld [tilespmem:$0x1FFE0]  }
0xc7: {  	v57 =	vld [tilespmem:$0x500];
	_ =	sdelay $0x3  }
0xc8: {  	v58 =	vld [tilespmem:$0x580];
	v13 =	vadd.s32 v51, v56;
	vm7 =	vnez.u8 v7  }
0xc9: {  	v59 =	vld [tilespmem:$0x600];
	v13 =	vadd.s32 v52, v13;
	v7 =	vnsel vm7, $0x0, v57  }
0xca: {  	v13 =	vadd.s32 v53, v13;
	v6 =	vadd.s32 v7, v6;
	v7 =	vld [tilespmem:$0x1FFD0]  }
0xcb: {  	v60 =	vld [tilespmem:$0x680];
	v13 =	vadd.s32 v54, v13  }
0xcc: {  	v61 =	vld [tilespmem:$0x700];
	v13 =	vadd.s32 v55, v13  }
0xcd: {  	v62 =	vld [tilespmem:$0x780];
	v13 =	vadd.s32 v57, v13  }
0xce: {  	v63 =	vld [tilespmem:$0x800];
	v13 =	vadd.s32 v58, v13  }
0xcf: {  	v21 =	vld [tilespmem:$0x880];
	v13 =	vadd.s32 v59, v13;
	vm4 =	vnez.u8 v7  }
0xd0: {  	v22 =	vld [tilespmem:$0x900];
	v13 =	vadd.s32 v60, v13;
	v7 =	vnsel vm4, $0x0, v58  }
0xd1: {  	v13 =	vadd.s32 v61, v13;
	v6 =	vadd.s32 v7, v6;
	v7 =	vld [tilespmem:$0x1FFC0]  }
0xd2: {  	v13 =	vadd.s32 v62, v13  }
0xd3: {  	v13 =	vadd.s32 v63, v13  }
0xd4: {  	v13 =	vadd.s32 v21, v13  }
0xd5: {  	v13 =	vadd.s32 v22, v13  }
0xd6: {  	v24 =	vadd.s32 $0xFF, v13;
	vm5 =	vnez.u8 v7  }
0xd7: {  	v8 =	vshra.s32 v24, $0x8;
	v7 =	vnsel vm5, $0x0, v59  }
0xd8: {  	(xrf0) =	vadd.scan.msk.s32 $0xffff, v8;
	v6 =	vadd.s32 v7, v6;
	v7 =	vld [tilespmem:$0x1FFB0];
	_ =	sdelay $0x4  }
0xd9: {  	vm6 =	vnez.u8 v7  }
0xda: {  	v25, _, _ =	vpop (xrf0);
	v7 =	vnsel vm6, $0x0, v60  }
0xdb: {  	(v2sf) =	vpush v25, $0x7;
	v6 =	vadd.s32 v7, v6;
	v7 =	vld [tilespmem:$0x1FFA0];
	_ =	sdelay $0x4  }
0xdc: {  	vm7 =	vnez.u8 v7  }
0xdd: {  	v43 =	vld [tilespmem:$0x0];
	v7 =	vnsel vm7, $0x0, v61  }
0xde: {  	v6 =	vadd.s32 v7, v6;
	v7 =	vld [tilespmem:$0x1FF90];
	_ =	sdelay $0x4  }
0xdf: {  	vm3 =	veq.s32 v43, $0x0;
	vm4 =	vnez.u8 v7  }
0xe0: {  	vm0 =	veq.s32 v43, $0x3;
	vm2 =	veq.s32 v43, $0x4;
	v7 =	vnsel vm4, $0x0, v62  }
0xe1: {  	v26 =	vbroadcast v25, $0x0;
	v27 =	vbroadcast v25, $0x1;
	v6 =	vadd.s32 v7, v6;
	v7 =	vld [tilespmem:$0x1FF80]  }
0xe2: {  	v50 =	vsel vm3, $0x1, v2;
	v30 =	vbroadcast v25, $0x3;
	v32 =	vbroadcast v25, $0x4;
	s5 =	spop (v2sf)  }
0xe3: {  	v8 =	vsub.s32 v25, v8;
	v34 =	vbroadcast v25, $0x5;
	v35 =	vbroadcast v25, $0x6;
	s2 =	sadd.s32 $0xFFFFFFFF, s5  }
0xe4: {  	v37 =	vbroadcast v25, $0x7;
	v8 =	vshll.u32 v8, $0x8;
	v44 =	vmov s2  }
0xe5: {  	v59 =	vsel vm0, $0x1, v2;
	vm1 =	vlt.s32 v44, v0;
	vm7 =	vlt.s32 v26, v1  }
0xe6: {  	v28 =	vsel vm7, $0x1, v2;
	vm7 =	vlt.s32 v32, v1;
	vm5 =	vnez.u8 v7  }
0xe7: {  	v36 =	vsel vm7, $0x1, v2;
	vm7 =	vlt.s32 v26, v3;
	v7 =	vnsel vm5, $0x0, v63  }
0xe8: {  	v45 =	vsel vm7, $0x1, v2;
	vm7 =	vlt.s32 v32, v3;
	v6 =	vadd.s32 v7, v6;
	v7 =	vld [tilespmem:$0x1FF70]  }
0xe9: {  	v49 =	vsel vm7, $0x1, v2;
	vm7 =	vlt.s32 v35, v3;
	vm4 =	vlt.s32 v27, v1  }
0xea: {  	v52 =	vsel vm7, $0x1, v2;
	v29 =	vsel vm4, $0x1, v2;
	vm4 =	vlt.s32 v34, v1  }
0xeb: {  	v62 =	vsel vm2, $0x1, v2;
	v39 =	vsel vm4, $0x1, v2;
	vm4 =	vlt.s32 v27, v3  }
0xec: {  	v12 =	vadd.s32 v29, v28;
	v46 =	vsel vm4, $0x1, v2;
	vm4 =	vlt.s32 v37, v3  }
0xed: {  	v28 =	vmpcnt.ones.xlane vm3;
	v10 =	vsel vm4, $0x1, v2;
	vm6 =	vnez.u8 v7  }
0xee: {  	vm4 =	veq.s32 v43, $0x5;
	v7 =	vnsel vm6, $0x0, v21;
	vm6 =	vlt.s32 v30, v1  }
0xef: {  	v6 =	vadd.s32 v7, v6;
	v33 =	vsel vm6, $0x1, v2;
	vm6 =	vlt.s32 v37, v1  }
0xf0: {  	v7 =	vbroadcast v25, $0x2;
	v25 =	vsel vm4, $0x1, v2;
	v41 =	vsel vm6, $0x1, v2  }
0xf1: {  	v42 =	vadd.s32 v8, v6;
	vm6 =	vlt.s32 v30, v3;
	v8 =	vsel vm1, s2, v0  }
0xf2: {  	vm1 =	veq.s32 v43, $0x2;
	vm5 =	vlt.s32 v7, v1;
	v48 =	vsel vm6, $0x1, v2  }
0xf3: {  	vm6 =	vlt.s32 v34, v3;
	v54 =	vbroadcast v42, $0x0;
	v55 =	vbroadcast v42, $0x1  }
0xf4: {  	v53 =	vsel vm1, $0x1, v2;
	v56 =	vbroadcast v42, $0x2;
	v57 =	vbroadcast v42, $0x3  }
0xf5: {  	v60 =	vbroadcast v42, $0x4;
	v31 =	vsel vm5, $0x1, v2;
	vm5 =	vlt.s32 v35, v1  }
0xf6: {  	(xrf0) =	vadd.scan.msk.s32 $0xffff, v50;
	v61 =	vbroadcast v42, $0x5;
	v40 =	vsel vm5, $0x1, v2;
	vm5 =	vlt.s32 v7, v3  }
0xf7: {  	v12 =	vadd.s32 v31, v12;
	v7 =	vadd.s32 v46, v45;
	v47 =	vsel vm5, $0x1, v2  }
0xf8: {  	v63 =	vbroadcast v42, $0x6;
	v12 =	vadd.s32 v33, v12;
	v7 =	vadd.s32 v47, v7  }
0xf9: {  	v17 =	vbroadcast v42, $0x7;
	v38 =	vadd.s32 v36, v12;
	v7 =	vadd.s32 v48, v7  }
0xfa: {  	v51 =	vsel vm6, $0x1, v2;
	v9 =	vadd.s32 v39, v38;
	v7 =	vadd.s32 v49, v7  }
0xfb: {  	vm5 =	veq.s32 v43, $0x1;
	v9 =	vadd.s32 v40, v9;
	v7 =	vadd.s32 v51, v7  }
0xfc: {  	v58, _, _ =	vpop (xrf0);
	v33 =	vld [tilespmem:$0x10];
	v6 =	vadd.s32 v41, v9;
	v9 =	vadd.s32 v52, v7;
	v7 =	vsel vm5, $0x1, v2  }
0xfd: {  	v34 =	vmpcnt.ones.xlane vm1;
	vm6 =	vlt.s32 v44, v4;
	v16 =	vadd.s32 v54, v58;
	(xrf0) =	vadd.scan.msk.s32 $0xffff, v7  }
0xfe: {  	v13 =	vadd.s32 v28, v54;
	v45 =	vmpcnt.ones.xlane vm4;
	v23 =	vmpcnt.ones.xlane vm5;
	(xrf0) =	vadd.scan.msk.s32 $0xffff, v53  }
0xff: {  	v16 =	vadd.s32 $0xFFFFFFFF, v16;
	v13 =	vadd.s32 $0xFFFFFFFF, v13;
	v36 =	vmpcnt.ones.xlane vm0  }
0x100: {  	v16 =	vnsel vm3, $0x0, v16;
	v14 =	vadd.s32 v23, v55;
	v40 =	vmpcnt.ones.xlane vm2;
	(xrf0) =	vadd.scan.msk.s32 $0xffff, v59  }
0x101: {  	v12 =	vadd.s32 v36, v57;
	v14 =	vadd.s32 $0xFFFFFFFF, v14;
	vm3 =	veq.s32 v33, $0x0  }
0x102: {  	v6 =	vmin.u32 v6, $0x7;
	v7 =	vsel vm6, s2, v4;
	vm6 =	veq.s32 v43, $0x7;
	(xrf0) =	vadd.scan.msk.s32 $0xffff, v62  }
0x103: {  	v44 =	vsel vm3, $0x1, v2;
	v10 =	vadd.s32 v10, v9;
	v38 =	vsel vm6, $0x1, v2;
	v27, _, _ =	vpop (xrf0)  }
0x104: {  	v53 =	vmpcnt.ones.xlane vm6;
	v10 =	vmin.u32 v10, $0x7;
	v22 =	vadd.s32 v55, v27;
	v24, _, _ =	vpop (xrf0)  }
0x105: {  	v27 =	vadd.s32 $0xFFFFFFFF, v12;
	v22 =	vadd.s32 $0xFFFFFFFF, v22;
	v29 =	vadd.s32 v56, v24  }
0x106: {  	(xrf0) =	vadd.scan.msk.s32 $0xffff, v25;
	v30, _, _ =	vpop (xrf0);
	v24 =	vadd.s32 v34, v56;
	v16 =	vsel vm5, v22, v16;
	v20 =	vadd.s32 $0xFFFFFFFF, v29  }
0x107: {  	vm5 =	veq.s32 v43, $0x6;
	v31 =	vadd.s32 v57, v30;
	v43 =	vadd.s32 v60, v40  }
0x108: {  	v35, _, _ =	vpop (xrf0);
	v24 =	vadd.s32 $0xFFFFFFFF, v24;
	v16 =	vsel vm1, v20, v16;
	v32 =	vsel vm5, $0x1, v2  }
0x109: {  	v20 =	vadd.s32 $0xFFFFFFFF, v31;
	v37 =	vadd.s32 v60, v35;
	vm1 =	veq.s32 v33, $0x1;
	(xrf0) =	vadd.scan.msk.s32 $0xffff, v32  }
0x10a: {  	v48 =	vmpcnt.ones.xlane vm5;
	v16 =	vsel vm0, v20, v16;
	v39 =	vadd.s32 $0xFFFFFFFF, v37  }
0x10b: {  	v47 =	vsel vm1, $0x1, v2;
	vm0 =	veq.s32 v33, $0x4;
	(xrf0) =	vadd.scan.msk.s32 $0xffff, v38;
	v41 =	vsel vm2, v39, v16  }
0x10c: {  	v52 =	vadd.s32 v63, v48;
	vm2 =	veq.s32 v33, $0x3;
	v56 =	vsel vm0, $0x1, v2;
	v42, _, _ =	vpop (xrf0)  }
0x10d: {  	v16 =	vadd.s32 $0xFFFFFFFF, v43;
	v54 =	vsel vm2, $0x1, v2;
	v15 =	vadd.s32 v61, v42  }
0x10e: {  	v43 =	vmpcnt.ones.xlane vm2;
	v18 =	vadd.s32 $0xFFFFFFFF, v52;
	v15 =	vadd.s32 $0xFFFFFFFF, v15  }
0x10f: {  	v11 =	vsel vm4, v15, v41;
	vm4 =	veq.s32 v33, $0x2;
	v15 =	vadd.s32 v61, v45;
	v46, _, _ =	vpop (xrf0);
	(xrf0) =	vadd.scan.msk.s32 $0xffff, v44  }
0x110: {  	v61 =	vmpcnt.ones.xlane vm3;
	v45 =	vmpcnt.ones.xlane vm0;
	v51 =	vsel vm4, $0x1, v2;
	(xrf0) =	vadd.scan.msk.s32 $0xffff, v47  }
0x111: {  	v22 =	vld [tilespmem:$0x20];
	v36 =	vmpcnt.ones.xlane vm4;
	v15 =	vadd.s32 $0xFFFFFFFF, v15;
	v20 =	vadd.s32 v63, v46;
	v50, _, _ =	vpop (xrf0)  }
0x112: {  	v63 =	vmpcnt.ones.xlane vm1;
	v49 =	vadd.s32 $0xFFFFFFFF, v20;
	v19 =	vadd.s32 v17, v50;
	(xrf0) =	vadd.scan.msk.s32 $0xffff, v51  }
0x113: {  	v17 =	vadd.s32 v17, v53;
	v23 =	vadd.s32 v36, v24;
	v11 =	vsel vm5, v49, v11  }
0x114: {  	v19 =	vadd.s32 $0xFFFFFFFF, v19;
	vm5 =	veq.s32 v33, $0x5;
	v17 =	vadd.s32 $0xFFFFFFFF, v17  }
0x115: {  	v11 =	vsel vm6, v19, v11;
	v60 =	vsel vm5, $0x1, v2;
	v28 =	vmpcnt.ones.xlane vm5;
	v55, _, _ =	vpop (xrf0);
	(xrf0) =	vadd.scan.msk.s32 $0xffff, v54  }
0x116: {  	vm6 =	veq.s32 v22, $0x6;
	v20 =	vadd.s32 v55, v13;
	v57, _, _ =	vpop (xrf0);
	(xrf0) =	vadd.scan.msk.s32 $0xffff, v56;
	v13 =	vadd.s32 v61, v13  }
0x117: {  	v58 =	vnsel vm3, $0x0, v20;
	v59 =	vadd.s32 v57, v14;
	vm3 =	veq.s32 v33, $0x6  }
0x118: {  	v62, _, _ =	vpop (xrf0);
	(xrf0) =	vadd.scan.msk.s32 $0xffff, v60;
	v14 =	vadd.s32 v63, v14;
	v57 =	vsel vm6, $0x1, v2;
	v19 =	vsel vm1, v59, v58  }
0x119: {  	v20 =	vadd.s32 v62, v24;
	v35 =	vsel vm3, $0x1, v2;
	vm1 =	veq.s32 v33, $0x7  }
0x11a: {  	v50 =	vmpcnt.ones.xlane vm3;
	v19 =	vsel vm4, v20, v19;
	vm4 =	veq.s32 v22, $0x0  }
0x11b: {  	v37 =	vsel vm1, $0x1, v2;
	v52 =	vmpcnt.ones.xlane vm1;
	v31 =	vmpcnt.ones.xlane vm4;
	v26, _, _ =	vpop (xrf0);
	(xrf0) =	vadd.scan.msk.s32 $0xffff, v35  }
0x11c: {  	v42 =	vsel vm4, $0x1, v2;
	v38 =	vadd.s32 v26, v27;
	v39, _, _ =	vpop (xrf0);
	(xrf0) =	vadd.scan.msk.s32 $0xffff, v37;
	v26 =	vadd.s32 v43, v27  }
0x11d: {  	v31 =	vadd.s32 v31, v13;
	v40 =	vsel vm2, v38, v19;
	v41 =	vadd.s32 v39, v16  }
0x11e: {  	v44, _, _ =	vpop (xrf0);
	(xrf0) =	vadd.scan.msk.s32 $0xffff, v42;
	vm2 =	veq.s32 v22, $0x1;
	v16 =	vadd.s32 v45, v16;
	v42 =	vmpcnt.ones.xlane vm6  }
0x11f: {  	v12 =	vsel vm0, v41, v40;
	v19 =	vadd.s32 v44, v15;
	v46 =	vsel vm2, $0x1, v2  }
0x120: {  	vm0 =	veq.s32 v22, $0x2;
	v58 =	vmpcnt.ones.xlane vm2;
	v15 =	vadd.s32 v28, v15  }
0x121: {  	v12 =	vsel vm5, v19, v12;
	v47 =	vsel vm0, $0x1, v2;
	vm5 =	veq.s32 v22, $0x3;
	v29, _, _ =	vpop (xrf0);
	(xrf0) =	vadd.scan.msk.s32 $0xffff, v46  }
0x122: {  	v60 =	vmpcnt.ones.xlane vm0;
	v49 =	vsel vm5, $0x1, v2;
	v29 =	vadd.s32 v29, v18;
	v30, _, _ =	vpop (xrf0);
	(xrf0) =	vadd.scan.msk.s32 $0xffff, v47  }
0x123: {  	v62 =	vmpcnt.ones.xlane vm5;
	v18 =	vadd.s32 v50, v18;
	v12 =	vsel vm3, v29, v12  }
0x124: {  	v48 =	vadd.s32 v30, v17;
	v51, _, _ =	vpop (xrf0);
	(xrf0) =	vadd.scan.msk.s32 $0xffff, v49;
	vm3 =	veq.s32 v22, $0x4;
	v17 =	vadd.s32 v52, v17;
	v30 =	vld [tilespmem:$0x40]  }
0x125: {  	v55 =	vld [tilespmem:$0x30];
	v12 =	vsel vm1, v48, v12;
	v19 =	vadd.s32 v51, v13;
	v53 =	vsel vm3, $0x1, v2  }
0x126: {  	vm1 =	veq.s32 v22, $0x5;
	v38 =	vmpcnt.ones.xlane vm3;
	v19 =	vnsel vm4, $0x0, v19  }
0x127: {  	v54 =	vsel vm1, $0x1, v2;
	vm4 =	veq.s32 v22, $0x7;
	v40 =	vmpcnt.ones.xlane vm1;
	v32, _, _ =	vpop (xrf0);
	(xrf0) =	vadd.scan.msk.s32 $0xffff, v53  }
0x128: {  	v22 =	vadd.s32 v62, v26;
	v61 =	vsel vm4, $0x1, v2;
	v32 =	vadd.s32 v32, v14;
	v33, _, _ =	vpop (xrf0);
	(xrf0) =	vadd.scan.msk.s32 $0xffff, v54  }
0x129: {  	v48 =	vmpcnt.ones.xlane vm4;
	vm7 =	veq.s32 v30, $0x5;
	v19 =	vsel vm2, v32, v19  }
0x12a: {  	v56 =	vadd.s32 v33, v23;
	v59, _, _ =	vpop (xrf0);
	(xrf0) =	vadd.scan.msk.s32 $0xffff, v57;
	vm2 =	veq.s32 v55, $0x0;
	v32 =	vadd.s32 v58, v14  }
0x12b: {  	v23 =	vadd.s32 v60, v23;
	v19 =	vsel vm0, v56, v19;
	v21 =	vadd.s32 v59, v26  }
0x12c: {  	v33 =	vsel vm2, $0x1, v2;
	vm0 =	veq.s32 v55, $0x3;
	v50 =	vmpcnt.ones.xlane vm2  }
0x12d: {  	v19 =	vsel vm5, v21, v19;
	vm5 =	veq.s32 v55, $0x1;
	v44 =	vsel vm0, $0x1, v2;
	v63, _, _ =	vpop (xrf0);
	(xrf0) =	vadd.scan.msk.s32 $0xffff, v61  }
0x12e: {  	v59 =	vmpcnt.ones.xlane vm0;
	v37 =	vsel vm5, $0x1, v2;
	v34 =	vadd.s32 v63, v16;
	v35, _, _ =	vpop (xrf0);
	(xrf0) =	vadd.scan.msk.s32 $0xffff, v33  }
0x12f: {  	v52 =	vmpcnt.ones.xlane vm5;
	v16 =	vadd.s32 v38, v16;
	v19 =	vsel vm3, v34, v19  }
0x130: {  	v33 =	vld [tilespmem:$0x50];
	v36 =	vadd.s32 v35, v15;
	v39, _, _ =	vpop (xrf0);
	(xrf0) =	vadd.scan.msk.s32 $0xffff, v37;
	vm3 =	veq.s32 v55, $0x2;
	v15 =	vadd.s32 v40, v15  }
0x131: {  	v19 =	vsel vm1, v36, v19;
	v20 =	vadd.s32 v39, v18;
	v41 =	vsel vm3, $0x1, v2  }
0x132: {  	vm1 =	veq.s32 v55, $0x6;
	v57 =	vmpcnt.ones.xlane vm3;
	v18 =	vadd.s32 v42, v18  }
0x133: {  	v19 =	vsel vm6, v20, v19;
	vm6 =	veq.s32 v55, $0x4;
	v53 =	vsel vm1, $0x1, v2;
	v43, _, _ =	vpop (xrf0);
	(xrf0) =	vadd.scan.msk.s32 $0xffff, v41  }
0x134: {  	v39 =	vmpcnt.ones.xlane vm1;
	v20 =	vadd.s32 v50, v31;
	v47 =	vsel vm6, $0x1, v2;
	v45, _, _ =	vpop (xrf0);
	(xrf0) =	vadd.scan.msk.s32 $0xffff, v44  }
0x135: {  	v61 =	vmpcnt.ones.xlane vm6;
	vm8 =	veq.s32 v33, $0x0;
	v25 =	vadd.s32 v43, v17  }
0x136: {  	v17 =	vadd.s32 v48, v17;
	v13 =	vsel vm4, v25, v19;
	v46 =	vadd.s32 v45, v31;
	v49, _, _ =	vpop (xrf0);
	(xrf0) =	vadd.scan.msk.s32 $0xffff, v47  }
0x137: {  	vm4 =	veq.s32 v30, $0x3;
	v19 =	vnsel vm2, $0x0, v46;
	vm2 =	veq.s32 v55, $0x5  }
0x138: {  	v47 =	vsel vm7, $0x1, v2;
	v14 =	vadd.s32 v49, v32;
	v51 =	vsel vm2, $0x1, v2  }
0x139: {  	v14 =	vsel vm5, v14, v19;
	vm5 =	veq.s32 v55, $0x7;
	v37 =	vmpcnt.ones.xlane vm2;
	v34, _, _ =	vpop (xrf0);
	(xrf0) =	vadd.scan.msk.s32 $0xffff, v51  }
0x13a: {  	v40 =	vsel vm4, $0x1, v2;
	v32 =	vadd.s32 v52, v32;
	v56 =	vsel vm5, $0x1, v2;
	v54, _, _ =	vpop (xrf0);
	(xrf0) =	vadd.scan.msk.s32 $0xffff, v53  }
0x13b: {  	v41 =	vmpcnt.ones.xlane vm5;
	v28 =	vadd.s32 v37, v15;
	v24 =	vadd.s32 v34, v23  }
0x13c: {  	v23 =	vadd.s32 v57, v23;
	v14 =	vsel vm3, v24, v14;
	v55 =	vadd.s32 v54, v22;
	v58, _, _ =	vpop (xrf0);
	(xrf0) =	vadd.scan.msk.s32 $0xffff, v56  }
0x13d: {  	vm3 =	veq.s32 v30, $0x0;
	v22 =	vadd.s32 v59, v22;
	v59 =	vmpcnt.ones.xlane vm4  }
0x13e: {  	v14 =	vsel vm0, v55, v14;
	v60 =	vsel vm3, $0x1, v2;
	vm0 =	veq.s32 v30, $0x1  }
0x13f: {  	v19 =	vadd.s32 v58, v16;
	v48 =	vmpcnt.ones.xlane vm3;
	v63 =	vsel vm0, $0x1, v2;
	v62, _, _ =	vpop (xrf0);
	(xrf0) =	vadd.scan.msk.s32 $0xffff, v60  }
0x140: {  	v14 =	vsel vm6, v19, v14;
	vm6 =	veq.s32 v30, $0x2;
	v50 =	vmpcnt.ones.xlane vm0;
	v34, _, _ =	vpop (xrf0);
	(xrf0) =	vadd.scan.msk.s32 $0xffff, v63  }
0x141: {  	v16 =	vadd.s32 v61, v16;
	v58 =	vsel vm8, $0x1, v2;
	v36 =	vsel vm6, $0x1, v2  }
0x142: {  	v52 =	vmpcnt.ones.xlane vm6;
	v26 =	vadd.s32 v50, v32;
	v21 =	vadd.s32 v62, v15;
	v38, _, _ =	vpop (xrf0);
	(xrf0) =	vadd.scan.msk.s32 $0xffff, v36  }
0x143: {  	v63 =	vmpcnt.ones.xlane vm7;
	v14 =	vsel vm2, v21, v14;
	v35 =	vadd.s32 v34, v18  }
0x144: {  	vm2 =	veq.s32 v30, $0x7;
	v14 =	vsel vm1, v35, v14;
	vm1 =	veq.s32 v30, $0x4  }
0x145: {  	v18 =	vadd.s32 v39, v18;
	v19 =	vadd.s32 v38, v17;
	v43 =	vsel vm1, $0x1, v2;
	v42, _, _ =	vpop (xrf0);
	(xrf0) =	vadd.scan.msk.s32 $0xffff, v40  }
0x146: {  	v54 =	vsel vm2, $0x1, v2;
	v17 =	vadd.s32 v41, v17;
	v61 =	vmpcnt.ones.xlane vm1;
	v44, _, _ =	vpop (xrf0);
	(xrf0) =	vadd.scan.msk.s32 $0xffff, v43  }
0x147: {  	v24 =	vadd.s32 v63, v28;
	v14 =	vsel vm5, v19, v14;
	vm5 =	veq.s32 v30, $0x6  }
0x148: {  	v51 =	vsel vm5, $0x1, v2;
	v40 =	vmpcnt.ones.xlane vm5;
	v27 =	vadd.s32 v61, v16;
	v49, _, _ =	vpop (xrf0);
	(xrf0) =	vadd.scan.msk.s32 $0xffff, v47  }
0x149: {  	v29 =	vadd.s32 v42, v20;
	v20 =	vadd.s32 v48, v20;
	v42 =	vmpcnt.ones.xlane vm2  }
0x14a: {  	v45 =	vnsel vm3, $0x0, v29;
	v46 =	vadd.s32 v44, v32;
	vm3 =	veq.s32 v33, $0x1  }
0x14b: {  	v44 =	vmpcnt.ones.xlane vm8;
	v19 =	vsel vm0, v46, v45;
	v29 =	vadd.s32 v49, v23;
	v53, _, _ =	vpop (xrf0);
	(xrf0) =	vadd.scan.msk.s32 $0xffff, v51  }
0x14c: {  	v62 =	vsel vm3, $0x1, v2;
	vm0 =	veq.s32 v33, $0x2;
	v23 =	vadd.s32 v52, v23;
	v56, _, _ =	vpop (xrf0);
	(xrf0) =	vadd.scan.msk.s32 $0xffff, v54  }
0x14d: {  	v47 =	vmpcnt.ones.xlane vm3;
	v19 =	vsel vm6, v29, v19;
	vm6 =	veq.s32 v33, $0x3  }
0x14e: {  	v36 =	vsel vm0, $0x1, v2;
	v49 =	vmpcnt.ones.xlane vm0;
	v39 =	vsel vm6, $0x1, v2;
	v60, _, _ =	vpop (xrf0);
	(xrf0) =	vadd.scan.msk.s32 $0xffff, v58  }
0x14f: {  	v51 =	vmpcnt.ones.xlane vm6;
	v55 =	vadd.s32 v53, v22;
	v22 =	vadd.s32 v59, v22  }
0x150: {  	v19 =	vsel vm4, v55, v19;
	v57 =	vadd.s32 v56, v16;
	vm4 =	veq.s32 v33, $0x4  }
0x151: {  	v19 =	vsel vm1, v57, v19;
	v15 =	vadd.s32 v60, v28;
	v43 =	vsel vm4, $0x1, v2;
	v35, _, _ =	vpop (xrf0);
	(xrf0) =	vadd.scan.msk.s32 $0xffff, v62  }
0x152: {  	v32 =	vld [tilespmem:$0x60];
	vm1 =	veq.s32 v33, $0x5;
	v59 =	vmpcnt.ones.xlane vm4;
	v15 =	vsel vm7, v15, v19;
	v37, _, _ =	vpop (xrf0);
	(xrf0) =	vadd.scan.msk.s32 $0xffff, v36  }
0x153: {  	v45 =	vsel vm1, $0x1, v2;
	vm7 =	veq.s32 v33, $0x6;
	v61 =	vmpcnt.ones.xlane vm1  }
0x154: {  	v46 =	vsel vm7, $0x1, v2;
	v63 =	vmpcnt.ones.xlane vm7;
	v21 =	vadd.s32 v35, v18;
	v41, _, _ =	vpop (xrf0);
	(xrf0) =	vadd.scan.msk.s32 $0xffff, v39  }
0x155: {  	v18 =	vadd.s32 v40, v18;
	v15 =	vsel vm5, v21, v15;
	v38 =	vadd.s32 v37, v17  }
0x156: {  	vm5 =	veq.s32 v33, $0x7;
	v17 =	vadd.s32 v42, v17;
	v15 =	vsel vm2, v38, v15  }
0x157: {  	v19 =	vadd.s32 v41, v20;
	v50 =	vsel vm5, $0x1, v2;
	vm2 =	veq.s32 v32, $0x0;
	v35, _, _ =	vpop (xrf0);
	(xrf0) =	vadd.scan.msk.s32 $0xffff, v43  }
0x158: {  	v20 =	vadd.s32 v44, v20;
	v19 =	vnsel vm8, $0x0, v19;
	v53 =	vsel vm2, $0x1, v2;
	v36, _, _ =	vpop (xrf0);
	(xrf0) =	vadd.scan.msk.s32 $0xffff, v45  }
0x159: {  	v43 =	vmpcnt.ones.xlane vm5;
	v35 =	vadd.s32 v35, v26;
	v26 =	vadd.s32 v47, v26  }
0x15a: {  	v45 =	vmpcnt.ones.xlane vm2;
	v19 =	vsel vm3, v35, v19;
	v30 =	vadd.s32 v36, v23;
	v48, _, _ =	vpop (xrf0);
	(xrf0) =	vadd.scan.msk.s32 $0xffff, v46  }
0x15b: {  	vm3 =	veq.s32 v32, $0x2;
	v23 =	vadd.s32 v49, v23;
	v33 =	vadd.s32 v43, v17;
	v36 =	vld [tilespmem:$0x80]  }
0x15c: {  	v19 =	vsel vm0, v30, v19;
	v30 =	vadd.s32 v48, v22;
	v62 =	vsel vm3, $0x1, v2  }
0x15d: {  	vm0 =	veq.s32 v32, $0x3;
	v19 =	vsel vm6, v30, v19;
	vm6 =	veq.s32 v32, $0x1;
	v52, _, _ =	vpop (xrf0);
	(xrf0) =	vadd.scan.msk.s32 $0xffff, v50  }
0x15e: {  	v22 =	vadd.s32 v51, v22;
	v39 =	vsel vm0, $0x1, v2;
	v58 =	vsel vm6, $0x1, v2;
	v55, _, _ =	vpop (xrf0);
	(xrf0) =	vadd.scan.msk.s32 $0xffff, v53  }
0x15f: {  	v47 =	vmpcnt.ones.xlane vm6;
	v54 =	vadd.s32 v52, v27;
	v53 =	vmpcnt.ones.xlane vm3  }
0x160: {  	v35 =	vld [tilespmem:$0x70];
	v27 =	vadd.s32 v59, v27;
	vm8 =	veq.s32 v36, $0x0;
	v56 =	vsel vm4, v54, v19;
	v60, _, _ =	vpop (xrf0);
	(xrf0) =	vadd.scan.msk.s32 $0xffff, v58  }
0x161: {  	v57 =	vadd.s32 v55, v24;
	vm4 =	veq.s32 v32, $0x4;
	v55 =	vmpcnt.ones.xlane vm0  }
0x162: {  	v24 =	vadd.s32 v61, v24;
	v16 =	vsel vm1, v57, v56;
	v19 =	vadd.s32 v60, v18  }
0x163: {  	v42 =	vsel vm4, $0x1, v2;
	vm1 =	veq.s32 v32, $0x6;
	v31 =	vmpcnt.ones.xlane vm4;
	v38, _, _ =	vpop (xrf0);
	(xrf0) =	vadd.scan.msk.s32 $0xffff, v62  }
0x164: {  	v18 =	vadd.s32 v63, v18;
	v16 =	vsel vm7, v19, v16;
	v21 =	vadd.s32 v38, v17;
	v40, _, _ =	vpop (xrf0);
	(xrf0) =	vadd.scan.msk.s32 $0xffff, v39  }
0x165: {  	v48 =	vsel vm1, $0x1, v2;
	vm7 =	veq.s32 v35, $0x5;
	v16 =	vsel vm5, v21, v16  }
0x166: {  	v41 =	vadd.s32 v40, v20;
	v44, _, _ =	vpop (xrf0);
	(xrf0) =	vadd.scan.msk.s32 $0xffff, v42;
	vm5 =	veq.s32 v32, $0x7;
	v20 =	vadd.s32 v45, v20  }
0x167: {  	v19 =	vnsel vm2, $0x0, v41;
	v34 =	vadd.s32 v44, v26;
	vm2 =	veq.s32 v32, $0x5  }
0x168: {  	v52 =	vsel vm5, $0x1, v2;
	v41 =	vmpcnt.ones.xlane vm1;
	v46 =	vsel vm2, $0x1, v2  }
0x169: {  	v25 =	vmpcnt.ones.xlane vm5;
	v19 =	vsel vm6, v34, v19;
	vm6 =	veq.s32 v35, $0x2;
	v37, _, _ =	vpop (xrf0);
	(xrf0) =	vadd.scan.msk.s32 $0xffff, v46  }
0x16a: {  	v26 =	vadd.s32 v47, v26;
	v63 =	vmpcnt.ones.xlane vm2;
	v62 =	vsel vm6, $0x1, v2;
	v50, _, _ =	vpop (xrf0);
	(xrf0) =	vadd.scan.msk.s32 $0xffff, v48  }
0x16b: {  	v28 =	vadd.s32 v41, v18;
	v25 =	vadd.s32 v25, v33;
	v49 =	vadd.s32 v37, v23  }
0x16c: {  	v48 =	vsel vm7, $0x1, v2;
	v23 =	vadd.s32 v53, v23;
	v53 =	vmpcnt.ones.xlane vm6;
	v54, _, _ =	vpop (xrf0);
	(xrf0) =	vadd.scan.msk.s32 $0xffff, v52  }
0x16d: {  	v19 =	vsel vm3, v49, v19;
	v51 =	vadd.s32 v50, v22;
	vm3 =	veq.s32 v35, $0x0  }
0x16e: {  	v19 =	vsel vm0, v51, v19;
	v56 =	vsel vm3, $0x1, v2;
	vm0 =	veq.s32 v35, $0x1  }
0x16f: {  	v22 =	vadd.s32 v55, v22;
	v29 =	vadd.s32 v54, v27;
	v58 =	vsel vm0, $0x1, v2;
	v57, _, _ =	vpop (xrf0);
	(xrf0) =	vadd.scan.msk.s32 $0xffff, v56  }
0x170: {  	v49 =	vmpcnt.ones.xlane vm3;
	v19 =	vsel vm4, v29, v19;
	vm4 =	veq.s32 v35, $0x3;
	v60, _, _ =	vpop (xrf0);
	(xrf0) =	vadd.scan.msk.s32 $0xffff, v58  }
0x171: {  	v27 =	vadd.s32 v31, v27;
	v51 =	vmpcnt.ones.xlane vm0;
	v42 =	vsel vm4, $0x1, v2  }
0x172: {  	v59 =	vadd.s32 v57, v24;
	v58 =	vsel vm8, $0x1, v2;
	v24 =	vadd.s32 v63, v24;
	v40, _, _ =	vpop (xrf0);
	(xrf0) =	vadd.scan.msk.s32 $0xffff, v62  }
0x173: {  	v63 =	vmpcnt.ones.xlane vm7;
	v19 =	vsel vm2, v59, v19;
	v61 =	vadd.s32 v60, v18  }
0x174: {  	vm2 =	veq.s32 v35, $0x7;
	v19 =	vsel vm1, v61, v19;
	vm1 =	veq.s32 v35, $0x4  }
0x175: {  	v59 =	vmpcnt.ones.xlane vm4;
	v17 =	vadd.s32 v40, v33;
	v44 =	vsel vm1, $0x1, v2;
	v43, _, _ =	vpop (xrf0);
	(xrf0) =	vadd.scan.msk.s32 $0xffff, v42  }
0x176: {  	v55 =	vsel vm2, $0x1, v2;
	v17 =	vsel vm5, v17, v19;
	vm5 =	veq.s32 v35, $0x6;
	v45, _, _ =	vpop (xrf0);
	(xrf0) =	vadd.scan.msk.s32 $0xffff, v44  }
0x177: {  	v61 =	vmpcnt.ones.xlane vm1;
	v52 =	vsel vm5, $0x1, v2;
	v21 =	vadd.s32 v43, v20  }
0x178: {  	v20 =	vadd.s32 v49, v20;
	v46 =	vnsel vm3, $0x0, v21;
	v47 =	vadd.s32 v45, v26;
	v50, _, _ =	vpop (xrf0);
	(xrf0) =	vadd.scan.msk.s32 $0xffff, v48  }
0x179: {  	vm3 =	veq.s32 v36, $0x1;
	v48 =	vmpcnt.ones.xlane vm2;
	v26 =	vadd.s32 v51, v26  }
0x17a: {  	v19 =	vsel vm0, v47, v46;
	v21 =	vadd.s32 v50, v23;
	v62 =	vsel vm3, $0x1, v2  }
0x17b: {  	vm0 =	veq.s32 v36, $0x2;
	v46 =	vmpcnt.ones.xlane vm5;
	v50 =	vmpcnt.ones.xlane vm8;
	v54, _, _ =	vpop (xrf0);
	(xrf0) =	vadd.scan.msk.s32 $0xffff, v52  }
0x17c: {  	v23 =	vadd.s32 v53, v23;
	v19 =	vsel vm6, v21, v19;
	vm6 =	veq.s32 v36, $0x3;
	v56, _, _ =	vpop (xrf0);
	(xrf0) =	vadd.scan.msk.s32 $0xffff, v55  }
0x17d: {  	v40 =	vsel vm0, $0x1, v2;
	v31 =	vmpcnt.ones.xlane vm0;
	v45 =	vsel vm6, $0x1, v2  }
0x17e: {  	v34 =	vmpcnt.ones.xlane vm6;
	v37 =	vadd.s32 v50, v20;
	v30 =	vadd.s32 v54, v22;
	v60, _, _ =	vpop (xrf0);
	(xrf0) =	vadd.scan.msk.s32 $0xffff, v58  }
0x17f: {  	v54 =	vmpcnt.ones.xlane vm3;
	v22 =	vadd.s32 v59, v22;
	v19 =	vsel vm4, v30, v19  }
0x180: {  	v57 =	vadd.s32 v56, v27;
	vm4 =	veq.s32 v36, $0x4;
	v27 =	vadd.s32 v61, v27  }
0x181: {  	v19 =	vsel vm1, v57, v19;
	v21 =	vadd.s32 v60, v24;
	v49 =	vsel vm4, $0x1, v2;
	v39, _, _ =	vpop (xrf0);
	(xrf0) =	vadd.scan.msk.s32 $0xffff, v62  }
0x182: {  	v35 =	vld [tilespmem:$0x90];
	vm1 =	veq.s32 v36, $0x5;
	v24 =	vadd.s32 v63, v24;
	v63 =	vmpcnt.ones.xlane vm4;
	v42, _, _ =	vpop (xrf0);
	(xrf0) =	vadd.scan.msk.s32 $0xffff, v40  }
0x183: {  	v19 =	vsel vm7, v21, v19;
	v51 =	vsel vm1, $0x1, v2;
	vm7 =	veq.s32 v36, $0x6  }
0x184: {  	v30 =	vmpcnt.ones.xlane vm1;
	v21 =	vadd.s32 v48, v25;
	v41 =	vadd.s32 v39, v28;
	v47, _, _ =	vpop (xrf0);
	(xrf0) =	vadd.scan.msk.s32 $0xffff, v45  }
0x185: {  	v53 =	vsel vm7, $0x1, v2;
	v28 =	vadd.s32 v46, v28;
	v43 =	vsel vm5, v41, v19  }
0x186: {  	v44 =	vadd.s32 v42, v25;
	vm5 =	veq.s32 v36, $0x7;
	v45 =	vmpcnt.ones.xlane vm7  }
0x187: {  	v18 =	vsel vm2, v44, v43;
	v19 =	vadd.s32 v47, v20;
	vm2 =	veq.s32 v35, $0x0;
	v38, _, _ =	vpop (xrf0);
	(xrf0) =	vadd.scan.msk.s32 $0xffff, v49  }
0x188: {  	v56 =	vsel vm5, $0x1, v2;
	v19 =	vnsel vm8, $0x0, v19;
	v58 =	vsel vm2, $0x1, v2;
	v39, _, _ =	vpop (xrf0);
	(xrf0) =	vadd.scan.msk.s32 $0xffff, v51  }
0x189: {  	v38 =	vadd.s32 v38, v26;
	v51 =	vmpcnt.ones.xlane vm5;
	v26 =	vadd.s32 v54, v26  }
0x18a: {  	v19 =	vsel vm3, v38, v19;
	v52 =	vadd.s32 v39, v23;
	v55, _, _ =	vpop (xrf0);
	(xrf0) =	vadd.scan.msk.s32 $0xffff, v53;
	vm3 =	veq.s32 v35, $0x2  }
0x18b: {  	v53 =	vmpcnt.ones.xlane vm2;
	v23 =	vadd.s32 v31, v23;
	v19 =	vsel vm0, v52, v19  }
0x18c: {  	v32 =	vadd.s32 v55, v22;
	v44 =	vsel vm3, $0x1, v2;
	vm0 =	veq.s32 v35, $0x3  }
0x18d: {  	v22 =	vadd.s32 v34, v22;
	v19 =	vsel vm6, v32, v19;
	vm6 =	veq.s32 v35, $0x1;
	v57, _, _ =	vpop (xrf0);
	(xrf0) =	vadd.scan.msk.s32 $0xffff, v56  }
0x18e: {  	v47 =	vsel vm0, $0x1, v2;
	v25 =	vadd.s32 v53, v37;
	v62 =	vsel vm6, $0x1, v2;
	v60, _, _ =	vpop (xrf0);
	(xrf0) =	vadd.scan.msk.s32 $0xffff, v58  }
0x18f: {  	v55 =	vmpcnt.ones.xlane vm6;
	v59 =	vadd.s32 v57, v27;
	v27 =	vadd.s32 v63, v27  }
0x190: {  	v39 =	vld [tilespmem:$0xB0];
	v63 =	vmpcnt.ones.xlane vm0;
	v19 =	vsel vm4, v59, v19;
	v61 =	vadd.s32 v60, v24;
	v43, _, _ =	vpop (xrf0);
	(xrf0) =	vadd.scan.msk.s32 $0xffff, v62  }
0x191: {  	v38 =	vld [tilespmem:$0xA0];
	vm4 =	veq.s32 v35, $0x4;
	v24 =	vadd.s32 v30, v24;
	v19 =	vsel vm1, v61, v19  }
0x192: {  	v29 =	vadd.s32 v43, v28;
	v50 =	vsel vm4, $0x1, v2;
	vm1 =	veq.s32 v35, $0x6  }
0x193: {  	v61 =	vmpcnt.ones.xlane vm3;
	v34 =	vmpcnt.ones.xlane vm4;
	v28 =	vadd.s32 v45, v28;
	v46, _, _ =	vpop (xrf0);
	(xrf0) =	vadd.scan.msk.s32 $0xffff, v44  }
0x194: {  	v19 =	vsel vm7, v29, v19;
	v56 =	vsel vm1, $0x1, v2;
	v48 =	vadd.s32 v46, v21;
	v49, _, _ =	vpop (xrf0);
	(xrf0) =	vadd.scan.msk.s32 $0xffff, v47  }
0x195: {  	vm7 =	veq.s32 v39, $0x6;
	v21 =	vadd.s32 v51, v21;
	v19 =	vsel vm5, v48, v19  }
0x196: {  	v20 =	vadd.s32 v49, v37;
	v52, _, _ =	vpop (xrf0);
	(xrf0) =	vadd.scan.msk.s32 $0xffff, v50;
	vm5 =	veq.s32 v38, $0x2;
	v49 =	vmpcnt.ones.xlane vm1;
	v37 =	vld [tilespmem:$0xC0]  }
0x197: {  	v20 =	vnsel vm2, $0x0, v20;
	v36 =	vadd.s32 v52, v26;
	vm2 =	veq.s32 v35, $0x5  }
0x198: {  	v46 =	vsel vm5, $0x1, v2;
	v26 =	vadd.s32 v55, v26;
	v54 =	vsel vm2, $0x1, v2  }
0x199: {  	v20 =	vsel vm6, v36, v20;
	vm6 =	veq.s32 v35, $0x7;
	v47 =	vmpcnt.ones.xlane vm2;
	v40, _, _ =	vpop (xrf0);
	(xrf0) =	vadd.scan.msk.s32 $0xffff, v54  }
0x19a: {  	v60 =	vsel vm6, $0x1, v2;
	v57 =	vadd.s32 v40, v23;
	v58, _, _ =	vpop (xrf0);
	v23 =	vadd.s32 v61, v23  }
0x19b: {  	(xrf0) =	vadd.scan.msk.s32 $0xffff, v56;
	vm8 =	veq.s32 v37, $0x5;
	v20 =	vsel vm3, v57, v20;
	v59 =	vadd.s32 v58, v22  }
0x19c: {  	v62, _, _ =	vpop (xrf0);
	(xrf0) =	vadd.scan.msk.s32 $0xffff, v60;
	vm3 =	veq.s32 v38, $0x0;
	v60 =	vmpcnt.ones.xlane vm5;
	v22 =	vadd.s32 v63, v22  }
0x19d: {  	v20 =	vsel vm0, v59, v20;
	v31 =	vadd.s32 v62, v27;
	v40 =	vsel vm3, $0x1, v2  }
0x19e: {  	vm0 =	veq.s32 v38, $0x1;
	v57 =	vmpcnt.ones.xlane vm3;
	v27 =	vadd.s32 v34, v27  }
0x19f: {  	v20 =	vsel vm4, v31, v20;
	v31 =	vmpcnt.ones.xlane vm6;
	vm4 =	veq.s32 v38, $0x6;
	v41, _, _ =	vpop (xrf0);
	(xrf0) =	vadd.scan.msk.s32 $0xffff, v40  }
0x1a0: {  	v42 =	vsel vm0, $0x1, v2;
	v35 =	vmpcnt.ones.xlane vm0;
	v59 =	vsel vm4, $0x1, v2  }
0x1a1: {  	v31 =	vadd.s32 v31, v21;
	v43 =	vadd.s32 v41, v24;
	v44, _, _ =	vpop (xrf0);
	(xrf0) =	vadd.scan.msk.s32 $0xffff, v42;
	v24 =	vadd.s32 v47, v24  }
0x1a2: {  	v20 =	vsel vm2, v43, v20;
	v45 =	vadd.s32 v44, v28;
	v48, _, _ =	vpop (xrf0);
	(xrf0) =	vadd.scan.msk.s32 $0xffff, v46;
	vm2 =	veq.s32 v38, $0x3  }
0x1a3: {  	v28 =	vadd.s32 v49, v28;
	v20 =	vsel vm1, v45, v20;
	v30 =	vadd.s32 v48, v21  }
0x1a4: {  	v50 =	vsel vm2, $0x1, v2;
	vm1 =	veq.s32 v38, $0x4;
	v44 =	vmpcnt.ones.xlane vm2  }
0x1a5: {  	v20 =	vsel vm6, v30, v20;
	v52 =	vsel vm1, $0x1, v2;
	vm6 =	veq.s32 v38, $0x5;
	v51, _, _ =	vpop (xrf0);
	(xrf0) =	vadd.scan.msk.s32 $0xffff, v50  }
0x1a6: {  	v33 =	vmpcnt.ones.xlane vm1;
	v56 =	vsel vm6, $0x1, v2;
	v36 =	vadd.s32 v51, v25  }
0x1a7: {  	v34 =	vmpcnt.ones.xlane vm6;
	v53, _, _ =	vpop (xrf0);
	(xrf0) =	vadd.scan.msk.s32 $0xffff, v52;
	v25 =	vadd.s32 v57, v25;
	v54 =	vnsel vm3, $0x0, v36  }
0x1a8: {  	v55 =	vadd.s32 v53, v26;
	v58, _, _ =	vpop (xrf0);
	(xrf0) =	vadd.scan.msk.s32 $0xffff, v56;
	vm3 =	veq.s32 v38, $0x7;
	v26 =	vadd.s32 v35, v26  }
0x1a9: {  	v30 =	vsel vm0, v55, v54;
	v36 =	vadd.s32 v58, v23;
	v62 =	vsel vm3, $0x1, v2  }
0x1aa: {  	vm0 =	veq.s32 v39, $0x0;
	v54 =	vmpcnt.ones.xlane vm4;
	v56 =	vmpcnt.ones.xlane vm3  }
0x1ab: {  	v23 =	vadd.s32 v60, v23;
	v30 =	vsel vm5, v36, v30;
	v43 =	vsel vm0, $0x1, v2;
	v61, _, _ =	vpop (xrf0);
	(xrf0) =	vadd.scan.msk.s32 $0xffff, v59  }
0x1ac: {  	vm5 =	veq.s32 v39, $0x1;
	v60 =	vmpcnt.ones.xlane vm0;
	v36 =	vadd.s32 v44, v22  }
0x1ad: {  	v46 =	vsel vm5, $0x1, v2;
	v63 =	vadd.s32 v61, v22;
	v41, _, _ =	vpop (xrf0);
	(xrf0) =	vadd.scan.msk.s32 $0xffff, v62;
	v62 =	vsel vm7, $0x1, v2  }
0x1ae: {  	v30 =	vsel vm2, v63, v30;
	v42 =	vadd.s32 v41, v27;
	v45, _, _ =	vpop (xrf0);
	(xrf0) =	vadd.scan.msk.s32 $0xffff, v43;
	vm2 =	veq.s32 v39, $0x2  }
0x1af: {  	v63 =	vmpcnt.ones.xlane vm5;
	v27 =	vadd.s32 v33, v27;
	v30 =	vsel vm1, v42, v30  }
0x1b0: {  	v32 =	vadd.s32 v45, v24;
	v48 =	vsel vm2, $0x1, v2;
	vm1 =	veq.s32 v39, $0x3  }
0x1b1: {  	v45 =	vmpcnt.ones.xlane vm2;
	v24 =	vadd.s32 v34, v24;
	v30 =	vsel vm6, v32, v30;
	v47, _, _ =	vpop (xrf0);
	(xrf0) =	vadd.scan.msk.s32 $0xffff, v46  }
0x1b2: {  	v53 =	vsel vm1, $0x1, v2;
	vm6 =	veq.s32 v39, $0x4;
	v49 =	vadd.s32 v47, v28  }
0x1b3: {  	v57 =	vsel vm6, $0x1, v2;
	v50, _, _ =	vpop (xrf0);
	(xrf0) =	vadd.scan.msk.s32 $0xffff, v48;
	v28 =	vadd.s32 v54, v28;
	v51 =	vsel vm4, v49, v30  }
0x1b4: {  	v52 =	vadd.s32 v50, v31;
	v55, _, _ =	vpop (xrf0);
	vm4 =	veq.s32 v39, $0x5;
	v30 =	vadd.s32 v56, v31  }
0x1b5: {  	(xrf0) =	vadd.scan.msk.s32 $0xffff, v53;
	v21 =	vsel vm3, v52, v51;
	v29 =	vadd.s32 v55, v25;
	v59 =	vsel vm4, $0x1, v2  }
0x1b6: {  	(xrf0) =	vadd.scan.msk.s32 $0xffff, v57;
	vm3 =	veq.s32 v39, $0x7;
	v51 =	vmpcnt.ones.xlane vm1;
	v32 =	vmpcnt.ones.xlane vm4  }
0x1b7: {  	v39 =	vmpcnt.ones.xlane vm7;
	v29 =	vnsel vm0, $0x0, v29;
	vm0 =	veq.s32 v37, $0x1;
	v58, _, _ =	vpop (xrf0);
	(xrf0) =	vadd.scan.msk.s32 $0xffff, v59  }
0x1b8: {  	v25 =	vadd.s32 v60, v25;
	v46 =	vsel vm3, $0x1, v2;
	v50 =	vsel vm0, $0x1, v2  }
0x1b9: {  	v34 =	vadd.s32 v51, v36;
	v41 =	vmpcnt.ones.xlane vm0;
	v40 =	vadd.s32 v58, v26;
	v61, _, _ =	vpop (xrf0)  }
0x1ba: {  	v26 =	vadd.s32 v63, v26;
	v29 =	vsel vm5, v40, v29;
	v35 =	vadd.s32 v61, v23  }
0x1bb: {  	v63 =	vmpcnt.ones.xlane vm3;
	v44, _, _ =	vpop (xrf0);
	(xrf0) =	vadd.scan.msk.s32 $0xffff, v62;
	v29 =	vsel vm2, v35, v29;
	vm2 =	veq.s32 v37, $0x0  }
0x1bc: {  	vm5 =	veq.s32 v37, $0x6;
	v22 =	vadd.s32 v44, v36;
	v47, _, _ =	vpop (xrf0);
	(xrf0) =	vadd.scan.msk.s32 $0xffff, v46;
	v48 =	vsel vm2, $0x1, v2  }
0x1bd: {  	v44 =	vsel vm8, $0x1, v2;
	v22 =	vsel vm1, v22, v29;
	v33 =	vadd.s32 v47, v27;
	v49, _, _ =	vpop (xrf0);
	(xrf0) =	vadd.scan.msk.s32 $0xffff, v48  }
0x1be: {  	v29 =	vmpcnt.ones.xlane vm6;
	vm1 =	veq.s32 v37, $0x4;
	v47 =	vsel vm5, $0x1, v2;
	(xrf0) =	vadd.scan.msk.s32 $0xffff, v50  }
0x1bf: {  	v22 =	vsel vm6, v33, v22;
	vm6 =	veq.s32 v37, $0x2;
	v60 =	vsel vm1, $0x1, v2  }
0x1c0: {  	v38 =	vld [tilespmem:$0xD0];
	v54 =	vsel vm6, $0x1, v2;
	v27 =	vadd.s32 v29, v27;
	v52 =	vadd.s32 v49, v24  }
0x1c1: {  	v24 =	vadd.s32 v32, v24;
	v22 =	vsel vm4, v52, v22;
	v53, _, _ =	vpop (xrf0);
	vm4 =	veq.s32 v37, $0x3  }
0x1c2: {  	(xrf0) =	vadd.scan.msk.s32 $0xffff, v54;
	v52 =	vmpcnt.ones.xlane vm6;
	v33 =	vadd.s32 v53, v28;
	v55, _, _ =	vpop (xrf0);
	v56 =	vsel vm4, $0x1, v2  }
0x1c3: {  	v54 =	vmpcnt.ones.xlane vm4;
	v28 =	vadd.s32 v39, v28;
	v22 =	vsel vm7, v33, v22;
	(xrf0) =	vadd.scan.msk.s32 $0xffff, v56;
	v57, _, _ =	vpop (xrf0)  }
0x1c4: {  	v31 =	vadd.s32 v55, v30;
	v33 =	vadd.s32 v45, v23;
	v45 =	vmpcnt.ones.xlane vm2;
	v59, _, _ =	vpop (xrf0);
	(xrf0) =	vadd.scan.msk.s32 $0xffff, v60  }
0x1c5: {  	vm7 =	veq.s32 v38, $0x0;
	v30 =	vadd.s32 v63, v30;
	v63 =	vmpcnt.ones.xlane vm8  }
0x1c6: {  	v22 =	vsel vm3, v31, v22;
	v55 =	vsel vm7, $0x1, v2;
	vm3 =	veq.s32 v38, $0x2;
	(xrf0) =	vadd.scan.msk.s32 $0xffff, v44  }
0x1c7: {  	v35 =	vadd.s32 v63, v24;
	v58 =	vadd.s32 v57, v25;
	v60 =	vsel vm3, $0x1, v2  }
0x1c8: {  	v25 =	vadd.s32 v45, v25;
	v61 =	vnsel vm2, $0x0, v58;
	v46, _, _ =	vpop (xrf0);
	vm2 =	veq.s32 v37, $0x7  }
0x1c9: {  	v62 =	vadd.s32 v59, v26;
	v58 =	vmpcnt.ones.xlane vm1;
	(xrf0) =	vadd.scan.msk.s32 $0xffff, v47;
	v51 =	vsel vm2, $0x1, v2;
	v49, _, _ =	vpop (xrf0)  }
0x1ca: {  	v44 =	vmpcnt.ones.xlane vm5;
	v31 =	vsel vm0, v62, v61;
	v48 =	vadd.s32 v46, v33;
	v53, _, _ =	vpop (xrf0);
	(xrf0) =	vadd.scan.msk.s32 $0xffff, v51  }
0x1cb: {  	v26 =	vadd.s32 v41, v26;
	v23 =	vsel vm6, v48, v31;
	vm6 =	veq.s32 v38, $0x1  }
0x1cc: {  	vm0 =	veq.s32 v38, $0x6;
	v50 =	vadd.s32 v49, v34;
	v57 =	vsel vm6, $0x1, v2;
	v56, _, _ =	vpop (xrf0);
	(xrf0) =	vadd.scan.msk.s32 $0xffff, v55  }
0x1cd: {  	v31 =	vadd.s32 v52, v33;
	v34 =	vadd.s32 v54, v34;
	v23 =	vsel vm4, v50, v23;
	(xrf0) =	vadd.scan.msk.s32 $0xffff, v57  }
0x1ce: {  	vm4 =	veq.s32 v38, $0x3;
	v50 =	vsel vm0, $0x1, v2;
	v29 =	vadd.s32 v53, v27  }
0x1cf: {  	v62 =	vsel vm4, $0x1, v2;
	v23 =	vsel vm1, v29, v23;
	v32 =	vadd.s32 v56, v24;
	v59, _, _ =	vpop (xrf0);
	(xrf0) =	vadd.scan.msk.s32 $0xffff, v60  }
0x1d0: {  	vm1 =	veq.s32 v38, $0x4;
	v23 =	vsel vm8, v32, v23;
	v29 =	vadd.s32 v59, v28;
	v61, _, _ =	vpop (xrf0);
	(xrf0) =	vadd.scan.msk.s32 $0xffff, v62  }
0x1d1: {  	v43 =	vsel vm1, $0x1, v2;
	v23 =	vsel vm5, v29, v23;
	vm5 =	veq.s32 v38, $0x5  }
0x1d2: {  	v51 =	vmpcnt.ones.xlane vm2;
	v42 =	vmpcnt.ones.xlane vm4;
	v48 =	vsel vm5, $0x1, v2;
	v45, _, _ =	vpop (xrf0);
	(xrf0) =	vadd.scan.msk.s32 $0xffff, v43  }
0x1d3: {  	v40 =	vld [tilespmem:$0xE0];
	v27 =	vadd.s32 v58, v27;
	v55 =	vmpcnt.ones.xlane vm7;
	v29 =	vadd.s32 v61, v30;
	v47, _, _ =	vpop (xrf0);
	(xrf0) =	vadd.scan.msk.s32 $0xffff, v48  }
0x1d4: {  	v57 =	vmpcnt.ones.xlane vm6;
	v23 =	vsel vm2, v29, v23;
	vm2 =	veq.s32 v38, $0x7;
	(xrf0) =	vadd.scan.msk.s32 $0xffff, v50  }
0x1d5: {  	[tilespmem:$0x2A80] =	vst v6;
	v28 =	vadd.s32 v44, v28;
	v6 =	vmpcnt.ones.xlane vm5;
	v49, _, _ =	vpop (xrf0);
	v54 =	vsel vm2, $0x1, v2  }
0x1d6: {  	v44 =	vmpcnt.ones.xlane vm1;
	v62 =	vmpcnt.ones.xlane vm3;
	v46 =	vadd.s32 v45, v25;
	v53, _, _ =	vpop (xrf0);
	(xrf0) =	vadd.scan.msk.s32 $0xffff, v54  }
0x1d7: {  	v6 =	vadd.s32 v6, v35;
	v29 =	vnsel vm7, $0x0, v46;
	v39 =	vadd.s32 v47, v26  }
0x1d8: {  	v25 =	vadd.s32 v55, v25;
	vm7 =	veq.s32 v40, $0x0;
	v29 =	vsel vm6, v39, v29;
	v56, _, _ =	vpop (xrf0)  }
0x1d9: {  	[tilespmem:$0x2B00] =	vst v8;
	v52 =	vadd.s32 v49, v31;
	v59 =	vsel vm7, $0x1, v2;
	vm6 =	veq.s32 v40, $0x1;
	v58, _, _ =	vpop (xrf0)  }
0x1da: {  	v29 =	vsel vm3, v52, v29;
	v61 =	vsel vm6, $0x1, v2;
	vm3 =	veq.s32 v40, $0x2;
	v60, _, _ =	vpop (xrf0);
	(xrf0) =	vadd.scan.msk.s32 $0xffff, v59  }
0x1db: {  	v26 =	vadd.s32 v57, v26;
	v31 =	vadd.s32 v62, v31;
	v41 =	vsel vm3, $0x1, v2;
	(xrf0) =	vadd.scan.msk.s32 $0xffff, v61  }
0x1dc: {  	v52 =	vmpcnt.ones.xlane vm0;
	v55 =	vmpcnt.ones.xlane vm6;
	v38 =	vadd.s32 v53, v34;
	v63, _, _ =	vpop (xrf0);
	(xrf0) =	vadd.scan.msk.s32 $0xffff, v41  }
0x1dd: {  	[tilespmem:$0x2B10] =	vst v7;
	v53 =	vmpcnt.ones.xlane vm7;
	v29 =	vsel vm4, v38, v29;
	v36 =	vadd.s32 v56, v27  }
0x1de: {  	[tilespmem:$0x2A90] =	vst v10;
	vm4 =	veq.s32 v40, $0x3;
	v29 =	vsel vm1, v36, v29;
	v24 =	vadd.s32 v58, v35  }
0x1df: {  	[tilespmem:$0x980] =	vst v11;
	v43 =	vsel vm4, $0x1, v2;
	vm1 =	veq.s32 v40, $0x4;
	v24 =	vsel vm5, v24, v29  }
0x1e0: {  	v29 =	vadd.s32 v60, v28;
	v48 =	vsel vm1, $0x1, v2;
	vm5 =	veq.s32 v40, $0x5;
	(xrf0) =	vadd.scan.msk.s32 $0xffff, v43;
	v45, _, _ =	vpop (xrf0)  }
0x1e1: {  	v29 =	vsel vm0, v29, v24;
	v24 =	vadd.s32 v51, v30;
	v50 =	vsel vm5, $0x1, v2;
	v51 =	vld [tilespmem:$0xF0];
	(xrf0) =	vadd.scan.msk.s32 $0xffff, v48;
	v47, _, _ =	vpop (xrf0)  }
0x1e2: {  	v11 =	vadd.s32 v55, v26;
	v27 =	vadd.s32 v44, v27;
	v36 =	vmpcnt.ones.xlane vm2;
	v49, _, _ =	vpop (xrf0);
	(xrf0) =	vadd.scan.msk.s32 $0xffff, v50  }
0x1e3: {  	[tilespmem:$0x990] =	vst v12;
	v59 =	vmpcnt.ones.xlane vm3;
	v61 =	vmpcnt.ones.xlane vm4;
	v33 =	vadd.s32 v63, v24  }
0x1e4: {  	[tilespmem:$0x9A0] =	vst v13;
	v28 =	vadd.s32 v52, v28;
	v9 =	vsel vm2, v33, v29;
	vm2 =	veq.s32 v40, $0x6  }
0x1e5: {  	[tilespmem:$0x9B0] =	vst v14;
	vm0 =	veq.s32 v40, $0x7;
	v56 =	vsel vm2, $0x1, v2;
	v46 =	vadd.s32 v45, v25  }
0x1e6: {  	v58 =	vsel vm0, $0x1, v2;
	v8 =	vnsel vm7, $0x0, v46;
	vm7 =	veq.s32 v51, $0x0;
	v54, _, _ =	vpop (xrf0);
	(xrf0) =	vadd.scan.msk.s32 $0xffff, v56  }
0x1e7: {  	v38 =	vmpcnt.ones.xlane vm5;
	vm8 =	veq.s32 v51, $0x1;
	v60 =	vsel vm7, $0x1, v2;
	(xrf0) =	vadd.scan.msk.s32 $0xffff, v58;
	v57, _, _ =	vpop (xrf0)  }
0x1e8: {  	v63 =	vmpcnt.ones.xlane vm1;
	v33 =	vadd.s32 v47, v26;
	v37 =	vsel vm8, $0x1, v2;
	v62, _, _ =	vpop (xrf0);
	(xrf0) =	vadd.scan.msk.s32 $0xffff, v60  }
0x1e9: {  	[tilespmem:$0x9C0] =	vst v15;
	v8 =	vsel vm6, v33, v8;
	vm6 =	veq.s32 v51, $0x2;
	v10 =	vadd.s32 v49, v31  }
0x1ea: {  	[tilespmem:$0x9D0] =	vst v16;
	v39 =	vsel vm6, $0x1, v2;
	v7 =	vsel vm3, v10, v8;
	v10 =	vadd.s32 v42, v34  }
0x1eb: {  	vm3 =	veq.s32 v51, $0x3;
	v8 =	vadd.s32 v53, v25;
	v30 =	vadd.s32 v54, v10;
	(xrf0) =	vadd.scan.msk.s32 $0xffff, v37  }
0x1ec: {  	v41 =	vsel vm3, $0x1, v2;
	v7 =	vsel vm4, v30, v7;
	v30 =	vadd.s32 v57, v27;
	v40, _, _ =	vpop (xrf0);
	(xrf0) =	vadd.scan.msk.s32 $0xffff, v39  }
0x1ed: {  	[tilespmem:$0x9E0] =	vst v17;
	vm4 =	veq.s32 v51, $0x4;
	v7 =	vsel vm1, v30, v7;
	v35 =	vadd.s32 v62, v6;
	v42, _, _ =	vpop (xrf0)  }
0x1ee: {  	v43 =	vsel vm4, $0x1, v2;
	v7 =	vsel vm5, v35, v7;
	vm5 =	veq.s32 v51, $0x5;
	(xrf0) =	vadd.scan.msk.s32 $0xffff, v41;
	v44, _, _ =	vpop (xrf0)  }
0x1ef: {  	vm1 =	veq.s32 v51, $0x6;
	v45 =	vsel vm5, $0x1, v2;
	(xrf0) =	vadd.scan.msk.s32 $0xffff, v43;
	v8 =	vadd.s32 v44, v8  }
0x1f0: {  	v47 =	vsel vm1, $0x1, v2;
	(xrf0) =	vadd.scan.msk.s32 $0xffff, v45;
	v8 =	vnsel vm7, $0x0, v8;
	vm7 =	veq.s32 v51, $0x7  }
0x1f1: {  	v55 =	vadd.s32 v63, v27;
	v46 =	vmpcnt.ones.xlane vm2;
	v48, _, _ =	vpop (xrf0);
	(xrf0) =	vadd.scan.msk.s32 $0xffff, v47;
	v49 =	vsel vm7, $0x1, v2  }
0x1f2: {  	v50 =	vadd.s32 v59, v31;
	v59 =	vadd.s32 v36, v24;
	v10 =	vadd.s32 v61, v10;
	v51, _, _ =	vpop (xrf0);
	(xrf0) =	vadd.scan.msk.s32 $0xffff, v49  }
0x1f3: {  	[tilespmem:$0x9F0] =	vst v18;
	v57 =	vmpcnt.ones.xlane vm0;
	v60 =	vadd.s32 v46, v28;
	v11 =	vadd.s32 v48, v11  }
0x1f4: {  	[tilespmem:$0xA00] =	vst v19;
	v6 =	vadd.s32 v38, v6;
	v8 =	vsel vm8, v11, v8;
	v52, _, _ =	vpop (xrf0);
	v53 =	vadd.s32 v51, v50  }
0x1f5: {  	[tilespmem:$0xA10] =	vst v20;
	v32 =	vadd.s32 v40, v28;
	v8 =	vsel vm6, v53, v8;
	v54, _, _ =	vpop (xrf0);
	v10 =	vadd.s32 v52, v10  }
0x1f6: {  	[tilespmem:$0xA20] =	vst v21;
	v7 =	vsel vm2, v32, v7;
	v8 =	vsel vm3, v10, v8;
	v11 =	vadd.s32 v54, v55;
	v56, _, _ =	vpop (xrf0)  }
0x1f7: {  	[tilespmem:$0xA30] =	vst v22;
	v61 =	vadd.s32 v42, v59;
	v8 =	vsel vm4, v11, v8;
	v6 =	vadd.s32 v56, v6;
	v58, _, _ =	vpop (xrf0)  }
0x1f8: {  	[tilespmem:$0xA40] =	vst v23;
	v10 =	vadd.s32 v57, v59;
	v6 =	vsel vm5, v6, v8;
	v8 =	vadd.s32 v58, v60;
	v62, _, _ =	vpop (xrf0)  }
0x1f9: {  	[tilespmem:$0xA50] =	vst v9;
	v7 =	vsel vm0, v61, v7;
	v6 =	vsel vm1, v8, v6;
	v63 =	vadd.s32 v62, v10  }
0x1fa: {  	[tilespmem:$0xA60] =	vst v7;
	v6 =	vsel vm7, v63, v6  }
0x1fb: {  	s9 =	simm.s32 $0x980;
	s8 =	rddreg [dreg:$0x9];
	[tilespmem:$0xA70] =	vst v6  }
0x1fc: {  	[spmem:s8] =	stream.linear.scatter [tilespmem:s9], [sflag:$0x5], $0x100, $0x38;
	[tilespmem:$0x1DC90] =	vst v63  }
0x1fd: {  	_ =	swait.ge [sflag:s3], $0x100  }
0x1fe: {  	[sflag:s3] =	ssyncset.done $0x0  }
0x1ff: {  	[sflag:s3] =	ssyncadd.s32 $0xFFFFFF00  }
0x200: {  	[bflag:$0x0] =	sbarrier.arrive $0xFFFF  }
0x201: {  	s24 =	simm.s32 $0xA80;
	s13 =	rddreg [dreg:$0x4]  }
0x202: {  	[tilespmem:s24], [sflag:$0x5] =	stream.linear.gather [spmem:s13], $0x1000, $0x38;
	[tilespmem:$0x1DC90] =	vst v63  }
0x203: {  	_ =	swait.ge [sflag:s3], $0x1000  }
0x204: {  	s5 =	simm.s32 @!p0 $0x2A80;
	[sflag:s3] =	ssyncset.done $0x0  }
0x205: {  	s2 =	simm.s32 @!p0 $0x0;
	s13 =	rddreg [dreg:$0x6];
	[sflag:s3] =	ssyncadd.s32 $0xFFFFF000  }
0x206: {  	[hbm4b:s13+s2] =	stream.linear.scatter @!p0 [tilespmem:s5], [sflag:$0x5], $0x100, $0x38;
	[tilespmem:$0x1DC90] =	vst v63  }
0x207: {  	s2 =	simm.s32 @!p0 $0x5  }
0x208: {  	_ =	swait.ge @!p0 [sflag:s2], $0x100  }
0x209: {  	s5 =	simm.s32 @!p1 $0x980;
	[sflag:s2] =	ssyncset.done @!p0 $0x0  }
0x20a: {  	s13 =	rddreg [dreg:$0xa];
	[sflag:s2] =	ssyncadd.s32 @!p0 $0xFFFFFF00;
	s2 =	simm.s32 @!p1 $0x0  }
0x20b: {  	[hbm4b:s13+s2] =	stream.linear.scatter @!p1 [tilespmem:s5], [sflag:$0x5], $0x100, $0x38;
	[tilespmem:$0x1DC90] =	vst v63  }
0x20c: {  	s2 =	simm.s32 @!p1 $0x5  }
0x20d: {  	_ =	swait.ge @!p1 [sflag:s2], $0x100  }
0x20e: {  	s5 =	simm.s32 $0x2B80;
	[sflag:s2] =	ssyncset.done @!p1 $0x0  }
0x20f: {  	s13 =	simm.s32 $0x0;
	[sflag:s2] =	ssyncadd.s32 @!p1 $0xFFFFFF00;
	s2 =	simm.s32 $0x4380  }
.LBB2_2:
0x210: {  	p2 =	sne.s32 s13, $0x17F0  }
.Ltmp0:
0x211: {  	_ = 	snop;
	(pc) =	sbr.rel @p2 .LBB2_2-.Ltmp0, $4  }
0x212: {  	v6 =	vor.u32 s13, v0  }
0x213: {  	v6 =	vand.u32 $0x7FF, v6  }
0x214: {  	[tilespmem:s5+$0x0] =	vst v6  }
0x215: {  	s13 =	sadd.s32 $0x10, s13;
	s5 =	sadd.s32 $0x10, s5;
	[tilespmem:s2+$0x0] =	vst v5;
	s2 =	sadd.s32 $0x10, s2  }
0x216: {  	s2 =	simm.s32 $0xA80  }
0x217: {  	v6 =	vld [tilespmem:s2+$0x0];
	_ =	sdelay $0x4  }
0x218: {  	s24 =	simm.s32 $0x0  }
0x219: {  	v7 =	vor.u32 s24, v0  }
0x21a: {  	v7 =	vshrl.u32 v7, $0x1  }
0x21b: {  	s13 =	simm.s32 $0x1A80;
	[tilespmem:v6+s0+$0x0] =	vst.idx.msk $0xffff, v7  }
0x21c: {  	v7 =	vld [tilespmem:s13+$0x0];
	_ =	sdelay $0x4  }
0x21d: {  	s5 =	simm.s32 $0xA90;
	[tilespmem:v6+s7+$0x0] =	vst.idx.msk $0xffff, v7  }
0x21e: {  	[dreg:$0x14] =	wrdreg s1;
	s24 =	simm.s32 $0x10;
	s2 =	simm.s32 $0x20;
	v6 =	vld [tilespmem:s5+$0x0]  }
.LBB2_4:
0x21f: {  	p2 =	sne.s32 s2, $0xFF0;
	_ =	sdelay $0x4  }
0x220: {  	v7 =	vor.u32 s24, v0;
	s24 =	smov.u32 s2  }
0x221: {  	v7 =	vshrl.u32 v7, $0x1  }
0x222: {  	s13 =	sadd.s32 $0x10, s13;
	[tilespmem:v6+s0+$0x0] =	vst.idx.msk $0xffff, v7  }
0x223: {  	v7 =	vld [tilespmem:s13+$0x0];
	_ =	sdelay $0x1  }
.Ltmp1:
0x224: {  	(pc) =	sbr.rel @p2 .LBB2_4-.Ltmp1, $3  }
0x225: {  	_ =	sdelay $0x1  }
0x226: {  	s5 =	sadd.s32 $0x10, s5;
	[tilespmem:v6+s7+$0x0] =	vst.idx.msk $0xffff, v7  }
0x227: {  	s2 =	sadd.s32 $0x10, s2;
	v6 =	vld [tilespmem:s5+$0x0]  }
0x228: {  	_ =	sdelay $0x5  }
0x229: {  	v7 =	vor.u32 s24, v0  }
0x22a: {  	v7 =	vshrl.u32 v7, $0x1  }
0x22b: {  	s2 =	sadd.s32 $0x10, s13;
	[tilespmem:v6+s0+$0x0] =	vst.idx.msk $0xffff, v7  }
0x22c: {  	v7 =	vld [tilespmem:s2+$0x0];
	_ =	sdelay $0x4  }
0x22d: {  	s5 =	simm.s32 @!p0 $0x4380;
	s13 =	rddreg [dreg:$0x2];
	s2 =	simm.s32 @!p0 $0x0;
	[tilespmem:v6+s7+$0x0] =	vst.idx.msk $0xffff, v7  }
0x22e: {  	[hbm4b:s13+s2] =	stream.linear.scatter @!p0 [tilespmem:s5], [sflag:$0x5], $0x1800, $0x38;
	[tilespmem:$0x1DC90] =	vst v63  }
0x22f: {  	s2 =	simm.s32 @!p0 $0x5  }
0x230: {  	_ =	swait.ge @!p0 [sflag:s2], $0x1800  }
0x231: {  	[sflag:s2] =	ssyncset.done @!p0 $0x0  }
0x232: {  	s4 =	rddreg [dreg:$0x13];
	[sflag:s2] =	ssyncadd.s32 @!p0 $0xFFFFE800  }
0x233: {  	v6 =	vld [tilespmem:s4+$0x2B80];
	_ =	sdelay $0x4  }
0x234: {  	v7 =	vshll.u32 v6, $0x3  }
0x235: {  	v6 =	vand.u32 $0x7, v6;
	v7 =	vand.u32 $0xFFFFFFC0, v7  }
0x236: {  	v9 =	vor.u32 v6, v7;
	v7 =	vand.u32 $0x7, v0;
	v6 =	vshrl.u32 v0, $0x3  }
0x237: {  	v8 =	vperm.xlane v9, v7;
	v6 =	vmul.u32 $0x8, v6;
	_ =	sdelay $0x1  }
0x238: {  	v10 =	vadd.s32 v6, v8;
	_ =	sdelay $0x3  }
0x239: {  	vm0 =	vmmov $0xffff;
	s3 =	simm.s32 $0x5B80;
	s1 =	rddreg [dreg:$0x0]  }
0x23a: {  	v50 =	vor.u32 $0x8, v0;
	[tilespmem:s3], [sflag:$0x1] =	stream.indirect_vreg.gather [hbm4b:s1+s6], $0x80, v10, vm0, $0xb8;
	[tilespmem:$0x1DC90] =	vst v63  }
0x23b: {  	s5 =	simm.s32 $0x6380;
	v9 =	vperm.xlane v9, v50  }
0x23c: {  	[tilespmem:s5], [sflag:$0x1] =	stream.indirect_vreg.gather [hbm4b:s10+s6], $0x80, v10, vm0, $0xb8;
	[tilespmem:$0x1DC90] =	vst v63  }
0x23d: {  	s13 =	simm.s32 $0x6B80;
	v9 =	vadd.s32 v6, v9  }
0x23e: {  	[tilespmem:s13], [sflag:$0x1] =	stream.indirect_vreg.gather [hbm4b:s22+s6], $0x80, v10, vm0, $0xb8;
	[tilespmem:$0x1DC90] =	vst v63  }
0x23f: {  	s24 =	simm.s32 $0x7380  }
0x240: {  	[tilespmem:s24], [sflag:$0x1] =	stream.indirect_vreg.gather [hbm4b:s23+s6], $0x80, v10, vm0, $0xb8;
	[tilespmem:$0x1DC90] =	vst v63  }
0x241: {  	s8 =	simm.s32 $0x7B80  }
0x242: {  	[tilespmem:s8], [sflag:$0x1] =	stream.indirect_vreg.gather [hbm4b:s1+s6], $0x80, v9, vm0, $0xb8;
	[tilespmem:$0x1DC90] =	vst v63  }
0x243: {  	_ = 	snop  }
0x244: {  	[tilespmem:s16], [sflag:$0x1] =	stream.indirect_vreg.gather [hbm4b:s10+s6], $0x80, v9, vm0, $0xb8;
	[tilespmem:$0x1DC90] =	vst v63  }
0x245: {  	_ = 	snop  }
0x246: {  	[tilespmem:s26], [sflag:$0x1] =	stream.indirect_vreg.gather [hbm4b:s22+s6], $0x80, v9, vm0, $0xb8;
	[tilespmem:$0x1DC90] =	vst v63  }
0x247: {  	_ = 	snop  }
0x248: {  	[tilespmem:s28], [sflag:$0x1] =	stream.indirect_vreg.gather [hbm4b:s23+s6], $0x80, v9, vm0, $0xb8;
	[tilespmem:$0x1DC90] =	vst v63  }
0x249: {  	v9 =	vld [tilespmem:s4+$0x2B90];
	_ =	sdelay $0x4  }
0x24a: {  	v51 =	vshll.u32 v9, $0x3  }
0x24b: {  	v9 =	vand.u32 $0x7, v9;
	v10 =	vand.u32 $0xFFFFFFC0, v51  }
0x24c: {  	v9 =	vor.u32 v9, v10  }
0x24d: {  	v10 =	vperm.xlane v9, v7;
	_ =	sdelay $0x1  }
0x24e: {  	v10 =	vadd.s32 v6, v10;
	_ =	sdelay $0x4  }
0x24f: {  	[tilespmem:s29], [sflag:$0x1] =	stream.indirect_vreg.gather [hbm4b:s1+s6], $0x80, v10, vm0, $0xb8;
	[tilespmem:$0x1DC90] =	vst v63  }
0x250: {  	v9 =	vperm.xlane v9, v50  }
0x251: {  	[tilespmem:s11], [sflag:$0x1] =	stream.indirect_vreg.gather [hbm4b:s10+s6], $0x80, v10, vm0, $0xb8;
	[tilespmem:$0x1DC90] =	vst v63  }
0x252: {  	v9 =	vadd.s32 v6, v9  }
0x253: {  	[tilespmem:s30], [sflag:$0x1] =	stream.indirect_vreg.gather [hbm4b:s22+s6], $0x80, v10, vm0, $0xb8;
	[tilespmem:$0x1DC90] =	vst v63  }
0x254: {  	_ = 	snop  }
0x255: {  	[tilespmem:s19], [sflag:$0x1] =	stream.indirect_vreg.gather [hbm4b:s23+s6], $0x80, v10, vm0, $0xb8;
	[tilespmem:$0x1DC90] =	vst v63  }
0x256: {  	s9 =	simm.s32 $0xBB80  }
0x257: {  	[tilespmem:s9], [sflag:$0x1] =	stream.indirect_vreg.gather [hbm4b:s1+s6], $0x80, v9, vm0, $0xb8;
	[tilespmem:$0x1DC90] =	vst v63  }
0x258: {  	_ = 	snop  }
0x259: {  	[tilespmem:s15], [sflag:$0x1] =	stream.indirect_vreg.gather [hbm4b:s10+s6], $0x80, v9, vm0, $0xb8;
	[tilespmem:$0x1DC90] =	vst v63  }
0x25a: {  	_ = 	snop  }
0x25b: {  	[tilespmem:s17], [sflag:$0x1] =	stream.indirect_vreg.gather [hbm4b:s22+s6], $0x80, v9, vm0, $0xb8;
	[tilespmem:$0x1DC90] =	vst v63  }
0x25c: {  	_ = 	snop  }
0x25d: {  	[tilespmem:s18], [sflag:$0x1] =	stream.indirect_vreg.gather [hbm4b:s23+s6], $0x80, v9, vm0, $0xb8;
	[tilespmem:$0x1DC90] =	vst v63  }
0x25e: {  	v9 =	vld [tilespmem:s4+$0x2BA0];
	_ =	sdelay $0x4  }
0x25f: {  	v52 =	vshll.u32 v9, $0x3  }
0x260: {  	v9 =	vand.u32 $0x7, v9;
	v10 =	vand.u32 $0xFFFFFFC0, v52  }
0x261: {  	v9 =	vor.u32 v9, v10  }
0x262: {  	v10 =	vperm.xlane v9, v7;
	_ =	sdelay $0x1  }
0x263: {  	v10 =	vadd.s32 v6, v10;
	_ =	sdelay $0x3  }
0x264: {  	s9 =	simm.s32 $0xDB80  }
0x265: {  	[tilespmem:s9], [sflag:$0x1] =	stream.indirect_vreg.gather [hbm4b:s1+s6], $0x80, v10, vm0, $0xb8;
	[tilespmem:$0x1DC90] =	vst v63  }
0x266: {  	v9 =	vperm.xlane v9, v50  }
0x267: {  	[tilespmem:s12], [sflag:$0x1] =	stream.indirect_vreg.gather [hbm4b:s10+s6], $0x80, v10, vm0, $0xb8;
	[tilespmem:$0x1DC90] =	vst v63  }
0x268: {  	v9 =	vadd.s32 v6, v9  }
0x269: {  	[tilespmem:s20], [sflag:$0x1] =	stream.indirect_vreg.gather [hbm4b:s22+s6], $0x80, v10, vm0, $0xb8;
	[tilespmem:$0x1DC90] =	vst v63  }
0x26a: {  	_ = 	snop  }
0x26b: {  	[tilespmem:s31], [sflag:$0x1] =	stream.indirect_vreg.gather [hbm4b:s23+s6], $0x80, v10, vm0, $0xb8;
	[tilespmem:$0x1DC90] =	vst v63  }
0x26c: {  	_ = 	snop  }
0x26d: {  	[tilespmem:s21], [sflag:$0x1] =	stream.indirect_vreg.gather [hbm4b:s1+s6], $0x80, v9, vm0, $0xb8;
	[tilespmem:$0x1DC90] =	vst v63  }
0x26e: {  	s3 =	simm.s32 $0x10380  }
0x26f: {  	[tilespmem:s3], [sflag:$0x1] =	stream.indirect_vreg.gather [hbm4b:s10+s6], $0x80, v9, vm0, $0xb8;
	[tilespmem:$0x1DC90] =	vst v63  }
0x270: {  	_ = 	snop  }
0x271: {  	[tilespmem:s25], [sflag:$0x1] =	stream.indirect_vreg.gather [hbm4b:s22+s6], $0x80, v9, vm0, $0xb8;
	[tilespmem:$0x1DC90] =	vst v63  }
0x272: {  	s2 =	rddreg [dreg:$0x10];
	s4 =	simm.s32 $0x11380  }
0x273: {  	[tilespmem:s4], [sflag:$0x1] =	stream.indirect_vreg.gather [hbm4b:s23+s6], $0x80, v9, vm0, $0xb8;
	[tilespmem:$0x1DC90] =	vst v63  }
0x274: {  	v9 =	vld [tilespmem:s2+$0x2B80];
	_ =	sdelay $0x4  }
0x275: {  	v53 =	vshll.u32 v9, $0x3  }
0x276: {  	v9 =	vand.u32 $0x7, v9;
	v10 =	vand.u32 $0xFFFFFFC0, v53  }
0x277: {  	v9 =	vor.u32 v9, v10  }
0x278: {  	v10 =	vperm.xlane v9, v7;
	_ =	sdelay $0x1  }
0x279: {  	v10 =	vadd.s32 v6, v10;
	_ =	sdelay $0x3  }
0x27a: {  	s3 =	simm.s32 $0x11B80  }
0x27b: {  	[tilespmem:s3], [sflag:$0x2] =	stream.indirect_vreg.gather [hbm4b:s1+s6], $0x80, v10, vm0, $0xb8;
	[tilespmem:$0x1DC90] =	vst v63  }
0x27c: {  	s4 =	simm.s32 $0x12380;
	v9 =	vperm.xlane v9, v50  }
0x27d: {  	[tilespmem:s4], [sflag:$0x2] =	stream.indirect_vreg.gather [hbm4b:s10+s6], $0x80, v10, vm0, $0xb8;
	[tilespmem:$0x1DC90] =	vst v63  }
0x27e: {  	s8 =	simm.s32 $0x12B80;
	v9 =	vadd.s32 v6, v9  }
0x27f: {  	[tilespmem:s8], [sflag:$0x2] =	stream.indirect_vreg.gather [hbm4b:s22+s6], $0x80, v10, vm0, $0xb8;
	[tilespmem:$0x1DC90] =	vst v63  }
0x280: {  	s8 =	simm.s32 $0x13380  }
0x281: {  	[tilespmem:s8], [sflag:$0x2] =	stream.indirect_vreg.gather [hbm4b:s23+s6], $0x80, v10, vm0, $0xb8;
	[tilespmem:$0x1DC90] =	vst v63  }
0x282: {  	s8 =	simm.s32 $0x13B80  }
0x283: {  	[tilespmem:s8], [sflag:$0x2] =	stream.indirect_vreg.gather [hbm4b:s1+s6], $0x80, v9, vm0, $0xb8;
	[tilespmem:$0x1DC90] =	vst v63  }
0x284: {  	s8 =	simm.s32 $0x14380  }
0x285: {  	[tilespmem:s8], [sflag:$0x2] =	stream.indirect_vreg.gather [hbm4b:s10+s6], $0x80, v9, vm0, $0xb8;
	[tilespmem:$0x1DC90] =	vst v63  }
0x286: {  	s8 =	simm.s32 $0x14B80  }
0x287: {  	[tilespmem:s8], [sflag:$0x2] =	stream.indirect_vreg.gather [hbm4b:s22+s6], $0x80, v9, vm0, $0xb8;
	[tilespmem:$0x1DC90] =	vst v63  }
0x288: {  	s8 =	simm.s32 $0x15380  }
0x289: {  	[tilespmem:s8], [sflag:$0x2] =	stream.indirect_vreg.gather [hbm4b:s23+s6], $0x80, v9, vm0, $0xb8;
	[tilespmem:$0x1DC90] =	vst v63  }
0x28a: {  	v9 =	vld [tilespmem:s2+$0x2B90];
	_ =	sdelay $0x4  }
0x28b: {  	v54 =	vshll.u32 v9, $0x3  }
0x28c: {  	v9 =	vand.u32 $0x7, v9;
	v10 =	vand.u32 $0xFFFFFFC0, v54  }
0x28d: {  	v9 =	vor.u32 v9, v10  }
0x28e: {  	v10 =	vperm.xlane v9, v7;
	_ =	sdelay $0x1  }
0x28f: {  	v10 =	vadd.s32 v6, v10;
	_ =	sdelay $0x3  }
0x290: {  	s8 =	simm.s32 $0x15B80  }
0x291: {  	[tilespmem:s8], [sflag:$0x2] =	stream.indirect_vreg.gather [hbm4b:s1+s6], $0x80, v10, vm0, $0xb8;
	[tilespmem:$0x1DC90] =	vst v63  }
0x292: {  	v9 =	vperm.xlane v9, v50;
	s8 =	simm.s32 $0x16380  }
0x293: {  	[tilespmem:s8], [sflag:$0x2] =	stream.indirect_vreg.gather [hbm4b:s10+s6], $0x80, v10, vm0, $0xb8;
	[tilespmem:$0x1DC90] =	vst v63  }
0x294: {  	v9 =	vadd.s32 v6, v9;
	s8 =	simm.s32 $0x16B80  }
0x295: {  	[tilespmem:s8], [sflag:$0x2] =	stream.indirect_vreg.gather [hbm4b:s22+s6], $0x80, v10, vm0, $0xb8;
	[tilespmem:$0x1DC90] =	vst v63  }
0x296: {  	s8 =	simm.s32 $0x17380  }
0x297: {  	[tilespmem:s8], [sflag:$0x2] =	stream.indirect_vreg.gather [hbm4b:s23+s6], $0x80, v10, vm0, $0xb8;
	[tilespmem:$0x1DC90] =	vst v63  }
0x298: {  	s8 =	simm.s32 $0x17B80  }
0x299: {  	[tilespmem:s8], [sflag:$0x2] =	stream.indirect_vreg.gather [hbm4b:s1+s6], $0x80, v9, vm0, $0xb8;
	[tilespmem:$0x1DC90] =	vst v63  }
0x29a: {  	s8 =	simm.s32 $0x18380  }
0x29b: {  	[tilespmem:s8], [sflag:$0x2] =	stream.indirect_vreg.gather [hbm4b:s10+s6], $0x80, v9, vm0, $0xb8;
	[tilespmem:$0x1DC90] =	vst v63  }
0x29c: {  	s8 =	simm.s32 $0x18B80  }
0x29d: {  	[tilespmem:s8], [sflag:$0x2] =	stream.indirect_vreg.gather [hbm4b:s22+s6], $0x80, v9, vm0, $0xb8;
	[tilespmem:$0x1DC90] =	vst v63  }
0x29e: {  	s8 =	simm.s32 $0x19380  }
0x29f: {  	[tilespmem:s8], [sflag:$0x2] =	stream.indirect_vreg.gather [hbm4b:s23+s6], $0x80, v9, vm0, $0xb8;
	[tilespmem:$0x1DC90] =	vst v63  }
0x2a0: {  	v9 =	vld [tilespmem:s2+$0x2BA0];
	_ =	sdelay $0x4  }
0x2a1: {  	v55 =	vshll.u32 v9, $0x3  }
0x2a2: {  	v9 =	vand.u32 $0x7, v9;
	v10 =	vand.u32 $0xFFFFFFC0, v55  }
0x2a3: {  	v9 =	vor.u32 v9, v10  }
0x2a4: {  	v10 =	vperm.xlane v9, v7;
	_ =	sdelay $0x1  }
0x2a5: {  	v10 =	vadd.s32 v6, v10;
	_ =	sdelay $0x3  }
0x2a6: {  	s4 =	simm.s32 $0x19B80  }
0x2a7: {  	[tilespmem:s4], [sflag:$0x2] =	stream.indirect_vreg.gather [hbm4b:s1+s6], $0x80, v10, vm0, $0xb8;
	[tilespmem:$0x1DC90] =	vst v63  }
0x2a8: {  	s8 =	simm.s32 $0x1A380;
	v9 =	vperm.xlane v9, v50  }
0x2a9: {  	[tilespmem:s8], [sflag:$0x2] =	stream.indirect_vreg.gather [hbm4b:s10+s6], $0x80, v10, vm0, $0xb8;
	[tilespmem:$0x1DC90] =	vst v63  }
0x2aa: {  	v9 =	vadd.s32 v6, v9;
	s4 =	simm.s32 $0x1AB80  }
0x2ab: {  	[tilespmem:s4], [sflag:$0x2] =	stream.indirect_vreg.gather [hbm4b:s22+s6], $0x80, v10, vm0, $0xb8;
	[tilespmem:$0x1DC90] =	vst v63  }
0x2ac: {  	s8 =	simm.s32 $0x1B380  }
0x2ad: {  	[tilespmem:s8], [sflag:$0x2] =	stream.indirect_vreg.gather [hbm4b:s23+s6], $0x80, v10, vm0, $0xb8;
	[tilespmem:$0x1DC90] =	vst v63  }
0x2ae: {  	s4 =	simm.s32 $0x1BB80  }
0x2af: {  	[tilespmem:s4], [sflag:$0x2] =	stream.indirect_vreg.gather [hbm4b:s1+s6], $0x80, v9, vm0, $0xb8;
	[tilespmem:$0x1DC90] =	vst v63  }
0x2b0: {  	s8 =	simm.s32 $0x1C380  }
0x2b1: {  	[tilespmem:s8], [sflag:$0x2] =	stream.indirect_vreg.gather [hbm4b:s10+s6], $0x80, v9, vm0, $0xb8;
	[tilespmem:$0x1DC90] =	vst v63  }
0x2b2: {  	s4 =	simm.s32 $0x1CB80  }
0x2b3: {  	[tilespmem:s4], [sflag:$0x2] =	stream.indirect_vreg.gather [hbm4b:s22+s6], $0x80, v9, vm0, $0xb8;
	[tilespmem:$0x1DC90] =	vst v63  }
0x2b4: {  	s8 =	simm.s32 $0x1D380  }
0x2b5: {  	[tilespmem:s8], [sflag:$0x2] =	stream.indirect_vreg.gather [hbm4b:s23+s6], $0x80, v9, vm0, $0xb8;
	[tilespmem:$0x1DC90] =	vst v63  }
0x2b6: {  	_ =	swait.ge [sflag:s14], $0xC000  }
0x2b7: {  	[sflag:s14] =	ssyncset.done $0x0  }
0x2b8: {  	s8 =	simm.s32 $0x5B80;
	s4 =	rddreg [dreg:$0xb];
	[sflag:s14] =	ssyncadd.s32 $0xFFFF4000  }
0x2b9: {  	[hbm4b:s4+s6] =	stream.linear.scatter [tilespmem:s8], [sflag:$0x3], $0xC000, $0x38;
	[tilespmem:$0x1DC90] =	vst v63  }
0x2ba: {  	s4 =	simm.s32 $0x3  }
0x2bb: {  	_ =	swait.ge [sflag:s4], $0xC000  }
0x2bc: {  	[sflag:s4] =	ssyncset.done $0x0  }
0x2bd: {  	s2 =	rddreg [dreg:$0x11];
	[sflag:s4] =	ssyncadd.s32 $0xFFFF4000  }
0x2be: {  	v56 =	vld [tilespmem:s2+$0x2B80];
	_ =	sdelay $0x4  }
0x2bf: {  	v57 =	vshll.u32 v56, $0x3  }
0x2c0: {  	v9 =	vand.u32 $0x7, v56;
	v10 =	vand.u32 $0xFFFFFFC0, v57  }
0x2c1: {  	v9 =	vor.u32 v9, v10  }
0x2c2: {  	v10 =	vperm.xlane v9, v7;
	_ =	sdelay $0x1  }
0x2c3: {  	v10 =	vadd.s32 v6, v10;
	_ =	sdelay $0x4  }
0x2c4: {  	[tilespmem:s8], [sflag:$0x1] =	stream.indirect_vreg.gather [hbm4b:s1+s6], $0x80, v10, vm0, $0xb8;
	[tilespmem:$0x1DC90] =	vst v63  }
0x2c5: {  	v9 =	vperm.xlane v9, v50  }
0x2c6: {  	[tilespmem:s5], [sflag:$0x1] =	stream.indirect_vreg.gather [hbm4b:s10+s6], $0x80, v10, vm0, $0xb8;
	[tilespmem:$0x1DC90] =	vst v63  }
0x2c7: {  	v9 =	vadd.s32 v6, v9  }
0x2c8: {  	[tilespmem:s13], [sflag:$0x1] =	stream.indirect_vreg.gather [hbm4b:s22+s6], $0x80, v10, vm0, $0xb8;
	[tilespmem:$0x1DC90] =	vst v63  }
0x2c9: {  	_ = 	snop  }
0x2ca: {  	[tilespmem:s24], [sflag:$0x1] =	stream.indirect_vreg.gather [hbm4b:s23+s6], $0x80, v10, vm0, $0xb8;
	[tilespmem:$0x1DC90] =	vst v63  }
0x2cb: {  	s13 =	simm.s32 $0x7B80  }
0x2cc: {  	[tilespmem:s13], [sflag:$0x1] =	stream.indirect_vreg.gather [hbm4b:s1+s6], $0x80, v9, vm0, $0xb8;
	[tilespmem:$0x1DC90] =	vst v63  }
0x2cd: {  	_ = 	snop  }
0x2ce: {  	[tilespmem:s16], [sflag:$0x1] =	stream.indirect_vreg.gather [hbm4b:s10+s6], $0x80, v9, vm0, $0xb8;
	[tilespmem:$0x1DC90] =	vst v63  }
0x2cf: {  	_ = 	snop  }
0x2d0: {  	[tilespmem:s26], [sflag:$0x1] =	stream.indirect_vreg.gather [hbm4b:s22+s6], $0x80, v9, vm0, $0xb8;
	[tilespmem:$0x1DC90] =	vst v63  }
0x2d1: {  	_ = 	snop  }
0x2d2: {  	[tilespmem:s28], [sflag:$0x1] =	stream.indirect_vreg.gather [hbm4b:s23+s6], $0x80, v9, vm0, $0xb8;
	[tilespmem:$0x1DC90] =	vst v63  }
0x2d3: {  	v9 =	vld [tilespmem:s2+$0x2B90];
	_ =	sdelay $0x4  }
0x2d4: {  	v58 =	vshll.u32 v9, $0x3  }
0x2d5: {  	v9 =	vand.u32 $0x7, v9;
	v10 =	vand.u32 $0xFFFFFFC0, v58  }
0x2d6: {  	v9 =	vor.u32 v9, v10  }
0x2d7: {  	v10 =	vperm.xlane v9, v7;
	_ =	sdelay $0x1  }
0x2d8: {  	v10 =	vadd.s32 v6, v10;
	_ =	sdelay $0x4  }
0x2d9: {  	[tilespmem:s29], [sflag:$0x1] =	stream.indirect_vreg.gather [hbm4b:s1+s6], $0x80, v10, vm0, $0xb8;
	[tilespmem:$0x1DC90] =	vst v63  }
0x2da: {  	v9 =	vperm.xlane v9, v50  }
0x2db: {  	[tilespmem:s11], [sflag:$0x1] =	stream.indirect_vreg.gather [hbm4b:s10+s6], $0x80, v10, vm0, $0xb8;
	[tilespmem:$0x1DC90] =	vst v63  }
0x2dc: {  	v9 =	vadd.s32 v6, v9  }
0x2dd: {  	[tilespmem:s30], [sflag:$0x1] =	stream.indirect_vreg.gather [hbm4b:s22+s6], $0x80, v10, vm0, $0xb8;
	[tilespmem:$0x1DC90] =	vst v63  }
0x2de: {  	_ = 	snop  }
0x2df: {  	[tilespmem:s19], [sflag:$0x1] =	stream.indirect_vreg.gather [hbm4b:s23+s6], $0x80, v10, vm0, $0xb8;
	[tilespmem:$0x1DC90] =	vst v63  }
0x2e0: {  	s24 =	simm.s32 $0xBB80  }
0x2e1: {  	[tilespmem:s24], [sflag:$0x1] =	stream.indirect_vreg.gather [hbm4b:s1+s6], $0x80, v9, vm0, $0xb8;
	[tilespmem:$0x1DC90] =	vst v63  }
0x2e2: {  	_ = 	snop  }
0x2e3: {  	[tilespmem:s15], [sflag:$0x1] =	stream.indirect_vreg.gather [hbm4b:s10+s6], $0x80, v9, vm0, $0xb8;
	[tilespmem:$0x1DC90] =	vst v63  }
0x2e4: {  	_ = 	snop  }
0x2e5: {  	[tilespmem:s17], [sflag:$0x1] =	stream.indirect_vreg.gather [hbm4b:s22+s6], $0x80, v9, vm0, $0xb8;
	[tilespmem:$0x1DC90] =	vst v63  }
0x2e6: {  	_ = 	snop  }
0x2e7: {  	[tilespmem:s18], [sflag:$0x1] =	stream.indirect_vreg.gather [hbm4b:s23+s6], $0x80, v9, vm0, $0xb8;
	[tilespmem:$0x1DC90] =	vst v63  }
0x2e8: {  	v9 =	vld [tilespmem:s2+$0x2BA0];
	_ =	sdelay $0x4  }
0x2e9: {  	v59 =	vshll.u32 v9, $0x3  }
0x2ea: {  	v9 =	vand.u32 $0x7, v9;
	v10 =	vand.u32 $0xFFFFFFC0, v59  }
0x2eb: {  	v9 =	vor.u32 v9, v10  }
0x2ec: {  	v10 =	vperm.xlane v9, v7;
	_ =	sdelay $0x1  }
0x2ed: {  	v10 =	vadd.s32 v6, v10;
	_ =	sdelay $0x4  }
0x2ee: {  	[tilespmem:s9], [sflag:$0x1] =	stream.indirect_vreg.gather [hbm4b:s1+s6], $0x80, v10, vm0, $0xb8;
	[tilespmem:$0x1DC90] =	vst v63  }
0x2ef: {  	v9 =	vperm.xlane v9, v50  }
0x2f0: {  	[tilespmem:s12], [sflag:$0x1] =	stream.indirect_vreg.gather [hbm4b:s10+s6], $0x80, v10, vm0, $0xb8;
	[tilespmem:$0x1DC90] =	vst v63  }
0x2f1: {  	v9 =	vadd.s32 v6, v9  }
0x2f2: {  	[tilespmem:s20], [sflag:$0x1] =	stream.indirect_vreg.gather [hbm4b:s22+s6], $0x80, v10, vm0, $0xb8;
	[tilespmem:$0x1DC90] =	vst v63  }
0x2f3: {  	_ = 	snop  }
0x2f4: {  	[tilespmem:s31], [sflag:$0x1] =	stream.indirect_vreg.gather [hbm4b:s23+s6], $0x80, v10, vm0, $0xb8;
	[tilespmem:$0x1DC90] =	vst v63  }
0x2f5: {  	_ = 	snop  }
0x2f6: {  	[tilespmem:s21], [sflag:$0x1] =	stream.indirect_vreg.gather [hbm4b:s1+s6], $0x80, v9, vm0, $0xb8;
	[tilespmem:$0x1DC90] =	vst v63  }
0x2f7: {  	s8 =	simm.s32 $0x10380  }
0x2f8: {  	[tilespmem:s8], [sflag:$0x1] =	stream.indirect_vreg.gather [hbm4b:s10+s6], $0x80, v9, vm0, $0xb8;
	[tilespmem:$0x1DC90] =	vst v63  }
0x2f9: {  	_ = 	snop  }
0x2fa: {  	[tilespmem:s25], [sflag:$0x1] =	stream.indirect_vreg.gather [hbm4b:s22+s6], $0x80, v9, vm0, $0xb8;
	[tilespmem:$0x1DC90] =	vst v63  }
0x2fb: {  	s5 =	simm.s32 $0x2;
	s9 =	simm.s32 $0x11380  }
0x2fc: {  	[tilespmem:s9], [sflag:$0x1] =	stream.indirect_vreg.gather [hbm4b:s23+s6], $0x80, v9, vm0, $0xb8;
	[tilespmem:$0x1DC90] =	vst v63  }
0x2fd: {  	_ =	swait.ge [sflag:s5], $0xC000  }
0x2fe: {  	[sflag:s5] =	ssyncset.done $0x0  }
0x2ff: {  	s9 =	simm.s32 $0x4;
	s13 =	rddreg [dreg:$0xc];
	[sflag:s5] =	ssyncadd.s32 $0xFFFF4000  }
0x300: {  	[hbm4b:s13+s6] =	stream.linear.scatter [tilespmem:s3], [sflag:$0x4], $0xC000, $0x38;
	[tilespmem:$0x1DC90] =	vst v63  }
0x301: {  	_ =	swait.ge [sflag:s9], $0xC000  }
0x302: {  	[sflag:s9] =	ssyncset.done $0x0  }
0x303: {  	s2 =	rddreg [dreg:$0x12];
	[sflag:s9] =	ssyncadd.s32 $0xFFFF4000  }
0x304: {  	v60 =	vld [tilespmem:s2+$0x2B80];
	_ =	sdelay $0x4  }
0x305: {  	v61 =	vshll.u32 v60, $0x3  }
0x306: {  	v9 =	vand.u32 $0x7, v60;
	v10 =	vand.u32 $0xFFFFFFC0, v61  }
0x307: {  	v9 =	vor.u32 v9, v10  }
0x308: {  	v10 =	vperm.xlane v9, v7;
	_ =	sdelay $0x1  }
0x309: {  	v10 =	vadd.s32 v6, v10;
	_ =	sdelay $0x4  }
0x30a: {  	[tilespmem:s3], [sflag:$0x2] =	stream.indirect_vreg.gather [hbm4b:s1+s6], $0x80, v10, vm0, $0xb8;
	[tilespmem:$0x1DC90] =	vst v63  }
0x30b: {  	s24 =	simm.s32 $0x12380;
	v9 =	vperm.xlane v9, v50  }
0x30c: {  	[tilespmem:s24], [sflag:$0x2] =	stream.indirect_vreg.gather [hbm4b:s10+s6], $0x80, v10, vm0, $0xb8;
	[tilespmem:$0x1DC90] =	vst v63  }
0x30d: {  	s13 =	simm.s32 $0x12B80;
	v9 =	vadd.s32 v6, v9  }
0x30e: {  	[tilespmem:s13], [sflag:$0x2] =	stream.indirect_vreg.gather [hbm4b:s22+s6], $0x80, v10, vm0, $0xb8;
	[tilespmem:$0x1DC90] =	vst v63  }
0x30f: {  	s24 =	simm.s32 $0x13380  }
0x310: {  	[tilespmem:s24], [sflag:$0x2] =	stream.indirect_vreg.gather [hbm4b:s23+s6], $0x80, v10, vm0, $0xb8;
	[tilespmem:$0x1DC90] =	vst v63  }
0x311: {  	s13 =	simm.s32 $0x13B80  }
0x312: {  	[tilespmem:s13], [sflag:$0x2] =	stream.indirect_vreg.gather [hbm4b:s1+s6], $0x80, v9, vm0, $0xb8;
	[tilespmem:$0x1DC90] =	vst v63  }
0x313: {  	s24 =	simm.s32 $0x14380  }
0x314: {  	[tilespmem:s24], [sflag:$0x2] =	stream.indirect_vreg.gather [hbm4b:s10+s6], $0x80, v9, vm0, $0xb8;
	[tilespmem:$0x1DC90] =	vst v63  }
0x315: {  	s13 =	simm.s32 $0x14B80  }
0x316: {  	[tilespmem:s13], [sflag:$0x2] =	stream.indirect_vreg.gather [hbm4b:s22+s6], $0x80, v9, vm0, $0xb8;
	[tilespmem:$0x1DC90] =	vst v63  }
0x317: {  	s24 =	simm.s32 $0x15380  }
0x318: {  	[tilespmem:s24], [sflag:$0x2] =	stream.indirect_vreg.gather [hbm4b:s23+s6], $0x80, v9, vm0, $0xb8;
	[tilespmem:$0x1DC90] =	vst v63  }
0x319: {  	v9 =	vld [tilespmem:s2+$0x2B90];
	_ =	sdelay $0x4  }
0x31a: {  	v62 =	vshll.u32 v9, $0x3  }
0x31b: {  	v9 =	vand.u32 $0x7, v9;
	v10 =	vand.u32 $0xFFFFFFC0, v62  }
0x31c: {  	v9 =	vor.u32 v9, v10  }
0x31d: {  	v10 =	vperm.xlane v9, v7;
	_ =	sdelay $0x1  }
0x31e: {  	v10 =	vadd.s32 v6, v10;
	_ =	sdelay $0x3  }
0x31f: {  	s13 =	simm.s32 $0x15B80  }
0x320: {  	[tilespmem:s13], [sflag:$0x2] =	stream.indirect_vreg.gather [hbm4b:s1+s6], $0x80, v10, vm0, $0xb8;
	[tilespmem:$0x1DC90] =	vst v63  }
0x321: {  	s24 =	simm.s32 $0x16380;
	v9 =	vperm.xlane v9, v50  }
0x322: {  	[tilespmem:s24], [sflag:$0x2] =	stream.indirect_vreg.gather [hbm4b:s10+s6], $0x80, v10, vm0, $0xb8;
	[tilespmem:$0x1DC90] =	vst v63  }
0x323: {  	v9 =	vadd.s32 v6, v9;
	s13 =	simm.s32 $0x16B80  }
0x324: {  	[tilespmem:s13], [sflag:$0x2] =	stream.indirect_vreg.gather [hbm4b:s22+s6], $0x80, v10, vm0, $0xb8;
	[tilespmem:$0x1DC90] =	vst v63  }
0x325: {  	s24 =	simm.s32 $0x17380  }
0x326: {  	[tilespmem:s24], [sflag:$0x2] =	stream.indirect_vreg.gather [hbm4b:s23+s6], $0x80, v10, vm0, $0xb8;
	[tilespmem:$0x1DC90] =	vst v63  }
0x327: {  	s13 =	simm.s32 $0x17B80  }
0x328: {  	[tilespmem:s13], [sflag:$0x2] =	stream.indirect_vreg.gather [hbm4b:s1+s6], $0x80, v9, vm0, $0xb8;
	[tilespmem:$0x1DC90] =	vst v63  }
0x329: {  	s24 =	simm.s32 $0x18380  }
0x32a: {  	[tilespmem:s24], [sflag:$0x2] =	stream.indirect_vreg.gather [hbm4b:s10+s6], $0x80, v9, vm0, $0xb8;
	[tilespmem:$0x1DC90] =	vst v63  }
0x32b: {  	s13 =	simm.s32 $0x18B80  }
0x32c: {  	[tilespmem:s13], [sflag:$0x2] =	stream.indirect_vreg.gather [hbm4b:s22+s6], $0x80, v9, vm0, $0xb8;
	[tilespmem:$0x1DC90] =	vst v63  }
0x32d: {  	s24 =	simm.s32 $0x19380  }
0x32e: {  	[tilespmem:s24], [sflag:$0x2] =	stream.indirect_vreg.gather [hbm4b:s23+s6], $0x80, v9, vm0, $0xb8;
	[tilespmem:$0x1DC90] =	vst v63  }
0x32f: {  	v9 =	vld [tilespmem:s2+$0x2BA0];
	_ =	sdelay $0x4  }
0x330: {  	v63 =	vshll.u32 v9, $0x3  }
0x331: {  	v9 =	vand.u32 $0x7, v9;
	v10 =	vand.u32 $0xFFFFFFC0, v63  }
0x332: {  	v9 =	vor.u32 v9, v10  }
0x333: {  	v7 =	vperm.xlane v9, v7;
	_ =	sdelay $0x1  }
0x334: {  	v7 =	vadd.s32 v6, v7;
	_ =	sdelay $0x3  }
0x335: {  	s8 =	simm.s32 $0x19B80  }
0x336: {  	[tilespmem:s8], [sflag:$0x2] =	stream.indirect_vreg.gather [hbm4b:s1+s6], $0x80, v7, vm0, $0xb8;
	[tilespmem:$0x1DC90] =	vst v63  }
0x337: {  	s13 =	simm.s32 $0x1A380;
	v8 =	vperm.xlane v9, v50  }
0x338: {  	[tilespmem:s13], [sflag:$0x2] =	stream.indirect_vreg.gather [hbm4b:s10+s6], $0x80, v7, vm0, $0xb8;
	[tilespmem:$0x1DC90] =	vst v63  }
0x339: {  	s24 =	simm.s32 $0x1AB80;
	v6 =	vadd.s32 v6, v8  }
0x33a: {  	[tilespmem:s24], [sflag:$0x2] =	stream.indirect_vreg.gather [hbm4b:s22+s6], $0x80, v7, vm0, $0xb8;
	[tilespmem:$0x1DC90] =	vst v63  }
0x33b: {  	s8 =	simm.s32 $0x1B380  }
0x33c: {  	[tilespmem:s8], [sflag:$0x2] =	stream.indirect_vreg.gather [hbm4b:s23+s6], $0x80, v7, vm0, $0xb8;
	[tilespmem:$0x1DC90] =	vst v63  }
0x33d: {  	s13 =	simm.s32 $0x1BB80  }
0x33e: {  	[tilespmem:s13], [sflag:$0x2] =	stream.indirect_vreg.gather [hbm4b:s1+s6], $0x80, v6, vm0, $0xb8;
	[tilespmem:$0x1DC90] =	vst v63  }
0x33f: {  	s24 =	simm.s32 $0x1C380  }
0x340: {  	[tilespmem:s24], [sflag:$0x2] =	stream.indirect_vreg.gather [hbm4b:s10+s6], $0x80, v6, vm0, $0xb8;
	[tilespmem:$0x1DC90] =	vst v63  }
0x341: {  	s2 =	simm.s32 $0x1CB80  }
0x342: {  	[tilespmem:s2], [sflag:$0x2] =	stream.indirect_vreg.gather [hbm4b:s22+s6], $0x80, v6, vm0, $0xb8;
	[tilespmem:$0x1DC90] =	vst v63  }
0x343: {  	s8 =	simm.s32 $0x1D380  }
0x344: {  	[tilespmem:s8], [sflag:$0x2] =	stream.indirect_vreg.gather [hbm4b:s23+s6], $0x80, v6, vm0, $0xb8;
	[tilespmem:$0x1DC90] =	vst v63  }
0x345: {  	_ =	swait.ge [sflag:s14], $0xC000  }
0x346: {  	[sflag:s14] =	ssyncset.done $0x0  }
0x347: {  	s24 =	simm.s32 $0x5B80;
	s13 =	rddreg [dreg:$0xd];
	[sflag:s14] =	ssyncadd.s32 $0xFFFF4000  }
0x348: {  	[hbm4b:s13+s6] =	stream.linear.scatter [tilespmem:s24], [sflag:$0x3], $0xC000, $0x38;
	[tilespmem:$0x1DC90] =	vst v63  }
0x349: {  	_ =	swait.ge [sflag:s5], $0xC000  }
0x34a: {  	[sflag:s5] =	ssyncset.done $0x0  }
0x34b: {  	s8 =	rddreg [dreg:$0xe];
	[sflag:s5] =	ssyncadd.s32 $0xFFFF4000  }
0x34c: {  	[hbm4b:s8+s6] =	stream.linear.scatter [tilespmem:s3], [sflag:$0x4], $0xC000, $0x38;
	[tilespmem:$0x1DC90] =	vst v63  }
0x34d: {  	_ =	swait.ge [sflag:s4], $0xC000  }
0x34e: {  	[sflag:s4] =	ssyncset.done $0x0  }
0x34f: {  	[sflag:s4] =	ssyncadd.s32 $0xFFFF4000  }
0x350: {  	_ =	swait.ge [sflag:s9], $0xC000  }
0x351: {  	s13 =	rddreg [dreg:$0x14]  }
0x352: {  	s24 =	rddreg [dreg:$0xf];
	s1 =	sadd.s32 $0x1, s13  }
0x353: {  	p2 =	sne.s32 s1, s24  }
.Ltmp2:
0x354: {  	_ = 	snop;
	(pc) =	sbr.rel @p2 .LBB2_1-.Ltmp2, $3  }
0x355: {  	_ =	sdelay $0x1  }
0x356: {  	[sflag:s9] =	ssyncset.done $0x0  }
0x357: {  	[sflag:s9] =	ssyncadd.s32 $0xFFFF4000  }
0x358: {  	_ =	sfence.sel $0x180000  }
0x359: {  	[bflag:$0x0] =	sbarrier.arrive $0xFFFF  }
0x35a: {  	_ =	strace $0x90000047  }
0x35b: {  	s0 =	stileid.u32;
	[bflag:$0x2] =	sbarrier.arrive $0xFFFF  }
0x35c: {  	p0 =	sne.s32 s0, $0x0;
	s0 =	rddreg [dreg:$0x5]  }
0x35d: {  	s0 =	sadd.s32 @!p0 $0x100000, s0  }
0x35e: {  	[sflag:s0] =	ssyncadd.tile.s32 @!p0 $0x1;
	_ =	shalt  }
.Lfunc_end2:
_tile_overlayer_lowered:
.L_overlay_start_2:
0x35f: {  	(tag) =	ssettag $0x2  }
0x360: {  	s0 =	rddreg [dreg:$0x0];
	s2 =	stileid.u32  }
0x361: {  	s1 =	rddreg [dreg:$0x1];
	p0 =	sne.s32 s2, $0x0  }
0x362: {  	s3 =	rddreg [dreg:$0x2];
	[bflag:$0x3] =	sbarrier.arrive $0xFFFF;
	s2 =	simm.s32 @!p0 $0x1C05  }
0x363: {  	[timem:s3], [sflag:s2] =	dma.local @!p0 [hbm:s0], s1  }
0x364: {  	s0 =	simm.s32 @!p0 $0x5  }
0x365: {  	_ =	swait.ge @!p0 [sflag:s0], s1  }
0x366: {  	s1 =	ssub.s32 @!p0 $0x0, s1;
	[sflag:s0] =	ssyncset.done @!p0 $0x0  }
0x367: {  	[sflag:s0] =	ssyncadd.s32 @!p0 s1  }
0x368: {  	[bflag:$0x3] =	sbarrier.arrive $0xFFFF  }
0x369: {  	_ =	shalt  }

// kernel: sc_gather_y.3.cloned.1.call-start
scs
__scs_entry_jumppad:
0x0: {  	(pc) =	sbr.rel $0x88, $3  }
0x1: {  	(tag) =	ssettag $0x0;
	lr =	simm.s32 $0x1  }
0x2: {  	[smem:$0x3F9C] =	sst lr;
	_ =	strace $0xD0000000  }
0x3: {  	_ = 	snop  }
0x4: {  	_ = 	snop  }
0x5: {  	_ = 	snop  }
0x6: {  	_ = 	snop  }
0x7: {  	_ = 	snop  }
__scs_overlays_trampoline_lowered:
0x8: {  	[smem:$0x3FAB] =	sst s0  }
0x9: {  	[smem:$0x3FAC] =	sst s1  }
0xa: {  	[smem:$0x3FAD] =	sst s2  }
0xb: {  	[smem:$0x3FAE] =	sst s3  }
0xc: {  	[smem:$0x3FAF] =	sst s4  }
0xd: {  	[smem:$0x3FB0] =	sst s5  }
0xe: {  	[smem:$0x3FB1] =	sst s6  }
0xf: {  	[smem:$0x3FB2] =	sst s7  }
0x10: {  	[smem:$0x3FB3] =	sst s8  }
0x11: {  	[smem:$0x3FB4] =	sst s9;
	s0 =	simm.s32 @!p0 $0x0  }
0x12: {  	s1 =	sld [smem:$0x3F9A];
	s0 =	simm.s32 @p0 $0x1  }
0x13: {  	[smem:$0x3FB5] =	sst s0;
	s0 =	simm.s32 @!p1 $0x0  }
0x14: {  	s2 =	sld [smem:$0x3F99];
	s0 =	simm.s32 @p1 $0x1  }
0x15: {  	[smem:$0x3FB6] =	sst s0;
	s0 =	simm.s32 @!p2 $0x0  }
0x16: {  	s3 =	sld [smem:$0x3FDB];
	s0 =	simm.s32 @p2 $0x1  }
0x17: {  	s4 =	simm.s32 $0x1BF5;
	[smem:$0x3FB8] =	sst s0  }
0x18: {  	s0 =	sld [smem:$0x3F9B];
	_ =	swait.ge [sflag:s4], $0x0  }
0x19: {  	s7 =	sld [smem:$0x3F9C]  }
0x1a: {  	s8 =	sadd.s32 $0xFFFFE003, lr  }
0x1b: {  	s9 =	sadd.s32 $0xFFFFFEF7, lr;
	s5 =	simm.s32 $0xFFFFFFFF;
	p2 =	slt.u32 s8, $0xFFFFF086  }
0x1c: {  	p1 =	slt.u32 s9, $0xF7A;
	s5 =	simm.s32 @!p2 $0x0  }
0x1d: {  	s5 =	simm.s32 @p1 $0x1;
	p0 =	seq.s32 s7, s2  }
0x1e: {  	s7 =	smul.u32 @!p0 $0xF7A, s2;
	p2 =	seq.s32 @!p0 s5, $0x0  }
0x1f: {  	s9 =	smul.u32 $0xF7A, s1;
	s8 =	simm.s32 @!p0 $0x1BF5;
	p2 =	por !p2, p0  }
0x20: {  	[sflag:s8] =	ssyncset.s32 @!p0 $0xFFFFF086;
	s6 =	sadd.s32 @!p0 s3, s7;
	s7 =	simm.s32 @!p0 $0x108  }
0x21: {  	s3 =	sadd.s32 s3, s9;
	s6 =	sadd.s32 @!p0 $0x88, s6;
	s7 =	simm.s32 @p2 $0x1082  }
0x22: {  	[simem:s7], [sflag:s8] =	dma.local @!p0 [hbm:s6], $0xF7A  }
0x23: {  	s9 =	sor.u32 $0xD0000000, s2;
	s6 =	simm.s32 $0x108;
	_ =	swait.ge @!p0 [sflag:s8], $0x0  }
0x24: {  	s3 =	sadd.s32 $0x88, s3;
	s6 =	simm.s32 @!p1 $0x1082;
	[sflag:s4] =	ssyncset.s32 $0xFFFFF086  }
0x25: {  	[simem:s6], [sflag:s4] =	dma.local [hbm:s3], $0xF7A  }
0x26: {  	[smem:$0x3F9C] =	sst s1;
	(tag) =	ssettag s2;
	_ =	strace s9  }
0x27: {  	s1 =	sld [smem:$0x3FAC]  }
0x28: {  	s2 =	sld [smem:$0x3FAD]  }
0x29: {  	s4 =	sld [smem:$0x3FAF]  }
0x2a: {  	p0 =	seq.s32 s5, $0x0;
	s5 =	sld [smem:$0x3FB0]  }
0x2b: {  	s6 =	sld [smem:$0x3FB1]  }
0x2c: {  	s7 =	sld [smem:$0x3FB2]  }
0x2d: {  	s3 =	simm.s32 $0x108;
	s8 =	sld [smem:$0x3FB3]  }
0x2e: {  	s3 =	simm.s32 @!p0 $0x1082;
	s9 =	sld [smem:$0x3FB4]  }
0x2f: {  	lr =	sadd.s32 s0, s3;
	s0 =	sld [smem:$0x3FAB]  }
0x30: {  	s3 =	sld [smem:$0x3FAE]  }
0x31: {  	[smem:$0x3FB7] =	sst s10  }
0x32: {  	s10 =	sld [smem:$0x3FB5];
	_ =	sdelay $0x3  }
0x33: {  	p0 =	seq.s32 s10, $0x1;
	s10 =	sld [smem:$0x3FB7];
	_ =	sdelay $0x3  }
0x34: {  	[smem:$0x3FB7] =	sst s10  }
0x35: {  	s10 =	sld [smem:$0x3FB6];
	_ =	sdelay $0x3  }
0x36: {  	p1 =	seq.s32 s10, $0x1;
	s10 =	sld [smem:$0x3FB7];
	_ =	sdelay $0x3  }
0x37: {  	[smem:$0x3FB7] =	sst s10  }
0x38: {  	s10 =	sld [smem:$0x3FB8]  }
0x39: {  	_ = 	snop;
	(pc) =	sbr.ind lr, $3  }
0x3a: {  	_ = 	snop  }
0x3b: {  	_ = 	snop  }
0x3c: {  	p2 =	seq.s32 s10, $0x1;
	s10 =	sld [smem:$0x3FB7]  }
0x3d: {  	_ =	shalt  }
0x3e: {  	_ =	shalt  }
0x3f: {  	_ =	shalt  }
0x40: {  	_ =	shalt  }
0x41: {  	_ =	shalt  }
0x42: {  	_ =	shalt  }
0x43: {  	_ =	shalt  }
0x44: {  	_ =	shalt  }
0x45: {  	_ =	shalt  }
0x46: {  	_ =	shalt  }
0x47: {  	_ =	shalt  }
0x48: {  	_ =	shalt  }
0x49: {  	_ =	shalt  }
0x4a: {  	_ =	shalt  }
0x4b: {  	_ =	shalt  }
0x4c: {  	_ =	shalt  }
0x4d: {  	_ =	shalt  }
0x4e: {  	_ =	shalt  }
0x4f: {  	_ =	shalt  }
0x50: {  	_ =	shalt  }
0x51: {  	_ =	shalt  }
0x52: {  	_ =	shalt  }
0x53: {  	_ =	shalt  }
0x54: {  	_ =	shalt  }
0x55: {  	_ =	shalt  }
0x56: {  	_ =	shalt  }
0x57: {  	_ =	shalt  }
0x58: {  	_ =	shalt  }
0x59: {  	_ =	shalt  }
0x5a: {  	_ =	shalt  }
0x5b: {  	_ =	shalt  }
0x5c: {  	_ =	shalt  }
0x5d: {  	_ =	shalt  }
0x5e: {  	_ =	shalt  }
0x5f: {  	_ =	shalt  }
0x60: {  	_ =	shalt  }
0x61: {  	_ =	shalt  }
0x62: {  	_ =	shalt  }
0x63: {  	_ =	shalt  }
0x64: {  	_ =	shalt  }
0x65: {  	_ =	shalt  }
0x66: {  	_ =	shalt  }
0x67: {  	_ =	shalt  }
0x68: {  	_ =	shalt  }
0x69: {  	_ =	shalt  }
0x6a: {  	_ =	shalt  }
0x6b: {  	_ =	shalt  }
0x6c: {  	_ =	shalt  }
0x6d: {  	_ =	shalt  }
0x6e: {  	_ =	shalt  }
0x6f: {  	_ =	shalt  }
0x70: {  	_ =	shalt  }
0x71: {  	_ =	shalt  }
0x72: {  	_ =	shalt  }
0x73: {  	_ =	shalt  }
0x74: {  	_ =	shalt  }
0x75: {  	_ =	shalt  }
0x76: {  	_ =	shalt  }
0x77: {  	_ =	shalt  }
0x78: {  	_ =	shalt  }
0x79: {  	_ =	shalt  }
0x7a: {  	_ =	shalt  }
0x7b: {  	_ =	shalt  }
0x7c: {  	_ =	shalt  }
0x7d: {  	_ =	shalt  }
0x7e: {  	_ =	shalt  }
0x7f: {  	_ =	shalt  }
0x80: {  	_ =	shalt  }
0x81: {  	_ =	shalt  }
0x82: {  	_ =	shalt  }
0x83: {  	_ =	shalt  }
0x84: {  	_ =	shalt  }
0x85: {  	_ =	shalt  }
0x86: {  	_ =	shalt  }
0x87: {  	_ =	shalt  }
.Lfunc_end0:
.L_simem_size_0:
called_computation.1_lowered:
.L_overlay_start_0:
0x88: {  	s2 =	sld [smem:$0x3FD9]  }
0x89: {  	s3 =	sld [smem:$0x3FFE];
	_ =	sdelay $0x1  }
0x8a: {  	s1 =	srdreg.scid  }
0x8b: {  	s0 =	sand.u32 $0x1, s1  }
0x8c: {  	s16 =	sshll.u32 s0, $0xA;
	s2 =	sadd.s32 s3, s2  }
0x8d: {  	s2 =	sadd.s32 s2, s16  }
0x8e: {  	[smem:$0x3FC3] =	sst s2  }
0x8f: {  	_ = 	snop  }
0x90: {  	(tm) =	ssettm $0x1  }
0x91: {  	s17 =	sld [smem:$0x3FFB];
	_ =	sdelay $0x3  }
0x92: {  	_ =	strace s17  }
0x93: {  	s2 =	sld [smem:$0x3FFC];
	_ =	sdelay $0x3  }
0x94: {  	_ =	strace s2  }
0x95: {  	s2 =	sld [smem:$0x3FFD];
	_ =	sdelay $0x3  }
0x96: {  	_ =	strace s2  }
0x97: {  	_ =	strace $0x8FFFFFFF  }
0x98: {  	s18 =	sld [smem:$0x3FDB];
	_ =	sdelay $0x1  }
0x99: {  	s19 =	simm.s32 $_scs_section_size  }
0x9a: {  	s4 =	simm.s32 $_size__tile_overlayer_lowered;
	s5 =	simm.s32 $_tile_overlayer_lowered  }
0x9b: {  	s22 =	simm.s32 $0x1BFF;
	s21 =	sshll.u32 s5, $0x1;
	s2 =	sadd.s32 s19, s18  }
0x9c: {  	s6 =	simm.s32 $0x0;
	s20 =	sshll.u32 s4, $0x1;
	s4 =	sadd.s32 s21, s2  }
0x9d: {  	[timem:s6], [sflag:s22] =	dma.local [hbm:s4], s20  }
0x9e: {  	_ =	swait.ge [sflag:s22], s20  }
0x9f: {  	s3 =	ssub.s32 $0x0, s20;
	[sflag:s22] =	ssyncset.done $0x0  }
0xa0: {  	[sflag:s22] =	ssyncadd.s32 s3;
	_ =	sdelay $0x1  }
0xa1: {  	s23 =	simm.s32 $0x1B8B  }
0xa2: {  	_ =	swait.ge [sflag:s23], $0x1  }
0xa3: {  	[sflag:s23] =	ssyncset.done $0x0  }
0xa4: {  	s25 =	simm.s32 $0x1B8E;
	s24 =	sld [smem:$0x3FFE];
	[sflag:s23] =	ssyncadd.s32 $0xFFFFFFFF  }
0xa5: {  	s26 =	simm.s32 $execute0_lowered;
	[smem:$0x3FD2] =	sst s25  }
0xa6: {  	s4 =	sshll.u32 s26, $0x1;
	_ =	strace $0x80000049;
	[dreg:$0x1] =	wrdreg $0xFFFFFFFF  }
0xa7: {  	s28 =	simm.s32 $_size_execute0_lowered;
	s2 =	sadd.s32 s2, s4;
	[dreg:$0x0] =	wrdreg $0x0  }
0xa8: {  	s4 =	sshll.u32 s28, $0x1;
	[dreg:$0x2] =	wrdreg s2  }
0xa9: {  	[dreg:$0x3] =	wrdreg s4  }
0xaa: {  	[dreg:$0x4] =	wrdreg $0xC0  }
0xab: {  	_ =	task [dreg:s6], $0x5FFFF  }
0xac: {  	[dreg:$0x1] =	wrdreg $0xFFFFFFFF  }
0xad: {  	[dreg:$0x0] =	wrdreg $0x60  }
0xae: {  	[dreg:$0x2] =	wrdreg s24  }
0xaf: {  	[dreg:$0x3] =	wrdreg $0x9  }
0xb0: {  	_ =	task.clear_ibuf [dreg:s6], $0x4FFFF;
	_ =	strace $0x90000049  }
0xb1: {  	s29 =	simm.s32 $0x9;
	_ =	strace $0x8000004B  }
0xb2: {  	_ =	swait.ge [sflag:s29], $0x1  }
0xb3: {  	[sflag:s29] =	ssyncadd.s32 $0xFFFFFFFF  }
0xb4: {  	_ =	strace $0x9000004B  }
0xb5: {  	_ =	sfence  }
0xb6: {  	s30 =	sld [smem:$0x0];
	_ =	sdelay $0x2  }
0xb7: {  	s31 =	sshll.u32 s1, $0xD;
	s1 =	sshrl.u32 s1, $0x2  }
0xb8: {  	s3 =	sand.u32 $0x4000, s31;
	s1 =	sadd.s32 s1, s30  }
0xb9: {  	s0 =	sor.u32 s3, s0;
	s1 =	sshll.u32 s1, $0x11  }
0xba: {  	s0 =	sor.u32 s1, s0  }
0xbb: {  	s0 =	sadd.s32 $0x8F2B, s0  }
0xbc: {  	[sflag:s0] =	ssyncadd.remote.s32 $0x1  }
0xbd: {  	_ =	sfence.sel $0xFFFF  }
0xbe: {  	[dreg:$0x0] =	wrdreg $0xFFFFFFFF;
	(pc) =	sbr.abs _section_cstart, $3  }
0xbf: {  	[dreg:$0x1] =	wrdreg $0xFFFFFFFF  }
0xc0: {  	_ =	task.clear_ibuf [dreg:s6], $0x2FFFF;
	_ =	strace $0x9FFFFFFF  }
0xc1: {  	(tm) =	ssettm $0x7FFFFFFF  }
tec
execute0_lowered:
.L_overlay_start_1:
0x0: {  	(tag) =	ssettag $0x1  }
0x1: {  	s0 =	rddreg [dreg:$0x0];
	s1 =	srdreg.scid  }
0x2: {  	s2 =	simm.s32 $0x0;
	s3 =	stileid.u32;
	s19 =	simm.s32 $0x3  }
0x3: {  	s20 =	simm.s32 $0x2;
	s21 =	simm.s32 $0x4;
	s23 =	simm.s32 $0x880  }
0x4: {  	s28 =	simm.s32 $0x2080;
	s29 =	simm.s32 $0x2880;
	s30 =	simm.s32 $0x3080  }
0x5: {  	s31 =	simm.s32 $0x3880;
	s10 =	simm.s32 $0x5080;
	s11 =	simm.s32 $0x5880  }
0x6: {  	s12 =	simm.s32 $0x6080;
	s13 =	simm.s32 $0x6880;
	s14 =	simm.s32 $0x7080  }
0x7: {  	s15 =	simm.s32 $0x7880;
	s18 =	simm.s32 $0x8080;
	s16 =	simm.s32 $0x8880  }
0x8: {  	s17 =	simm.s32 $0x9080;
	s1 =	sand.u32 $0x1, s1;
	[smem:$0x7FF] =	sst s2  }
0x9: {  	s4 =	sshll.u32 s3, $0x8;
	s3 =	sadd.s32 $0xC0800, s0;
	s5 =	sshll.u32 s1, $0x7  }
0xa: {  	_ =	strace $0x8000004A;
	s1 =	ssub.s32 $0x2, s1;
	s4 =	sor.u32 s5, s4  }
0xb: {  	s24 =	sshrl.u32 s1, $0x1;
	s5 =	sshll.u32 s4, $0x7;
	s4 =	sshrl.u32 s4, $0x3  }
0xc: {  	s1 =	ssub.s32 s1, s24;
	s7 =	sadd.s32 s5, s0;
	s4 =	sadd.s32 s0, s4  }
0xd: {  	s24 =	simm.s32 $0x1080;
	[dreg:$0x2] =	wrdreg s4;
	s25 =	sadd.s32 $0x200, s7  }
0xe: {  	s5 =	sadd.s32 $0xC0A00, s0;
	s6 =	sadd.s32 $0x1200, s7;
	[dreg:$0x3] =	wrdreg s25  }
0xf: {  	s4 =	sadd.s32 $0xC0900, s0;
	s8 =	sadd.s32 $0x2200, s7;
	[dreg:$0x4] =	wrdreg s6  }
0x10: {  	v2 =	vlaneseq.u32;
	s26 =	sadd.s32 $0x3200, s7;
	s7 =	smax.u32 s1, $0x1;
	[dreg:$0x5] =	wrdreg s8  }
0x11: {  	vm0 =	vmmov $0xffff;
	v1 =	vshrl.u32 v2, $0x3;
	s1 =	simm.s32 $0x4880;
	s6 =	sadd.s32 $0xC0B00, s0;
	[dreg:$0x6] =	wrdreg s26  }
0x12: {  	v0 =	vand.u32 $0x7, v2;
	v2 =	vor.u32 $0x8, v2;
	v1 =	vmul.u32 $0x8, v1;
	s8 =	simm.s32 $0x1;
	s25 =	simm.s32 $0x80;
	s26 =	simm.s32 $0x1880  }
.LBB2_1:
0x13: {  	s22 =	rddreg [dreg:$0x2];
	s0 =	simm.s32 $0x5  }
0x14: {  	[tilespmem:s2], [sflag:$0x5] =	stream.linear.gather [hbm4b:s22+s2], $0x80, $0x38;
	[tilespmem:$0x10080] =	vst v63  }
0x15: {  	_ =	swait.ge [sflag:s0], $0x80  }
0x16: {  	[sflag:s0] =	ssyncset.done $0x0  }
0x17: {  	[sflag:s0] =	ssyncadd.s32 $0xFFFFFF80  }
0x18: {  	v3 =	vld [tilespmem:$0x0];
	_ =	sdelay $0x4  }
0x19: {  	v4 =	vshll.u32 v3, $0x3  }
0x1a: {  	v3 =	vand.u32 $0x7, v3;
	v4 =	vand.u32 $0xFFFFFFC0, v4  }
0x1b: {  	v3 =	vor.u32 v3, v4  }
0x1c: {  	v4 =	vperm.xlane v3, v0;
	_ =	sdelay $0x1  }
0x1d: {  	v4 =	vadd.s32 v1, v4;
	_ =	sdelay $0x4  }
0x1e: {  	[tilespmem:s25], [sflag:$0x1] =	stream.indirect_vreg.gather [hbm4b:s3+s2], $0x80, v4, vm0, $0xb8;
	[tilespmem:$0x10080] =	vst v63  }
0x1f: {  	v3 =	vperm.xlane v3, v2  }
0x20: {  	[tilespmem:s23], [sflag:$0x1] =	stream.indirect_vreg.gather [hbm4b:s4+s2], $0x80, v4, vm0, $0xb8;
	[tilespmem:$0x10080] =	vst v63  }
0x21: {  	v3 =	vadd.s32 v1, v3  }
0x22: {  	[tilespmem:s24], [sflag:$0x1] =	stream.indirect_vreg.gather [hbm4b:s5+s2], $0x80, v4, vm0, $0xb8;
	[tilespmem:$0x10080] =	vst v63  }
0x23: {  	_ = 	snop  }
0x24: {  	[tilespmem:s26], [sflag:$0x1] =	stream.indirect_vreg.gather [hbm4b:s6+s2], $0x80, v4, vm0, $0xb8;
	[tilespmem:$0x10080] =	vst v63  }
0x25: {  	_ = 	snop  }
0x26: {  	[tilespmem:s28], [sflag:$0x1] =	stream.indirect_vreg.gather [hbm4b:s3+s2], $0x80, v3, vm0, $0xb8;
	[tilespmem:$0x10080] =	vst v63  }
0x27: {  	_ = 	snop  }
0x28: {  	[tilespmem:s29], [sflag:$0x1] =	stream.indirect_vreg.gather [hbm4b:s4+s2], $0x80, v3, vm0, $0xb8;
	[tilespmem:$0x10080] =	vst v63  }
0x29: {  	_ = 	snop  }
0x2a: {  	[tilespmem:s30], [sflag:$0x1] =	stream.indirect_vreg.gather [hbm4b:s5+s2], $0x80, v3, vm0, $0xb8;
	[tilespmem:$0x10080] =	vst v63  }
0x2b: {  	_ = 	snop  }
0x2c: {  	[tilespmem:s31], [sflag:$0x1] =	stream.indirect_vreg.gather [hbm4b:s6+s2], $0x80, v3, vm0, $0xb8;
	[tilespmem:$0x10080] =	vst v63  }
0x2d: {  	v3 =	vld [tilespmem:$0x10];
	_ =	sdelay $0x4  }
0x2e: {  	v57 =	vshll.u32 v3, $0x3  }
0x2f: {  	v3 =	vand.u32 $0x7, v3;
	v4 =	vand.u32 $0xFFFFFFC0, v57  }
0x30: {  	v3 =	vor.u32 v3, v4  }
0x31: {  	v4 =	vperm.xlane v3, v0;
	_ =	sdelay $0x1  }
0x32: {  	v4 =	vadd.s32 v1, v4;
	_ =	sdelay $0x3  }
0x33: {  	s0 =	simm.s32 $0x4080  }
0x34: {  	[tilespmem:s0], [sflag:$0x1] =	stream.indirect_vreg.gather [hbm4b:s3+s2], $0x80, v4, vm0, $0xb8;
	[tilespmem:$0x10080] =	vst v63  }
0x35: {  	v3 =	vperm.xlane v3, v2  }
0x36: {  	[tilespmem:s1], [sflag:$0x1] =	stream.indirect_vreg.gather [hbm4b:s4+s2], $0x80, v4, vm0, $0xb8;
	[tilespmem:$0x10080] =	vst v63  }
0x37: {  	v3 =	vadd.s32 v1, v3  }
0x38: {  	[tilespmem:s10], [sflag:$0x1] =	stream.indirect_vreg.gather [hbm4b:s5+s2], $0x80, v4, vm0, $0xb8;
	[tilespmem:$0x10080] =	vst v63  }
0x39: {  	_ = 	snop  }
0x3a: {  	[tilespmem:s11], [sflag:$0x1] =	stream.indirect_vreg.gather [hbm4b:s6+s2], $0x80, v4, vm0, $0xb8;
	[tilespmem:$0x10080] =	vst v63  }
0x3b: {  	_ = 	snop  }
0x3c: {  	[tilespmem:s12], [sflag:$0x1] =	stream.indirect_vreg.gather [hbm4b:s3+s2], $0x80, v3, vm0, $0xb8;
	[tilespmem:$0x10080] =	vst v63  }
0x3d: {  	_ = 	snop  }
0x3e: {  	[tilespmem:s13], [sflag:$0x1] =	stream.indirect_vreg.gather [hbm4b:s4+s2], $0x80, v3, vm0, $0xb8;
	[tilespmem:$0x10080] =	vst v63  }
0x3f: {  	_ = 	snop  }
0x40: {  	[tilespmem:s14], [sflag:$0x1] =	stream.indirect_vreg.gather [hbm4b:s5+s2], $0x80, v3, vm0, $0xb8;
	[tilespmem:$0x10080] =	vst v63  }
0x41: {  	_ = 	snop  }
0x42: {  	[tilespmem:s15], [sflag:$0x1] =	stream.indirect_vreg.gather [hbm4b:s6+s2], $0x80, v3, vm0, $0xb8;
	[tilespmem:$0x10080] =	vst v63  }
0x43: {  	v3 =	vld [tilespmem:$0x20];
	_ =	sdelay $0x4  }
0x44: {  	v58 =	vshll.u32 v3, $0x3  }
0x45: {  	v3 =	vand.u32 $0x7, v3;
	v4 =	vand.u32 $0xFFFFFFC0, v58  }
0x46: {  	v3 =	vor.u32 v3, v4  }
0x47: {  	v4 =	vperm.xlane v3, v0;
	_ =	sdelay $0x1  }
0x48: {  	v4 =	vadd.s32 v1, v4;
	_ =	sdelay $0x4  }
0x49: {  	[tilespmem:s18], [sflag:$0x2] =	stream.indirect_vreg.gather [hbm4b:s3+s2], $0x80, v4, vm0, $0xb8;
	[tilespmem:$0x10080] =	vst v63  }
0x4a: {  	v3 =	vperm.xlane v3, v2  }
0x4b: {  	[tilespmem:s16], [sflag:$0x2] =	stream.indirect_vreg.gather [hbm4b:s4+s2], $0x80, v4, vm0, $0xb8;
	[tilespmem:$0x10080] =	vst v63  }
0x4c: {  	v3 =	vadd.s32 v1, v3  }
0x4d: {  	[tilespmem:s17], [sflag:$0x2] =	stream.indirect_vreg.gather [hbm4b:s5+s2], $0x80, v4, vm0, $0xb8;
	[tilespmem:$0x10080] =	vst v63  }
0x4e: {  	s9 =	simm.s32 $0x9880  }
0x4f: {  	[tilespmem:s9], [sflag:$0x2] =	stream.indirect_vreg.gather [hbm4b:s6+s2], $0x80, v4, vm0, $0xb8;
	[tilespmem:$0x10080] =	vst v63  }
0x50: {  	s9 =	simm.s32 $0xA080  }
0x51: {  	[tilespmem:s9], [sflag:$0x2] =	stream.indirect_vreg.gather [hbm4b:s3+s2], $0x80, v3, vm0, $0xb8;
	[tilespmem:$0x10080] =	vst v63  }
0x52: {  	s22 =	simm.s32 $0xA880  }
0x53: {  	[tilespmem:s22], [sflag:$0x2] =	stream.indirect_vreg.gather [hbm4b:s4+s2], $0x80, v3, vm0, $0xb8;
	[tilespmem:$0x10080] =	vst v63  }
0x54: {  	s22 =	simm.s32 $0xB080  }
0x55: {  	[tilespmem:s22], [sflag:$0x2] =	stream.indirect_vreg.gather [hbm4b:s5+s2], $0x80, v3, vm0, $0xb8;
	[tilespmem:$0x10080] =	vst v63  }
0x56: {  	s22 =	simm.s32 $0xB880  }
0x57: {  	[tilespmem:s22], [sflag:$0x2] =	stream.indirect_vreg.gather [hbm4b:s6+s2], $0x80, v3, vm0, $0xb8;
	[tilespmem:$0x10080] =	vst v63  }
0x58: {  	v3 =	vld [tilespmem:$0x30];
	_ =	sdelay $0x4  }
0x59: {  	v59 =	vshll.u32 v3, $0x3  }
0x5a: {  	v3 =	vand.u32 $0x7, v3;
	v4 =	vand.u32 $0xFFFFFFC0, v59  }
0x5b: {  	v3 =	vor.u32 v3, v4  }
0x5c: {  	v4 =	vperm.xlane v3, v0;
	_ =	sdelay $0x1  }
0x5d: {  	v4 =	vadd.s32 v1, v4;
	_ =	sdelay $0x3  }
0x5e: {  	s22 =	simm.s32 $0xC080  }
0x5f: {  	[tilespmem:s22], [sflag:$0x2] =	stream.indirect_vreg.gather [hbm4b:s3+s2], $0x80, v4, vm0, $0xb8;
	[tilespmem:$0x10080] =	vst v63  }
0x60: {  	v3 =	vperm.xlane v3, v2;
	s22 =	simm.s32 $0xC880  }
0x61: {  	[tilespmem:s22], [sflag:$0x2] =	stream.indirect_vreg.gather [hbm4b:s4+s2], $0x80, v4, vm0, $0xb8;
	[tilespmem:$0x10080] =	vst v63  }
0x62: {  	v3 =	vadd.s32 v1, v3;
	s22 =	simm.s32 $0xD080  }
0x63: {  	[tilespmem:s22], [sflag:$0x2] =	stream.indirect_vreg.gather [hbm4b:s5+s2], $0x80, v4, vm0, $0xb8;
	[tilespmem:$0x10080] =	vst v63  }
0x64: {  	s22 =	simm.s32 $0xD880  }
0x65: {  	[tilespmem:s22], [sflag:$0x2] =	stream.indirect_vreg.gather [hbm4b:s6+s2], $0x80, v4, vm0, $0xb8;
	[tilespmem:$0x10080] =	vst v63  }
0x66: {  	s22 =	simm.s32 $0xE080  }
0x67: {  	[tilespmem:s22], [sflag:$0x2] =	stream.indirect_vreg.gather [hbm4b:s3+s2], $0x80, v3, vm0, $0xb8;
	[tilespmem:$0x10080] =	vst v63  }
0x68: {  	s22 =	simm.s32 $0xE880  }
0x69: {  	[tilespmem:s22], [sflag:$0x2] =	stream.indirect_vreg.gather [hbm4b:s4+s2], $0x80, v3, vm0, $0xb8;
	[tilespmem:$0x10080] =	vst v63  }
0x6a: {  	s22 =	simm.s32 $0xF080  }
0x6b: {  	[tilespmem:s22], [sflag:$0x2] =	stream.indirect_vreg.gather [hbm4b:s5+s2], $0x80, v3, vm0, $0xb8;
	[tilespmem:$0x10080] =	vst v63  }
0x6c: {  	s22 =	simm.s32 $0xF880  }
0x6d: {  	[tilespmem:s22], [sflag:$0x2] =	stream.indirect_vreg.gather [hbm4b:s6+s2], $0x80, v3, vm0, $0xb8;
	[tilespmem:$0x10080] =	vst v63  }
0x6e: {  	_ =	swait.ge [sflag:s8], $0x8000  }
0x6f: {  	[sflag:s8] =	ssyncset.done $0x0  }
0x70: {  	s22 =	rddreg [dreg:$0x3];
	[sflag:s8] =	ssyncadd.s32 $0xFFFF8000  }
0x71: {  	[hbm4b:s22+s2] =	stream.linear.scatter [tilespmem:s25], [sflag:$0x3], $0x8000, $0x38;
	[tilespmem:$0x10080] =	vst v63  }
0x72: {  	_ =	swait.ge [sflag:s19], $0x8000  }
0x73: {  	[sflag:s19] =	ssyncset.done $0x0  }
0x74: {  	[sflag:s19] =	ssyncadd.s32 $0xFFFF8000  }
0x75: {  	v3 =	vld [tilespmem:$0x40];
	_ =	sdelay $0x4  }
0x76: {  	v60 =	vshll.u32 v3, $0x3  }
0x77: {  	v3 =	vand.u32 $0x7, v3;
	v4 =	vand.u32 $0xFFFFFFC0, v60  }
0x78: {  	v3 =	vor.u32 v3, v4  }
0x79: {  	v4 =	vperm.xlane v3, v0;
	_ =	sdelay $0x1  }
0x7a: {  	v4 =	vadd.s32 v1, v4;
	_ =	sdelay $0x4  }
0x7b: {  	[tilespmem:s25], [sflag:$0x1] =	stream.indirect_vreg.gather [hbm4b:s3+s2], $0x80, v4, vm0, $0xb8;
	[tilespmem:$0x10080] =	vst v63  }
0x7c: {  	v3 =	vperm.xlane v3, v2  }
0x7d: {  	[tilespmem:s23], [sflag:$0x1] =	stream.indirect_vreg.gather [hbm4b:s4+s2], $0x80, v4, vm0, $0xb8;
	[tilespmem:$0x10080] =	vst v63  }
0x7e: {  	v3 =	vadd.s32 v1, v3  }
0x7f: {  	[tilespmem:s24], [sflag:$0x1] =	stream.indirect_vreg.gather [hbm4b:s5+s2], $0x80, v4, vm0, $0xb8;
	[tilespmem:$0x10080] =	vst v63  }
0x80: {  	_ = 	snop  }
0x81: {  	[tilespmem:s26], [sflag:$0x1] =	stream.indirect_vreg.gather [hbm4b:s6+s2], $0x80, v4, vm0, $0xb8;
	[tilespmem:$0x10080] =	vst v63  }
0x82: {  	_ = 	snop  }
0x83: {  	[tilespmem:s28], [sflag:$0x1] =	stream.indirect_vreg.gather [hbm4b:s3+s2], $0x80, v3, vm0, $0xb8;
	[tilespmem:$0x10080] =	vst v63  }
0x84: {  	_ = 	snop  }
0x85: {  	[tilespmem:s29], [sflag:$0x1] =	stream.indirect_vreg.gather [hbm4b:s4+s2], $0x80, v3, vm0, $0xb8;
	[tilespmem:$0x10080] =	vst v63  }
0x86: {  	_ = 	snop  }
0x87: {  	[tilespmem:s30], [sflag:$0x1] =	stream.indirect_vreg.gather [hbm4b:s5+s2], $0x80, v3, vm0, $0xb8;
	[tilespmem:$0x10080] =	vst v63  }
0x88: {  	_ = 	snop  }
0x89: {  	[tilespmem:s31], [sflag:$0x1] =	stream.indirect_vreg.gather [hbm4b:s6+s2], $0x80, v3, vm0, $0xb8;
	[tilespmem:$0x10080] =	vst v63  }
0x8a: {  	v3 =	vld [tilespmem:$0x50];
	_ =	sdelay $0x4  }
0x8b: {  	v61 =	vshll.u32 v3, $0x3  }
0x8c: {  	v3 =	vand.u32 $0x7, v3;
	v4 =	vand.u32 $0xFFFFFFC0, v61  }
0x8d: {  	v3 =	vor.u32 v3, v4  }
0x8e: {  	v4 =	vperm.xlane v3, v0;
	_ =	sdelay $0x1  }
0x8f: {  	v4 =	vadd.s32 v1, v4;
	_ =	sdelay $0x4  }
0x90: {  	[tilespmem:s0], [sflag:$0x1] =	stream.indirect_vreg.gather [hbm4b:s3+s2], $0x80, v4, vm0, $0xb8;
	[tilespmem:$0x10080] =	vst v63  }
0x91: {  	v3 =	vperm.xlane v3, v2  }
0x92: {  	[tilespmem:s1], [sflag:$0x1] =	stream.indirect_vreg.gather [hbm4b:s4+s2], $0x80, v4, vm0, $0xb8;
	[tilespmem:$0x10080] =	vst v63  }
0x93: {  	v3 =	vadd.s32 v1, v3  }
0x94: {  	[tilespmem:s10], [sflag:$0x1] =	stream.indirect_vreg.gather [hbm4b:s5+s2], $0x80, v4, vm0, $0xb8;
	[tilespmem:$0x10080] =	vst v63  }
0x95: {  	_ = 	snop  }
0x96: {  	[tilespmem:s11], [sflag:$0x1] =	stream.indirect_vreg.gather [hbm4b:s6+s2], $0x80, v4, vm0, $0xb8;
	[tilespmem:$0x10080] =	vst v63  }
0x97: {  	_ = 	snop  }
0x98: {  	[tilespmem:s12], [sflag:$0x1] =	stream.indirect_vreg.gather [hbm4b:s3+s2], $0x80, v3, vm0, $0xb8;
	[tilespmem:$0x10080] =	vst v63  }
0x99: {  	_ = 	snop  }
0x9a: {  	[tilespmem:s13], [sflag:$0x1] =	stream.indirect_vreg.gather [hbm4b:s4+s2], $0x80, v3, vm0, $0xb8;
	[tilespmem:$0x10080] =	vst v63  }
0x9b: {  	_ = 	snop  }
0x9c: {  	[tilespmem:s14], [sflag:$0x1] =	stream.indirect_vreg.gather [hbm4b:s5+s2], $0x80, v3, vm0, $0xb8;
	[tilespmem:$0x10080] =	vst v63  }
0x9d: {  	_ = 	snop  }
0x9e: {  	[tilespmem:s15], [sflag:$0x1] =	stream.indirect_vreg.gather [hbm4b:s6+s2], $0x80, v3, vm0, $0xb8;
	[tilespmem:$0x10080] =	vst v63  }
0x9f: {  	_ =	swait.ge [sflag:s20], $0x8000  }
0xa0: {  	[sflag:s20] =	ssyncset.done $0x0  }
0xa1: {  	s0 =	rddreg [dreg:$0x4];
	[sflag:s20] =	ssyncadd.s32 $0xFFFF8000  }
0xa2: {  	[hbm4b:s0+s2] =	stream.linear.scatter [tilespmem:s18], [sflag:$0x4], $0x8000, $0x38;
	[tilespmem:$0x10080] =	vst v63  }
0xa3: {  	_ =	swait.ge [sflag:s21], $0x8000  }
0xa4: {  	[sflag:s21] =	ssyncset.done $0x0  }
0xa5: {  	[sflag:s21] =	ssyncadd.s32 $0xFFFF8000  }
0xa6: {  	v3 =	vld [tilespmem:$0x60];
	_ =	sdelay $0x4  }
0xa7: {  	v62 =	vshll.u32 v3, $0x3  }
0xa8: {  	v3 =	vand.u32 $0x7, v3;
	v4 =	vand.u32 $0xFFFFFFC0, v62  }
0xa9: {  	v3 =	vor.u32 v3, v4  }
0xaa: {  	v4 =	vperm.xlane v3, v0;
	_ =	sdelay $0x1  }
0xab: {  	v4 =	vadd.s32 v1, v4;
	_ =	sdelay $0x4  }
0xac: {  	[tilespmem:s18], [sflag:$0x2] =	stream.indirect_vreg.gather [hbm4b:s3+s2], $0x80, v4, vm0, $0xb8;
	[tilespmem:$0x10080] =	vst v63  }
0xad: {  	v3 =	vperm.xlane v3, v2  }
0xae: {  	[tilespmem:s16], [sflag:$0x2] =	stream.indirect_vreg.gather [hbm4b:s4+s2], $0x80, v4, vm0, $0xb8;
	[tilespmem:$0x10080] =	vst v63  }
0xaf: {  	v3 =	vadd.s32 v1, v3  }
0xb0: {  	[tilespmem:s17], [sflag:$0x2] =	stream.indirect_vreg.gather [hbm4b:s5+s2], $0x80, v4, vm0, $0xb8;
	[tilespmem:$0x10080] =	vst v63  }
0xb1: {  	s22 =	simm.s32 $0x9880  }
0xb2: {  	[tilespmem:s22], [sflag:$0x2] =	stream.indirect_vreg.gather [hbm4b:s6+s2], $0x80, v4, vm0, $0xb8;
	[tilespmem:$0x10080] =	vst v63  }
0xb3: {  	_ = 	snop  }
0xb4: {  	[tilespmem:s9], [sflag:$0x2] =	stream.indirect_vreg.gather [hbm4b:s3+s2], $0x80, v3, vm0, $0xb8;
	[tilespmem:$0x10080] =	vst v63  }
0xb5: {  	s22 =	simm.s32 $0xA880  }
0xb6: {  	[tilespmem:s22], [sflag:$0x2] =	stream.indirect_vreg.gather [hbm4b:s4+s2], $0x80, v3, vm0, $0xb8;
	[tilespmem:$0x10080] =	vst v63  }
0xb7: {  	s9 =	simm.s32 $0xB080  }
0xb8: {  	[tilespmem:s9], [sflag:$0x2] =	stream.indirect_vreg.gather [hbm4b:s5+s2], $0x80, v3, vm0, $0xb8;
	[tilespmem:$0x10080] =	vst v63  }
0xb9: {  	s22 =	simm.s32 $0xB880  }
0xba: {  	[tilespmem:s22], [sflag:$0x2] =	stream.indirect_vreg.gather [hbm4b:s6+s2], $0x80, v3, vm0, $0xb8;
	[tilespmem:$0x10080] =	vst v63  }
0xbb: {  	v3 =	vld [tilespmem:$0x70];
	_ =	sdelay $0x4  }
0xbc: {  	v63 =	vshll.u32 v3, $0x3  }
0xbd: {  	v3 =	vand.u32 $0x7, v3;
	v4 =	vand.u32 $0xFFFFFFC0, v63  }
0xbe: {  	v3 =	vor.u32 v3, v4  }
0xbf: {  	v4 =	vperm.xlane v3, v0;
	_ =	sdelay $0x1  }
0xc0: {  	v4 =	vadd.s32 v1, v4;
	_ =	sdelay $0x3  }
0xc1: {  	s9 =	simm.s32 $0xC080  }
0xc2: {  	[tilespmem:s9], [sflag:$0x2] =	stream.indirect_vreg.gather [hbm4b:s3+s2], $0x80, v4, vm0, $0xb8;
	[tilespmem:$0x10080] =	vst v63  }
0xc3: {  	s22 =	simm.s32 $0xC880;
	v3 =	vperm.xlane v3, v2  }
0xc4: {  	[tilespmem:s22], [sflag:$0x2] =	stream.indirect_vreg.gather [hbm4b:s4+s2], $0x80, v4, vm0, $0xb8;
	[tilespmem:$0x10080] =	vst v63  }
0xc5: {  	v3 =	vadd.s32 v1, v3;
	s9 =	simm.s32 $0xD080  }
0xc6: {  	[tilespmem:s9], [sflag:$0x2] =	stream.indirect_vreg.gather [hbm4b:s5+s2], $0x80, v4, vm0, $0xb8;
	[tilespmem:$0x10080] =	vst v63  }
0xc7: {  	s22 =	simm.s32 $0xD880  }
0xc8: {  	[tilespmem:s22], [sflag:$0x2] =	stream.indirect_vreg.gather [hbm4b:s6+s2], $0x80, v4, vm0, $0xb8;
	[tilespmem:$0x10080] =	vst v63  }
0xc9: {  	s9 =	simm.s32 $0xE080  }
0xca: {  	[tilespmem:s9], [sflag:$0x2] =	stream.indirect_vreg.gather [hbm4b:s3+s2], $0x80, v3, vm0, $0xb8;
	[tilespmem:$0x10080] =	vst v63  }
0xcb: {  	s22 =	simm.s32 $0xE880  }
0xcc: {  	[tilespmem:s22], [sflag:$0x2] =	stream.indirect_vreg.gather [hbm4b:s4+s2], $0x80, v3, vm0, $0xb8;
	[tilespmem:$0x10080] =	vst v63  }
0xcd: {  	s9 =	simm.s32 $0xF080  }
0xce: {  	[tilespmem:s9], [sflag:$0x2] =	stream.indirect_vreg.gather [hbm4b:s5+s2], $0x80, v3, vm0, $0xb8;
	[tilespmem:$0x10080] =	vst v63  }
0xcf: {  	s22 =	simm.s32 $0xF880  }
0xd0: {  	[tilespmem:s22], [sflag:$0x2] =	stream.indirect_vreg.gather [hbm4b:s6+s2], $0x80, v3, vm0, $0xb8;
	[tilespmem:$0x10080] =	vst v63  }
0xd1: {  	_ =	swait.ge [sflag:s8], $0x8000  }
0xd2: {  	[sflag:s8] =	ssyncset.done $0x0  }
0xd3: {  	s0 =	rddreg [dreg:$0x5];
	[sflag:s8] =	ssyncadd.s32 $0xFFFF8000  }
0xd4: {  	[hbm4b:s0+s2] =	stream.linear.scatter [tilespmem:s25], [sflag:$0x3], $0x8000, $0x38;
	[tilespmem:$0x10080] =	vst v63  }
0xd5: {  	_ =	swait.ge [sflag:s20], $0x8000  }
0xd6: {  	[sflag:s20] =	ssyncset.done $0x0  }
0xd7: {  	s9 =	rddreg [dreg:$0x6];
	[sflag:s20] =	ssyncadd.s32 $0xFFFF8000  }
0xd8: {  	[hbm4b:s9+s2] =	stream.linear.scatter [tilespmem:s18], [sflag:$0x4], $0x8000, $0x38;
	[tilespmem:$0x10080] =	vst v63  }
0xd9: {  	p0 =	sne.s32 s7, $0x1;
	_ =	swait.ge [sflag:s19], $0x8000  }
.Ltmp0:
0xda: {  	[sflag:s19] =	ssyncset.done $0x0;
	(pc) =	sbr.rel @p0 .LBB2_1-.Ltmp0, $4  }
0xdb: {  	[sflag:s19] =	ssyncadd.s32 $0xFFFF8000  }
0xdc: {  	_ =	swait.ge [sflag:s21], $0x8000  }
0xdd: {  	[sflag:s21] =	ssyncset.done $0x0  }
0xde: {  	s7 =	sadd.s32 $0xFFFFFFFF, s7;
	[sflag:s21] =	ssyncadd.s32 $0xFFFF8000  }
0xdf: {  	_ =	sfence.sel $0x180000  }
0xe0: {  	[bflag:$0x0] =	sbarrier.arrive $0xFFFF  }
0xe1: {  	_ =	strace $0x9000004A  }
0xe2: {  	s0 =	stileid.u32;
	[bflag:$0x2] =	sbarrier.arrive $0xFFFF  }
0xe3: {  	p0 =	sne.s32 s0, $0x0;
	s0 =	rddreg [dreg:$0x1]  }
0xe4: {  	s0 =	sadd.s32 @!p0 $0x100000, s0  }
0xe5: {  	[sflag:s0] =	ssyncadd.tile.s32 @!p0 $0x1;
	_ =	shalt  }
.Lfunc_end2:
_tile_overlayer_lowered:
.L_overlay_start_2:
0xe6: {  	(tag) =	ssettag $0x2  }
0xe7: {  	s0 =	rddreg [dreg:$0x0];
	s2 =	stileid.u32  }
0xe8: {  	s1 =	rddreg [dreg:$0x1];
	p0 =	sne.s32 s2, $0x0  }
0xe9: {  	s3 =	rddreg [dreg:$0x2];
	[bflag:$0x3] =	sbarrier.arrive $0xFFFF;
	s2 =	simm.s32 @!p0 $0x1C05  }
0xea: {  	[timem:s3], [sflag:s2] =	dma.local @!p0 [hbm:s0], s1  }
0xeb: {  	s0 =	simm.s32 @!p0 $0x5  }
0xec: {  	_ =	swait.ge @!p0 [sflag:s0], s1  }
0xed: {  	s1 =	ssub.s32 @!p0 $0x0, s1;
	[sflag:s0] =	ssyncset.done @!p0 $0x0  }
0xee: {  	[sflag:s0] =	ssyncadd.s32 @!p0 s1  }
0xef: {  	[bflag:$0x3] =	sbarrier.arrive $0xFFFF  }
0xf0: {  	_ =	shalt  }

</sc_bundles>
